<compile_context>
chip_gen: v7x
topology: tpu7x:2x2x1
jax: 0.10.2.dev20260603
libtpu: 0.0.44.dev20260713+nightly
codegen_flags: <defaults>
</compile_context>

<pallas_src>
import functools

import jax
import jax.numpy as jnp
import numpy as np
from jax import lax
from jax.experimental import pallas as pl
from jax.experimental.pallas import tpu as pltpu
from jax.experimental.pallas import tpu_sc as plsc

N = 10000
K = 32
D_IN = 128
D_OUT = 128

NUM_CORES = 2
NUM_SUBCORES = 16
NW = NUM_CORES * NUM_SUBCORES

CNT = 312
SEGS = ((0, 128), (128, 128), (256, 56))
NSEG = len(SEGS)
REM = N - NW * CNT
REM_BASE = NW * CNT
SLAB = K * CNT
REM_SLAB_OFF = NW * SLAB


def _host_idx() -> np.ndarray:
    n = np.arange(N, dtype=np.int32)
    main = (
        n[: NW * CNT].reshape(NW, 1, CNT) * K
        + np.arange(K, dtype=np.int32)[None, :, None]
    )
    rem = n[NW * CNT :][None, :] * K + np.arange(K, dtype=np.int32)[:, None]
    return np.concatenate([main.reshape(-1), rem.reshape(-1)])


def _sc_body(
    root_hbm, nbr_hbm, idx_hbm, out_hbm, acc_v, idx_v, racc_v, ridx_v, sem, *segsem
):
    wid = lax.axis_index("s") * NUM_CORES + lax.axis_index("c")
    n0 = wid * CNT

    init = [
        pltpu.async_copy(idx_hbm.at[pl.ds(wid * SLAB, SLAB)], idx_v, sem),
        pltpu.async_copy(root_hbm.at[pl.ds(n0, CNT)], acc_v, sem),
    ]

    is_last = wid == NW - 1

    @pl.when(is_last)
    def _():
        pltpu.async_copy(idx_hbm.at[pl.ds(REM_SLAB_OFF, K * REM)], ridx_v, sem).wait()
        pltpu.async_copy(root_hbm.at[pl.ds(REM_BASE, REM)], racc_v, sem).wait()

    for c in init:
        c.wait()

    copies = [[] for _ in range(NSEG)]
    for s, (off, ln) in enumerate(SEGS):
        for k in range(K):
            copies[s].append(
                pltpu.async_copy(
                    nbr_hbm.at[idx_v.at[pl.ds(k * CNT + off, ln)]],
                    acc_v.at[pl.ds(off, ln)],
                    segsem[s],
                    add=True,
                )
            )
    wb = []
    for s, (off, ln) in enumerate(SEGS):
        for c in copies[s]:
            c.wait()
        wb.append(
            pltpu.async_copy(
                acc_v.at[pl.ds(off, ln)],
                out_hbm.at[pl.ds(n0 + off, ln)],
                sem,
            )
        )
    for c in wb:
        c.wait()

    @pl.when(is_last)
    def _():
        rcopies = [
            pltpu.async_copy(
                nbr_hbm.at[ridx_v.at[pl.ds(k * REM, REM)]],
                racc_v,
                sem,
                add=True,
            )
            for k in range(K)
        ]
        for c in rcopies:
            c.wait()
        pltpu.sync_copy(racc_v, out_hbm.at[pl.ds(REM_BASE, REM)])


def _sc_sum(root_feature, nbr_flat, idx):
    f = functools.partial(
        pl.kernel,
        out_type=jax.ShapeDtypeStruct((N, D_IN), jnp.float32),
        mesh=plsc.VectorSubcoreMesh(core_axis_name="c", subcore_axis_name="s"),
        scratch_types=[
            pltpu.VMEM((CNT, D_IN), jnp.float32),
            pltpu.VMEM((SLAB,), jnp.int32),
            pltpu.VMEM((REM, D_IN), jnp.float32),
            pltpu.VMEM((K * REM,), jnp.int32),
            pltpu.SemaphoreType.DMA,
            pltpu.SemaphoreType.DMA,
            pltpu.SemaphoreType.DMA,
            pltpu.SemaphoreType.DMA,
        ],
    )(_sc_body)
    return f(root_feature, nbr_flat, idx)


def _mm_body(s_ref, w_ref, out_ref):
    w = w_ref[...] * (1.0 / (K + 1))
    out_ref[...] = jnp.maximum(
        jnp.dot(s_ref[...], w, preferred_element_type=jnp.float32), 0.0
    )


def _matmul_relu(sums, W):
    blk = N
    return pl.pallas_call(
        _mm_body,
        grid=(N // blk,),
        in_specs=[
            pl.BlockSpec((blk, D_IN), lambda i: (i, 0)),
            pl.BlockSpec((D_IN, D_OUT), lambda i: (0, 0)),
        ],
        out_specs=pl.BlockSpec((blk, D_OUT), lambda i: (i, 0)),
        out_shape=jax.ShapeDtypeStruct((N, D_OUT), jnp.float32),
    )(sums, W)


_IDX = _host_idx()


def kernel(root_feature, neighbor_features, W):
    nbr_flat = neighbor_features.reshape(N * K, D_IN)
    idx = jnp.asarray(_IDX)
    sums = _sc_sum(root_feature, nbr_flat, idx)
    return _matmul_relu(sums, W)

# --- scband reference (transcript-rebuilt; emitter-appended) ---
"""Pipeline reference for scband-graph-conv-53266184405308 (READ-ONLY COPY).

The authoritative reference and input builder live on the scoring server;
editing this copy changes nothing except your own understanding.
"""

import jax, jax.numpy as jnp
import numpy as np

N = 10000
K = 32
D_IN = 128
D_OUT = 128


def setup_inputs(seed: int = 0) -> dict:
    key = jax.random.key(seed)
    k1, k2, k3 = jax.random.split(key, 3)
    root_feature = jax.random.normal(k1, (N, D_IN), dtype=jnp.float32)
    neighbor_features = jax.random.normal(k2, (N, K, D_IN), dtype=jnp.float32)
    # glorot_uniform initialized neighbor_weights (neighbor_feature_dim, out_feature_dim)
    limit = float(np.sqrt(6.0 / (D_IN + D_OUT)))
    W = jax.random.uniform(k3, (D_IN, D_OUT), dtype=jnp.float32, minval=-limit, maxval=limit)
    return {"root_feature": root_feature, "neighbor_features": neighbor_features, "W": W}


def reference(root_feature, neighbor_features, W):
    # dropout rate is 0.0 -> identity (inference-equivalent)
    # means over concat of K neighbors plus the root node itself
    concat = jnp.concatenate([neighbor_features, root_feature[:, None, :]], axis=1)  # [N, K+1, D]
    means = jnp.mean(concat, axis=1)  # [N, D]
    output = jnp.matmul(means, W)  # [N, D_OUT]
    return jax.nn.relu(output)

if __name__ == "__main__":
    import jax
    _d = setup_inputs()
    print(jax.jit(kernel)(*tuple(_d.values())))

</pallas_src>

<mosaic_0001>
#map = affine_map<(d0, d1) -> (0, 0)>
#map1 = affine_map<(d0, d1) -> (0)>
module attributes {stable_mosaic.version = 14 : i64} {
  func.func @_sc_body(%arg0: i32, %arg1: i32, %arg2: memref<10000x128xf32, #tpu.memory_space<hbm>>, %arg3: memref<320000x128xf32, #tpu.memory_space<hbm>>, %arg4: memref<320000xi32, #tpu.memory_space<hbm>>, %arg5: memref<10000x128xf32, #tpu.memory_space<hbm>>, %arg6: memref<312x128xf32, #tpu.memory_space<vmem>>, %arg7: memref<9984xi32, #tpu.memory_space<vmem>>, %arg8: memref<16x128xf32, #tpu.memory_space<vmem>>, %arg9: memref<512xi32, #tpu.memory_space<vmem>>, %arg10: memref<!tpu.dma_semaphore, #tpu.memory_space<semaphore_mem>>, %arg11: memref<!tpu.dma_semaphore, #tpu.memory_space<semaphore_mem>>, %arg12: memref<!tpu.dma_semaphore, #tpu.memory_space<semaphore_mem>>, %arg13: memref<!tpu.dma_semaphore, #tpu.memory_space<semaphore_mem>>) attributes {dimension_semantics = [#tpu.dimension_semantics<core_parallel>, #tpu.dimension_semantics<subcore_parallel>], iteration_bounds = array<i64: 2, 16>, scalar_prefetch = 0 : i64, scratch_operands = 8 : i64, tpu.core_type = #tpu.core_type<sc_vector_subcore>, window_params = [{transform_indices = #map}, {transform_indices = #map}, {transform_indices = #map1}, {transform_indices = #map}]} {
    %mul3A = arith.constant 2 : i32
    %mul3A_0 = arith.muli %arg1, %mul3A : i32
    %add3A = arith.addi %mul3A_0, %arg0 : i32
    %mul3A_1 = arith.constant 312 : i32
    %mul3A_2 = arith.muli %add3A, %mul3A_1 : i32
    %mul3A_3 = arith.constant 9984 : i32
    %mul3A_4 = arith.muli %add3A, %mul3A_3 : i32
    %dma_start3A = tpu.memref_slice %arg4[%mul3A_4] : memref<320000xi32, #tpu.memory_space<hbm>> -> memref<9984xi32, #tpu.memory_space<hbm>>
    %dma_start3A_5 = tpu.memref_slice %arg4[%mul3A_4] : memref<320000xi32, #tpu.memory_space<hbm>> -> memref<9984xi32, #tpu.memory_space<hbm>>
    tpu.enqueue_dma source(%dma_start3A_5 : memref<9984xi32, #tpu.memory_space<hbm>>) target(%arg7 : memref<9984xi32, #tpu.memory_space<vmem>>) target_semaphore(%arg10 : memref<!tpu.dma_semaphore, #tpu.memory_space<semaphore_mem>>)
    %dma_start3A_6 = arith.constant 0 : i32
    %dma_start3A_7 = tpu.memref_slice %arg2[%mul3A_2, %dma_start3A_6] : memref<10000x128xf32, #tpu.memory_space<hbm>> -> memref<312x128xf32, #tpu.memory_space<hbm>>
    %dma_start3A_8 = arith.constant 0 : i32
    %dma_start3A_9 = tpu.memref_slice %arg2[%mul3A_2, %dma_start3A_8] : memref<10000x128xf32, #tpu.memory_space<hbm>> -> memref<312x128xf32, #tpu.memory_space<hbm>>
    tpu.enqueue_dma source(%dma_start3A_9 : memref<312x128xf32, #tpu.memory_space<hbm>>) target(%arg6 : memref<312x128xf32, #tpu.memory_space<vmem>>) target_semaphore(%arg10 : memref<!tpu.dma_semaphore, #tpu.memory_space<semaphore_mem>>)
    %eq3A = arith.constant 31 : i32
    %eq3A_10 = arith.cmpi eq, %add3A, %eq3A : i32
    %convert_element_type3A = arith.extui %eq3A_10 : i1 to i32
    %cond3A = arith.constant 0 : i32
    %cond3A_11 = arith.cmpi ne, %convert_element_type3A, %cond3A : i32
    scf.if %cond3A_11 {
      %dma_start3A_1622 = arith.constant 319488 : i32
      %dma_start3A_1623 = tpu.memref_slice %arg4[%dma_start3A_1622] : memref<320000xi32, #tpu.memory_space<hbm>> -> memref<512xi32, #tpu.memory_space<hbm>>
      %dma_start3A_1624 = arith.constant 319488 : i32
      %dma_start3A_1625 = tpu.memref_slice %arg4[%dma_start3A_1624] : memref<320000xi32, #tpu.memory_space<hbm>> -> memref<512xi32, #tpu.memory_space<hbm>>
      tpu.enqueue_dma source(%dma_start3A_1625 : memref<512xi32, #tpu.memory_space<hbm>>) target(%arg9 : memref<512xi32, #tpu.memory_space<vmem>>) target_semaphore(%arg10 : memref<!tpu.dma_semaphore, #tpu.memory_space<semaphore_mem>>)
      %dma_wait3A_1626 = arith.constant 319488 : i32
      %dma_wait3A_1627 = tpu.memref_slice %arg4[%dma_wait3A_1626] : memref<320000xi32, #tpu.memory_space<hbm>> -> memref<512xi32, #tpu.memory_space<hbm>>
      %dma_wait3A_1628 = arith.constant 319488 : i32
      %dma_wait3A_1629 = tpu.memref_slice %arg4[%dma_wait3A_1628] : memref<320000xi32, #tpu.memory_space<hbm>> -> memref<512xi32, #tpu.memory_space<hbm>>
      tpu.wait_dma2 semaphore(%arg10 : memref<!tpu.dma_semaphore, #tpu.memory_space<semaphore_mem>>) src(%dma_wait3A_1629 : memref<512xi32, #tpu.memory_space<hbm>>) dst(%arg9 : memref<512xi32, #tpu.memory_space<vmem>>)
      %dma_start3A_1630 = arith.constant 9984 : i32
      %dma_start3A_1631 = arith.constant 0 : i32
      %dma_start3A_1632 = tpu.memref_slice %arg2[%dma_start3A_1630, %dma_start3A_1631] : memref<10000x128xf32, #tpu.memory_space<hbm>> -> memref<16x128xf32, #tpu.memory_space<hbm>>
      %dma_start3A_1633 = arith.constant 9984 : i32
      %dma_start3A_1634 = arith.constant 0 : i32
      %dma_start3A_1635 = tpu.memref_slice %arg2[%dma_start3A_1633, %dma_start3A_1634] : memref<10000x128xf32, #tpu.memory_space<hbm>> -> memref<16x128xf32, #tpu.memory_space<hbm>>
      tpu.enqueue_dma source(%dma_start3A_1635 : memref<16x128xf32, #tpu.memory_space<hbm>>) target(%arg8 : memref<16x128xf32, #tpu.memory_space<vmem>>) target_semaphore(%arg10 : memref<!tpu.dma_semaphore, #tpu.memory_space<semaphore_mem>>)
      %dma_wait3A_1636 = arith.constant 9984 : i32
      %dma_wait3A_1637 = arith.constant 0 : i32
      %dma_wait3A_1638 = tpu.memref_slice %arg2[%dma_wait3A_1636, %dma_wait3A_1637] : memref<10000x128xf32, #tpu.memory_space<hbm>> -> memref<16x128xf32, #tpu.memory_space<hbm>>
      %dma_wait3A_1639 = arith.constant 9984 : i32
      %dma_wait3A_1640 = arith.constant 0 : i32
      %dma_wait3A_1641 = tpu.memref_slice %arg2[%dma_wait3A_1639, %dma_wait3A_1640] : memref<10000x128xf32, #tpu.memory_space<hbm>> -> memref<16x128xf32, #tpu.memory_space<hbm>>
      tpu.wait_dma2 semaphore(%arg10 : memref<!tpu.dma_semaphore, #tpu.memory_space<semaphore_mem>>) src(%dma_wait3A_1641 : memref<16x128xf32, #tpu.memory_space<hbm>>) dst(%arg8 : memref<16x128xf32, #tpu.memory_space<vmem>>)
    } else {
    }
    %dma_wait3A = tpu.memref_slice %arg4[%mul3A_4] : memref<320000xi32, #tpu.memory_space<hbm>> -> memref<9984xi32, #tpu.memory_space<hbm>>
    %dma_wait3A_12 = tpu.memref_slice %arg4[%mul3A_4] : memref<320000xi32, #tpu.memory_space<hbm>> -> memref<9984xi32, #tpu.memory_space<hbm>>
    tpu.wait_dma2 semaphore(%arg10 : memref<!tpu.dma_semaphore, #tpu.memory_space<semaphore_mem>>) src(%dma_wait3A_12 : memref<9984xi32, #tpu.memory_space<hbm>>) dst(%arg7 : memref<9984xi32, #tpu.memory_space<vmem>>)
    %dma_wait3A_13 = arith.constant 0 : i32
    %dma_wait3A_14 = tpu.memref_slice %arg2[%mul3A_2, %dma_wait3A_13] : memref<10000x128xf32, #tpu.memory_space<hbm>> -> memref<312x128xf32, #tpu.memory_space<hbm>>
    %dma_wait3A_15 = arith.constant 0 : i32
    %dma_wait3A_16 = tpu.memref_slice %arg2[%mul3A_2, %dma_wait3A_15] : memref<10000x128xf32, #tpu.memory_space<hbm>> -> memref<312x128xf32, #tpu.memory_space<hbm>>
    tpu.wait_dma2 semaphore(%arg10 : memref<!tpu.dma_semaphore, #tpu.memory_space<semaphore_mem>>) src(%dma_wait3A_16 : memref<312x128xf32, #tpu.memory_space<hbm>>) dst(%arg6 : memref<312x128xf32, #tpu.memory_space<vmem>>)
    %dma_start3A_17 = arith.constant 0 : i32
    %dma_start3A_18 = arith.constant 0 : i32
    %dma_start3A_19 = tpu.memref_slice %arg6[%dma_start3A_17, %dma_start3A_18] : memref<312x128xf32, #tpu.memory_space<vmem>> -> memref<128x128xf32, #tpu.memory_space<vmem>>
    %dma_start3A_20 = arith.constant 0 : i32
    %dma_start3A_21 = tpu.memref_slice %arg7[%dma_start3A_20] : memref<9984xi32, #tpu.memory_space<vmem>> -> memref<128xi32, #tpu.memory_space<vmem>>
    %dma_start3A_22 = arith.constant 0 : i32
    %dma_start3A_23 = arith.constant 0 : i32
    %dma_start3A_24 = tpu.memref_slice %arg3[%dma_start3A_22, %dma_start3A_23] : memref<320000x128xf32, #tpu.memory_space<hbm>> -> memref<320000x128xf32, #tpu.memory_space<hbm>>
    tpu.enqueue_indirect_dma source(%dma_start3A_24 : memref<320000x128xf32, #tpu.memory_space<hbm>>) target(%dma_start3A_19 : memref<128x128xf32, #tpu.memory_space<vmem>>) offsets(%dma_start3A_21 : memref<128xi32, #tpu.memory_space<vmem>>) semaphore(%arg11 : memref<!tpu.dma_semaphore, #tpu.memory_space<semaphore_mem>>) {add = true}
    %dma_start3A_25 = arith.constant 0 : i32
    %dma_start3A_26 = arith.constant 0 : i32
    %dma_start3A_27 = tpu.memref_slice %arg6[%dma_start3A_25, %dma_start3A_26] : memref<312x128xf32, #tpu.memory_space<vmem>> -> memref<128x128xf32, #tpu.memory_space<vmem>>
    %dma_start3A_28 = arith.constant 312 : i32
    %dma_start3A_29 = tpu.memref_slice %arg7[%dma_start3A_28] : memref<9984xi32, #tpu.memory_space<vmem>> -> memref<128xi32, #tpu.memory_space<vmem>>
    %dma_start3A_30 = arith.constant 0 : i32
    %dma_start3A_31 = arith.constant 0 : i32
    %dma_start3A_32 = tpu.memref_slice %arg3[%dma_start3A_30, %dma_start3A_31] : memref<320000x128xf32, #tpu.memory_space<hbm>> -> memref<320000x128xf32, #tpu.memory_space<hbm>>
    tpu.enqueue_indirect_dma source(%dma_start3A_32 : memref<320000x128xf32, #tpu.memory_space<hbm>>) target(%dma_start3A_27 : memref<128x128xf32, #tpu.memory_space<vmem>>) offsets(%dma_start3A_29 : memref<128xi32, #tpu.memory_space<vmem>>) semaphore(%arg11 : memref<!tpu.dma_semaphore, #tpu.memory_space<semaphore_mem>>) {add = true}
    %dma_start3A_33 = arith.constant 0 : i32
    %dma_start3A_34 = arith.constant 0 : i32
    %dma_start3A_35 = tpu.memref_slice %arg6[%dma_start3A_33, %dma_start3A_34] : memref<312x128xf32, #tpu.memory_space<vmem>> -> memref<128x128xf32, #tpu.memory_space<vmem>>
    %dma_start3A_36 = arith.constant 624 : i32
    %dma_start3A_37 = tpu.memref_slice %arg7[%dma_start3A_36] : memref<9984xi32, #tpu.memory_space<vmem>> -> memref<128xi32, #tpu.memory_space<vmem>>
    %dma_start3A_38 = arith.constant 0 : i32
    %dma_start3A_39 = arith.constant 0 : i32
    %dma_start3A_40 = tpu.memref_slice %arg3[%dma_start3A_38, %dma_start3A_39] : memref<320000x128xf32, #tpu.memory_space<hbm>> -> memref<320000x128xf32, #tpu.memory_space<hbm>>
    tpu.enqueue_indirect_dma source(%dma_start3A_40 : memref<320000x128xf32, #tpu.memory_space<hbm>>) target(%dma_start3A_35 : memref<128x128xf32, #tpu.memory_space<vmem>>) offsets(%dma_start3A_37 : memref<128xi32, #tpu.memory_space<vmem>>) semaphore(%arg11 : memref<!tpu.dma_semaphore, #tpu.memory_space<semaphore_mem>>) {add = true}
    %dma_start3A_41 = arith.constant 0 : i32
    %dma_start3A_42 = arith.constant 0 : i32
    %dma_start3A_43 = tpu.memref_slice %arg6[%dma_start3A_41, %dma_start3A_42] : memref<312x128xf32, #tpu.memory_space<vmem>> -> memref<128x128xf32, #tpu.memory_space<vmem>>
    %dma_start3A_44 = arith.constant 936 : i32
    %dma_start3A_45 = tpu.memref_slice %arg7[%dma_start3A_44] : memref<9984xi32, #tpu.memory_space<vmem>> -> memref<128xi32, #tpu.memory_space<vmem>>
    %dma_start3A_46 = arith.constant 0 : i32
    %dma_start3A_47 = arith.constant 0 : i32
    %dma_start3A_48 = tpu.memref_slice %arg3[%dma_start3A_46, %dma_start3A_47] : memref<320000x128xf32, #tpu.memory_space<hbm>> -> memref<320000x128xf32, #tpu.memory_space<hbm>>
    tpu.enqueue_indirect_dma source(%dma_start3A_48 : memref<320000x128xf32, #tpu.memory_space<hbm>>) target(%dma_start3A_43 : memref<128x128xf32, #tpu.memory_space<vmem>>) offsets(%dma_start3A_45 : memref<128xi32, #tpu.memory_space<vmem>>) semaphore(%arg11 : memref<!tpu.dma_semaphore, #tpu.memory_space<semaphore_mem>>) {add = true}
    %dma_start3A_49 = arith.constant 0 : i32
    %dma_start3A_50 = arith.constant 0 : i32
    %dma_start3A_51 = tpu.memref_slice %arg6[%dma_start3A_49, %dma_start3A_50] : memref<312x128xf32, #tpu.memory_space<vmem>> -> memref<128x128xf32, #tpu.memory_space<vmem>>
    %dma_start3A_52 = arith.constant 1248 : i32
    %dma_start3A_53 = tpu.memref_slice %arg7[%dma_start3A_52] : memref<9984xi32, #tpu.memory_space<vmem>> -> memref<128xi32, #tpu.memory_space<vmem>>
    %dma_start3A_54 = arith.constant 0 : i32
    %dma_start3A_55 = arith.constant 0 : i32
    %dma_start3A_56 = tpu.memref_slice %arg3[%dma_start3A_54, %dma_start3A_55] : memref<320000x128xf32, #tpu.memory_space<hbm>> -> memref<320000x128xf32, #tpu.memory_space<hbm>>
    tpu.enqueue_indirect_dma source(%dma_start3A_56 : memref<320000x128xf32, #tpu.memory_space<hbm>>) target(%dma_start3A_51 : memref<128x128xf32, #tpu.memory_space<vmem>>) offsets(%dma_start3A_53 : memref<128xi32, #tpu.memory_space<vmem>>) semaphore(%arg11 : memref<!tpu.dma_semaphore, #tpu.memory_space<semaphore_mem>>) {add = true}
    %dma_start3A_57 = arith.constant 0 : i32
    %dma_start3A_58 = arith.constant 0 : i32
    %dma_start3A_59 = tpu.memref_slice %arg6[%dma_start3A_57, %dma_start3A_58] : memref<312x128xf32, #tpu.memory_space<vmem>> -> memref<128x128xf32, #tpu.memory_space<vmem>>
    %dma_start3A_60 = arith.constant 1560 : i32
    %dma_start3A_61 = tpu.memref_slice %arg7[%dma_start3A_60] : memref<9984xi32, #tpu.memory_space<vmem>> -> memref<128xi32, #tpu.memory_space<vmem>>
    %dma_start3A_62 = arith.constant 0 : i32
    %dma_start3A_63 = arith.constant 0 : i32
    %dma_start3A_64 = tpu.memref_slice %arg3[%dma_start3A_62, %dma_start3A_63] : memref<320000x128xf32, #tpu.memory_space<hbm>> -> memref<320000x128xf32, #tpu.memory_space<hbm>>
    tpu.enqueue_indirect_dma source(%dma_start3A_64 : memref<320000x128xf32, #tpu.memory_space<hbm>>) target(%dma_start3A_59 : memref<128x128xf32, #tpu.memory_space<vmem>>) offsets(%dma_start3A_61 : memref<128xi32, #tpu.memory_space<vmem>>) semaphore(%arg11 : memref<!tpu.dma_semaphore, #tpu.memory_space<semaphore_mem>>) {add = true}
    %dma_start3A_65 = arith.constant 0 : i32
    %dma_start3A_66 = arith.constant 0 : i32
    %dma_start3A_67 = tpu.memref_slice %arg6[%dma_start3A_65, %dma_start3A_66] : memref<312x128xf32, #tpu.memory_space<vmem>> -> memref<128x128xf32, #tpu.memory_space<vmem>>
    %dma_start3A_68 = arith.constant 1872 : i32
    %dma_start3A_69 = tpu.memref_slice %arg7[%dma_start3A_68] : memref<9984xi32, #tpu.memory_space<vmem>> -> memref<128xi32, #tpu.memory_space<vmem>>
    %dma_start3A_70 = arith.constant 0 : i32
    %dma_start3A_71 = arith.constant 0 : i32
    %dma_start3A_72 = tpu.memref_slice %arg3[%dma_start3A_70, %dma_start3A_71] : memref<320000x128xf32, #tpu.memory_space<hbm>> -> memref<320000x128xf32, #tpu.memory_space<hbm>>
    tpu.enqueue_indirect_dma source(%dma_start3A_72 : memref<320000x128xf32, #tpu.memory_space<hbm>>) target(%dma_start3A_67 : memref<128x128xf32, #tpu.memory_space<vmem>>) offsets(%dma_start3A_69 : memref<128xi32, #tpu.memory_space<vmem>>) semaphore(%arg11 : memref<!tpu.dma_semaphore, #tpu.memory_space<semaphore_mem>>) {add = true}
    %dma_start3A_73 = arith.constant 0 : i32
    %dma_start3A_74 = arith.constant 0 : i32
    %dma_start3A_75 = tpu.memref_slice %arg6[%dma_start3A_73, %dma_start3A_74] : memref<312x128xf32, #tpu.memory_space<vmem>> -> memref<128x128xf32, #tpu.memory_space<vmem>>
    %dma_start3A_76 = arith.constant 2184 : i32
    %dma_start3A_77 = tpu.memref_slice %arg7[%dma_start3A_76] : memref<9984xi32, #tpu.memory_space<vmem>> -> memref<128xi32, #tpu.memory_space<vmem>>
    %dma_start3A_78 = arith.constant 0 : i32
    %dma_start3A_79 = arith.constant 0 : i32
    %dma_start3A_80 = tpu.memref_slice %arg3[%dma_start3A_78, %dma_start3A_79] : memref<320000x128xf32, #tpu.memory_space<hbm>> -> memref<320000x128xf32, #tpu.memory_space<hbm>>
    tpu.enqueue_indirect_dma source(%dma_start3A_80 : memref<320000x128xf32, #tpu.memory_space<hbm>>) target(%dma_start3A_75 : memref<128x128xf32, #tpu.memory_space<vmem>>) offsets(%dma_start3A_77 : memref<128xi32, #tpu.memory_space<vmem>>) semaphore(%arg11 : memref<!tpu.dma_semaphore, #tpu.memory_space<semaphore_mem>>) {add = true}
    %dma_start3A_81 = arith.constant 0 : i32
    %dma_start3A_82 = arith.constant 0 : i32
    %dma_start3A_83 = tpu.memref_slice %arg6[%dma_start3A_81, %dma_start3A_82] : memref<312x128xf32, #tpu.memory_space<vmem>> -> memref<128x128xf32, #tpu.memory_space<vmem>>
    %dma_start3A_84 = arith.constant 2496 : i32
    %dma_start3A_85 = tpu.memref_slice %arg7[%dma_start3A_84] : memref<9984xi32, #tpu.memory_space<vmem>> -> memref<128xi32, #tpu.memory_space<vmem>>
    %dma_start3A_86 = arith.constant 0 : i32
    %dma_start3A_87 = arith.constant 0 : i32
    %dma_start3A_88 = tpu.memref_slice %arg3[%dma_start3A_86, %dma_start3A_87] : memref<320000x128xf32, #tpu.memory_space<hbm>> -> memref<320000x128xf32, #tpu.memory_space<hbm>>
    tpu.enqueue_indirect_dma source(%dma_start3A_88 : memref<320000x128xf32, #tpu.memory_space<hbm>>) target(%dma_start3A_83 : memref<128x128xf32, #tpu.memory_space<vmem>>) offsets(%dma_start3A_85 : memref<128xi32, #tpu.memory_space<vmem>>) semaphore(%arg11 : memref<!tpu.dma_semaphore, #tpu.memory_space<semaphore_mem>>) {add = true}
    %dma_start3A_89 = arith.constant 0 : i32
    %dma_start3A_90 = arith.constant 0 : i32
    %dma_start3A_91 = tpu.memref_slice %arg6[%dma_start3A_89, %dma_start3A_90] : memref<312x128xf32, #tpu.memory_space<vmem>> -> memref<128x128xf32, #tpu.memory_space<vmem>>
    %dma_start3A_92 = arith.constant 2808 : i32
    %dma_start3A_93 = tpu.memref_slice %arg7[%dma_start3A_92] : memref<9984xi32, #tpu.memory_space<vmem>> -> memref<128xi32, #tpu.memory_space<vmem>>
    %dma_start3A_94 = arith.constant 0 : i32
    %dma_start3A_95 = arith.constant 0 : i32
    %dma_start3A_96 = tpu.memref_slice %arg3[%dma_start3A_94, %dma_start3A_95] : memref<320000x128xf32, #tpu.memory_space<hbm>> -> memref<320000x128xf32, #tpu.memory_space<hbm>>
    tpu.enqueue_indirect_dma source(%dma_start3A_96 : memref<320000x128xf32, #tpu.memory_space<hbm>>) target(%dma_start3A_91 : memref<128x128xf32, #tpu.memory_space<vmem>>) offsets(%dma_start3A_93 : memref<128xi32, #tpu.memory_space<vmem>>) semaphore(%arg11 : memref<!tpu.dma_semaphore, #tpu.memory_space<semaphore_mem>>) {add = true}
    %dma_start3A_97 = arith.constant 0 : i32
    %dma_start3A_98 = arith.constant 0 : i32
    %dma_start3A_99 = tpu.memref_slice %arg6[%dma_start3A_97, %dma_start3A_98] : memref<312x128xf32, #tpu.memory_space<vmem>> -> memref<128x128xf32, #tpu.memory_space<vmem>>
    %dma_start3A_100 = arith.constant 3120 : i32
    %dma_start3A_101 = tpu.memref_slice %arg7[%dma_start3A_100] : memref<9984xi32, #tpu.memory_space<vmem>> -> memref<128xi32, #tpu.memory_space<vmem>>
    %dma_start3A_102 = arith.constant 0 : i32
    %dma_start3A_103 = arith.constant 0 : i32
    %dma_start3A_104 = tpu.memref_slice %arg3[%dma_start3A_102, %dma_start3A_103] : memref<320000x128xf32, #tpu.memory_space<hbm>> -> memref<320000x128xf32, #tpu.memory_space<hbm>>
    tpu.enqueue_indirect_dma source(%dma_start3A_104 : memref<320000x128xf32, #tpu.memory_space<hbm>>) target(%dma_start3A_99 : memref<128x128xf32, #tpu.memory_space<vmem>>) offsets(%dma_start3A_101 : memref<128xi32, #tpu.memory_space<vmem>>) semaphore(%arg11 : memref<!tpu.dma_semaphore, #tpu.memory_space<semaphore_mem>>) {add = true}
    %dma_start3A_105 = arith.constant 0 : i32
    %dma_start3A_106 = arith.constant 0 : i32
    %dma_start3A_107 = tpu.memref_slice %arg6[%dma_start3A_105, %dma_start3A_106] : memref<312x128xf32, #tpu.memory_space<vmem>> -> memref<128x128xf32, #tpu.memory_space<vmem>>
    %dma_start3A_108 = arith.constant 3432 : i32
    %dma_start3A_109 = tpu.memref_slice %arg7[%dma_start3A_108] : memref<9984xi32, #tpu.memory_space<vmem>> -> memref<128xi32, #tpu.memory_space<vmem>>
    %dma_start3A_110 = arith.constant 0 : i32
    %dma_start3A_111 = arith.constant 0 : i32
    %dma_start3A_112 = tpu.memref_slice %arg3[%dma_start3A_110, %dma_start3A_111] : memref<320000x128xf32, #tpu.memory_space<hbm>> -> memref<320000x128xf32, #tpu.memory_space<hbm>>
    tpu.enqueue_indirect_dma source(%dma_start3A_112 : memref<320000x128xf32, #tpu.memory_space<hbm>>) target(%dma_start3A_107 : memref<128x128xf32, #tpu.memory_space<vmem>>) offsets(%dma_start3A_109 : memref<128xi32, #tpu.memory_space<vmem>>) semaphore(%arg11 : memref<!tpu.dma_semaphore, #tpu.memory_space<semaphore_mem>>) {add = true}
    %dma_start3A_113 = arith.constant 0 : i32
    %dma_start3A_114 = arith.constant 0 : i32
    %dma_start3A_115 = tpu.memref_slice %arg6[%dma_start3A_113, %dma_start3A_114] : memref<312x128xf32, #tpu.memory_space<vmem>> -> memref<128x128xf32, #tpu.memory_space<vmem>>
    %dma_start3A_116 = arith.constant 3744 : i32
    %dma_start3A_117 = tpu.memref_slice %arg7[%dma_start3A_116] : memref<9984xi32, #tpu.memory_space<vmem>> -> memref<128xi32, #tpu.memory_space<vmem>>
    %dma_start3A_118 = arith.constant 0 : i32
    %dma_start3A_119 = arith.constant 0 : i32
    %dma_start3A_120 = tpu.memref_slice %arg3[%dma_start3A_118, %dma_start3A_119] : memref<320000x128xf32, #tpu.memory_space<hbm>> -> memref<320000x128xf32, #tpu.memory_space<hbm>>
    tpu.enqueue_indirect_dma source(%dma_start3A_120 : memref<320000x128xf32, #tpu.memory_space<hbm>>) target(%dma_start3A_115 : memref<128x128xf32, #tpu.memory_space<vmem>>) offsets(%dma_start3A_117 : memref<128xi32, #tpu.memory_space<vmem>>) semaphore(%arg11 : memref<!tpu.dma_semaphore, #tpu.memory_space<semaphore_mem>>) {add = true}
    %dma_start3A_121 = arith.constant 0 : i32
    %dma_start3A_122 = arith.constant 0 : i32
    %dma_start3A_123 = tpu.memref_slice %arg6[%dma_start3A_121, %dma_start3A_122] : memref<312x128xf32, #tpu.memory_space<vmem>> -> memref<128x128xf32, #tpu.memory_space<vmem>>
    %dma_start3A_124 = arith.constant 4056 : i32
    %dma_start3A_125 = tpu.memref_slice %arg7[%dma_start3A_124] : memref<9984xi32, #tpu.memory_space<vmem>> -> memref<128xi32, #tpu.memory_space<vmem>>
    %dma_start3A_126 = arith.constant 0 : i32
    %dma_start3A_127 = arith.constant 0 : i32
    %dma_start3A_128 = tpu.memref_slice %arg3[%dma_start3A_126, %dma_start3A_127] : memref<320000x128xf32, #tpu.memory_space<hbm>> -> memref<320000x128xf32, #tpu.memory_space<hbm>>
    tpu.enqueue_indirect_dma source(%dma_start3A_128 : memref<320000x128xf32, #tpu.memory_space<hbm>>) target(%dma_start3A_123 : memref<128x128xf32, #tpu.memory_space<vmem>>) offsets(%dma_start3A_125 : memref<128xi32, #tpu.memory_space<vmem>>) semaphore(%arg11 : memref<!tpu.dma_semaphore, #tpu.memory_space<semaphore_mem>>) {add = true}
    %dma_start3A_129 = arith.constant 0 : i32
    %dma_start3A_130 = arith.constant 0 : i32
    %dma_start3A_131 = tpu.memref_slice %arg6[%dma_start3A_129, %dma_start3A_130] : memref<312x128xf32, #tpu.memory_space<vmem>> -> memref<128x128xf32, #tpu.memory_space<vmem>>
    %dma_start3A_132 = arith.constant 4368 : i32
    %dma_start3A_133 = tpu.memref_slice %arg7[%dma_start3A_132] : memref<9984xi32, #tpu.memory_space<vmem>> -> memref<128xi32, #tpu.memory_space<vmem>>
    %dma_start3A_134 = arith.constant 0 : i32
    %dma_start3A_135 = arith.constant 0 : i32
    %dma_start3A_136 = tpu.memref_slice %arg3[%dma_start3A_134, %dma_start3A_135] : memref<320000x128xf32, #tpu.memory_space<hbm>> -> memref<320000x128xf32, #tpu.memory_space<hbm>>
    tpu.enqueue_indirect_dma source(%dma_start3A_136 : memref<320000x128xf32, #tpu.memory_space<hbm>>) target(%dma_start3A_131 : memref<128x128xf32, #tpu.memory_space<vmem>>) offsets(%dma_start3A_133 : memref<128xi32, #tpu.memory_space<vmem>>) semaphore(%arg11 : memref<!tpu.dma_semaphore, #tpu.memory_space<semaphore_mem>>) {add = true}
    %dma_start3A_137 = arith.constant 0 : i32
    %dma_start3A_138 = arith.constant 0 : i32
    %dma_start3A_139 = tpu.memref_slice %arg6[%dma_start3A_137, %dma_start3A_138] : memref<312x128xf32, #tpu.memory_space<vmem>> -> memref<128x128xf32, #tpu.memory_space<vmem>>
    %dma_start3A_140 = arith.constant 4680 : i32
    %dma_start3A_141 = tpu.memref_slice %arg7[%dma_start3A_140] : memref<9984xi32, #tpu.memory_space<vmem>> -> memref<128xi32, #tpu.memory_space<vmem>>
    %dma_start3A_142 = arith.constant 0 : i32
    %dma_start3A_143 = arith.constant 0 : i32
    %dma_start3A_144 = tpu.memref_slice %arg3[%dma_start3A_142, %dma_start3A_143] : memref<320000x128xf32, #tpu.memory_space<hbm>> -> memref<320000x128xf32, #tpu.memory_space<hbm>>
    tpu.enqueue_indirect_dma source(%dma_start3A_144 : memref<320000x128xf32, #tpu.memory_space<hbm>>) target(%dma_start3A_139 : memref<128x128xf32, #tpu.memory_space<vmem>>) offsets(%dma_start3A_141 : memref<128xi32, #tpu.memory_space<vmem>>) semaphore(%arg11 : memref<!tpu.dma_semaphore, #tpu.memory_space<semaphore_mem>>) {add = true}
    %dma_start3A_145 = arith.constant 0 : i32
    %dma_start3A_146 = arith.constant 0 : i32
    %dma_start3A_147 = tpu.memref_slice %arg6[%dma_start3A_145, %dma_start3A_146] : memref<312x128xf32, #tpu.memory_space<vmem>> -> memref<128x128xf32, #tpu.memory_space<vmem>>
    %dma_start3A_148 = arith.constant 4992 : i32
    %dma_start3A_149 = tpu.memref_slice %arg7[%dma_start3A_148] : memref<9984xi32, #tpu.memory_space<vmem>> -> memref<128xi32, #tpu.memory_space<vmem>>
    %dma_start3A_150 = arith.constant 0 : i32
    %dma_start3A_151 = arith.constant 0 : i32
    %dma_start3A_152 = tpu.memref_slice %arg3[%dma_start3A_150, %dma_start3A_151] : memref<320000x128xf32, #tpu.memory_space<hbm>> -> memref<320000x128xf32, #tpu.memory_space<hbm>>
    tpu.enqueue_indirect_dma source(%dma_start3A_152 : memref<320000x128xf32, #tpu.memory_space<hbm>>) target(%dma_start3A_147 : memref<128x128xf32, #tpu.memory_space<vmem>>) offsets(%dma_start3A_149 : memref<128xi32, #tpu.memory_space<vmem>>) semaphore(%arg11 : memref<!tpu.dma_semaphore, #tpu.memory_space<semaphore_mem>>) {add = true}
    %dma_start3A_153 = arith.constant 0 : i32
    %dma_start3A_154 = arith.constant 0 : i32
    %dma_start3A_155 = tpu.memref_slice %arg6[%dma_start3A_153, %dma_start3A_154] : memref<312x128xf32, #tpu.memory_space<vmem>> -> memref<128x128xf32, #tpu.memory_space<vmem>>
    %dma_start3A_156 = arith.constant 5304 : i32
    %dma_start3A_157 = tpu.memref_slice %arg7[%dma_start3A_156] : memref<9984xi32, #tpu.memory_space<vmem>> -> memref<128xi32, #tpu.memory_space<vmem>>
    %dma_start3A_158 = arith.constant 0 : i32
    %dma_start3A_159 = arith.constant 0 : i32
    %dma_start3A_160 = tpu.memref_slice %arg3[%dma_start3A_158, %dma_start3A_159] : memref<320000x128xf32, #tpu.memory_space<hbm>> -> memref<320000x128xf32, #tpu.memory_space<hbm>>
    tpu.enqueue_indirect_dma source(%dma_start3A_160 : memref<320000x128xf32, #tpu.memory_space<hbm>>) target(%dma_start3A_155 : memref<128x128xf32, #tpu.memory_space<vmem>>) offsets(%dma_start3A_157 : memref<128xi32, #tpu.memory_space<vmem>>) semaphore(%arg11 : memref<!tpu.dma_semaphore, #tpu.memory_space<semaphore_mem>>) {add = true}
    %dma_start3A_161 = arith.constant 0 : i32
    %dma_start3A_162 = arith.constant 0 : i32
    %dma_start3A_163 = tpu.memref_slice %arg6[%dma_start3A_161, %dma_start3A_162] : memref<312x128xf32, #tpu.memory_space<vmem>> -> memref<128x128xf32, #tpu.memory_space<vmem>>
    %dma_start3A_164 = arith.constant 5616 : i32
    %dma_start3A_165 = tpu.memref_slice %arg7[%dma_start3A_164] : memref<9984xi32, #tpu.memory_space<vmem>> -> memref<128xi32, #tpu.memory_space<vmem>>
    %dma_start3A_166 = arith.constant 0 : i32
    %dma_start3A_167 = arith.constant 0 : i32
    %dma_start3A_168 = tpu.memref_slice %arg3[%dma_start3A_166, %dma_start3A_167] : memref<320000x128xf32, #tpu.memory_space<hbm>> -> memref<320000x128xf32, #tpu.memory_space<hbm>>
    tpu.enqueue_indirect_dma source(%dma_start3A_168 : memref<320000x128xf32, #tpu.memory_space<hbm>>) target(%dma_start3A_163 : memref<128x128xf32, #tpu.memory_space<vmem>>) offsets(%dma_start3A_165 : memref<128xi32, #tpu.memory_space<vmem>>) semaphore(%arg11 : memref<!tpu.dma_semaphore, #tpu.memory_space<semaphore_mem>>) {add = true}
    %dma_start3A_169 = arith.constant 0 : i32
    %dma_start3A_170 = arith.constant 0 : i32
    %dma_start3A_171 = tpu.memref_slice %arg6[%dma_start3A_169, %dma_start3A_170] : memref<312x128xf32, #tpu.memory_space<vmem>> -> memref<128x128xf32, #tpu.memory_space<vmem>>
    %dma_start3A_172 = arith.constant 5928 : i32
    %dma_start3A_173 = tpu.memref_slice %arg7[%dma_start3A_172] : memref<9984xi32, #tpu.memory_space<vmem>> -> memref<128xi32, #tpu.memory_space<vmem>>
    %dma_start3A_174 = arith.constant 0 : i32
    %dma_start3A_175 = arith.constant 0 : i32
    %dma_start3A_176 = tpu.memref_slice %arg3[%dma_start3A_174, %dma_start3A_175] : memref<320000x128xf32, #tpu.memory_space<hbm>> -> memref<320000x128xf32, #tpu.memory_space<hbm>>
    tpu.enqueue_indirect_dma source(%dma_start3A_176 : memref<320000x128xf32, #tpu.memory_space<hbm>>) target(%dma_start3A_171 : memref<128x128xf32, #tpu.memory_space<vmem>>) offsets(%dma_start3A_173 : memref<128xi32, #tpu.memory_space<vmem>>) semaphore(%arg11 : memref<!tpu.dma_semaphore, #tpu.memory_space<semaphore_mem>>) {add = true}
    %dma_start3A_177 = arith.constant 0 : i32
    %dma_start3A_178 = arith.constant 0 : i32
    %dma_start3A_179 = tpu.memref_slice %arg6[%dma_start3A_177, %dma_start3A_178] : memref<312x128xf32, #tpu.memory_space<vmem>> -> memref<128x128xf32, #tpu.memory_space<vmem>>
    %dma_start3A_180 = arith.constant 6240 : i32
    %dma_start3A_181 = tpu.memref_slice %arg7[%dma_start3A_180] : memref<9984xi32, #tpu.memory_space<vmem>> -> memref<128xi32, #tpu.memory_space<vmem>>
    %dma_start3A_182 = arith.constant 0 : i32
    %dma_start3A_183 = arith.constant 0 : i32
    %dma_start3A_184 = tpu.memref_slice %arg3[%dma_start3A_182, %dma_start3A_183] : memref<320000x128xf32, #tpu.memory_space<hbm>> -> memref<320000x128xf32, #tpu.memory_space<hbm>>
    tpu.enqueue_indirect_dma source(%dma_start3A_184 : memref<320000x128xf32, #tpu.memory_space<hbm>>) target(%dma_start3A_179 : memref<128x128xf32, #tpu.memory_space<vmem>>) offsets(%dma_start3A_181 : memref<128xi32, #tpu.memory_space<vmem>>) semaphore(%arg11 : memref<!tpu.dma_semaphore, #tpu.memory_space<semaphore_mem>>) {add = true}
    %dma_start3A_185 = arith.constant 0 : i32
    %dma_start3A_186 = arith.constant 0 : i32
    %dma_start3A_187 = tpu.memref_slice %arg6[%dma_start3A_185, %dma_start3A_186] : memref<312x128xf32, #tpu.memory_space<vmem>> -> memref<128x128xf32, #tpu.memory_space<vmem>>
    %dma_start3A_188 = arith.constant 6552 : i32
    %dma_start3A_189 = tpu.memref_slice %arg7[%dma_start3A_188] : memref<9984xi32, #tpu.memory_space<vmem>> -> memref<128xi32, #tpu.memory_space<vmem>>
    %dma_start3A_190 = arith.constant 0 : i32
    %dma_start3A_191 = arith.constant 0 : i32
    %dma_start3A_192 = tpu.memref_slice %arg3[%dma_start3A_190, %dma_start3A_191] : memref<320000x128xf32, #tpu.memory_space<hbm>> -> memref<320000x128xf32, #tpu.memory_space<hbm>>
    tpu.enqueue_indirect_dma source(%dma_start3A_192 : memref<320000x128xf32, #tpu.memory_space<hbm>>) target(%dma_start3A_187 : memref<128x128xf32, #tpu.memory_space<vmem>>) offsets(%dma_start3A_189 : memref<128xi32, #tpu.memory_space<vmem>>) semaphore(%arg11 : memref<!tpu.dma_semaphore, #tpu.memory_space<semaphore_mem>>) {add = true}
    %dma_start3A_193 = arith.constant 0 : i32
    %dma_start3A_194 = arith.constant 0 : i32
    %dma_start3A_195 = tpu.memref_slice %arg6[%dma_start3A_193, %dma_start3A_194] : memref<312x128xf32, #tpu.memory_space<vmem>> -> memref<128x128xf32, #tpu.memory_space<vmem>>
    %dma_start3A_196 = arith.constant 6864 : i32
    %dma_start3A_197 = tpu.memref_slice %arg7[%dma_start3A_196] : memref<9984xi32, #tpu.memory_space<vmem>> -> memref<128xi32, #tpu.memory_space<vmem>>
    %dma_start3A_198 = arith.constant 0 : i32
    %dma_start3A_199 = arith.constant 0 : i32
    %dma_start3A_200 = tpu.memref_slice %arg3[%dma_start3A_198, %dma_start3A_199] : memref<320000x128xf32, #tpu.memory_space<hbm>> -> memref<320000x128xf32, #tpu.memory_space<hbm>>
    tpu.enqueue_indirect_dma source(%dma_start3A_200 : memref<320000x128xf32, #tpu.memory_space<hbm>>) target(%dma_start3A_195 : memref<128x128xf32, #tpu.memory_space<vmem>>) offsets(%dma_start3A_197 : memref<128xi32, #tpu.memory_space<vmem>>) semaphore(%arg11 : memref<!tpu.dma_semaphore, #tpu.memory_space<semaphore_mem>>) {add = true}
    %dma_start3A_201 = arith.constant 0 : i32
    %dma_start3A_202 = arith.constant 0 : i32
    %dma_start3A_203 = tpu.memref_slice %arg6[%dma_start3A_201, %dma_start3A_202] : memref<312x128xf32, #tpu.memory_space<vmem>> -> memref<128x128xf32, #tpu.memory_space<vmem>>
    %dma_start3A_204 = arith.constant 7176 : i32
    %dma_start3A_205 = tpu.memref_slice %arg7[%dma_start3A_204] : memref<9984xi32, #tpu.memory_space<vmem>> -> memref<128xi32, #tpu.memory_space<vmem>>
    %dma_start3A_206 = arith.constant 0 : i32
    %dma_start3A_207 = arith.constant 0 : i32
    %dma_start3A_208 = tpu.memref_slice %arg3[%dma_start3A_206, %dma_start3A_207] : memref<320000x128xf32, #tpu.memory_space<hbm>> -> memref<320000x128xf32, #tpu.memory_space<hbm>>
    tpu.enqueue_indirect_dma source(%dma_start3A_208 : memref<320000x128xf32, #tpu.memory_space<hbm>>) target(%dma_start3A_203 : memref<128x128xf32, #tpu.memory_space<vmem>>) offsets(%dma_start3A_205 : memref<128xi32, #tpu.memory_space<vmem>>) semaphore(%arg11 : memref<!tpu.dma_semaphore, #tpu.memory_space<semaphore_mem>>) {add = true}
    %dma_start3A_209 = arith.constant 0 : i32
    %dma_start3A_210 = arith.constant 0 : i32
    %dma_start3A_211 = tpu.memref_slice %arg6[%dma_start3A_209, %dma_start3A_210] : memref<312x128xf32, #tpu.memory_space<vmem>> -> memref<128x128xf32, #tpu.memory_space<vmem>>
    %dma_start3A_212 = arith.constant 7488 : i32
    %dma_start3A_213 = tpu.memref_slice %arg7[%dma_start3A_212] : memref<9984xi32, #tpu.memory_space<vmem>> -> memref<128xi32, #tpu.memory_space<vmem>>
    %dma_start3A_214 = arith.constant 0 : i32
    %dma_start3A_215 = arith.constant 0 : i32
    %dma_start3A_216 = tpu.memref_slice %arg3[%dma_start3A_214, %dma_start3A_215] : memref<320000x128xf32, #tpu.memory_space<hbm>> -> memref<320000x128xf32, #tpu.memory_space<hbm>>
    tpu.enqueue_indirect_dma source(%dma_start3A_216 : memref<320000x128xf32, #tpu.memory_space<hbm>>) target(%dma_start3A_211 : memref<128x128xf32, #tpu.memory_space<vmem>>) offsets(%dma_start3A_213 : memref<128xi32, #tpu.memory_space<vmem>>) semaphore(%arg11 : memref<!tpu.dma_semaphore, #tpu.memory_space<semaphore_mem>>) {add = true}
    %dma_start3A_217 = arith.constant 0 : i32
    %dma_start3A_218 = arith.constant 0 : i32
    %dma_start3A_219 = tpu.memref_slice %arg6[%dma_start3A_217, %dma_start3A_218] : memref<312x128xf32, #tpu.memory_space<vmem>> -> memref<128x128xf32, #tpu.memory_space<vmem>>
    %dma_start3A_220 = arith.constant 7800 : i32
    %dma_start3A_221 = tpu.memref_slice %arg7[%dma_start3A_220] : memref<9984xi32, #tpu.memory_space<vmem>> -> memref<128xi32, #tpu.memory_space<vmem>>
    %dma_start3A_222 = arith.constant 0 : i32
    %dma_start3A_223 = arith.constant 0 : i32
    %dma_start3A_224 = tpu.memref_slice %arg3[%dma_start3A_222, %dma_start3A_223] : memref<320000x128xf32, #tpu.memory_space<hbm>> -> memref<320000x128xf32, #tpu.memory_space<hbm>>
    tpu.enqueue_indirect_dma source(%dma_start3A_224 : memref<320000x128xf32, #tpu.memory_space<hbm>>) target(%dma_start3A_219 : memref<128x128xf32, #tpu.memory_space<vmem>>) offsets(%dma_start3A_221 : memref<128xi32, #tpu.memory_space<vmem>>) semaphore(%arg11 : memref<!tpu.dma_semaphore, #tpu.memory_space<semaphore_mem>>) {add = true}
    %dma_start3A_225 = arith.constant 0 : i32
    %dma_start3A_226 = arith.constant 0 : i32
    %dma_start3A_227 = tpu.memref_slice %arg6[%dma_start3A_225, %dma_start3A_226] : memref<312x128xf32, #tpu.memory_space<vmem>> -> memref<128x128xf32, #tpu.memory_space<vmem>>
    %dma_start3A_228 = arith.constant 8112 : i32
    %dma_start3A_229 = tpu.memref_slice %arg7[%dma_start3A_228] : memref<9984xi32, #tpu.memory_space<vmem>> -> memref<128xi32, #tpu.memory_space<vmem>>
    %dma_start3A_230 = arith.constant 0 : i32
    %dma_start3A_231 = arith.constant 0 : i32
    %dma_start3A_232 = tpu.memref_slice %arg3[%dma_start3A_230, %dma_start3A_231] : memref<320000x128xf32, #tpu.memory_space<hbm>> -> memref<320000x128xf32, #tpu.memory_space<hbm>>
    tpu.enqueue_indirect_dma source(%dma_start3A_232 : memref<320000x128xf32, #tpu.memory_space<hbm>>) target(%dma_start3A_227 : memref<128x128xf32, #tpu.memory_space<vmem>>) offsets(%dma_start3A_229 : memref<128xi32, #tpu.memory_space<vmem>>) semaphore(%arg11 : memref<!tpu.dma_semaphore, #tpu.memory_space<semaphore_mem>>) {add = true}
    %dma_start3A_233 = arith.constant 0 : i32
    %dma_start3A_234 = arith.constant 0 : i32
    %dma_start3A_235 = tpu.memref_slice %arg6[%dma_start3A_233, %dma_start3A_234] : memref<312x128xf32, #tpu.memory_space<vmem>> -> memref<128x128xf32, #tpu.memory_space<vmem>>
    %dma_start3A_236 = arith.constant 8424 : i32
    %dma_start3A_237 = tpu.memref_slice %arg7[%dma_start3A_236] : memref<9984xi32, #tpu.memory_space<vmem>> -> memref<128xi32, #tpu.memory_space<vmem>>
    %dma_start3A_238 = arith.constant 0 : i32
    %dma_start3A_239 = arith.constant 0 : i32
    %dma_start3A_240 = tpu.memref_slice %arg3[%dma_start3A_238, %dma_start3A_239] : memref<320000x128xf32, #tpu.memory_space<hbm>> -> memref<320000x128xf32, #tpu.memory_space<hbm>>
    tpu.enqueue_indirect_dma source(%dma_start3A_240 : memref<320000x128xf32, #tpu.memory_space<hbm>>) target(%dma_start3A_235 : memref<128x128xf32, #tpu.memory_space<vmem>>) offsets(%dma_start3A_237 : memref<128xi32, #tpu.memory_space<vmem>>) semaphore(%arg11 : memref<!tpu.dma_semaphore, #tpu.memory_space<semaphore_mem>>) {add = true}
    %dma_start3A_241 = arith.constant 0 : i32
    %dma_start3A_242 = arith.constant 0 : i32
    %dma_start3A_243 = tpu.memref_slice %arg6[%dma_start3A_241, %dma_start3A_242] : memref<312x128xf32, #tpu.memory_space<vmem>> -> memref<128x128xf32, #tpu.memory_space<vmem>>
    %dma_start3A_244 = arith.constant 8736 : i32
    %dma_start3A_245 = tpu.memref_slice %arg7[%dma_start3A_244] : memref<9984xi32, #tpu.memory_space<vmem>> -> memref<128xi32, #tpu.memory_space<vmem>>
    %dma_start3A_246 = arith.constant 0 : i32
    %dma_start3A_247 = arith.constant 0 : i32
    %dma_start3A_248 = tpu.memref_slice %arg3[%dma_start3A_246, %dma_start3A_247] : memref<320000x128xf32, #tpu.memory_space<hbm>> -> memref<320000x128xf32, #tpu.memory_space<hbm>>
    tpu.enqueue_indirect_dma source(%dma_start3A_248 : memref<320000x128xf32, #tpu.memory_space<hbm>>) target(%dma_start3A_243 : memref<128x128xf32, #tpu.memory_space<vmem>>) offsets(%dma_start3A_245 : memref<128xi32, #tpu.memory_space<vmem>>) semaphore(%arg11 : memref<!tpu.dma_semaphore, #tpu.memory_space<semaphore_mem>>) {add = true}
    %dma_start3A_249 = arith.constant 0 : i32
    %dma_start3A_250 = arith.constant 0 : i32
    %dma_start3A_251 = tpu.memref_slice %arg6[%dma_start3A_249, %dma_start3A_250] : memref<312x128xf32, #tpu.memory_space<vmem>> -> memref<128x128xf32, #tpu.memory_space<vmem>>
    %dma_start3A_252 = arith.constant 9048 : i32
    %dma_start3A_253 = tpu.memref_slice %arg7[%dma_start3A_252] : memref<9984xi32, #tpu.memory_space<vmem>> -> memref<128xi32, #tpu.memory_space<vmem>>
    %dma_start3A_254 = arith.constant 0 : i32
    %dma_start3A_255 = arith.constant 0 : i32
    %dma_start3A_256 = tpu.memref_slice %arg3[%dma_start3A_254, %dma_start3A_255] : memref<320000x128xf32, #tpu.memory_space<hbm>> -> memref<320000x128xf32, #tpu.memory_space<hbm>>
    tpu.enqueue_indirect_dma source(%dma_start3A_256 : memref<320000x128xf32, #tpu.memory_space<hbm>>) target(%dma_start3A_251 : memref<128x128xf32, #tpu.memory_space<vmem>>) offsets(%dma_start3A_253 : memref<128xi32, #tpu.memory_space<vmem>>) semaphore(%arg11 : memref<!tpu.dma_semaphore, #tpu.memory_space<semaphore_mem>>) {add = true}
    %dma_start3A_257 = arith.constant 0 : i32
    %dma_start3A_258 = arith.constant 0 : i32
    %dma_start3A_259 = tpu.memref_slice %arg6[%dma_start3A_257, %dma_start3A_258] : memref<312x128xf32, #tpu.memory_space<vmem>> -> memref<128x128xf32, #tpu.memory_space<vmem>>
    %dma_start3A_260 = arith.constant 9360 : i32
    %dma_start3A_261 = tpu.memref_slice %arg7[%dma_start3A_260] : memref<9984xi32, #tpu.memory_space<vmem>> -> memref<128xi32, #tpu.memory_space<vmem>>
    %dma_start3A_262 = arith.constant 0 : i32
    %dma_start3A_263 = arith.constant 0 : i32
    %dma_start3A_264 = tpu.memref_slice %arg3[%dma_start3A_262, %dma_start3A_263] : memref<320000x128xf32, #tpu.memory_space<hbm>> -> memref<320000x128xf32, #tpu.memory_space<hbm>>
    tpu.enqueue_indirect_dma source(%dma_start3A_264 : memref<320000x128xf32, #tpu.memory_space<hbm>>) target(%dma_start3A_259 : memref<128x128xf32, #tpu.memory_space<vmem>>) offsets(%dma_start3A_261 : memref<128xi32, #tpu.memory_space<vmem>>) semaphore(%arg11 : memref<!tpu.dma_semaphore, #tpu.memory_space<semaphore_mem>>) {add = true}
    %dma_start3A_265 = arith.constant 0 : i32
    %dma_start3A_266 = arith.constant 0 : i32
    %dma_start3A_267 = tpu.memref_slice %arg6[%dma_start3A_265, %dma_start3A_266] : memref<312x128xf32, #tpu.memory_space<vmem>> -> memref<128x128xf32, #tpu.memory_space<vmem>>
    %dma_start3A_268 = arith.constant 9672 : i32
    %dma_start3A_269 = tpu.memref_slice %arg7[%dma_start3A_268] : memref<9984xi32, #tpu.memory_space<vmem>> -> memref<128xi32, #tpu.memory_space<vmem>>
    %dma_start3A_270 = arith.constant 0 : i32
    %dma_start3A_271 = arith.constant 0 : i32
    %dma_start3A_272 = tpu.memref_slice %arg3[%dma_start3A_270, %dma_start3A_271] : memref<320000x128xf32, #tpu.memory_space<hbm>> -> memref<320000x128xf32, #tpu.memory_space<hbm>>
    tpu.enqueue_indirect_dma source(%dma_start3A_272 : memref<320000x128xf32, #tpu.memory_space<hbm>>) target(%dma_start3A_267 : memref<128x128xf32, #tpu.memory_space<vmem>>) offsets(%dma_start3A_269 : memref<128xi32, #tpu.memory_space<vmem>>) semaphore(%arg11 : memref<!tpu.dma_semaphore, #tpu.memory_space<semaphore_mem>>) {add = true}
    %dma_start3A_273 = arith.constant 128 : i32
    %dma_start3A_274 = arith.constant 0 : i32
    %dma_start3A_275 = tpu.memref_slice %arg6[%dma_start3A_273, %dma_start3A_274] : memref<312x128xf32, #tpu.memory_space<vmem>> -> memref<128x128xf32, #tpu.memory_space<vmem>>
    %dma_start3A_276 = arith.constant 128 : i32
    %dma_start3A_277 = tpu.memref_slice %arg7[%dma_start3A_276] : memref<9984xi32, #tpu.memory_space<vmem>> -> memref<128xi32, #tpu.memory_space<vmem>>
    %dma_start3A_278 = arith.constant 0 : i32
    %dma_start3A_279 = arith.constant 0 : i32
    %dma_start3A_280 = tpu.memref_slice %arg3[%dma_start3A_278, %dma_start3A_279] : memref<320000x128xf32, #tpu.memory_space<hbm>> -> memref<320000x128xf32, #tpu.memory_space<hbm>>
    tpu.enqueue_indirect_dma source(%dma_start3A_280 : memref<320000x128xf32, #tpu.memory_space<hbm>>) target(%dma_start3A_275 : memref<128x128xf32, #tpu.memory_space<vmem>>) offsets(%dma_start3A_277 : memref<128xi32, #tpu.memory_space<vmem>>) semaphore(%arg12 : memref<!tpu.dma_semaphore, #tpu.memory_space<semaphore_mem>>) {add = true}
    %dma_start3A_281 = arith.constant 128 : i32
    %dma_start3A_282 = arith.constant 0 : i32
    %dma_start3A_283 = tpu.memref_slice %arg6[%dma_start3A_281, %dma_start3A_282] : memref<312x128xf32, #tpu.memory_space<vmem>> -> memref<128x128xf32, #tpu.memory_space<vmem>>
    %dma_start3A_284 = arith.constant 440 : i32
    %dma_start3A_285 = tpu.memref_slice %arg7[%dma_start3A_284] : memref<9984xi32, #tpu.memory_space<vmem>> -> memref<128xi32, #tpu.memory_space<vmem>>
    %dma_start3A_286 = arith.constant 0 : i32
    %dma_start3A_287 = arith.constant 0 : i32
    %dma_start3A_288 = tpu.memref_slice %arg3[%dma_start3A_286, %dma_start3A_287] : memref<320000x128xf32, #tpu.memory_space<hbm>> -> memref<320000x128xf32, #tpu.memory_space<hbm>>
    tpu.enqueue_indirect_dma source(%dma_start3A_288 : memref<320000x128xf32, #tpu.memory_space<hbm>>) target(%dma_start3A_283 : memref<128x128xf32, #tpu.memory_space<vmem>>) offsets(%dma_start3A_285 : memref<128xi32, #tpu.memory_space<vmem>>) semaphore(%arg12 : memref<!tpu.dma_semaphore, #tpu.memory_space<semaphore_mem>>) {add = true}
    %dma_start3A_289 = arith.constant 128 : i32
    %dma_start3A_290 = arith.constant 0 : i32
    %dma_start3A_291 = tpu.memref_slice %arg6[%dma_start3A_289, %dma_start3A_290] : memref<312x128xf32, #tpu.memory_space<vmem>> -> memref<128x128xf32, #tpu.memory_space<vmem>>
    %dma_start3A_292 = arith.constant 752 : i32
    %dma_start3A_293 = tpu.memref_slice %arg7[%dma_start3A_292] : memref<9984xi32, #tpu.memory_space<vmem>> -> memref<128xi32, #tpu.memory_space<vmem>>
    %dma_start3A_294 = arith.constant 0 : i32
    %dma_start3A_295 = arith.constant 0 : i32
    %dma_start3A_296 = tpu.memref_slice %arg3[%dma_start3A_294, %dma_start3A_295] : memref<320000x128xf32, #tpu.memory_space<hbm>> -> memref<320000x128xf32, #tpu.memory_space<hbm>>
    tpu.enqueue_indirect_dma source(%dma_start3A_296 : memref<320000x128xf32, #tpu.memory_space<hbm>>) target(%dma_start3A_291 : memref<128x128xf32, #tpu.memory_space<vmem>>) offsets(%dma_start3A_293 : memref<128xi32, #tpu.memory_space<vmem>>) semaphore(%arg12 : memref<!tpu.dma_semaphore, #tpu.memory_space<semaphore_mem>>) {add = true}
    %dma_start3A_297 = arith.constant 128 : i32
    %dma_start3A_298 = arith.constant 0 : i32
    %dma_start3A_299 = tpu.memref_slice %arg6[%dma_start3A_297, %dma_start3A_298] : memref<312x128xf32, #tpu.memory_space<vmem>> -> memref<128x128xf32, #tpu.memory_space<vmem>>
    %dma_start3A_300 = arith.constant 1064 : i32
    %dma_start3A_301 = tpu.memref_slice %arg7[%dma_start3A_300] : memref<9984xi32, #tpu.memory_space<vmem>> -> memref<128xi32, #tpu.memory_space<vmem>>
    %dma_start3A_302 = arith.constant 0 : i32
    %dma_start3A_303 = arith.constant 0 : i32
    %dma_start3A_304 = tpu.memref_slice %arg3[%dma_start3A_302, %dma_start3A_303] : memref<320000x128xf32, #tpu.memory_space<hbm>> -> memref<320000x128xf32, #tpu.memory_space<hbm>>
    tpu.enqueue_indirect_dma source(%dma_start3A_304 : memref<320000x128xf32, #tpu.memory_space<hbm>>) target(%dma_start3A_299 : memref<128x128xf32, #tpu.memory_space<vmem>>) offsets(%dma_start3A_301 : memref<128xi32, #tpu.memory_space<vmem>>) semaphore(%arg12 : memref<!tpu.dma_semaphore, #tpu.memory_space<semaphore_mem>>) {add = true}
    %dma_start3A_305 = arith.constant 128 : i32
    %dma_start3A_306 = arith.constant 0 : i32
    %dma_start3A_307 = tpu.memref_slice %arg6[%dma_start3A_305, %dma_start3A_306] : memref<312x128xf32, #tpu.memory_space<vmem>> -> memref<128x128xf32, #tpu.memory_space<vmem>>
    %dma_start3A_308 = arith.constant 1376 : i32
    %dma_start3A_309 = tpu.memref_slice %arg7[%dma_start3A_308] : memref<9984xi32, #tpu.memory_space<vmem>> -> memref<128xi32, #tpu.memory_space<vmem>>
    %dma_start3A_310 = arith.constant 0 : i32
    %dma_start3A_311 = arith.constant 0 : i32
    %dma_start3A_312 = tpu.memref_slice %arg3[%dma_start3A_310, %dma_start3A_311] : memref<320000x128xf32, #tpu.memory_space<hbm>> -> memref<320000x128xf32, #tpu.memory_space<hbm>>
    tpu.enqueue_indirect_dma source(%dma_start3A_312 : memref<320000x128xf32, #tpu.memory_space<hbm>>) target(%dma_start3A_307 : memref<128x128xf32, #tpu.memory_space<vmem>>) offsets(%dma_start3A_309 : memref<128xi32, #tpu.memory_space<vmem>>) semaphore(%arg12 : memref<!tpu.dma_semaphore, #tpu.memory_space<semaphore_mem>>) {add = true}
    %dma_start3A_313 = arith.constant 128 : i32
    %dma_start3A_314 = arith.constant 0 : i32
    %dma_start3A_315 = tpu.memref_slice %arg6[%dma_start3A_313, %dma_start3A_314] : memref<312x128xf32, #tpu.memory_space<vmem>> -> memref<128x128xf32, #tpu.memory_space<vmem>>
    %dma_start3A_316 = arith.constant 1688 : i32
    %dma_start3A_317 = tpu.memref_slice %arg7[%dma_start3A_316] : memref<9984xi32, #tpu.memory_space<vmem>> -> memref<128xi32, #tpu.memory_space<vmem>>
    %dma_start3A_318 = arith.constant 0 : i32
    %dma_start3A_319 = arith.constant 0 : i32
    %dma_start3A_320 = tpu.memref_slice %arg3[%dma_start3A_318, %dma_start3A_319] : memref<320000x128xf32, #tpu.memory_space<hbm>> -> memref<320000x128xf32, #tpu.memory_space<hbm>>
    tpu.enqueue_indirect_dma source(%dma_start3A_320 : memref<320000x128xf32, #tpu.memory_space<hbm>>) target(%dma_start3A_315 : memref<128x128xf32, #tpu.memory_space<vmem>>) offsets(%dma_start3A_317 : memref<128xi32, #tpu.memory_space<vmem>>) semaphore(%arg12 : memref<!tpu.dma_semaphore, #tpu.memory_space<semaphore_mem>>) {add = true}
    %dma_start3A_321 = arith.constant 128 : i32
    %dma_start3A_322 = arith.constant 0 : i32
    %dma_start3A_323 = tpu.memref_slice %arg6[%dma_start3A_321, %dma_start3A_322] : memref<312x128xf32, #tpu.memory_space<vmem>> -> memref<128x128xf32, #tpu.memory_space<vmem>>
    %dma_start3A_324 = arith.constant 2000 : i32
    %dma_start3A_325 = tpu.memref_slice %arg7[%dma_start3A_324] : memref<9984xi32, #tpu.memory_space<vmem>> -> memref<128xi32, #tpu.memory_space<vmem>>
    %dma_start3A_326 = arith.constant 0 : i32
    %dma_start3A_327 = arith.constant 0 : i32
    %dma_start3A_328 = tpu.memref_slice %arg3[%dma_start3A_326, %dma_start3A_327] : memref<320000x128xf32, #tpu.memory_space<hbm>> -> memref<320000x128xf32, #tpu.memory_space<hbm>>
    tpu.enqueue_indirect_dma source(%dma_start3A_328 : memref<320000x128xf32, #tpu.memory_space<hbm>>) target(%dma_start3A_323 : memref<128x128xf32, #tpu.memory_space<vmem>>) offsets(%dma_start3A_325 : memref<128xi32, #tpu.memory_space<vmem>>) semaphore(%arg12 : memref<!tpu.dma_semaphore, #tpu.memory_space<semaphore_mem>>) {add = true}
    %dma_start3A_329 = arith.constant 128 : i32
    %dma_start3A_330 = arith.constant 0 : i32
    %dma_start3A_331 = tpu.memref_slice %arg6[%dma_start3A_329, %dma_start3A_330] : memref<312x128xf32, #tpu.memory_space<vmem>> -> memref<128x128xf32, #tpu.memory_space<vmem>>
    %dma_start3A_332 = arith.constant 2312 : i32
    %dma_start3A_333 = tpu.memref_slice %arg7[%dma_start3A_332] : memref<9984xi32, #tpu.memory_space<vmem>> -> memref<128xi32, #tpu.memory_space<vmem>>
    %dma_start3A_334 = arith.constant 0 : i32
    %dma_start3A_335 = arith.constant 0 : i32
    %dma_start3A_336 = tpu.memref_slice %arg3[%dma_start3A_334, %dma_start3A_335] : memref<320000x128xf32, #tpu.memory_space<hbm>> -> memref<320000x128xf32, #tpu.memory_space<hbm>>
    tpu.enqueue_indirect_dma source(%dma_start3A_336 : memref<320000x128xf32, #tpu.memory_space<hbm>>) target(%dma_start3A_331 : memref<128x128xf32, #tpu.memory_space<vmem>>) offsets(%dma_start3A_333 : memref<128xi32, #tpu.memory_space<vmem>>) semaphore(%arg12 : memref<!tpu.dma_semaphore, #tpu.memory_space<semaphore_mem>>) {add = true}
    %dma_start3A_337 = arith.constant 128 : i32
    %dma_start3A_338 = arith.constant 0 : i32
    %dma_start3A_339 = tpu.memref_slice %arg6[%dma_start3A_337, %dma_start3A_338] : memref<312x128xf32, #tpu.memory_space<vmem>> -> memref<128x128xf32, #tpu.memory_space<vmem>>
    %dma_start3A_340 = arith.constant 2624 : i32
    %dma_start3A_341 = tpu.memref_slice %arg7[%dma_start3A_340] : memref<9984xi32, #tpu.memory_space<vmem>> -> memref<128xi32, #tpu.memory_space<vmem>>
    %dma_start3A_342 = arith.constant 0 : i32
    %dma_start3A_343 = arith.constant 0 : i32
    %dma_start3A_344 = tpu.memref_slice %arg3[%dma_start3A_342, %dma_start3A_343] : memref<320000x128xf32, #tpu.memory_space<hbm>> -> memref<320000x128xf32, #tpu.memory_space<hbm>>
    tpu.enqueue_indirect_dma source(%dma_start3A_344 : memref<320000x128xf32, #tpu.memory_space<hbm>>) target(%dma_start3A_339 : memref<128x128xf32, #tpu.memory_space<vmem>>) offsets(%dma_start3A_341 : memref<128xi32, #tpu.memory_space<vmem>>) semaphore(%arg12 : memref<!tpu.dma_semaphore, #tpu.memory_space<semaphore_mem>>) {add = true}
    %dma_start3A_345 = arith.constant 128 : i32
    %dma_start3A_346 = arith.constant 0 : i32
    %dma_start3A_347 = tpu.memref_slice %arg6[%dma_start3A_345, %dma_start3A_346] : memref<312x128xf32, #tpu.memory_space<vmem>> -> memref<128x128xf32, #tpu.memory_space<vmem>>
    %dma_start3A_348 = arith.constant 2936 : i32
    %dma_start3A_349 = tpu.memref_slice %arg7[%dma_start3A_348] : memref<9984xi32, #tpu.memory_space<vmem>> -> memref<128xi32, #tpu.memory_space<vmem>>
    %dma_start3A_350 = arith.constant 0 : i32
    %dma_start3A_351 = arith.constant 0 : i32
    %dma_start3A_352 = tpu.memref_slice %arg3[%dma_start3A_350, %dma_start3A_351] : memref<320000x128xf32, #tpu.memory_space<hbm>> -> memref<320000x128xf32, #tpu.memory_space<hbm>>
    tpu.enqueue_indirect_dma source(%dma_start3A_352 : memref<320000x128xf32, #tpu.memory_space<hbm>>) target(%dma_start3A_347 : memref<128x128xf32, #tpu.memory_space<vmem>>) offsets(%dma_start3A_349 : memref<128xi32, #tpu.memory_space<vmem>>) semaphore(%arg12 : memref<!tpu.dma_semaphore, #tpu.memory_space<semaphore_mem>>) {add = true}
    %dma_start3A_353 = arith.constant 128 : i32
    %dma_start3A_354 = arith.constant 0 : i32
    %dma_start3A_355 = tpu.memref_slice %arg6[%dma_start3A_353, %dma_start3A_354] : memref<312x128xf32, #tpu.memory_space<vmem>> -> memref<128x128xf32, #tpu.memory_space<vmem>>
    %dma_start3A_356 = arith.constant 3248 : i32
    %dma_start3A_357 = tpu.memref_slice %arg7[%dma_start3A_356] : memref<9984xi32, #tpu.memory_space<vmem>> -> memref<128xi32, #tpu.memory_space<vmem>>
    %dma_start3A_358 = arith.constant 0 : i32
    %dma_start3A_359 = arith.constant 0 : i32
    %dma_start3A_360 = tpu.memref_slice %arg3[%dma_start3A_358, %dma_start3A_359] : memref<320000x128xf32, #tpu.memory_space<hbm>> -> memref<320000x128xf32, #tpu.memory_space<hbm>>
    tpu.enqueue_indirect_dma source(%dma_start3A_360 : memref<320000x128xf32, #tpu.memory_space<hbm>>) target(%dma_start3A_355 : memref<128x128xf32, #tpu.memory_space<vmem>>) offsets(%dma_start3A_357 : memref<128xi32, #tpu.memory_space<vmem>>) semaphore(%arg12 : memref<!tpu.dma_semaphore, #tpu.memory_space<semaphore_mem>>) {add = true}
    %dma_start3A_361 = arith.constant 128 : i32
    %dma_start3A_362 = arith.constant 0 : i32
    %dma_start3A_363 = tpu.memref_slice %arg6[%dma_start3A_361, %dma_start3A_362] : memref<312x128xf32, #tpu.memory_space<vmem>> -> memref<128x128xf32, #tpu.memory_space<vmem>>
    %dma_start3A_364 = arith.constant 3560 : i32
    %dma_start3A_365 = tpu.memref_slice %arg7[%dma_start3A_364] : memref<9984xi32, #tpu.memory_space<vmem>> -> memref<128xi32, #tpu.memory_space<vmem>>
    %dma_start3A_366 = arith.constant 0 : i32
    %dma_start3A_367 = arith.constant 0 : i32
    %dma_start3A_368 = tpu.memref_slice %arg3[%dma_start3A_366, %dma_start3A_367] : memref<320000x128xf32, #tpu.memory_space<hbm>> -> memref<320000x128xf32, #tpu.memory_space<hbm>>
    tpu.enqueue_indirect_dma source(%dma_start3A_368 : memref<320000x128xf32, #tpu.memory_space<hbm>>) target(%dma_start3A_363 : memref<128x128xf32, #tpu.memory_space<vmem>>) offsets(%dma_start3A_365 : memref<128xi32, #tpu.memory_space<vmem>>) semaphore(%arg12 : memref<!tpu.dma_semaphore, #tpu.memory_space<semaphore_mem>>) {add = true}
    %dma_start3A_369 = arith.constant 128 : i32
    %dma_start3A_370 = arith.constant 0 : i32
    %dma_start3A_371 = tpu.memref_slice %arg6[%dma_start3A_369, %dma_start3A_370] : memref<312x128xf32, #tpu.memory_space<vmem>> -> memref<128x128xf32, #tpu.memory_space<vmem>>
    %dma_start3A_372 = arith.constant 3872 : i32
    %dma_start3A_373 = tpu.memref_slice %arg7[%dma_start3A_372] : memref<9984xi32, #tpu.memory_space<vmem>> -> memref<128xi32, #tpu.memory_space<vmem>>
    %dma_start3A_374 = arith.constant 0 : i32
    %dma_start3A_375 = arith.constant 0 : i32
    %dma_start3A_376 = tpu.memref_slice %arg3[%dma_start3A_374, %dma_start3A_375] : memref<320000x128xf32, #tpu.memory_space<hbm>> -> memref<320000x128xf32, #tpu.memory_space<hbm>>
    tpu.enqueue_indirect_dma source(%dma_start3A_376 : memref<320000x128xf32, #tpu.memory_space<hbm>>) target(%dma_start3A_371 : memref<128x128xf32, #tpu.memory_space<vmem>>) offsets(%dma_start3A_373 : memref<128xi32, #tpu.memory_space<vmem>>) semaphore(%arg12 : memref<!tpu.dma_semaphore, #tpu.memory_space<semaphore_mem>>) {add = true}
    %dma_start3A_377 = arith.constant 128 : i32
    %dma_start3A_378 = arith.constant 0 : i32
    %dma_start3A_379 = tpu.memref_slice %arg6[%dma_start3A_377, %dma_start3A_378] : memref<312x128xf32, #tpu.memory_space<vmem>> -> memref<128x128xf32, #tpu.memory_space<vmem>>
    %dma_start3A_380 = arith.constant 4184 : i32
    %dma_start3A_381 = tpu.memref_slice %arg7[%dma_start3A_380] : memref<9984xi32, #tpu.memory_space<vmem>> -> memref<128xi32, #tpu.memory_space<vmem>>
    %dma_start3A_382 = arith.constant 0 : i32
    %dma_start3A_383 = arith.constant 0 : i32
    %dma_start3A_384 = tpu.memref_slice %arg3[%dma_start3A_382, %dma_start3A_383] : memref<320000x128xf32, #tpu.memory_space<hbm>> -> memref<320000x128xf32, #tpu.memory_space<hbm>>
    tpu.enqueue_indirect_dma source(%dma_start3A_384 : memref<320000x128xf32, #tpu.memory_space<hbm>>) target(%dma_start3A_379 : memref<128x128xf32, #tpu.memory_space<vmem>>) offsets(%dma_start3A_381 : memref<128xi32, #tpu.memory_space<vmem>>) semaphore(%arg12 : memref<!tpu.dma_semaphore, #tpu.memory_space<semaphore_mem>>) {add = true}
    %dma_start3A_385 = arith.constant 128 : i32
    %dma_start3A_386 = arith.constant 0 : i32
    %dma_start3A_387 = tpu.memref_slice %arg6[%dma_start3A_385, %dma_start3A_386] : memref<312x128xf32, #tpu.memory_space<vmem>> -> memref<128x128xf32, #tpu.memory_space<vmem>>
    %dma_start3A_388 = arith.constant 4496 : i32
    %dma_start3A_389 = tpu.memref_slice %arg7[%dma_start3A_388] : memref<9984xi32, #tpu.memory_space<vmem>> -> memref<128xi32, #tpu.memory_space<vmem>>
    %dma_start3A_390 = arith.constant 0 : i32
    %dma_start3A_391 = arith.constant 0 : i32
    %dma_start3A_392 = tpu.memref_slice %arg3[%dma_start3A_390, %dma_start3A_391] : memref<320000x128xf32, #tpu.memory_space<hbm>> -> memref<320000x128xf32, #tpu.memory_space<hbm>>
    tpu.enqueue_indirect_dma source(%dma_start3A_392 : memref<320000x128xf32, #tpu.memory_space<hbm>>) target(%dma_start3A_387 : memref<128x128xf32, #tpu.memory_space<vmem>>) offsets(%dma_start3A_389 : memref<128xi32, #tpu.memory_space<vmem>>) semaphore(%arg12 : memref<!tpu.dma_semaphore, #tpu.memory_space<semaphore_mem>>) {add = true}
    %dma_start3A_393 = arith.constant 128 : i32
    %dma_start3A_394 = arith.constant 0 : i32
    %dma_start3A_395 = tpu.memref_slice %arg6[%dma_start3A_393, %dma_start3A_394] : memref<312x128xf32, #tpu.memory_space<vmem>> -> memref<128x128xf32, #tpu.memory_space<vmem>>
    %dma_start3A_396 = arith.constant 4808 : i32
    %dma_start3A_397 = tpu.memref_slice %arg7[%dma_start3A_396] : memref<9984xi32, #tpu.memory_space<vmem>> -> memref<128xi32, #tpu.memory_space<vmem>>
    %dma_start3A_398 = arith.constant 0 : i32
    %dma_start3A_399 = arith.constant 0 : i32
    %dma_start3A_400 = tpu.memref_slice %arg3[%dma_start3A_398, %dma_start3A_399] : memref<320000x128xf32, #tpu.memory_space<hbm>> -> memref<320000x128xf32, #tpu.memory_space<hbm>>
    tpu.enqueue_indirect_dma source(%dma_start3A_400 : memref<320000x128xf32, #tpu.memory_space<hbm>>) target(%dma_start3A_395 : memref<128x128xf32, #tpu.memory_space<vmem>>) offsets(%dma_start3A_397 : memref<128xi32, #tpu.memory_space<vmem>>) semaphore(%arg12 : memref<!tpu.dma_semaphore, #tpu.memory_space<semaphore_mem>>) {add = true}
    %dma_start3A_401 = arith.constant 128 : i32
    %dma_start3A_402 = arith.constant 0 : i32
    %dma_start3A_403 = tpu.memref_slice %arg6[%dma_start3A_401, %dma_start3A_402] : memref<312x128xf32, #tpu.memory_space<vmem>> -> memref<128x128xf32, #tpu.memory_space<vmem>>
    %dma_start3A_404 = arith.constant 5120 : i32
    %dma_start3A_405 = tpu.memref_slice %arg7[%dma_start3A_404] : memref<9984xi32, #tpu.memory_space<vmem>> -> memref<128xi32, #tpu.memory_space<vmem>>
    %dma_start3A_406 = arith.constant 0 : i32
    %dma_start3A_407 = arith.constant 0 : i32
    %dma_start3A_408 = tpu.memref_slice %arg3[%dma_start3A_406, %dma_start3A_407] : memref<320000x128xf32, #tpu.memory_space<hbm>> -> memref<320000x128xf32, #tpu.memory_space<hbm>>
    tpu.enqueue_indirect_dma source(%dma_start3A_408 : memref<320000x128xf32, #tpu.memory_space<hbm>>) target(%dma_start3A_403 : memref<128x128xf32, #tpu.memory_space<vmem>>) offsets(%dma_start3A_405 : memref<128xi32, #tpu.memory_space<vmem>>) semaphore(%arg12 : memref<!tpu.dma_semaphore, #tpu.memory_space<semaphore_mem>>) {add = true}
    %dma_start3A_409 = arith.constant 128 : i32
    %dma_start3A_410 = arith.constant 0 : i32
    %dma_start3A_411 = tpu.memref_slice %arg6[%dma_start3A_409, %dma_start3A_410] : memref<312x128xf32, #tpu.memory_space<vmem>> -> memref<128x128xf32, #tpu.memory_space<vmem>>
    %dma_start3A_412 = arith.constant 5432 : i32
    %dma_start3A_413 = tpu.memref_slice %arg7[%dma_start3A_412] : memref<9984xi32, #tpu.memory_space<vmem>> -> memref<128xi32, #tpu.memory_space<vmem>>
    %dma_start3A_414 = arith.constant 0 : i32
    %dma_start3A_415 = arith.constant 0 : i32
    %dma_start3A_416 = tpu.memref_slice %arg3[%dma_start3A_414, %dma_start3A_415] : memref<320000x128xf32, #tpu.memory_space<hbm>> -> memref<320000x128xf32, #tpu.memory_space<hbm>>
    tpu.enqueue_indirect_dma source(%dma_start3A_416 : memref<320000x128xf32, #tpu.memory_space<hbm>>) target(%dma_start3A_411 : memref<128x128xf32, #tpu.memory_space<vmem>>) offsets(%dma_start3A_413 : memref<128xi32, #tpu.memory_space<vmem>>) semaphore(%arg12 : memref<!tpu.dma_semaphore, #tpu.memory_space<semaphore_mem>>) {add = true}
    %dma_start3A_417 = arith.constant 128 : i32
    %dma_start3A_418 = arith.constant 0 : i32
    %dma_start3A_419 = tpu.memref_slice %arg6[%dma_start3A_417, %dma_start3A_418] : memref<312x128xf32, #tpu.memory_space<vmem>> -> memref<128x128xf32, #tpu.memory_space<vmem>>
    %dma_start3A_420 = arith.constant 5744 : i32
    %dma_start3A_421 = tpu.memref_slice %arg7[%dma_start3A_420] : memref<9984xi32, #tpu.memory_space<vmem>> -> memref<128xi32, #tpu.memory_space<vmem>>
    %dma_start3A_422 = arith.constant 0 : i32
    %dma_start3A_423 = arith.constant 0 : i32
    %dma_start3A_424 = tpu.memref_slice %arg3[%dma_start3A_422, %dma_start3A_423] : memref<320000x128xf32, #tpu.memory_space<hbm>> -> memref<320000x128xf32, #tpu.memory_space<hbm>>
    tpu.enqueue_indirect_dma source(%dma_start3A_424 : memref<320000x128xf32, #tpu.memory_space<hbm>>) target(%dma_start3A_419 : memref<128x128xf32, #tpu.memory_space<vmem>>) offsets(%dma_start3A_421 : memref<128xi32, #tpu.memory_space<vmem>>) semaphore(%arg12 : memref<!tpu.dma_semaphore, #tpu.memory_space<semaphore_mem>>) {add = true}
    %dma_start3A_425 = arith.constant 128 : i32
    %dma_start3A_426 = arith.constant 0 : i32
    %dma_start3A_427 = tpu.memref_slice %arg6[%dma_start3A_425, %dma_start3A_426] : memref<312x128xf32, #tpu.memory_space<vmem>> -> memref<128x128xf32, #tpu.memory_space<vmem>>
    %dma_start3A_428 = arith.constant 6056 : i32
    %dma_start3A_429 = tpu.memref_slice %arg7[%dma_start3A_428] : memref<9984xi32, #tpu.memory_space<vmem>> -> memref<128xi32, #tpu.memory_space<vmem>>
    %dma_start3A_430 = arith.constant 0 : i32
    %dma_start3A_431 = arith.constant 0 : i32
    %dma_start3A_432 = tpu.memref_slice %arg3[%dma_start3A_430, %dma_start3A_431] : memref<320000x128xf32, #tpu.memory_space<hbm>> -> memref<320000x128xf32, #tpu.memory_space<hbm>>
    tpu.enqueue_indirect_dma source(%dma_start3A_432 : memref<320000x128xf32, #tpu.memory_space<hbm>>) target(%dma_start3A_427 : memref<128x128xf32, #tpu.memory_space<vmem>>) offsets(%dma_start3A_429 : memref<128xi32, #tpu.memory_space<vmem>>) semaphore(%arg12 : memref<!tpu.dma_semaphore, #tpu.memory_space<semaphore_mem>>) {add = true}
    %dma_start3A_433 = arith.constant 128 : i32
    %dma_start3A_434 = arith.constant 0 : i32
    %dma_start3A_435 = tpu.memref_slice %arg6[%dma_start3A_433, %dma_start3A_434] : memref<312x128xf32, #tpu.memory_space<vmem>> -> memref<128x128xf32, #tpu.memory_space<vmem>>
    %dma_start3A_436 = arith.constant 6368 : i32
    %dma_start3A_437 = tpu.memref_slice %arg7[%dma_start3A_436] : memref<9984xi32, #tpu.memory_space<vmem>> -> memref<128xi32, #tpu.memory_space<vmem>>
    %dma_start3A_438 = arith.constant 0 : i32
    %dma_start3A_439 = arith.constant 0 : i32
    %dma_start3A_440 = tpu.memref_slice %arg3[%dma_start3A_438, %dma_start3A_439] : memref<320000x128xf32, #tpu.memory_space<hbm>> -> memref<320000x128xf32, #tpu.memory_space<hbm>>
    tpu.enqueue_indirect_dma source(%dma_start3A_440 : memref<320000x128xf32, #tpu.memory_space<hbm>>) target(%dma_start3A_435 : memref<128x128xf32, #tpu.memory_space<vmem>>) offsets(%dma_start3A_437 : memref<128xi32, #tpu.memory_space<vmem>>) semaphore(%arg12 : memref<!tpu.dma_semaphore, #tpu.memory_space<semaphore_mem>>) {add = true}
    %dma_start3A_441 = arith.constant 128 : i32
    %dma_start3A_442 = arith.constant 0 : i32
    %dma_start3A_443 = tpu.memref_slice %arg6[%dma_start3A_441, %dma_start3A_442] : memref<312x128xf32, #tpu.memory_space<vmem>> -> memref<128x128xf32, #tpu.memory_space<vmem>>
    %dma_start3A_444 = arith.constant 6680 : i32
    %dma_start3A_445 = tpu.memref_slice %arg7[%dma_start3A_444] : memref<9984xi32, #tpu.memory_space<vmem>> -> memref<128xi32, #tpu.memory_space<vmem>>
    %dma_start3A_446 = arith.constant 0 : i32
    %dma_start3A_447 = arith.constant 0 : i32
    %dma_start3A_448 = tpu.memref_slice %arg3[%dma_start3A_446, %dma_start3A_447] : memref<320000x128xf32, #tpu.memory_space<hbm>> -> memref<320000x128xf32, #tpu.memory_space<hbm>>
    tpu.enqueue_indirect_dma source(%dma_start3A_448 : memref<320000x128xf32, #tpu.memory_space<hbm>>) target(%dma_start3A_443 : memref<128x128xf32, #tpu.memory_space<vmem>>) offsets(%dma_start3A_445 : memref<128xi32, #tpu.memory_space<vmem>>) semaphore(%arg12 : memref<!tpu.dma_semaphore, #tpu.memory_space<semaphore_mem>>) {add = true}
    %dma_start3A_449 = arith.constant 128 : i32
    %dma_start3A_450 = arith.constant 0 : i32
    %dma_start3A_451 = tpu.memref_slice %arg6[%dma_start3A_449, %dma_start3A_450] : memref<312x128xf32, #tpu.memory_space<vmem>> -> memref<128x128xf32, #tpu.memory_space<vmem>>
    %dma_start3A_452 = arith.constant 6992 : i32
    %dma_start3A_453 = tpu.memref_slice %arg7[%dma_start3A_452] : memref<9984xi32, #tpu.memory_space<vmem>> -> memref<128xi32, #tpu.memory_space<vmem>>
    %dma_start3A_454 = arith.constant 0 : i32
    %dma_start3A_455 = arith.constant 0 : i32
    %dma_start3A_456 = tpu.memref_slice %arg3[%dma_start3A_454, %dma_start3A_455] : memref<320000x128xf32, #tpu.memory_space<hbm>> -> memref<320000x128xf32, #tpu.memory_space<hbm>>
    tpu.enqueue_indirect_dma source(%dma_start3A_456 : memref<320000x128xf32, #tpu.memory_space<hbm>>) target(%dma_start3A_451 : memref<128x128xf32, #tpu.memory_space<vmem>>) offsets(%dma_start3A_453 : memref<128xi32, #tpu.memory_space<vmem>>) semaphore(%arg12 : memref<!tpu.dma_semaphore, #tpu.memory_space<semaphore_mem>>) {add = true}
    %dma_start3A_457 = arith.constant 128 : i32
    %dma_start3A_458 = arith.constant 0 : i32
    %dma_start3A_459 = tpu.memref_slice %arg6[%dma_start3A_457, %dma_start3A_458] : memref<312x128xf32, #tpu.memory_space<vmem>> -> memref<128x128xf32, #tpu.memory_space<vmem>>
    %dma_start3A_460 = arith.constant 7304 : i32
    %dma_start3A_461 = tpu.memref_slice %arg7[%dma_start3A_460] : memref<9984xi32, #tpu.memory_space<vmem>> -> memref<128xi32, #tpu.memory_space<vmem>>
    %dma_start3A_462 = arith.constant 0 : i32
    %dma_start3A_463 = arith.constant 0 : i32
    %dma_start3A_464 = tpu.memref_slice %arg3[%dma_start3A_462, %dma_start3A_463] : memref<320000x128xf32, #tpu.memory_space<hbm>> -> memref<320000x128xf32, #tpu.memory_space<hbm>>
    tpu.enqueue_indirect_dma source(%dma_start3A_464 : memref<320000x128xf32, #tpu.memory_space<hbm>>) target(%dma_start3A_459 : memref<128x128xf32, #tpu.memory_space<vmem>>) offsets(%dma_start3A_461 : memref<128xi32, #tpu.memory_space<vmem>>) semaphore(%arg12 : memref<!tpu.dma_semaphore, #tpu.memory_space<semaphore_mem>>) {add = true}
    %dma_start3A_465 = arith.constant 128 : i32
    %dma_start3A_466 = arith.constant 0 : i32
    %dma_start3A_467 = tpu.memref_slice %arg6[%dma_start3A_465, %dma_start3A_466] : memref<312x128xf32, #tpu.memory_space<vmem>> -> memref<128x128xf32, #tpu.memory_space<vmem>>
    %dma_start3A_468 = arith.constant 7616 : i32
    %dma_start3A_469 = tpu.memref_slice %arg7[%dma_start3A_468] : memref<9984xi32, #tpu.memory_space<vmem>> -> memref<128xi32, #tpu.memory_space<vmem>>
    %dma_start3A_470 = arith.constant 0 : i32
    %dma_start3A_471 = arith.constant 0 : i32
    %dma_start3A_472 = tpu.memref_slice %arg3[%dma_start3A_470, %dma_start3A_471] : memref<320000x128xf32, #tpu.memory_space<hbm>> -> memref<320000x128xf32, #tpu.memory_space<hbm>>
    tpu.enqueue_indirect_dma source(%dma_start3A_472 : memref<320000x128xf32, #tpu.memory_space<hbm>>) target(%dma_start3A_467 : memref<128x128xf32, #tpu.memory_space<vmem>>) offsets(%dma_start3A_469 : memref<128xi32, #tpu.memory_space<vmem>>) semaphore(%arg12 : memref<!tpu.dma_semaphore, #tpu.memory_space<semaphore_mem>>) {add = true}
    %dma_start3A_473 = arith.constant 128 : i32
    %dma_start3A_474 = arith.constant 0 : i32
    %dma_start3A_475 = tpu.memref_slice %arg6[%dma_start3A_473, %dma_start3A_474] : memref<312x128xf32, #tpu.memory_space<vmem>> -> memref<128x128xf32, #tpu.memory_space<vmem>>
    %dma_start3A_476 = arith.constant 7928 : i32
    %dma_start3A_477 = tpu.memref_slice %arg7[%dma_start3A_476] : memref<9984xi32, #tpu.memory_space<vmem>> -> memref<128xi32, #tpu.memory_space<vmem>>
    %dma_start3A_478 = arith.constant 0 : i32
    %dma_start3A_479 = arith.constant 0 : i32
    %dma_start3A_480 = tpu.memref_slice %arg3[%dma_start3A_478, %dma_start3A_479] : memref<320000x128xf32, #tpu.memory_space<hbm>> -> memref<320000x128xf32, #tpu.memory_space<hbm>>
    tpu.enqueue_indirect_dma source(%dma_start3A_480 : memref<320000x128xf32, #tpu.memory_space<hbm>>) target(%dma_start3A_475 : memref<128x128xf32, #tpu.memory_space<vmem>>) offsets(%dma_start3A_477 : memref<128xi32, #tpu.memory_space<vmem>>) semaphore(%arg12 : memref<!tpu.dma_semaphore, #tpu.memory_space<semaphore_mem>>) {add = true}
    %dma_start3A_481 = arith.constant 128 : i32
    %dma_start3A_482 = arith.constant 0 : i32
    %dma_start3A_483 = tpu.memref_slice %arg6[%dma_start3A_481, %dma_start3A_482] : memref<312x128xf32, #tpu.memory_space<vmem>> -> memref<128x128xf32, #tpu.memory_space<vmem>>
    %dma_start3A_484 = arith.constant 8240 : i32
    %dma_start3A_485 = tpu.memref_slice %arg7[%dma_start3A_484] : memref<9984xi32, #tpu.memory_space<vmem>> -> memref<128xi32, #tpu.memory_space<vmem>>
    %dma_start3A_486 = arith.constant 0 : i32
    %dma_start3A_487 = arith.constant 0 : i32
    %dma_start3A_488 = tpu.memref_slice %arg3[%dma_start3A_486, %dma_start3A_487] : memref<320000x128xf32, #tpu.memory_space<hbm>> -> memref<320000x128xf32, #tpu.memory_space<hbm>>
    tpu.enqueue_indirect_dma source(%dma_start3A_488 : memref<320000x128xf32, #tpu.memory_space<hbm>>) target(%dma_start3A_483 : memref<128x128xf32, #tpu.memory_space<vmem>>) offsets(%dma_start3A_485 : memref<128xi32, #tpu.memory_space<vmem>>) semaphore(%arg12 : memref<!tpu.dma_semaphore, #tpu.memory_space<semaphore_mem>>) {add = true}
    %dma_start3A_489 = arith.constant 128 : i32
    %dma_start3A_490 = arith.constant 0 : i32
    %dma_start3A_491 = tpu.memref_slice %arg6[%dma_start3A_489, %dma_start3A_490] : memref<312x128xf32, #tpu.memory_space<vmem>> -> memref<128x128xf32, #tpu.memory_space<vmem>>
    %dma_start3A_492 = arith.constant 8552 : i32
    %dma_start3A_493 = tpu.memref_slice %arg7[%dma_start3A_492] : memref<9984xi32, #tpu.memory_space<vmem>> -> memref<128xi32, #tpu.memory_space<vmem>>
    %dma_start3A_494 = arith.constant 0 : i32
    %dma_start3A_495 = arith.constant 0 : i32
    %dma_start3A_496 = tpu.memref_slice %arg3[%dma_start3A_494, %dma_start3A_495] : memref<320000x128xf32, #tpu.memory_space<hbm>> -> memref<320000x128xf32, #tpu.memory_space<hbm>>
    tpu.enqueue_indirect_dma source(%dma_start3A_496 : memref<320000x128xf32, #tpu.memory_space<hbm>>) target(%dma_start3A_491 : memref<128x128xf32, #tpu.memory_space<vmem>>) offsets(%dma_start3A_493 : memref<128xi32, #tpu.memory_space<vmem>>) semaphore(%arg12 : memref<!tpu.dma_semaphore, #tpu.memory_space<semaphore_mem>>) {add = true}
    %dma_start3A_497 = arith.constant 128 : i32
    %dma_start3A_498 = arith.constant 0 : i32
    %dma_start3A_499 = tpu.memref_slice %arg6[%dma_start3A_497, %dma_start3A_498] : memref<312x128xf32, #tpu.memory_space<vmem>> -> memref<128x128xf32, #tpu.memory_space<vmem>>
    %dma_start3A_500 = arith.constant 8864 : i32
    %dma_start3A_501 = tpu.memref_slice %arg7[%dma_start3A_500] : memref<9984xi32, #tpu.memory_space<vmem>> -> memref<128xi32, #tpu.memory_space<vmem>>
    %dma_start3A_502 = arith.constant 0 : i32
    %dma_start3A_503 = arith.constant 0 : i32
    %dma_start3A_504 = tpu.memref_slice %arg3[%dma_start3A_502, %dma_start3A_503] : memref<320000x128xf32, #tpu.memory_space<hbm>> -> memref<320000x128xf32, #tpu.memory_space<hbm>>
    tpu.enqueue_indirect_dma source(%dma_start3A_504 : memref<320000x128xf32, #tpu.memory_space<hbm>>) target(%dma_start3A_499 : memref<128x128xf32, #tpu.memory_space<vmem>>) offsets(%dma_start3A_501 : memref<128xi32, #tpu.memory_space<vmem>>) semaphore(%arg12 : memref<!tpu.dma_semaphore, #tpu.memory_space<semaphore_mem>>) {add = true}
    %dma_start3A_505 = arith.constant 128 : i32
    %dma_start3A_506 = arith.constant 0 : i32
    %dma_start3A_507 = tpu.memref_slice %arg6[%dma_start3A_505, %dma_start3A_506] : memref<312x128xf32, #tpu.memory_space<vmem>> -> memref<128x128xf32, #tpu.memory_space<vmem>>
    %dma_start3A_508 = arith.constant 9176 : i32
    %dma_start3A_509 = tpu.memref_slice %arg7[%dma_start3A_508] : memref<9984xi32, #tpu.memory_space<vmem>> -> memref<128xi32, #tpu.memory_space<vmem>>
    %dma_start3A_510 = arith.constant 0 : i32
    %dma_start3A_511 = arith.constant 0 : i32
    %dma_start3A_512 = tpu.memref_slice %arg3[%dma_start3A_510, %dma_start3A_511] : memref<320000x128xf32, #tpu.memory_space<hbm>> -> memref<320000x128xf32, #tpu.memory_space<hbm>>
    tpu.enqueue_indirect_dma source(%dma_start3A_512 : memref<320000x128xf32, #tpu.memory_space<hbm>>) target(%dma_start3A_507 : memref<128x128xf32, #tpu.memory_space<vmem>>) offsets(%dma_start3A_509 : memref<128xi32, #tpu.memory_space<vmem>>) semaphore(%arg12 : memref<!tpu.dma_semaphore, #tpu.memory_space<semaphore_mem>>) {add = true}
    %dma_start3A_513 = arith.constant 128 : i32
    %dma_start3A_514 = arith.constant 0 : i32
    %dma_start3A_515 = tpu.memref_slice %arg6[%dma_start3A_513, %dma_start3A_514] : memref<312x128xf32, #tpu.memory_space<vmem>> -> memref<128x128xf32, #tpu.memory_space<vmem>>
    %dma_start3A_516 = arith.constant 9488 : i32
    %dma_start3A_517 = tpu.memref_slice %arg7[%dma_start3A_516] : memref<9984xi32, #tpu.memory_space<vmem>> -> memref<128xi32, #tpu.memory_space<vmem>>
    %dma_start3A_518 = arith.constant 0 : i32
    %dma_start3A_519 = arith.constant 0 : i32
    %dma_start3A_520 = tpu.memref_slice %arg3[%dma_start3A_518, %dma_start3A_519] : memref<320000x128xf32, #tpu.memory_space<hbm>> -> memref<320000x128xf32, #tpu.memory_space<hbm>>
    tpu.enqueue_indirect_dma source(%dma_start3A_520 : memref<320000x128xf32, #tpu.memory_space<hbm>>) target(%dma_start3A_515 : memref<128x128xf32, #tpu.memory_space<vmem>>) offsets(%dma_start3A_517 : memref<128xi32, #tpu.memory_space<vmem>>) semaphore(%arg12 : memref<!tpu.dma_semaphore, #tpu.memory_space<semaphore_mem>>) {add = true}
    %dma_start3A_521 = arith.constant 128 : i32
    %dma_start3A_522 = arith.constant 0 : i32
    %dma_start3A_523 = tpu.memref_slice %arg6[%dma_start3A_521, %dma_start3A_522] : memref<312x128xf32, #tpu.memory_space<vmem>> -> memref<128x128xf32, #tpu.memory_space<vmem>>
    %dma_start3A_524 = arith.constant 9800 : i32
    %dma_start3A_525 = tpu.memref_slice %arg7[%dma_start3A_524] : memref<9984xi32, #tpu.memory_space<vmem>> -> memref<128xi32, #tpu.memory_space<vmem>>
    %dma_start3A_526 = arith.constant 0 : i32
    %dma_start3A_527 = arith.constant 0 : i32
    %dma_start3A_528 = tpu.memref_slice %arg3[%dma_start3A_526, %dma_start3A_527] : memref<320000x128xf32, #tpu.memory_space<hbm>> -> memref<320000x128xf32, #tpu.memory_space<hbm>>
    tpu.enqueue_indirect_dma source(%dma_start3A_528 : memref<320000x128xf32, #tpu.memory_space<hbm>>) target(%dma_start3A_523 : memref<128x128xf32, #tpu.memory_space<vmem>>) offsets(%dma_start3A_525 : memref<128xi32, #tpu.memory_space<vmem>>) semaphore(%arg12 : memref<!tpu.dma_semaphore, #tpu.memory_space<semaphore_mem>>) {add = true}
    %dma_start3A_529 = arith.constant 256 : i32
    %dma_start3A_530 = arith.constant 0 : i32
    %dma_start3A_531 = tpu.memref_slice %arg6[%dma_start3A_529, %dma_start3A_530] : memref<312x128xf32, #tpu.memory_space<vmem>> -> memref<56x128xf32, #tpu.memory_space<vmem>>
    %dma_start3A_532 = arith.constant 256 : i32
    %dma_start3A_533 = tpu.memref_slice %arg7[%dma_start3A_532] : memref<9984xi32, #tpu.memory_space<vmem>> -> memref<56xi32, #tpu.memory_space<vmem>>
    %dma_start3A_534 = arith.constant 0 : i32
    %dma_start3A_535 = arith.constant 0 : i32
    %dma_start3A_536 = tpu.memref_slice %arg3[%dma_start3A_534, %dma_start3A_535] : memref<320000x128xf32, #tpu.memory_space<hbm>> -> memref<320000x128xf32, #tpu.memory_space<hbm>>
    tpu.enqueue_indirect_dma source(%dma_start3A_536 : memref<320000x128xf32, #tpu.memory_space<hbm>>) target(%dma_start3A_531 : memref<56x128xf32, #tpu.memory_space<vmem>>) offsets(%dma_start3A_533 : memref<56xi32, #tpu.memory_space<vmem>>) semaphore(%arg13 : memref<!tpu.dma_semaphore, #tpu.memory_space<semaphore_mem>>) {add = true}
    %dma_start3A_537 = arith.constant 256 : i32
    %dma_start3A_538 = arith.constant 0 : i32
    %dma_start3A_539 = tpu.memref_slice %arg6[%dma_start3A_537, %dma_start3A_538] : memref<312x128xf32, #tpu.memory_space<vmem>> -> memref<56x128xf32, #tpu.memory_space<vmem>>
    %dma_start3A_540 = arith.constant 568 : i32
    %dma_start3A_541 = tpu.memref_slice %arg7[%dma_start3A_540] : memref<9984xi32, #tpu.memory_space<vmem>> -> memref<56xi32, #tpu.memory_space<vmem>>
    %dma_start3A_542 = arith.constant 0 : i32
    %dma_start3A_543 = arith.constant 0 : i32
    %dma_start3A_544 = tpu.memref_slice %arg3[%dma_start3A_542, %dma_start3A_543] : memref<320000x128xf32, #tpu.memory_space<hbm>> -> memref<320000x128xf32, #tpu.memory_space<hbm>>
    tpu.enqueue_indirect_dma source(%dma_start3A_544 : memref<320000x128xf32, #tpu.memory_space<hbm>>) target(%dma_start3A_539 : memref<56x128xf32, #tpu.memory_space<vmem>>) offsets(%dma_start3A_541 : memref<56xi32, #tpu.memory_space<vmem>>) semaphore(%arg13 : memref<!tpu.dma_semaphore, #tpu.memory_space<semaphore_mem>>) {add = true}
    %dma_start3A_545 = arith.constant 256 : i32
    %dma_start3A_546 = arith.constant 0 : i32
    %dma_start3A_547 = tpu.memref_slice %arg6[%dma_start3A_545, %dma_start3A_546] : memref<312x128xf32, #tpu.memory_space<vmem>> -> memref<56x128xf32, #tpu.memory_space<vmem>>
    %dma_start3A_548 = arith.constant 880 : i32
    %dma_start3A_549 = tpu.memref_slice %arg7[%dma_start3A_548] : memref<9984xi32, #tpu.memory_space<vmem>> -> memref<56xi32, #tpu.memory_space<vmem>>
    %dma_start3A_550 = arith.constant 0 : i32
    %dma_start3A_551 = arith.constant 0 : i32
    %dma_start3A_552 = tpu.memref_slice %arg3[%dma_start3A_550, %dma_start3A_551] : memref<320000x128xf32, #tpu.memory_space<hbm>> -> memref<320000x128xf32, #tpu.memory_space<hbm>>
    tpu.enqueue_indirect_dma source(%dma_start3A_552 : memref<320000x128xf32, #tpu.memory_space<hbm>>) target(%dma_start3A_547 : memref<56x128xf32, #tpu.memory_space<vmem>>) offsets(%dma_start3A_549 : memref<56xi32, #tpu.memory_space<vmem>>) semaphore(%arg13 : memref<!tpu.dma_semaphore, #tpu.memory_space<semaphore_mem>>) {add = true}
    %dma_start3A_553 = arith.constant 256 : i32
    %dma_start3A_554 = arith.constant 0 : i32
    %dma_start3A_555 = tpu.memref_slice %arg6[%dma_start3A_553, %dma_start3A_554] : memref<312x128xf32, #tpu.memory_space<vmem>> -> memref<56x128xf32, #tpu.memory_space<vmem>>
    %dma_start3A_556 = arith.constant 1192 : i32
    %dma_start3A_557 = tpu.memref_slice %arg7[%dma_start3A_556] : memref<9984xi32, #tpu.memory_space<vmem>> -> memref<56xi32, #tpu.memory_space<vmem>>
    %dma_start3A_558 = arith.constant 0 : i32
    %dma_start3A_559 = arith.constant 0 : i32
    %dma_start3A_560 = tpu.memref_slice %arg3[%dma_start3A_558, %dma_start3A_559] : memref<320000x128xf32, #tpu.memory_space<hbm>> -> memref<320000x128xf32, #tpu.memory_space<hbm>>
    tpu.enqueue_indirect_dma source(%dma_start3A_560 : memref<320000x128xf32, #tpu.memory_space<hbm>>) target(%dma_start3A_555 : memref<56x128xf32, #tpu.memory_space<vmem>>) offsets(%dma_start3A_557 : memref<56xi32, #tpu.memory_space<vmem>>) semaphore(%arg13 : memref<!tpu.dma_semaphore, #tpu.memory_space<semaphore_mem>>) {add = true}
    %dma_start3A_561 = arith.constant 256 : i32
    %dma_start3A_562 = arith.constant 0 : i32
    %dma_start3A_563 = tpu.memref_slice %arg6[%dma_start3A_561, %dma_start3A_562] : memref<312x128xf32, #tpu.memory_space<vmem>> -> memref<56x128xf32, #tpu.memory_space<vmem>>
    %dma_start3A_564 = arith.constant 1504 : i32
    %dma_start3A_565 = tpu.memref_slice %arg7[%dma_start3A_564] : memref<9984xi32, #tpu.memory_space<vmem>> -> memref<56xi32, #tpu.memory_space<vmem>>
    %dma_start3A_566 = arith.constant 0 : i32
    %dma_start3A_567 = arith.constant 0 : i32
    %dma_start3A_568 = tpu.memref_slice %arg3[%dma_start3A_566, %dma_start3A_567] : memref<320000x128xf32, #tpu.memory_space<hbm>> -> memref<320000x128xf32, #tpu.memory_space<hbm>>
    tpu.enqueue_indirect_dma source(%dma_start3A_568 : memref<320000x128xf32, #tpu.memory_space<hbm>>) target(%dma_start3A_563 : memref<56x128xf32, #tpu.memory_space<vmem>>) offsets(%dma_start3A_565 : memref<56xi32, #tpu.memory_space<vmem>>) semaphore(%arg13 : memref<!tpu.dma_semaphore, #tpu.memory_space<semaphore_mem>>) {add = true}
    %dma_start3A_569 = arith.constant 256 : i32
    %dma_start3A_570 = arith.constant 0 : i32
    %dma_start3A_571 = tpu.memref_slice %arg6[%dma_start3A_569, %dma_start3A_570] : memref<312x128xf32, #tpu.memory_space<vmem>> -> memref<56x128xf32, #tpu.memory_space<vmem>>
    %dma_start3A_572 = arith.constant 1816 : i32
    %dma_start3A_573 = tpu.memref_slice %arg7[%dma_start3A_572] : memref<9984xi32, #tpu.memory_space<vmem>> -> memref<56xi32, #tpu.memory_space<vmem>>
    %dma_start3A_574 = arith.constant 0 : i32
    %dma_start3A_575 = arith.constant 0 : i32
    %dma_start3A_576 = tpu.memref_slice %arg3[%dma_start3A_574, %dma_start3A_575] : memref<320000x128xf32, #tpu.memory_space<hbm>> -> memref<320000x128xf32, #tpu.memory_space<hbm>>
    tpu.enqueue_indirect_dma source(%dma_start3A_576 : memref<320000x128xf32, #tpu.memory_space<hbm>>) target(%dma_start3A_571 : memref<56x128xf32, #tpu.memory_space<vmem>>) offsets(%dma_start3A_573 : memref<56xi32, #tpu.memory_space<vmem>>) semaphore(%arg13 : memref<!tpu.dma_semaphore, #tpu.memory_space<semaphore_mem>>) {add = true}
    %dma_start3A_577 = arith.constant 256 : i32
    %dma_start3A_578 = arith.constant 0 : i32
    %dma_start3A_579 = tpu.memref_slice %arg6[%dma_start3A_577, %dma_start3A_578] : memref<312x128xf32, #tpu.memory_space<vmem>> -> memref<56x128xf32, #tpu.memory_space<vmem>>
    %dma_start3A_580 = arith.constant 2128 : i32
    %dma_start3A_581 = tpu.memref_slice %arg7[%dma_start3A_580] : memref<9984xi32, #tpu.memory_space<vmem>> -> memref<56xi32, #tpu.memory_space<vmem>>
    %dma_start3A_582 = arith.constant 0 : i32
    %dma_start3A_583 = arith.constant 0 : i32
    %dma_start3A_584 = tpu.memref_slice %arg3[%dma_start3A_582, %dma_start3A_583] : memref<320000x128xf32, #tpu.memory_space<hbm>> -> memref<320000x128xf32, #tpu.memory_space<hbm>>
    tpu.enqueue_indirect_dma source(%dma_start3A_584 : memref<320000x128xf32, #tpu.memory_space<hbm>>) target(%dma_start3A_579 : memref<56x128xf32, #tpu.memory_space<vmem>>) offsets(%dma_start3A_581 : memref<56xi32, #tpu.memory_space<vmem>>) semaphore(%arg13 : memref<!tpu.dma_semaphore, #tpu.memory_space<semaphore_mem>>) {add = true}
    %dma_start3A_585 = arith.constant 256 : i32
    %dma_start3A_586 = arith.constant 0 : i32
    %dma_start3A_587 = tpu.memref_slice %arg6[%dma_start3A_585, %dma_start3A_586] : memref<312x128xf32, #tpu.memory_space<vmem>> -> memref<56x128xf32, #tpu.memory_space<vmem>>
    %dma_start3A_588 = arith.constant 2440 : i32
    %dma_start3A_589 = tpu.memref_slice %arg7[%dma_start3A_588] : memref<9984xi32, #tpu.memory_space<vmem>> -> memref<56xi32, #tpu.memory_space<vmem>>
    %dma_start3A_590 = arith.constant 0 : i32
    %dma_start3A_591 = arith.constant 0 : i32
    %dma_start3A_592 = tpu.memref_slice %arg3[%dma_start3A_590, %dma_start3A_591] : memref<320000x128xf32, #tpu.memory_space<hbm>> -> memref<320000x128xf32, #tpu.memory_space<hbm>>
    tpu.enqueue_indirect_dma source(%dma_start3A_592 : memref<320000x128xf32, #tpu.memory_space<hbm>>) target(%dma_start3A_587 : memref<56x128xf32, #tpu.memory_space<vmem>>) offsets(%dma_start3A_589 : memref<56xi32, #tpu.memory_space<vmem>>) semaphore(%arg13 : memref<!tpu.dma_semaphore, #tpu.memory_space<semaphore_mem>>) {add = true}
    %dma_start3A_593 = arith.constant 256 : i32
    %dma_start3A_594 = arith.constant 0 : i32
    %dma_start3A_595 = tpu.memref_slice %arg6[%dma_start3A_593, %dma_start3A_594] : memref<312x128xf32, #tpu.memory_space<vmem>> -> memref<56x128xf32, #tpu.memory_space<vmem>>
    %dma_start3A_596 = arith.constant 2752 : i32
    %dma_start3A_597 = tpu.memref_slice %arg7[%dma_start3A_596] : memref<9984xi32, #tpu.memory_space<vmem>> -> memref<56xi32, #tpu.memory_space<vmem>>
    %dma_start3A_598 = arith.constant 0 : i32
    %dma_start3A_599 = arith.constant 0 : i32
    %dma_start3A_600 = tpu.memref_slice %arg3[%dma_start3A_598, %dma_start3A_599] : memref<320000x128xf32, #tpu.memory_space<hbm>> -> memref<320000x128xf32, #tpu.memory_space<hbm>>
    tpu.enqueue_indirect_dma source(%dma_start3A_600 : memref<320000x128xf32, #tpu.memory_space<hbm>>) target(%dma_start3A_595 : memref<56x128xf32, #tpu.memory_space<vmem>>) offsets(%dma_start3A_597 : memref<56xi32, #tpu.memory_space<vmem>>) semaphore(%arg13 : memref<!tpu.dma_semaphore, #tpu.memory_space<semaphore_mem>>) {add = true}
    %dma_start3A_601 = arith.constant 256 : i32
    %dma_start3A_602 = arith.constant 0 : i32
    %dma_start3A_603 = tpu.memref_slice %arg6[%dma_start3A_601, %dma_start3A_602] : memref<312x128xf32, #tpu.memory_space<vmem>> -> memref<56x128xf32, #tpu.memory_space<vmem>>
    %dma_start3A_604 = arith.constant 3064 : i32
    %dma_start3A_605 = tpu.memref_slice %arg7[%dma_start3A_604] : memref<9984xi32, #tpu.memory_space<vmem>> -> memref<56xi32, #tpu.memory_space<vmem>>
    %dma_start3A_606 = arith.constant 0 : i32
    %dma_start3A_607 = arith.constant 0 : i32
    %dma_start3A_608 = tpu.memref_slice %arg3[%dma_start3A_606, %dma_start3A_607] : memref<320000x128xf32, #tpu.memory_space<hbm>> -> memref<320000x128xf32, #tpu.memory_space<hbm>>
    tpu.enqueue_indirect_dma source(%dma_start3A_608 : memref<320000x128xf32, #tpu.memory_space<hbm>>) target(%dma_start3A_603 : memref<56x128xf32, #tpu.memory_space<vmem>>) offsets(%dma_start3A_605 : memref<56xi32, #tpu.memory_space<vmem>>) semaphore(%arg13 : memref<!tpu.dma_semaphore, #tpu.memory_space<semaphore_mem>>) {add = true}
    %dma_start3A_609 = arith.constant 256 : i32
    %dma_start3A_610 = arith.constant 0 : i32
    %dma_start3A_611 = tpu.memref_slice %arg6[%dma_start3A_609, %dma_start3A_610] : memref<312x128xf32, #tpu.memory_space<vmem>> -> memref<56x128xf32, #tpu.memory_space<vmem>>
    %dma_start3A_612 = arith.constant 3376 : i32
    %dma_start3A_613 = tpu.memref_slice %arg7[%dma_start3A_612] : memref<9984xi32, #tpu.memory_space<vmem>> -> memref<56xi32, #tpu.memory_space<vmem>>
    %dma_start3A_614 = arith.constant 0 : i32
    %dma_start3A_615 = arith.constant 0 : i32
    %dma_start3A_616 = tpu.memref_slice %arg3[%dma_start3A_614, %dma_start3A_615] : memref<320000x128xf32, #tpu.memory_space<hbm>> -> memref<320000x128xf32, #tpu.memory_space<hbm>>
    tpu.enqueue_indirect_dma source(%dma_start3A_616 : memref<320000x128xf32, #tpu.memory_space<hbm>>) target(%dma_start3A_611 : memref<56x128xf32, #tpu.memory_space<vmem>>) offsets(%dma_start3A_613 : memref<56xi32, #tpu.memory_space<vmem>>) semaphore(%arg13 : memref<!tpu.dma_semaphore, #tpu.memory_space<semaphore_mem>>) {add = true}
    %dma_start3A_617 = arith.constant 256 : i32
    %dma_start3A_618 = arith.constant 0 : i32
    %dma_start3A_619 = tpu.memref_slice %arg6[%dma_start3A_617, %dma_start3A_618] : memref<312x128xf32, #tpu.memory_space<vmem>> -> memref<56x128xf32, #tpu.memory_space<vmem>>
    %dma_start3A_620 = arith.constant 3688 : i32
    %dma_start3A_621 = tpu.memref_slice %arg7[%dma_start3A_620] : memref<9984xi32, #tpu.memory_space<vmem>> -> memref<56xi32, #tpu.memory_space<vmem>>
    %dma_start3A_622 = arith.constant 0 : i32
    %dma_start3A_623 = arith.constant 0 : i32
    %dma_start3A_624 = tpu.memref_slice %arg3[%dma_start3A_622, %dma_start3A_623] : memref<320000x128xf32, #tpu.memory_space<hbm>> -> memref<320000x128xf32, #tpu.memory_space<hbm>>
    tpu.enqueue_indirect_dma source(%dma_start3A_624 : memref<320000x128xf32, #tpu.memory_space<hbm>>) target(%dma_start3A_619 : memref<56x128xf32, #tpu.memory_space<vmem>>) offsets(%dma_start3A_621 : memref<56xi32, #tpu.memory_space<vmem>>) semaphore(%arg13 : memref<!tpu.dma_semaphore, #tpu.memory_space<semaphore_mem>>) {add = true}
    %dma_start3A_625 = arith.constant 256 : i32
    %dma_start3A_626 = arith.constant 0 : i32
    %dma_start3A_627 = tpu.memref_slice %arg6[%dma_start3A_625, %dma_start3A_626] : memref<312x128xf32, #tpu.memory_space<vmem>> -> memref<56x128xf32, #tpu.memory_space<vmem>>
    %dma_start3A_628 = arith.constant 4000 : i32
    %dma_start3A_629 = tpu.memref_slice %arg7[%dma_start3A_628] : memref<9984xi32, #tpu.memory_space<vmem>> -> memref<56xi32, #tpu.memory_space<vmem>>
    %dma_start3A_630 = arith.constant 0 : i32
    %dma_start3A_631 = arith.constant 0 : i32
    %dma_start3A_632 = tpu.memref_slice %arg3[%dma_start3A_630, %dma_start3A_631] : memref<320000x128xf32, #tpu.memory_space<hbm>> -> memref<320000x128xf32, #tpu.memory_space<hbm>>
    tpu.enqueue_indirect_dma source(%dma_start3A_632 : memref<320000x128xf32, #tpu.memory_space<hbm>>) target(%dma_start3A_627 : memref<56x128xf32, #tpu.memory_space<vmem>>) offsets(%dma_start3A_629 : memref<56xi32, #tpu.memory_space<vmem>>) semaphore(%arg13 : memref<!tpu.dma_semaphore, #tpu.memory_space<semaphore_mem>>) {add = true}
    %dma_start3A_633 = arith.constant 256 : i32
    %dma_start3A_634 = arith.constant 0 : i32
    %dma_start3A_635 = tpu.memref_slice %arg6[%dma_start3A_633, %dma_start3A_634] : memref<312x128xf32, #tpu.memory_space<vmem>> -> memref<56x128xf32, #tpu.memory_space<vmem>>
    %dma_start3A_636 = arith.constant 4312 : i32
    %dma_start3A_637 = tpu.memref_slice %arg7[%dma_start3A_636] : memref<9984xi32, #tpu.memory_space<vmem>> -> memref<56xi32, #tpu.memory_space<vmem>>
    %dma_start3A_638 = arith.constant 0 : i32
    %dma_start3A_639 = arith.constant 0 : i32
    %dma_start3A_640 = tpu.memref_slice %arg3[%dma_start3A_638, %dma_start3A_639] : memref<320000x128xf32, #tpu.memory_space<hbm>> -> memref<320000x128xf32, #tpu.memory_space<hbm>>
    tpu.enqueue_indirect_dma source(%dma_start3A_640 : memref<320000x128xf32, #tpu.memory_space<hbm>>) target(%dma_start3A_635 : memref<56x128xf32, #tpu.memory_space<vmem>>) offsets(%dma_start3A_637 : memref<56xi32, #tpu.memory_space<vmem>>) semaphore(%arg13 : memref<!tpu.dma_semaphore, #tpu.memory_space<semaphore_mem>>) {add = true}
    %dma_start3A_641 = arith.constant 256 : i32
    %dma_start3A_642 = arith.constant 0 : i32
    %dma_start3A_643 = tpu.memref_slice %arg6[%dma_start3A_641, %dma_start3A_642] : memref<312x128xf32, #tpu.memory_space<vmem>> -> memref<56x128xf32, #tpu.memory_space<vmem>>
    %dma_start3A_644 = arith.constant 4624 : i32
    %dma_start3A_645 = tpu.memref_slice %arg7[%dma_start3A_644] : memref<9984xi32, #tpu.memory_space<vmem>> -> memref<56xi32, #tpu.memory_space<vmem>>
    %dma_start3A_646 = arith.constant 0 : i32
    %dma_start3A_647 = arith.constant 0 : i32
    %dma_start3A_648 = tpu.memref_slice %arg3[%dma_start3A_646, %dma_start3A_647] : memref<320000x128xf32, #tpu.memory_space<hbm>> -> memref<320000x128xf32, #tpu.memory_space<hbm>>
    tpu.enqueue_indirect_dma source(%dma_start3A_648 : memref<320000x128xf32, #tpu.memory_space<hbm>>) target(%dma_start3A_643 : memref<56x128xf32, #tpu.memory_space<vmem>>) offsets(%dma_start3A_645 : memref<56xi32, #tpu.memory_space<vmem>>) semaphore(%arg13 : memref<!tpu.dma_semaphore, #tpu.memory_space<semaphore_mem>>) {add = true}
    %dma_start3A_649 = arith.constant 256 : i32
    %dma_start3A_650 = arith.constant 0 : i32
    %dma_start3A_651 = tpu.memref_slice %arg6[%dma_start3A_649, %dma_start3A_650] : memref<312x128xf32, #tpu.memory_space<vmem>> -> memref<56x128xf32, #tpu.memory_space<vmem>>
    %dma_start3A_652 = arith.constant 4936 : i32
    %dma_start3A_653 = tpu.memref_slice %arg7[%dma_start3A_652] : memref<9984xi32, #tpu.memory_space<vmem>> -> memref<56xi32, #tpu.memory_space<vmem>>
    %dma_start3A_654 = arith.constant 0 : i32
    %dma_start3A_655 = arith.constant 0 : i32
    %dma_start3A_656 = tpu.memref_slice %arg3[%dma_start3A_654, %dma_start3A_655] : memref<320000x128xf32, #tpu.memory_space<hbm>> -> memref<320000x128xf32, #tpu.memory_space<hbm>>
    tpu.enqueue_indirect_dma source(%dma_start3A_656 : memref<320000x128xf32, #tpu.memory_space<hbm>>) target(%dma_start3A_651 : memref<56x128xf32, #tpu.memory_space<vmem>>) offsets(%dma_start3A_653 : memref<56xi32, #tpu.memory_space<vmem>>) semaphore(%arg13 : memref<!tpu.dma_semaphore, #tpu.memory_space<semaphore_mem>>) {add = true}
    %dma_start3A_657 = arith.constant 256 : i32
    %dma_start3A_658 = arith.constant 0 : i32
    %dma_start3A_659 = tpu.memref_slice %arg6[%dma_start3A_657, %dma_start3A_658] : memref<312x128xf32, #tpu.memory_space<vmem>> -> memref<56x128xf32, #tpu.memory_space<vmem>>
    %dma_start3A_660 = arith.constant 5248 : i32
    %dma_start3A_661 = tpu.memref_slice %arg7[%dma_start3A_660] : memref<9984xi32, #tpu.memory_space<vmem>> -> memref<56xi32, #tpu.memory_space<vmem>>
    %dma_start3A_662 = arith.constant 0 : i32
    %dma_start3A_663 = arith.constant 0 : i32
    %dma_start3A_664 = tpu.memref_slice %arg3[%dma_start3A_662, %dma_start3A_663] : memref<320000x128xf32, #tpu.memory_space<hbm>> -> memref<320000x128xf32, #tpu.memory_space<hbm>>
    tpu.enqueue_indirect_dma source(%dma_start3A_664 : memref<320000x128xf32, #tpu.memory_space<hbm>>) target(%dma_start3A_659 : memref<56x128xf32, #tpu.memory_space<vmem>>) offsets(%dma_start3A_661 : memref<56xi32, #tpu.memory_space<vmem>>) semaphore(%arg13 : memref<!tpu.dma_semaphore, #tpu.memory_space<semaphore_mem>>) {add = true}
    %dma_start3A_665 = arith.constant 256 : i32
    %dma_start3A_666 = arith.constant 0 : i32
    %dma_start3A_667 = tpu.memref_slice %arg6[%dma_start3A_665, %dma_start3A_666] : memref<312x128xf32, #tpu.memory_space<vmem>> -> memref<56x128xf32, #tpu.memory_space<vmem>>
    %dma_start3A_668 = arith.constant 5560 : i32
    %dma_start3A_669 = tpu.memref_slice %arg7[%dma_start3A_668] : memref<9984xi32, #tpu.memory_space<vmem>> -> memref<56xi32, #tpu.memory_space<vmem>>
    %dma_start3A_670 = arith.constant 0 : i32
    %dma_start3A_671 = arith.constant 0 : i32
    %dma_start3A_672 = tpu.memref_slice %arg3[%dma_start3A_670, %dma_start3A_671] : memref<320000x128xf32, #tpu.memory_space<hbm>> -> memref<320000x128xf32, #tpu.memory_space<hbm>>
    tpu.enqueue_indirect_dma source(%dma_start3A_672 : memref<320000x128xf32, #tpu.memory_space<hbm>>) target(%dma_start3A_667 : memref<56x128xf32, #tpu.memory_space<vmem>>) offsets(%dma_start3A_669 : memref<56xi32, #tpu.memory_space<vmem>>) semaphore(%arg13 : memref<!tpu.dma_semaphore, #tpu.memory_space<semaphore_mem>>) {add = true}
    %dma_start3A_673 = arith.constant 256 : i32
    %dma_start3A_674 = arith.constant 0 : i32
    %dma_start3A_675 = tpu.memref_slice %arg6[%dma_start3A_673, %dma_start3A_674] : memref<312x128xf32, #tpu.memory_space<vmem>> -> memref<56x128xf32, #tpu.memory_space<vmem>>
    %dma_start3A_676 = arith.constant 5872 : i32
    %dma_start3A_677 = tpu.memref_slice %arg7[%dma_start3A_676] : memref<9984xi32, #tpu.memory_space<vmem>> -> memref<56xi32, #tpu.memory_space<vmem>>
    %dma_start3A_678 = arith.constant 0 : i32
    %dma_start3A_679 = arith.constant 0 : i32
    %dma_start3A_680 = tpu.memref_slice %arg3[%dma_start3A_678, %dma_start3A_679] : memref<320000x128xf32, #tpu.memory_space<hbm>> -> memref<320000x128xf32, #tpu.memory_space<hbm>>
    tpu.enqueue_indirect_dma source(%dma_start3A_680 : memref<320000x128xf32, #tpu.memory_space<hbm>>) target(%dma_start3A_675 : memref<56x128xf32, #tpu.memory_space<vmem>>) offsets(%dma_start3A_677 : memref<56xi32, #tpu.memory_space<vmem>>) semaphore(%arg13 : memref<!tpu.dma_semaphore, #tpu.memory_space<semaphore_mem>>) {add = true}
    %dma_start3A_681 = arith.constant 256 : i32
    %dma_start3A_682 = arith.constant 0 : i32
    %dma_start3A_683 = tpu.memref_slice %arg6[%dma_start3A_681, %dma_start3A_682] : memref<312x128xf32, #tpu.memory_space<vmem>> -> memref<56x128xf32, #tpu.memory_space<vmem>>
    %dma_start3A_684 = arith.constant 6184 : i32
    %dma_start3A_685 = tpu.memref_slice %arg7[%dma_start3A_684] : memref<9984xi32, #tpu.memory_space<vmem>> -> memref<56xi32, #tpu.memory_space<vmem>>
    %dma_start3A_686 = arith.constant 0 : i32
    %dma_start3A_687 = arith.constant 0 : i32
    %dma_start3A_688 = tpu.memref_slice %arg3[%dma_start3A_686, %dma_start3A_687] : memref<320000x128xf32, #tpu.memory_space<hbm>> -> memref<320000x128xf32, #tpu.memory_space<hbm>>
    tpu.enqueue_indirect_dma source(%dma_start3A_688 : memref<320000x128xf32, #tpu.memory_space<hbm>>) target(%dma_start3A_683 : memref<56x128xf32, #tpu.memory_space<vmem>>) offsets(%dma_start3A_685 : memref<56xi32, #tpu.memory_space<vmem>>) semaphore(%arg13 : memref<!tpu.dma_semaphore, #tpu.memory_space<semaphore_mem>>) {add = true}
    %dma_start3A_689 = arith.constant 256 : i32
    %dma_start3A_690 = arith.constant 0 : i32
    %dma_start3A_691 = tpu.memref_slice %arg6[%dma_start3A_689, %dma_start3A_690] : memref<312x128xf32, #tpu.memory_space<vmem>> -> memref<56x128xf32, #tpu.memory_space<vmem>>
    %dma_start3A_692 = arith.constant 6496 : i32
    %dma_start3A_693 = tpu.memref_slice %arg7[%dma_start3A_692] : memref<9984xi32, #tpu.memory_space<vmem>> -> memref<56xi32, #tpu.memory_space<vmem>>
    %dma_start3A_694 = arith.constant 0 : i32
    %dma_start3A_695 = arith.constant 0 : i32
    %dma_start3A_696 = tpu.memref_slice %arg3[%dma_start3A_694, %dma_start3A_695] : memref<320000x128xf32, #tpu.memory_space<hbm>> -> memref<320000x128xf32, #tpu.memory_space<hbm>>
    tpu.enqueue_indirect_dma source(%dma_start3A_696 : memref<320000x128xf32, #tpu.memory_space<hbm>>) target(%dma_start3A_691 : memref<56x128xf32, #tpu.memory_space<vmem>>) offsets(%dma_start3A_693 : memref<56xi32, #tpu.memory_space<vmem>>) semaphore(%arg13 : memref<!tpu.dma_semaphore, #tpu.memory_space<semaphore_mem>>) {add = true}
    %dma_start3A_697 = arith.constant 256 : i32
    %dma_start3A_698 = arith.constant 0 : i32
    %dma_start3A_699 = tpu.memref_slice %arg6[%dma_start3A_697, %dma_start3A_698] : memref<312x128xf32, #tpu.memory_space<vmem>> -> memref<56x128xf32, #tpu.memory_space<vmem>>
    %dma_start3A_700 = arith.constant 6808 : i32
    %dma_start3A_701 = tpu.memref_slice %arg7[%dma_start3A_700] : memref<9984xi32, #tpu.memory_space<vmem>> -> memref<56xi32, #tpu.memory_space<vmem>>
    %dma_start3A_702 = arith.constant 0 : i32
    %dma_start3A_703 = arith.constant 0 : i32
    %dma_start3A_704 = tpu.memref_slice %arg3[%dma_start3A_702, %dma_start3A_703] : memref<320000x128xf32, #tpu.memory_space<hbm>> -> memref<320000x128xf32, #tpu.memory_space<hbm>>
    tpu.enqueue_indirect_dma source(%dma_start3A_704 : memref<320000x128xf32, #tpu.memory_space<hbm>>) target(%dma_start3A_699 : memref<56x128xf32, #tpu.memory_space<vmem>>) offsets(%dma_start3A_701 : memref<56xi32, #tpu.memory_space<vmem>>) semaphore(%arg13 : memref<!tpu.dma_semaphore, #tpu.memory_space<semaphore_mem>>) {add = true}
    %dma_start3A_705 = arith.constant 256 : i32
    %dma_start3A_706 = arith.constant 0 : i32
    %dma_start3A_707 = tpu.memref_slice %arg6[%dma_start3A_705, %dma_start3A_706] : memref<312x128xf32, #tpu.memory_space<vmem>> -> memref<56x128xf32, #tpu.memory_space<vmem>>
    %dma_start3A_708 = arith.constant 7120 : i32
    %dma_start3A_709 = tpu.memref_slice %arg7[%dma_start3A_708] : memref<9984xi32, #tpu.memory_space<vmem>> -> memref<56xi32, #tpu.memory_space<vmem>>
    %dma_start3A_710 = arith.constant 0 : i32
    %dma_start3A_711 = arith.constant 0 : i32
    %dma_start3A_712 = tpu.memref_slice %arg3[%dma_start3A_710, %dma_start3A_711] : memref<320000x128xf32, #tpu.memory_space<hbm>> -> memref<320000x128xf32, #tpu.memory_space<hbm>>
    tpu.enqueue_indirect_dma source(%dma_start3A_712 : memref<320000x128xf32, #tpu.memory_space<hbm>>) target(%dma_start3A_707 : memref<56x128xf32, #tpu.memory_space<vmem>>) offsets(%dma_start3A_709 : memref<56xi32, #tpu.memory_space<vmem>>) semaphore(%arg13 : memref<!tpu.dma_semaphore, #tpu.memory_space<semaphore_mem>>) {add = true}
    %dma_start3A_713 = arith.constant 256 : i32
    %dma_start3A_714 = arith.constant 0 : i32
    %dma_start3A_715 = tpu.memref_slice %arg6[%dma_start3A_713, %dma_start3A_714] : memref<312x128xf32, #tpu.memory_space<vmem>> -> memref<56x128xf32, #tpu.memory_space<vmem>>
    %dma_start3A_716 = arith.constant 7432 : i32
    %dma_start3A_717 = tpu.memref_slice %arg7[%dma_start3A_716] : memref<9984xi32, #tpu.memory_space<vmem>> -> memref<56xi32, #tpu.memory_space<vmem>>
    %dma_start3A_718 = arith.constant 0 : i32
    %dma_start3A_719 = arith.constant 0 : i32
    %dma_start3A_720 = tpu.memref_slice %arg3[%dma_start3A_718, %dma_start3A_719] : memref<320000x128xf32, #tpu.memory_space<hbm>> -> memref<320000x128xf32, #tpu.memory_space<hbm>>
    tpu.enqueue_indirect_dma source(%dma_start3A_720 : memref<320000x128xf32, #tpu.memory_space<hbm>>) target(%dma_start3A_715 : memref<56x128xf32, #tpu.memory_space<vmem>>) offsets(%dma_start3A_717 : memref<56xi32, #tpu.memory_space<vmem>>) semaphore(%arg13 : memref<!tpu.dma_semaphore, #tpu.memory_space<semaphore_mem>>) {add = true}
    %dma_start3A_721 = arith.constant 256 : i32
    %dma_start3A_722 = arith.constant 0 : i32
    %dma_start3A_723 = tpu.memref_slice %arg6[%dma_start3A_721, %dma_start3A_722] : memref<312x128xf32, #tpu.memory_space<vmem>> -> memref<56x128xf32, #tpu.memory_space<vmem>>
    %dma_start3A_724 = arith.constant 7744 : i32
    %dma_start3A_725 = tpu.memref_slice %arg7[%dma_start3A_724] : memref<9984xi32, #tpu.memory_space<vmem>> -> memref<56xi32, #tpu.memory_space<vmem>>
    %dma_start3A_726 = arith.constant 0 : i32
    %dma_start3A_727 = arith.constant 0 : i32
    %dma_start3A_728 = tpu.memref_slice %arg3[%dma_start3A_726, %dma_start3A_727] : memref<320000x128xf32, #tpu.memory_space<hbm>> -> memref<320000x128xf32, #tpu.memory_space<hbm>>
    tpu.enqueue_indirect_dma source(%dma_start3A_728 : memref<320000x128xf32, #tpu.memory_space<hbm>>) target(%dma_start3A_723 : memref<56x128xf32, #tpu.memory_space<vmem>>) offsets(%dma_start3A_725 : memref<56xi32, #tpu.memory_space<vmem>>) semaphore(%arg13 : memref<!tpu.dma_semaphore, #tpu.memory_space<semaphore_mem>>) {add = true}
    %dma_start3A_729 = arith.constant 256 : i32
    %dma_start3A_730 = arith.constant 0 : i32
    %dma_start3A_731 = tpu.memref_slice %arg6[%dma_start3A_729, %dma_start3A_730] : memref<312x128xf32, #tpu.memory_space<vmem>> -> memref<56x128xf32, #tpu.memory_space<vmem>>
    %dma_start3A_732 = arith.constant 8056 : i32
    %dma_start3A_733 = tpu.memref_slice %arg7[%dma_start3A_732] : memref<9984xi32, #tpu.memory_space<vmem>> -> memref<56xi32, #tpu.memory_space<vmem>>
    %dma_start3A_734 = arith.constant 0 : i32
    %dma_start3A_735 = arith.constant 0 : i32
    %dma_start3A_736 = tpu.memref_slice %arg3[%dma_start3A_734, %dma_start3A_735] : memref<320000x128xf32, #tpu.memory_space<hbm>> -> memref<320000x128xf32, #tpu.memory_space<hbm>>
    tpu.enqueue_indirect_dma source(%dma_start3A_736 : memref<320000x128xf32, #tpu.memory_space<hbm>>) target(%dma_start3A_731 : memref<56x128xf32, #tpu.memory_space<vmem>>) offsets(%dma_start3A_733 : memref<56xi32, #tpu.memory_space<vmem>>) semaphore(%arg13 : memref<!tpu.dma_semaphore, #tpu.memory_space<semaphore_mem>>) {add = true}
    %dma_start3A_737 = arith.constant 256 : i32
    %dma_start3A_738 = arith.constant 0 : i32
    %dma_start3A_739 = tpu.memref_slice %arg6[%dma_start3A_737, %dma_start3A_738] : memref<312x128xf32, #tpu.memory_space<vmem>> -> memref<56x128xf32, #tpu.memory_space<vmem>>
    %dma_start3A_740 = arith.constant 8368 : i32
    %dma_start3A_741 = tpu.memref_slice %arg7[%dma_start3A_740] : memref<9984xi32, #tpu.memory_space<vmem>> -> memref<56xi32, #tpu.memory_space<vmem>>
    %dma_start3A_742 = arith.constant 0 : i32
    %dma_start3A_743 = arith.constant 0 : i32
    %dma_start3A_744 = tpu.memref_slice %arg3[%dma_start3A_742, %dma_start3A_743] : memref<320000x128xf32, #tpu.memory_space<hbm>> -> memref<320000x128xf32, #tpu.memory_space<hbm>>
    tpu.enqueue_indirect_dma source(%dma_start3A_744 : memref<320000x128xf32, #tpu.memory_space<hbm>>) target(%dma_start3A_739 : memref<56x128xf32, #tpu.memory_space<vmem>>) offsets(%dma_start3A_741 : memref<56xi32, #tpu.memory_space<vmem>>) semaphore(%arg13 : memref<!tpu.dma_semaphore, #tpu.memory_space<semaphore_mem>>) {add = true}
    %dma_start3A_745 = arith.constant 256 : i32
    %dma_start3A_746 = arith.constant 0 : i32
    %dma_start3A_747 = tpu.memref_slice %arg6[%dma_start3A_745, %dma_start3A_746] : memref<312x128xf32, #tpu.memory_space<vmem>> -> memref<56x128xf32, #tpu.memory_space<vmem>>
    %dma_start3A_748 = arith.constant 8680 : i32
    %dma_start3A_749 = tpu.memref_slice %arg7[%dma_start3A_748] : memref<9984xi32, #tpu.memory_space<vmem>> -> memref<56xi32, #tpu.memory_space<vmem>>
    %dma_start3A_750 = arith.constant 0 : i32
    %dma_start3A_751 = arith.constant 0 : i32
    %dma_start3A_752 = tpu.memref_slice %arg3[%dma_start3A_750, %dma_start3A_751] : memref<320000x128xf32, #tpu.memory_space<hbm>> -> memref<320000x128xf32, #tpu.memory_space<hbm>>
    tpu.enqueue_indirect_dma source(%dma_start3A_752 : memref<320000x128xf32, #tpu.memory_space<hbm>>) target(%dma_start3A_747 : memref<56x128xf32, #tpu.memory_space<vmem>>) offsets(%dma_start3A_749 : memref<56xi32, #tpu.memory_space<vmem>>) semaphore(%arg13 : memref<!tpu.dma_semaphore, #tpu.memory_space<semaphore_mem>>) {add = true}
    %dma_start3A_753 = arith.constant 256 : i32
    %dma_start3A_754 = arith.constant 0 : i32
    %dma_start3A_755 = tpu.memref_slice %arg6[%dma_start3A_753, %dma_start3A_754] : memref<312x128xf32, #tpu.memory_space<vmem>> -> memref<56x128xf32, #tpu.memory_space<vmem>>
    %dma_start3A_756 = arith.constant 8992 : i32
    %dma_start3A_757 = tpu.memref_slice %arg7[%dma_start3A_756] : memref<9984xi32, #tpu.memory_space<vmem>> -> memref<56xi32, #tpu.memory_space<vmem>>
    %dma_start3A_758 = arith.constant 0 : i32
    %dma_start3A_759 = arith.constant 0 : i32
    %dma_start3A_760 = tpu.memref_slice %arg3[%dma_start3A_758, %dma_start3A_759] : memref<320000x128xf32, #tpu.memory_space<hbm>> -> memref<320000x128xf32, #tpu.memory_space<hbm>>
    tpu.enqueue_indirect_dma source(%dma_start3A_760 : memref<320000x128xf32, #tpu.memory_space<hbm>>) target(%dma_start3A_755 : memref<56x128xf32, #tpu.memory_space<vmem>>) offsets(%dma_start3A_757 : memref<56xi32, #tpu.memory_space<vmem>>) semaphore(%arg13 : memref<!tpu.dma_semaphore, #tpu.memory_space<semaphore_mem>>) {add = true}
    %dma_start3A_761 = arith.constant 256 : i32
    %dma_start3A_762 = arith.constant 0 : i32
    %dma_start3A_763 = tpu.memref_slice %arg6[%dma_start3A_761, %dma_start3A_762] : memref<312x128xf32, #tpu.memory_space<vmem>> -> memref<56x128xf32, #tpu.memory_space<vmem>>
    %dma_start3A_764 = arith.constant 9304 : i32
    %dma_start3A_765 = tpu.memref_slice %arg7[%dma_start3A_764] : memref<9984xi32, #tpu.memory_space<vmem>> -> memref<56xi32, #tpu.memory_space<vmem>>
    %dma_start3A_766 = arith.constant 0 : i32
    %dma_start3A_767 = arith.constant 0 : i32
    %dma_start3A_768 = tpu.memref_slice %arg3[%dma_start3A_766, %dma_start3A_767] : memref<320000x128xf32, #tpu.memory_space<hbm>> -> memref<320000x128xf32, #tpu.memory_space<hbm>>
    tpu.enqueue_indirect_dma source(%dma_start3A_768 : memref<320000x128xf32, #tpu.memory_space<hbm>>) target(%dma_start3A_763 : memref<56x128xf32, #tpu.memory_space<vmem>>) offsets(%dma_start3A_765 : memref<56xi32, #tpu.memory_space<vmem>>) semaphore(%arg13 : memref<!tpu.dma_semaphore, #tpu.memory_space<semaphore_mem>>) {add = true}
    %dma_start3A_769 = arith.constant 256 : i32
    %dma_start3A_770 = arith.constant 0 : i32
    %dma_start3A_771 = tpu.memref_slice %arg6[%dma_start3A_769, %dma_start3A_770] : memref<312x128xf32, #tpu.memory_space<vmem>> -> memref<56x128xf32, #tpu.memory_space<vmem>>
    %dma_start3A_772 = arith.constant 9616 : i32
    %dma_start3A_773 = tpu.memref_slice %arg7[%dma_start3A_772] : memref<9984xi32, #tpu.memory_space<vmem>> -> memref<56xi32, #tpu.memory_space<vmem>>
    %dma_start3A_774 = arith.constant 0 : i32
    %dma_start3A_775 = arith.constant 0 : i32
    %dma_start3A_776 = tpu.memref_slice %arg3[%dma_start3A_774, %dma_start3A_775] : memref<320000x128xf32, #tpu.memory_space<hbm>> -> memref<320000x128xf32, #tpu.memory_space<hbm>>
    tpu.enqueue_indirect_dma source(%dma_start3A_776 : memref<320000x128xf32, #tpu.memory_space<hbm>>) target(%dma_start3A_771 : memref<56x128xf32, #tpu.memory_space<vmem>>) offsets(%dma_start3A_773 : memref<56xi32, #tpu.memory_space<vmem>>) semaphore(%arg13 : memref<!tpu.dma_semaphore, #tpu.memory_space<semaphore_mem>>) {add = true}
    %dma_start3A_777 = arith.constant 256 : i32
    %dma_start3A_778 = arith.constant 0 : i32
    %dma_start3A_779 = tpu.memref_slice %arg6[%dma_start3A_777, %dma_start3A_778] : memref<312x128xf32, #tpu.memory_space<vmem>> -> memref<56x128xf32, #tpu.memory_space<vmem>>
    %dma_start3A_780 = arith.constant 9928 : i32
    %dma_start3A_781 = tpu.memref_slice %arg7[%dma_start3A_780] : memref<9984xi32, #tpu.memory_space<vmem>> -> memref<56xi32, #tpu.memory_space<vmem>>
    %dma_start3A_782 = arith.constant 0 : i32
    %dma_start3A_783 = arith.constant 0 : i32
    %dma_start3A_784 = tpu.memref_slice %arg3[%dma_start3A_782, %dma_start3A_783] : memref<320000x128xf32, #tpu.memory_space<hbm>> -> memref<320000x128xf32, #tpu.memory_space<hbm>>
    tpu.enqueue_indirect_dma source(%dma_start3A_784 : memref<320000x128xf32, #tpu.memory_space<hbm>>) target(%dma_start3A_779 : memref<56x128xf32, #tpu.memory_space<vmem>>) offsets(%dma_start3A_781 : memref<56xi32, #tpu.memory_space<vmem>>) semaphore(%arg13 : memref<!tpu.dma_semaphore, #tpu.memory_space<semaphore_mem>>) {add = true}
    %dma_wait3A_785 = arith.constant 0 : i32
    %dma_wait3A_786 = arith.constant 0 : i32
    %dma_wait3A_787 = tpu.memref_slice %arg6[%dma_wait3A_785, %dma_wait3A_786] : memref<312x128xf32, #tpu.memory_space<vmem>> -> memref<128x128xf32, #tpu.memory_space<vmem>>
    %dma_wait3A_788 = arith.constant 0 : i32
    %dma_wait3A_789 = tpu.memref_slice %arg7[%dma_wait3A_788] : memref<9984xi32, #tpu.memory_space<vmem>> -> memref<128xi32, #tpu.memory_space<vmem>>
    %dma_wait3A_790 = arith.constant 0 : i32
    %dma_wait3A_791 = arith.constant 0 : i32
    %dma_wait3A_792 = tpu.memref_slice %arg3[%dma_wait3A_790, %dma_wait3A_791] : memref<320000x128xf32, #tpu.memory_space<hbm>> -> memref<320000x128xf32, #tpu.memory_space<hbm>>
    tpu.wait_indirect_dma semaphore(%arg11 : memref<!tpu.dma_semaphore, #tpu.memory_space<semaphore_mem>>) src(%dma_wait3A_792 : memref<320000x128xf32, #tpu.memory_space<hbm>>) dst(%dma_wait3A_787 : memref<128x128xf32, #tpu.memory_space<vmem>>)
    %dma_wait3A_793 = arith.constant 0 : i32
    %dma_wait3A_794 = arith.constant 0 : i32
    %dma_wait3A_795 = tpu.memref_slice %arg6[%dma_wait3A_793, %dma_wait3A_794] : memref<312x128xf32, #tpu.memory_space<vmem>> -> memref<128x128xf32, #tpu.memory_space<vmem>>
    %dma_wait3A_796 = arith.constant 312 : i32
    %dma_wait3A_797 = tpu.memref_slice %arg7[%dma_wait3A_796] : memref<9984xi32, #tpu.memory_space<vmem>> -> memref<128xi32, #tpu.memory_space<vmem>>
    %dma_wait3A_798 = arith.constant 0 : i32
    %dma_wait3A_799 = arith.constant 0 : i32
    %dma_wait3A_800 = tpu.memref_slice %arg3[%dma_wait3A_798, %dma_wait3A_799] : memref<320000x128xf32, #tpu.memory_space<hbm>> -> memref<320000x128xf32, #tpu.memory_space<hbm>>
    tpu.wait_indirect_dma semaphore(%arg11 : memref<!tpu.dma_semaphore, #tpu.memory_space<semaphore_mem>>) src(%dma_wait3A_800 : memref<320000x128xf32, #tpu.memory_space<hbm>>) dst(%dma_wait3A_795 : memref<128x128xf32, #tpu.memory_space<vmem>>)
    %dma_wait3A_801 = arith.constant 0 : i32
    %dma_wait3A_802 = arith.constant 0 : i32
    %dma_wait3A_803 = tpu.memref_slice %arg6[%dma_wait3A_801, %dma_wait3A_802] : memref<312x128xf32, #tpu.memory_space<vmem>> -> memref<128x128xf32, #tpu.memory_space<vmem>>
    %dma_wait3A_804 = arith.constant 624 : i32
    %dma_wait3A_805 = tpu.memref_slice %arg7[%dma_wait3A_804] : memref<9984xi32, #tpu.memory_space<vmem>> -> memref<128xi32, #tpu.memory_space<vmem>>
    %dma_wait3A_806 = arith.constant 0 : i32
    %dma_wait3A_807 = arith.constant 0 : i32
    %dma_wait3A_808 = tpu.memref_slice %arg3[%dma_wait3A_806, %dma_wait3A_807] : memref<320000x128xf32, #tpu.memory_space<hbm>> -> memref<320000x128xf32, #tpu.memory_space<hbm>>
    tpu.wait_indirect_dma semaphore(%arg11 : memref<!tpu.dma_semaphore, #tpu.memory_space<semaphore_mem>>) src(%dma_wait3A_808 : memref<320000x128xf32, #tpu.memory_space<hbm>>) dst(%dma_wait3A_803 : memref<128x128xf32, #tpu.memory_space<vmem>>)
    %dma_wait3A_809 = arith.constant 0 : i32
    %dma_wait3A_810 = arith.constant 0 : i32
    %dma_wait3A_811 = tpu.memref_slice %arg6[%dma_wait3A_809, %dma_wait3A_810] : memref<312x128xf32, #tpu.memory_space<vmem>> -> memref<128x128xf32, #tpu.memory_space<vmem>>
    %dma_wait3A_812 = arith.constant 936 : i32
    %dma_wait3A_813 = tpu.memref_slice %arg7[%dma_wait3A_812] : memref<9984xi32, #tpu.memory_space<vmem>> -> memref<128xi32, #tpu.memory_space<vmem>>
    %dma_wait3A_814 = arith.constant 0 : i32
    %dma_wait3A_815 = arith.constant 0 : i32
    %dma_wait3A_816 = tpu.memref_slice %arg3[%dma_wait3A_814, %dma_wait3A_815] : memref<320000x128xf32, #tpu.memory_space<hbm>> -> memref<320000x128xf32, #tpu.memory_space<hbm>>
    tpu.wait_indirect_dma semaphore(%arg11 : memref<!tpu.dma_semaphore, #tpu.memory_space<semaphore_mem>>) src(%dma_wait3A_816 : memref<320000x128xf32, #tpu.memory_space<hbm>>) dst(%dma_wait3A_811 : memref<128x128xf32, #tpu.memory_space<vmem>>)
    %dma_wait3A_817 = arith.constant 0 : i32
    %dma_wait3A_818 = arith.constant 0 : i32
    %dma_wait3A_819 = tpu.memref_slice %arg6[%dma_wait3A_817, %dma_wait3A_818] : memref<312x128xf32, #tpu.memory_space<vmem>> -> memref<128x128xf32, #tpu.memory_space<vmem>>
    %dma_wait3A_820 = arith.constant 1248 : i32
    %dma_wait3A_821 = tpu.memref_slice %arg7[%dma_wait3A_820] : memref<9984xi32, #tpu.memory_space<vmem>> -> memref<128xi32, #tpu.memory_space<vmem>>
    %dma_wait3A_822 = arith.constant 0 : i32
    %dma_wait3A_823 = arith.constant 0 : i32
    %dma_wait3A_824 = tpu.memref_slice %arg3[%dma_wait3A_822, %dma_wait3A_823] : memref<320000x128xf32, #tpu.memory_space<hbm>> -> memref<320000x128xf32, #tpu.memory_space<hbm>>
    tpu.wait_indirect_dma semaphore(%arg11 : memref<!tpu.dma_semaphore, #tpu.memory_space<semaphore_mem>>) src(%dma_wait3A_824 : memref<320000x128xf32, #tpu.memory_space<hbm>>) dst(%dma_wait3A_819 : memref<128x128xf32, #tpu.memory_space<vmem>>)
    %dma_wait3A_825 = arith.constant 0 : i32
    %dma_wait3A_826 = arith.constant 0 : i32
    %dma_wait3A_827 = tpu.memref_slice %arg6[%dma_wait3A_825, %dma_wait3A_826] : memref<312x128xf32, #tpu.memory_space<vmem>> -> memref<128x128xf32, #tpu.memory_space<vmem>>
    %dma_wait3A_828 = arith.constant 1560 : i32
    %dma_wait3A_829 = tpu.memref_slice %arg7[%dma_wait3A_828] : memref<9984xi32, #tpu.memory_space<vmem>> -> memref<128xi32, #tpu.memory_space<vmem>>
    %dma_wait3A_830 = arith.constant 0 : i32
    %dma_wait3A_831 = arith.constant 0 : i32
    %dma_wait3A_832 = tpu.memref_slice %arg3[%dma_wait3A_830, %dma_wait3A_831] : memref<320000x128xf32, #tpu.memory_space<hbm>> -> memref<320000x128xf32, #tpu.memory_space<hbm>>
    tpu.wait_indirect_dma semaphore(%arg11 : memref<!tpu.dma_semaphore, #tpu.memory_space<semaphore_mem>>) src(%dma_wait3A_832 : memref<320000x128xf32, #tpu.memory_space<hbm>>) dst(%dma_wait3A_827 : memref<128x128xf32, #tpu.memory_space<vmem>>)
    %dma_wait3A_833 = arith.constant 0 : i32
    %dma_wait3A_834 = arith.constant 0 : i32
    %dma_wait3A_835 = tpu.memref_slice %arg6[%dma_wait3A_833, %dma_wait3A_834] : memref<312x128xf32, #tpu.memory_space<vmem>> -> memref<128x128xf32, #tpu.memory_space<vmem>>
    %dma_wait3A_836 = arith.constant 1872 : i32
    %dma_wait3A_837 = tpu.memref_slice %arg7[%dma_wait3A_836] : memref<9984xi32, #tpu.memory_space<vmem>> -> memref<128xi32, #tpu.memory_space<vmem>>
    %dma_wait3A_838 = arith.constant 0 : i32
    %dma_wait3A_839 = arith.constant 0 : i32
    %dma_wait3A_840 = tpu.memref_slice %arg3[%dma_wait3A_838, %dma_wait3A_839] : memref<320000x128xf32, #tpu.memory_space<hbm>> -> memref<320000x128xf32, #tpu.memory_space<hbm>>
    tpu.wait_indirect_dma semaphore(%arg11 : memref<!tpu.dma_semaphore, #tpu.memory_space<semaphore_mem>>) src(%dma_wait3A_840 : memref<320000x128xf32, #tpu.memory_space<hbm>>) dst(%dma_wait3A_835 : memref<128x128xf32, #tpu.memory_space<vmem>>)
    %dma_wait3A_841 = arith.constant 0 : i32
    %dma_wait3A_842 = arith.constant 0 : i32
    %dma_wait3A_843 = tpu.memref_slice %arg6[%dma_wait3A_841, %dma_wait3A_842] : memref<312x128xf32, #tpu.memory_space<vmem>> -> memref<128x128xf32, #tpu.memory_space<vmem>>
    %dma_wait3A_844 = arith.constant 2184 : i32
    %dma_wait3A_845 = tpu.memref_slice %arg7[%dma_wait3A_844] : memref<9984xi32, #tpu.memory_space<vmem>> -> memref<128xi32, #tpu.memory_space<vmem>>
    %dma_wait3A_846 = arith.constant 0 : i32
    %dma_wait3A_847 = arith.constant 0 : i32
    %dma_wait3A_848 = tpu.memref_slice %arg3[%dma_wait3A_846, %dma_wait3A_847] : memref<320000x128xf32, #tpu.memory_space<hbm>> -> memref<320000x128xf32, #tpu.memory_space<hbm>>
    tpu.wait_indirect_dma semaphore(%arg11 : memref<!tpu.dma_semaphore, #tpu.memory_space<semaphore_mem>>) src(%dma_wait3A_848 : memref<320000x128xf32, #tpu.memory_space<hbm>>) dst(%dma_wait3A_843 : memref<128x128xf32, #tpu.memory_space<vmem>>)
    %dma_wait3A_849 = arith.constant 0 : i32
    %dma_wait3A_850 = arith.constant 0 : i32
    %dma_wait3A_851 = tpu.memref_slice %arg6[%dma_wait3A_849, %dma_wait3A_850] : memref<312x128xf32, #tpu.memory_space<vmem>> -> memref<128x128xf32, #tpu.memory_space<vmem>>
    %dma_wait3A_852 = arith.constant 2496 : i32
    %dma_wait3A_853 = tpu.memref_slice %arg7[%dma_wait3A_852] : memref<9984xi32, #tpu.memory_space<vmem>> -> memref<128xi32, #tpu.memory_space<vmem>>
    %dma_wait3A_854 = arith.constant 0 : i32
    %dma_wait3A_855 = arith.constant 0 : i32
    %dma_wait3A_856 = tpu.memref_slice %arg3[%dma_wait3A_854, %dma_wait3A_855] : memref<320000x128xf32, #tpu.memory_space<hbm>> -> memref<320000x128xf32, #tpu.memory_space<hbm>>
    tpu.wait_indirect_dma semaphore(%arg11 : memref<!tpu.dma_semaphore, #tpu.memory_space<semaphore_mem>>) src(%dma_wait3A_856 : memref<320000x128xf32, #tpu.memory_space<hbm>>) dst(%dma_wait3A_851 : memref<128x128xf32, #tpu.memory_space<vmem>>)
    %dma_wait3A_857 = arith.constant 0 : i32
    %dma_wait3A_858 = arith.constant 0 : i32
    %dma_wait3A_859 = tpu.memref_slice %arg6[%dma_wait3A_857, %dma_wait3A_858] : memref<312x128xf32, #tpu.memory_space<vmem>> -> memref<128x128xf32, #tpu.memory_space<vmem>>
    %dma_wait3A_860 = arith.constant 2808 : i32
    %dma_wait3A_861 = tpu.memref_slice %arg7[%dma_wait3A_860] : memref<9984xi32, #tpu.memory_space<vmem>> -> memref<128xi32, #tpu.memory_space<vmem>>
    %dma_wait3A_862 = arith.constant 0 : i32
    %dma_wait3A_863 = arith.constant 0 : i32
    %dma_wait3A_864 = tpu.memref_slice %arg3[%dma_wait3A_862, %dma_wait3A_863] : memref<320000x128xf32, #tpu.memory_space<hbm>> -> memref<320000x128xf32, #tpu.memory_space<hbm>>
    tpu.wait_indirect_dma semaphore(%arg11 : memref<!tpu.dma_semaphore, #tpu.memory_space<semaphore_mem>>) src(%dma_wait3A_864 : memref<320000x128xf32, #tpu.memory_space<hbm>>) dst(%dma_wait3A_859 : memref<128x128xf32, #tpu.memory_space<vmem>>)
    %dma_wait3A_865 = arith.constant 0 : i32
    %dma_wait3A_866 = arith.constant 0 : i32
    %dma_wait3A_867 = tpu.memref_slice %arg6[%dma_wait3A_865, %dma_wait3A_866] : memref<312x128xf32, #tpu.memory_space<vmem>> -> memref<128x128xf32, #tpu.memory_space<vmem>>
    %dma_wait3A_868 = arith.constant 3120 : i32
    %dma_wait3A_869 = tpu.memref_slice %arg7[%dma_wait3A_868] : memref<9984xi32, #tpu.memory_space<vmem>> -> memref<128xi32, #tpu.memory_space<vmem>>
    %dma_wait3A_870 = arith.constant 0 : i32
    %dma_wait3A_871 = arith.constant 0 : i32
    %dma_wait3A_872 = tpu.memref_slice %arg3[%dma_wait3A_870, %dma_wait3A_871] : memref<320000x128xf32, #tpu.memory_space<hbm>> -> memref<320000x128xf32, #tpu.memory_space<hbm>>
    tpu.wait_indirect_dma semaphore(%arg11 : memref<!tpu.dma_semaphore, #tpu.memory_space<semaphore_mem>>) src(%dma_wait3A_872 : memref<320000x128xf32, #tpu.memory_space<hbm>>) dst(%dma_wait3A_867 : memref<128x128xf32, #tpu.memory_space<vmem>>)
    %dma_wait3A_873 = arith.constant 0 : i32
    %dma_wait3A_874 = arith.constant 0 : i32
    %dma_wait3A_875 = tpu.memref_slice %arg6[%dma_wait3A_873, %dma_wait3A_874] : memref<312x128xf32, #tpu.memory_space<vmem>> -> memref<128x128xf32, #tpu.memory_space<vmem>>
    %dma_wait3A_876 = arith.constant 3432 : i32
    %dma_wait3A_877 = tpu.memref_slice %arg7[%dma_wait3A_876] : memref<9984xi32, #tpu.memory_space<vmem>> -> memref<128xi32, #tpu.memory_space<vmem>>
    %dma_wait3A_878 = arith.constant 0 : i32
    %dma_wait3A_879 = arith.constant 0 : i32
    %dma_wait3A_880 = tpu.memref_slice %arg3[%dma_wait3A_878, %dma_wait3A_879] : memref<320000x128xf32, #tpu.memory_space<hbm>> -> memref<320000x128xf32, #tpu.memory_space<hbm>>
    tpu.wait_indirect_dma semaphore(%arg11 : memref<!tpu.dma_semaphore, #tpu.memory_space<semaphore_mem>>) src(%dma_wait3A_880 : memref<320000x128xf32, #tpu.memory_space<hbm>>) dst(%dma_wait3A_875 : memref<128x128xf32, #tpu.memory_space<vmem>>)
    %dma_wait3A_881 = arith.constant 0 : i32
    %dma_wait3A_882 = arith.constant 0 : i32
    %dma_wait3A_883 = tpu.memref_slice %arg6[%dma_wait3A_881, %dma_wait3A_882] : memref<312x128xf32, #tpu.memory_space<vmem>> -> memref<128x128xf32, #tpu.memory_space<vmem>>
    %dma_wait3A_884 = arith.constant 3744 : i32
    %dma_wait3A_885 = tpu.memref_slice %arg7[%dma_wait3A_884] : memref<9984xi32, #tpu.memory_space<vmem>> -> memref<128xi32, #tpu.memory_space<vmem>>
    %dma_wait3A_886 = arith.constant 0 : i32
    %dma_wait3A_887 = arith.constant 0 : i32
    %dma_wait3A_888 = tpu.memref_slice %arg3[%dma_wait3A_886, %dma_wait3A_887] : memref<320000x128xf32, #tpu.memory_space<hbm>> -> memref<320000x128xf32, #tpu.memory_space<hbm>>
    tpu.wait_indirect_dma semaphore(%arg11 : memref<!tpu.dma_semaphore, #tpu.memory_space<semaphore_mem>>) src(%dma_wait3A_888 : memref<320000x128xf32, #tpu.memory_space<hbm>>) dst(%dma_wait3A_883 : memref<128x128xf32, #tpu.memory_space<vmem>>)
    %dma_wait3A_889 = arith.constant 0 : i32
    %dma_wait3A_890 = arith.constant 0 : i32
    %dma_wait3A_891 = tpu.memref_slice %arg6[%dma_wait3A_889, %dma_wait3A_890] : memref<312x128xf32, #tpu.memory_space<vmem>> -> memref<128x128xf32, #tpu.memory_space<vmem>>
    %dma_wait3A_892 = arith.constant 4056 : i32
    %dma_wait3A_893 = tpu.memref_slice %arg7[%dma_wait3A_892] : memref<9984xi32, #tpu.memory_space<vmem>> -> memref<128xi32, #tpu.memory_space<vmem>>
    %dma_wait3A_894 = arith.constant 0 : i32
    %dma_wait3A_895 = arith.constant 0 : i32
    %dma_wait3A_896 = tpu.memref_slice %arg3[%dma_wait3A_894, %dma_wait3A_895] : memref<320000x128xf32, #tpu.memory_space<hbm>> -> memref<320000x128xf32, #tpu.memory_space<hbm>>
    tpu.wait_indirect_dma semaphore(%arg11 : memref<!tpu.dma_semaphore, #tpu.memory_space<semaphore_mem>>) src(%dma_wait3A_896 : memref<320000x128xf32, #tpu.memory_space<hbm>>) dst(%dma_wait3A_891 : memref<128x128xf32, #tpu.memory_space<vmem>>)
    %dma_wait3A_897 = arith.constant 0 : i32
    %dma_wait3A_898 = arith.constant 0 : i32
    %dma_wait3A_899 = tpu.memref_slice %arg6[%dma_wait3A_897, %dma_wait3A_898] : memref<312x128xf32, #tpu.memory_space<vmem>> -> memref<128x128xf32, #tpu.memory_space<vmem>>
    %dma_wait3A_900 = arith.constant 4368 : i32
    %dma_wait3A_901 = tpu.memref_slice %arg7[%dma_wait3A_900] : memref<9984xi32, #tpu.memory_space<vmem>> -> memref<128xi32, #tpu.memory_space<vmem>>
    %dma_wait3A_902 = arith.constant 0 : i32
    %dma_wait3A_903 = arith.constant 0 : i32
    %dma_wait3A_904 = tpu.memref_slice %arg3[%dma_wait3A_902, %dma_wait3A_903] : memref<320000x128xf32, #tpu.memory_space<hbm>> -> memref<320000x128xf32, #tpu.memory_space<hbm>>
    tpu.wait_indirect_dma semaphore(%arg11 : memref<!tpu.dma_semaphore, #tpu.memory_space<semaphore_mem>>) src(%dma_wait3A_904 : memref<320000x128xf32, #tpu.memory_space<hbm>>) dst(%dma_wait3A_899 : memref<128x128xf32, #tpu.memory_space<vmem>>)
    %dma_wait3A_905 = arith.constant 0 : i32
    %dma_wait3A_906 = arith.constant 0 : i32
    %dma_wait3A_907 = tpu.memref_slice %arg6[%dma_wait3A_905, %dma_wait3A_906] : memref<312x128xf32, #tpu.memory_space<vmem>> -> memref<128x128xf32, #tpu.memory_space<vmem>>
    %dma_wait3A_908 = arith.constant 4680 : i32
    %dma_wait3A_909 = tpu.memref_slice %arg7[%dma_wait3A_908] : memref<9984xi32, #tpu.memory_space<vmem>> -> memref<128xi32, #tpu.memory_space<vmem>>
    %dma_wait3A_910 = arith.constant 0 : i32
    %dma_wait3A_911 = arith.constant 0 : i32
    %dma_wait3A_912 = tpu.memref_slice %arg3[%dma_wait3A_910, %dma_wait3A_911] : memref<320000x128xf32, #tpu.memory_space<hbm>> -> memref<320000x128xf32, #tpu.memory_space<hbm>>
    tpu.wait_indirect_dma semaphore(%arg11 : memref<!tpu.dma_semaphore, #tpu.memory_space<semaphore_mem>>) src(%dma_wait3A_912 : memref<320000x128xf32, #tpu.memory_space<hbm>>) dst(%dma_wait3A_907 : memref<128x128xf32, #tpu.memory_space<vmem>>)
    %dma_wait3A_913 = arith.constant 0 : i32
    %dma_wait3A_914 = arith.constant 0 : i32
    %dma_wait3A_915 = tpu.memref_slice %arg6[%dma_wait3A_913, %dma_wait3A_914] : memref<312x128xf32, #tpu.memory_space<vmem>> -> memref<128x128xf32, #tpu.memory_space<vmem>>
    %dma_wait3A_916 = arith.constant 4992 : i32
    %dma_wait3A_917 = tpu.memref_slice %arg7[%dma_wait3A_916] : memref<9984xi32, #tpu.memory_space<vmem>> -> memref<128xi32, #tpu.memory_space<vmem>>
    %dma_wait3A_918 = arith.constant 0 : i32
    %dma_wait3A_919 = arith.constant 0 : i32
    %dma_wait3A_920 = tpu.memref_slice %arg3[%dma_wait3A_918, %dma_wait3A_919] : memref<320000x128xf32, #tpu.memory_space<hbm>> -> memref<320000x128xf32, #tpu.memory_space<hbm>>
    tpu.wait_indirect_dma semaphore(%arg11 : memref<!tpu.dma_semaphore, #tpu.memory_space<semaphore_mem>>) src(%dma_wait3A_920 : memref<320000x128xf32, #tpu.memory_space<hbm>>) dst(%dma_wait3A_915 : memref<128x128xf32, #tpu.memory_space<vmem>>)
    %dma_wait3A_921 = arith.constant 0 : i32
    %dma_wait3A_922 = arith.constant 0 : i32
    %dma_wait3A_923 = tpu.memref_slice %arg6[%dma_wait3A_921, %dma_wait3A_922] : memref<312x128xf32, #tpu.memory_space<vmem>> -> memref<128x128xf32, #tpu.memory_space<vmem>>
    %dma_wait3A_924 = arith.constant 5304 : i32
    %dma_wait3A_925 = tpu.memref_slice %arg7[%dma_wait3A_924] : memref<9984xi32, #tpu.memory_space<vmem>> -> memref<128xi32, #tpu.memory_space<vmem>>
    %dma_wait3A_926 = arith.constant 0 : i32
    %dma_wait3A_927 = arith.constant 0 : i32
    %dma_wait3A_928 = tpu.memref_slice %arg3[%dma_wait3A_926, %dma_wait3A_927] : memref<320000x128xf32, #tpu.memory_space<hbm>> -> memref<320000x128xf32, #tpu.memory_space<hbm>>
    tpu.wait_indirect_dma semaphore(%arg11 : memref<!tpu.dma_semaphore, #tpu.memory_space<semaphore_mem>>) src(%dma_wait3A_928 : memref<320000x128xf32, #tpu.memory_space<hbm>>) dst(%dma_wait3A_923 : memref<128x128xf32, #tpu.memory_space<vmem>>)
    %dma_wait3A_929 = arith.constant 0 : i32
    %dma_wait3A_930 = arith.constant 0 : i32
    %dma_wait3A_931 = tpu.memref_slice %arg6[%dma_wait3A_929, %dma_wait3A_930] : memref<312x128xf32, #tpu.memory_space<vmem>> -> memref<128x128xf32, #tpu.memory_space<vmem>>
    %dma_wait3A_932 = arith.constant 5616 : i32
    %dma_wait3A_933 = tpu.memref_slice %arg7[%dma_wait3A_932] : memref<9984xi32, #tpu.memory_space<vmem>> -> memref<128xi32, #tpu.memory_space<vmem>>
    %dma_wait3A_934 = arith.constant 0 : i32
    %dma_wait3A_935 = arith.constant 0 : i32
    %dma_wait3A_936 = tpu.memref_slice %arg3[%dma_wait3A_934, %dma_wait3A_935] : memref<320000x128xf32, #tpu.memory_space<hbm>> -> memref<320000x128xf32, #tpu.memory_space<hbm>>
    tpu.wait_indirect_dma semaphore(%arg11 : memref<!tpu.dma_semaphore, #tpu.memory_space<semaphore_mem>>) src(%dma_wait3A_936 : memref<320000x128xf32, #tpu.memory_space<hbm>>) dst(%dma_wait3A_931 : memref<128x128xf32, #tpu.memory_space<vmem>>)
    %dma_wait3A_937 = arith.constant 0 : i32
    %dma_wait3A_938 = arith.constant 0 : i32
    %dma_wait3A_939 = tpu.memref_slice %arg6[%dma_wait3A_937, %dma_wait3A_938] : memref<312x128xf32, #tpu.memory_space<vmem>> -> memref<128x128xf32, #tpu.memory_space<vmem>>
    %dma_wait3A_940 = arith.constant 5928 : i32
    %dma_wait3A_941 = tpu.memref_slice %arg7[%dma_wait3A_940] : memref<9984xi32, #tpu.memory_space<vmem>> -> memref<128xi32, #tpu.memory_space<vmem>>
    %dma_wait3A_942 = arith.constant 0 : i32
    %dma_wait3A_943 = arith.constant 0 : i32
    %dma_wait3A_944 = tpu.memref_slice %arg3[%dma_wait3A_942, %dma_wait3A_943] : memref<320000x128xf32, #tpu.memory_space<hbm>> -> memref<320000x128xf32, #tpu.memory_space<hbm>>
    tpu.wait_indirect_dma semaphore(%arg11 : memref<!tpu.dma_semaphore, #tpu.memory_space<semaphore_mem>>) src(%dma_wait3A_944 : memref<320000x128xf32, #tpu.memory_space<hbm>>) dst(%dma_wait3A_939 : memref<128x128xf32, #tpu.memory_space<vmem>>)
    %dma_wait3A_945 = arith.constant 0 : i32
    %dma_wait3A_946 = arith.constant 0 : i32
    %dma_wait3A_947 = tpu.memref_slice %arg6[%dma_wait3A_945, %dma_wait3A_946] : memref<312x128xf32, #tpu.memory_space<vmem>> -> memref<128x128xf32, #tpu.memory_space<vmem>>
    %dma_wait3A_948 = arith.constant 6240 : i32
    %dma_wait3A_949 = tpu.memref_slice %arg7[%dma_wait3A_948] : memref<9984xi32, #tpu.memory_space<vmem>> -> memref<128xi32, #tpu.memory_space<vmem>>
    %dma_wait3A_950 = arith.constant 0 : i32
    %dma_wait3A_951 = arith.constant 0 : i32
    %dma_wait3A_952 = tpu.memref_slice %arg3[%dma_wait3A_950, %dma_wait3A_951] : memref<320000x128xf32, #tpu.memory_space<hbm>> -> memref<320000x128xf32, #tpu.memory_space<hbm>>
    tpu.wait_indirect_dma semaphore(%arg11 : memref<!tpu.dma_semaphore, #tpu.memory_space<semaphore_mem>>) src(%dma_wait3A_952 : memref<320000x128xf32, #tpu.memory_space<hbm>>) dst(%dma_wait3A_947 : memref<128x128xf32, #tpu.memory_space<vmem>>)
    %dma_wait3A_953 = arith.constant 0 : i32
    %dma_wait3A_954 = arith.constant 0 : i32
    %dma_wait3A_955 = tpu.memref_slice %arg6[%dma_wait3A_953, %dma_wait3A_954] : memref<312x128xf32, #tpu.memory_space<vmem>> -> memref<128x128xf32, #tpu.memory_space<vmem>>
    %dma_wait3A_956 = arith.constant 6552 : i32
    %dma_wait3A_957 = tpu.memref_slice %arg7[%dma_wait3A_956] : memref<9984xi32, #tpu.memory_space<vmem>> -> memref<128xi32, #tpu.memory_space<vmem>>
    %dma_wait3A_958 = arith.constant 0 : i32
    %dma_wait3A_959 = arith.constant 0 : i32
    %dma_wait3A_960 = tpu.memref_slice %arg3[%dma_wait3A_958, %dma_wait3A_959] : memref<320000x128xf32, #tpu.memory_space<hbm>> -> memref<320000x128xf32, #tpu.memory_space<hbm>>
    tpu.wait_indirect_dma semaphore(%arg11 : memref<!tpu.dma_semaphore, #tpu.memory_space<semaphore_mem>>) src(%dma_wait3A_960 : memref<320000x128xf32, #tpu.memory_space<hbm>>) dst(%dma_wait3A_955 : memref<128x128xf32, #tpu.memory_space<vmem>>)
    %dma_wait3A_961 = arith.constant 0 : i32
    %dma_wait3A_962 = arith.constant 0 : i32
    %dma_wait3A_963 = tpu.memref_slice %arg6[%dma_wait3A_961, %dma_wait3A_962] : memref<312x128xf32, #tpu.memory_space<vmem>> -> memref<128x128xf32, #tpu.memory_space<vmem>>
    %dma_wait3A_964 = arith.constant 6864 : i32
    %dma_wait3A_965 = tpu.memref_slice %arg7[%dma_wait3A_964] : memref<9984xi32, #tpu.memory_space<vmem>> -> memref<128xi32, #tpu.memory_space<vmem>>
    %dma_wait3A_966 = arith.constant 0 : i32
    %dma_wait3A_967 = arith.constant 0 : i32
    %dma_wait3A_968 = tpu.memref_slice %arg3[%dma_wait3A_966, %dma_wait3A_967] : memref<320000x128xf32, #tpu.memory_space<hbm>> -> memref<320000x128xf32, #tpu.memory_space<hbm>>
    tpu.wait_indirect_dma semaphore(%arg11 : memref<!tpu.dma_semaphore, #tpu.memory_space<semaphore_mem>>) src(%dma_wait3A_968 : memref<320000x128xf32, #tpu.memory_space<hbm>>) dst(%dma_wait3A_963 : memref<128x128xf32, #tpu.memory_space<vmem>>)
    %dma_wait3A_969 = arith.constant 0 : i32
    %dma_wait3A_970 = arith.constant 0 : i32
    %dma_wait3A_971 = tpu.memref_slice %arg6[%dma_wait3A_969, %dma_wait3A_970] : memref<312x128xf32, #tpu.memory_space<vmem>> -> memref<128x128xf32, #tpu.memory_space<vmem>>
    %dma_wait3A_972 = arith.constant 7176 : i32
    %dma_wait3A_973 = tpu.memref_slice %arg7[%dma_wait3A_972] : memref<9984xi32, #tpu.memory_space<vmem>> -> memref<128xi32, #tpu.memory_space<vmem>>
    %dma_wait3A_974 = arith.constant 0 : i32
    %dma_wait3A_975 = arith.constant 0 : i32
    %dma_wait3A_976 = tpu.memref_slice %arg3[%dma_wait3A_974, %dma_wait3A_975] : memref<320000x128xf32, #tpu.memory_space<hbm>> -> memref<320000x128xf32, #tpu.memory_space<hbm>>
    tpu.wait_indirect_dma semaphore(%arg11 : memref<!tpu.dma_semaphore, #tpu.memory_space<semaphore_mem>>) src(%dma_wait3A_976 : memref<320000x128xf32, #tpu.memory_space<hbm>>) dst(%dma_wait3A_971 : memref<128x128xf32, #tpu.memory_space<vmem>>)
    %dma_wait3A_977 = arith.constant 0 : i32
    %dma_wait3A_978 = arith.constant 0 : i32
    %dma_wait3A_979 = tpu.memref_slice %arg6[%dma_wait3A_977, %dma_wait3A_978] : memref<312x128xf32, #tpu.memory_space<vmem>> -> memref<128x128xf32, #tpu.memory_space<vmem>>
    %dma_wait3A_980 = arith.constant 7488 : i32
    %dma_wait3A_981 = tpu.memref_slice %arg7[%dma_wait3A_980] : memref<9984xi32, #tpu.memory_space<vmem>> -> memref<128xi32, #tpu.memory_space<vmem>>
    %dma_wait3A_982 = arith.constant 0 : i32
    %dma_wait3A_983 = arith.constant 0 : i32
    %dma_wait3A_984 = tpu.memref_slice %arg3[%dma_wait3A_982, %dma_wait3A_983] : memref<320000x128xf32, #tpu.memory_space<hbm>> -> memref<320000x128xf32, #tpu.memory_space<hbm>>
    tpu.wait_indirect_dma semaphore(%arg11 : memref<!tpu.dma_semaphore, #tpu.memory_space<semaphore_mem>>) src(%dma_wait3A_984 : memref<320000x128xf32, #tpu.memory_space<hbm>>) dst(%dma_wait3A_979 : memref<128x128xf32, #tpu.memory_space<vmem>>)
    %dma_wait3A_985 = arith.constant 0 : i32
    %dma_wait3A_986 = arith.constant 0 : i32
    %dma_wait3A_987 = tpu.memref_slice %arg6[%dma_wait3A_985, %dma_wait3A_986] : memref<312x128xf32, #tpu.memory_space<vmem>> -> memref<128x128xf32, #tpu.memory_space<vmem>>
    %dma_wait3A_988 = arith.constant 7800 : i32
    %dma_wait3A_989 = tpu.memref_slice %arg7[%dma_wait3A_988] : memref<9984xi32, #tpu.memory_space<vmem>> -> memref<128xi32, #tpu.memory_space<vmem>>
    %dma_wait3A_990 = arith.constant 0 : i32
    %dma_wait3A_991 = arith.constant 0 : i32
    %dma_wait3A_992 = tpu.memref_slice %arg3[%dma_wait3A_990, %dma_wait3A_991] : memref<320000x128xf32, #tpu.memory_space<hbm>> -> memref<320000x128xf32, #tpu.memory_space<hbm>>
    tpu.wait_indirect_dma semaphore(%arg11 : memref<!tpu.dma_semaphore, #tpu.memory_space<semaphore_mem>>) src(%dma_wait3A_992 : memref<320000x128xf32, #tpu.memory_space<hbm>>) dst(%dma_wait3A_987 : memref<128x128xf32, #tpu.memory_space<vmem>>)
    %dma_wait3A_993 = arith.constant 0 : i32
    %dma_wait3A_994 = arith.constant 0 : i32
    %dma_wait3A_995 = tpu.memref_slice %arg6[%dma_wait3A_993, %dma_wait3A_994] : memref<312x128xf32, #tpu.memory_space<vmem>> -> memref<128x128xf32, #tpu.memory_space<vmem>>
    %dma_wait3A_996 = arith.constant 8112 : i32
    %dma_wait3A_997 = tpu.memref_slice %arg7[%dma_wait3A_996] : memref<9984xi32, #tpu.memory_space<vmem>> -> memref<128xi32, #tpu.memory_space<vmem>>
    %dma_wait3A_998 = arith.constant 0 : i32
    %dma_wait3A_999 = arith.constant 0 : i32
    %dma_wait3A_1000 = tpu.memref_slice %arg3[%dma_wait3A_998, %dma_wait3A_999] : memref<320000x128xf32, #tpu.memory_space<hbm>> -> memref<320000x128xf32, #tpu.memory_space<hbm>>
    tpu.wait_indirect_dma semaphore(%arg11 : memref<!tpu.dma_semaphore, #tpu.memory_space<semaphore_mem>>) src(%dma_wait3A_1000 : memref<320000x128xf32, #tpu.memory_space<hbm>>) dst(%dma_wait3A_995 : memref<128x128xf32, #tpu.memory_space<vmem>>)
    %dma_wait3A_1001 = arith.constant 0 : i32
    %dma_wait3A_1002 = arith.constant 0 : i32
    %dma_wait3A_1003 = tpu.memref_slice %arg6[%dma_wait3A_1001, %dma_wait3A_1002] : memref<312x128xf32, #tpu.memory_space<vmem>> -> memref<128x128xf32, #tpu.memory_space<vmem>>
    %dma_wait3A_1004 = arith.constant 8424 : i32
    %dma_wait3A_1005 = tpu.memref_slice %arg7[%dma_wait3A_1004] : memref<9984xi32, #tpu.memory_space<vmem>> -> memref<128xi32, #tpu.memory_space<vmem>>
    %dma_wait3A_1006 = arith.constant 0 : i32
    %dma_wait3A_1007 = arith.constant 0 : i32
    %dma_wait3A_1008 = tpu.memref_slice %arg3[%dma_wait3A_1006, %dma_wait3A_1007] : memref<320000x128xf32, #tpu.memory_space<hbm>> -> memref<320000x128xf32, #tpu.memory_space<hbm>>
    tpu.wait_indirect_dma semaphore(%arg11 : memref<!tpu.dma_semaphore, #tpu.memory_space<semaphore_mem>>) src(%dma_wait3A_1008 : memref<320000x128xf32, #tpu.memory_space<hbm>>) dst(%dma_wait3A_1003 : memref<128x128xf32, #tpu.memory_space<vmem>>)
    %dma_wait3A_1009 = arith.constant 0 : i32
    %dma_wait3A_1010 = arith.constant 0 : i32
    %dma_wait3A_1011 = tpu.memref_slice %arg6[%dma_wait3A_1009, %dma_wait3A_1010] : memref<312x128xf32, #tpu.memory_space<vmem>> -> memref<128x128xf32, #tpu.memory_space<vmem>>
    %dma_wait3A_1012 = arith.constant 8736 : i32
    %dma_wait3A_1013 = tpu.memref_slice %arg7[%dma_wait3A_1012] : memref<9984xi32, #tpu.memory_space<vmem>> -> memref<128xi32, #tpu.memory_space<vmem>>
    %dma_wait3A_1014 = arith.constant 0 : i32
    %dma_wait3A_1015 = arith.constant 0 : i32
    %dma_wait3A_1016 = tpu.memref_slice %arg3[%dma_wait3A_1014, %dma_wait3A_1015] : memref<320000x128xf32, #tpu.memory_space<hbm>> -> memref<320000x128xf32, #tpu.memory_space<hbm>>
    tpu.wait_indirect_dma semaphore(%arg11 : memref<!tpu.dma_semaphore, #tpu.memory_space<semaphore_mem>>) src(%dma_wait3A_1016 : memref<320000x128xf32, #tpu.memory_space<hbm>>) dst(%dma_wait3A_1011 : memref<128x128xf32, #tpu.memory_space<vmem>>)
    %dma_wait3A_1017 = arith.constant 0 : i32
    %dma_wait3A_1018 = arith.constant 0 : i32
    %dma_wait3A_1019 = tpu.memref_slice %arg6[%dma_wait3A_1017, %dma_wait3A_1018] : memref<312x128xf32, #tpu.memory_space<vmem>> -> memref<128x128xf32, #tpu.memory_space<vmem>>
    %dma_wait3A_1020 = arith.constant 9048 : i32
    %dma_wait3A_1021 = tpu.memref_slice %arg7[%dma_wait3A_1020] : memref<9984xi32, #tpu.memory_space<vmem>> -> memref<128xi32, #tpu.memory_space<vmem>>
    %dma_wait3A_1022 = arith.constant 0 : i32
    %dma_wait3A_1023 = arith.constant 0 : i32
    %dma_wait3A_1024 = tpu.memref_slice %arg3[%dma_wait3A_1022, %dma_wait3A_1023] : memref<320000x128xf32, #tpu.memory_space<hbm>> -> memref<320000x128xf32, #tpu.memory_space<hbm>>
    tpu.wait_indirect_dma semaphore(%arg11 : memref<!tpu.dma_semaphore, #tpu.memory_space<semaphore_mem>>) src(%dma_wait3A_1024 : memref<320000x128xf32, #tpu.memory_space<hbm>>) dst(%dma_wait3A_1019 : memref<128x128xf32, #tpu.memory_space<vmem>>)
    %dma_wait3A_1025 = arith.constant 0 : i32
    %dma_wait3A_1026 = arith.constant 0 : i32
    %dma_wait3A_1027 = tpu.memref_slice %arg6[%dma_wait3A_1025, %dma_wait3A_1026] : memref<312x128xf32, #tpu.memory_space<vmem>> -> memref<128x128xf32, #tpu.memory_space<vmem>>
    %dma_wait3A_1028 = arith.constant 9360 : i32
    %dma_wait3A_1029 = tpu.memref_slice %arg7[%dma_wait3A_1028] : memref<9984xi32, #tpu.memory_space<vmem>> -> memref<128xi32, #tpu.memory_space<vmem>>
    %dma_wait3A_1030 = arith.constant 0 : i32
    %dma_wait3A_1031 = arith.constant 0 : i32
    %dma_wait3A_1032 = tpu.memref_slice %arg3[%dma_wait3A_1030, %dma_wait3A_1031] : memref<320000x128xf32, #tpu.memory_space<hbm>> -> memref<320000x128xf32, #tpu.memory_space<hbm>>
    tpu.wait_indirect_dma semaphore(%arg11 : memref<!tpu.dma_semaphore, #tpu.memory_space<semaphore_mem>>) src(%dma_wait3A_1032 : memref<320000x128xf32, #tpu.memory_space<hbm>>) dst(%dma_wait3A_1027 : memref<128x128xf32, #tpu.memory_space<vmem>>)
    %dma_wait3A_1033 = arith.constant 0 : i32
    %dma_wait3A_1034 = arith.constant 0 : i32
    %dma_wait3A_1035 = tpu.memref_slice %arg6[%dma_wait3A_1033, %dma_wait3A_1034] : memref<312x128xf32, #tpu.memory_space<vmem>> -> memref<128x128xf32, #tpu.memory_space<vmem>>
    %dma_wait3A_1036 = arith.constant 9672 : i32
    %dma_wait3A_1037 = tpu.memref_slice %arg7[%dma_wait3A_1036] : memref<9984xi32, #tpu.memory_space<vmem>> -> memref<128xi32, #tpu.memory_space<vmem>>
    %dma_wait3A_1038 = arith.constant 0 : i32
    %dma_wait3A_1039 = arith.constant 0 : i32
    %dma_wait3A_1040 = tpu.memref_slice %arg3[%dma_wait3A_1038, %dma_wait3A_1039] : memref<320000x128xf32, #tpu.memory_space<hbm>> -> memref<320000x128xf32, #tpu.memory_space<hbm>>
    tpu.wait_indirect_dma semaphore(%arg11 : memref<!tpu.dma_semaphore, #tpu.memory_space<semaphore_mem>>) src(%dma_wait3A_1040 : memref<320000x128xf32, #tpu.memory_space<hbm>>) dst(%dma_wait3A_1035 : memref<128x128xf32, #tpu.memory_space<vmem>>)
    %add3A_1041 = arith.constant 0 : i32
    %add3A_1042 = arith.addi %mul3A_2, %add3A_1041 : i32
    %dma_start3A_1043 = arith.constant 0 : i32
    %dma_start3A_1044 = arith.constant 0 : i32
    %dma_start3A_1045 = tpu.memref_slice %arg6[%dma_start3A_1043, %dma_start3A_1044] : memref<312x128xf32, #tpu.memory_space<vmem>> -> memref<128x128xf32, #tpu.memory_space<vmem>>
    %dma_start3A_1046 = arith.constant 0 : i32
    %dma_start3A_1047 = tpu.memref_slice %arg5[%add3A_1042, %dma_start3A_1046] : memref<10000x128xf32, #tpu.memory_space<hbm>> -> memref<128x128xf32, #tpu.memory_space<hbm>>
    %dma_start3A_1048 = arith.constant 0 : i32
    %dma_start3A_1049 = tpu.memref_slice %arg5[%add3A_1042, %dma_start3A_1048] : memref<10000x128xf32, #tpu.memory_space<hbm>> -> memref<128x128xf32, #tpu.memory_space<hbm>>
    %dma_start3A_1050 = arith.constant 0 : i32
    %dma_start3A_1051 = arith.constant 0 : i32
    %dma_start3A_1052 = tpu.memref_slice %arg6[%dma_start3A_1050, %dma_start3A_1051] : memref<312x128xf32, #tpu.memory_space<vmem>> -> memref<128x128xf32, #tpu.memory_space<vmem>>
    tpu.enqueue_dma source(%dma_start3A_1052 : memref<128x128xf32, #tpu.memory_space<vmem>>) target(%dma_start3A_1049 : memref<128x128xf32, #tpu.memory_space<hbm>>) target_semaphore(%arg10 : memref<!tpu.dma_semaphore, #tpu.memory_space<semaphore_mem>>)
    %dma_wait3A_1053 = arith.constant 128 : i32
    %dma_wait3A_1054 = arith.constant 0 : i32
    %dma_wait3A_1055 = tpu.memref_slice %arg6[%dma_wait3A_1053, %dma_wait3A_1054] : memref<312x128xf32, #tpu.memory_space<vmem>> -> memref<128x128xf32, #tpu.memory_space<vmem>>
    %dma_wait3A_1056 = arith.constant 128 : i32
    %dma_wait3A_1057 = tpu.memref_slice %arg7[%dma_wait3A_1056] : memref<9984xi32, #tpu.memory_space<vmem>> -> memref<128xi32, #tpu.memory_space<vmem>>
    %dma_wait3A_1058 = arith.constant 0 : i32
    %dma_wait3A_1059 = arith.constant 0 : i32
    %dma_wait3A_1060 = tpu.memref_slice %arg3[%dma_wait3A_1058, %dma_wait3A_1059] : memref<320000x128xf32, #tpu.memory_space<hbm>> -> memref<320000x128xf32, #tpu.memory_space<hbm>>
    tpu.wait_indirect_dma semaphore(%arg12 : memref<!tpu.dma_semaphore, #tpu.memory_space<semaphore_mem>>) src(%dma_wait3A_1060 : memref<320000x128xf32, #tpu.memory_space<hbm>>) dst(%dma_wait3A_1055 : memref<128x128xf32, #tpu.memory_space<vmem>>)
    %dma_wait3A_1061 = arith.constant 128 : i32
    %dma_wait3A_1062 = arith.constant 0 : i32
    %dma_wait3A_1063 = tpu.memref_slice %arg6[%dma_wait3A_1061, %dma_wait3A_1062] : memref<312x128xf32, #tpu.memory_space<vmem>> -> memref<128x128xf32, #tpu.memory_space<vmem>>
    %dma_wait3A_1064 = arith.constant 440 : i32
    %dma_wait3A_1065 = tpu.memref_slice %arg7[%dma_wait3A_1064] : memref<9984xi32, #tpu.memory_space<vmem>> -> memref<128xi32, #tpu.memory_space<vmem>>
    %dma_wait3A_1066 = arith.constant 0 : i32
    %dma_wait3A_1067 = arith.constant 0 : i32
    %dma_wait3A_1068 = tpu.memref_slice %arg3[%dma_wait3A_1066, %dma_wait3A_1067] : memref<320000x128xf32, #tpu.memory_space<hbm>> -> memref<320000x128xf32, #tpu.memory_space<hbm>>
    tpu.wait_indirect_dma semaphore(%arg12 : memref<!tpu.dma_semaphore, #tpu.memory_space<semaphore_mem>>) src(%dma_wait3A_1068 : memref<320000x128xf32, #tpu.memory_space<hbm>>) dst(%dma_wait3A_1063 : memref<128x128xf32, #tpu.memory_space<vmem>>)
    %dma_wait3A_1069 = arith.constant 128 : i32
    %dma_wait3A_1070 = arith.constant 0 : i32
    %dma_wait3A_1071 = tpu.memref_slice %arg6[%dma_wait3A_1069, %dma_wait3A_1070] : memref<312x128xf32, #tpu.memory_space<vmem>> -> memref<128x128xf32, #tpu.memory_space<vmem>>
    %dma_wait3A_1072 = arith.constant 752 : i32
    %dma_wait3A_1073 = tpu.memref_slice %arg7[%dma_wait3A_1072] : memref<9984xi32, #tpu.memory_space<vmem>> -> memref<128xi32, #tpu.memory_space<vmem>>
    %dma_wait3A_1074 = arith.constant 0 : i32
    %dma_wait3A_1075 = arith.constant 0 : i32
    %dma_wait3A_1076 = tpu.memref_slice %arg3[%dma_wait3A_1074, %dma_wait3A_1075] : memref<320000x128xf32, #tpu.memory_space<hbm>> -> memref<320000x128xf32, #tpu.memory_space<hbm>>
    tpu.wait_indirect_dma semaphore(%arg12 : memref<!tpu.dma_semaphore, #tpu.memory_space<semaphore_mem>>) src(%dma_wait3A_1076 : memref<320000x128xf32, #tpu.memory_space<hbm>>) dst(%dma_wait3A_1071 : memref<128x128xf32, #tpu.memory_space<vmem>>)
    %dma_wait3A_1077 = arith.constant 128 : i32
    %dma_wait3A_1078 = arith.constant 0 : i32
    %dma_wait3A_1079 = tpu.memref_slice %arg6[%dma_wait3A_1077, %dma_wait3A_1078] : memref<312x128xf32, #tpu.memory_space<vmem>> -> memref<128x128xf32, #tpu.memory_space<vmem>>
    %dma_wait3A_1080 = arith.constant 1064 : i32
    %dma_wait3A_1081 = tpu.memref_slice %arg7[%dma_wait3A_1080] : memref<9984xi32, #tpu.memory_space<vmem>> -> memref<128xi32, #tpu.memory_space<vmem>>
    %dma_wait3A_1082 = arith.constant 0 : i32
    %dma_wait3A_1083 = arith.constant 0 : i32
    %dma_wait3A_1084 = tpu.memref_slice %arg3[%dma_wait3A_1082, %dma_wait3A_1083] : memref<320000x128xf32, #tpu.memory_space<hbm>> -> memref<320000x128xf32, #tpu.memory_space<hbm>>
    tpu.wait_indirect_dma semaphore(%arg12 : memref<!tpu.dma_semaphore, #tpu.memory_space<semaphore_mem>>) src(%dma_wait3A_1084 : memref<320000x128xf32, #tpu.memory_space<hbm>>) dst(%dma_wait3A_1079 : memref<128x128xf32, #tpu.memory_space<vmem>>)
    %dma_wait3A_1085 = arith.constant 128 : i32
    %dma_wait3A_1086 = arith.constant 0 : i32
    %dma_wait3A_1087 = tpu.memref_slice %arg6[%dma_wait3A_1085, %dma_wait3A_1086] : memref<312x128xf32, #tpu.memory_space<vmem>> -> memref<128x128xf32, #tpu.memory_space<vmem>>
    %dma_wait3A_1088 = arith.constant 1376 : i32
    %dma_wait3A_1089 = tpu.memref_slice %arg7[%dma_wait3A_1088] : memref<9984xi32, #tpu.memory_space<vmem>> -> memref<128xi32, #tpu.memory_space<vmem>>
    %dma_wait3A_1090 = arith.constant 0 : i32
    %dma_wait3A_1091 = arith.constant 0 : i32
    %dma_wait3A_1092 = tpu.memref_slice %arg3[%dma_wait3A_1090, %dma_wait3A_1091] : memref<320000x128xf32, #tpu.memory_space<hbm>> -> memref<320000x128xf32, #tpu.memory_space<hbm>>
    tpu.wait_indirect_dma semaphore(%arg12 : memref<!tpu.dma_semaphore, #tpu.memory_space<semaphore_mem>>) src(%dma_wait3A_1092 : memref<320000x128xf32, #tpu.memory_space<hbm>>) dst(%dma_wait3A_1087 : memref<128x128xf32, #tpu.memory_space<vmem>>)
    %dma_wait3A_1093 = arith.constant 128 : i32
    %dma_wait3A_1094 = arith.constant 0 : i32
    %dma_wait3A_1095 = tpu.memref_slice %arg6[%dma_wait3A_1093, %dma_wait3A_1094] : memref<312x128xf32, #tpu.memory_space<vmem>> -> memref<128x128xf32, #tpu.memory_space<vmem>>
    %dma_wait3A_1096 = arith.constant 1688 : i32
    %dma_wait3A_1097 = tpu.memref_slice %arg7[%dma_wait3A_1096] : memref<9984xi32, #tpu.memory_space<vmem>> -> memref<128xi32, #tpu.memory_space<vmem>>
    %dma_wait3A_1098 = arith.constant 0 : i32
    %dma_wait3A_1099 = arith.constant 0 : i32
    %dma_wait3A_1100 = tpu.memref_slice %arg3[%dma_wait3A_1098, %dma_wait3A_1099] : memref<320000x128xf32, #tpu.memory_space<hbm>> -> memref<320000x128xf32, #tpu.memory_space<hbm>>
    tpu.wait_indirect_dma semaphore(%arg12 : memref<!tpu.dma_semaphore, #tpu.memory_space<semaphore_mem>>) src(%dma_wait3A_1100 : memref<320000x128xf32, #tpu.memory_space<hbm>>) dst(%dma_wait3A_1095 : memref<128x128xf32, #tpu.memory_space<vmem>>)
    %dma_wait3A_1101 = arith.constant 128 : i32
    %dma_wait3A_1102 = arith.constant 0 : i32
    %dma_wait3A_1103 = tpu.memref_slice %arg6[%dma_wait3A_1101, %dma_wait3A_1102] : memref<312x128xf32, #tpu.memory_space<vmem>> -> memref<128x128xf32, #tpu.memory_space<vmem>>
    %dma_wait3A_1104 = arith.constant 2000 : i32
    %dma_wait3A_1105 = tpu.memref_slice %arg7[%dma_wait3A_1104] : memref<9984xi32, #tpu.memory_space<vmem>> -> memref<128xi32, #tpu.memory_space<vmem>>
    %dma_wait3A_1106 = arith.constant 0 : i32
    %dma_wait3A_1107 = arith.constant 0 : i32
    %dma_wait3A_1108 = tpu.memref_slice %arg3[%dma_wait3A_1106, %dma_wait3A_1107] : memref<320000x128xf32, #tpu.memory_space<hbm>> -> memref<320000x128xf32, #tpu.memory_space<hbm>>
    tpu.wait_indirect_dma semaphore(%arg12 : memref<!tpu.dma_semaphore, #tpu.memory_space<semaphore_mem>>) src(%dma_wait3A_1108 : memref<320000x128xf32, #tpu.memory_space<hbm>>) dst(%dma_wait3A_1103 : memref<128x128xf32, #tpu.memory_space<vmem>>)
    %dma_wait3A_1109 = arith.constant 128 : i32
    %dma_wait3A_1110 = arith.constant 0 : i32
    %dma_wait3A_1111 = tpu.memref_slice %arg6[%dma_wait3A_1109, %dma_wait3A_1110] : memref<312x128xf32, #tpu.memory_space<vmem>> -> memref<128x128xf32, #tpu.memory_space<vmem>>
    %dma_wait3A_1112 = arith.constant 2312 : i32
    %dma_wait3A_1113 = tpu.memref_slice %arg7[%dma_wait3A_1112] : memref<9984xi32, #tpu.memory_space<vmem>> -> memref<128xi32, #tpu.memory_space<vmem>>
    %dma_wait3A_1114 = arith.constant 0 : i32
    %dma_wait3A_1115 = arith.constant 0 : i32
    %dma_wait3A_1116 = tpu.memref_slice %arg3[%dma_wait3A_1114, %dma_wait3A_1115] : memref<320000x128xf32, #tpu.memory_space<hbm>> -> memref<320000x128xf32, #tpu.memory_space<hbm>>
    tpu.wait_indirect_dma semaphore(%arg12 : memref<!tpu.dma_semaphore, #tpu.memory_space<semaphore_mem>>) src(%dma_wait3A_1116 : memref<320000x128xf32, #tpu.memory_space<hbm>>) dst(%dma_wait3A_1111 : memref<128x128xf32, #tpu.memory_space<vmem>>)
    %dma_wait3A_1117 = arith.constant 128 : i32
    %dma_wait3A_1118 = arith.constant 0 : i32
    %dma_wait3A_1119 = tpu.memref_slice %arg6[%dma_wait3A_1117, %dma_wait3A_1118] : memref<312x128xf32, #tpu.memory_space<vmem>> -> memref<128x128xf32, #tpu.memory_space<vmem>>
    %dma_wait3A_1120 = arith.constant 2624 : i32
    %dma_wait3A_1121 = tpu.memref_slice %arg7[%dma_wait3A_1120] : memref<9984xi32, #tpu.memory_space<vmem>> -> memref<128xi32, #tpu.memory_space<vmem>>
    %dma_wait3A_1122 = arith.constant 0 : i32
    %dma_wait3A_1123 = arith.constant 0 : i32
    %dma_wait3A_1124 = tpu.memref_slice %arg3[%dma_wait3A_1122, %dma_wait3A_1123] : memref<320000x128xf32, #tpu.memory_space<hbm>> -> memref<320000x128xf32, #tpu.memory_space<hbm>>
    tpu.wait_indirect_dma semaphore(%arg12 : memref<!tpu.dma_semaphore, #tpu.memory_space<semaphore_mem>>) src(%dma_wait3A_1124 : memref<320000x128xf32, #tpu.memory_space<hbm>>) dst(%dma_wait3A_1119 : memref<128x128xf32, #tpu.memory_space<vmem>>)
    %dma_wait3A_1125 = arith.constant 128 : i32
    %dma_wait3A_1126 = arith.constant 0 : i32
    %dma_wait3A_1127 = tpu.memref_slice %arg6[%dma_wait3A_1125, %dma_wait3A_1126] : memref<312x128xf32, #tpu.memory_space<vmem>> -> memref<128x128xf32, #tpu.memory_space<vmem>>
    %dma_wait3A_1128 = arith.constant 2936 : i32
    %dma_wait3A_1129 = tpu.memref_slice %arg7[%dma_wait3A_1128] : memref<9984xi32, #tpu.memory_space<vmem>> -> memref<128xi32, #tpu.memory_space<vmem>>
    %dma_wait3A_1130 = arith.constant 0 : i32
    %dma_wait3A_1131 = arith.constant 0 : i32
    %dma_wait3A_1132 = tpu.memref_slice %arg3[%dma_wait3A_1130, %dma_wait3A_1131] : memref<320000x128xf32, #tpu.memory_space<hbm>> -> memref<320000x128xf32, #tpu.memory_space<hbm>>
    tpu.wait_indirect_dma semaphore(%arg12 : memref<!tpu.dma_semaphore, #tpu.memory_space<semaphore_mem>>) src(%dma_wait3A_1132 : memref<320000x128xf32, #tpu.memory_space<hbm>>) dst(%dma_wait3A_1127 : memref<128x128xf32, #tpu.memory_space<vmem>>)
    %dma_wait3A_1133 = arith.constant 128 : i32
    %dma_wait3A_1134 = arith.constant 0 : i32
    %dma_wait3A_1135 = tpu.memref_slice %arg6[%dma_wait3A_1133, %dma_wait3A_1134] : memref<312x128xf32, #tpu.memory_space<vmem>> -> memref<128x128xf32, #tpu.memory_space<vmem>>
    %dma_wait3A_1136 = arith.constant 3248 : i32
    %dma_wait3A_1137 = tpu.memref_slice %arg7[%dma_wait3A_1136] : memref<9984xi32, #tpu.memory_space<vmem>> -> memref<128xi32, #tpu.memory_space<vmem>>
    %dma_wait3A_1138 = arith.constant 0 : i32
    %dma_wait3A_1139 = arith.constant 0 : i32
    %dma_wait3A_1140 = tpu.memref_slice %arg3[%dma_wait3A_1138, %dma_wait3A_1139] : memref<320000x128xf32, #tpu.memory_space<hbm>> -> memref<320000x128xf32, #tpu.memory_space<hbm>>
    tpu.wait_indirect_dma semaphore(%arg12 : memref<!tpu.dma_semaphore, #tpu.memory_space<semaphore_mem>>) src(%dma_wait3A_1140 : memref<320000x128xf32, #tpu.memory_space<hbm>>) dst(%dma_wait3A_1135 : memref<128x128xf32, #tpu.memory_space<vmem>>)
    %dma_wait3A_1141 = arith.constant 128 : i32
    %dma_wait3A_1142 = arith.constant 0 : i32
    %dma_wait3A_1143 = tpu.memref_slice %arg6[%dma_wait3A_1141, %dma_wait3A_1142] : memref<312x128xf32, #tpu.memory_space<vmem>> -> memref<128x128xf32, #tpu.memory_space<vmem>>
    %dma_wait3A_1144 = arith.constant 3560 : i32
    %dma_wait3A_1145 = tpu.memref_slice %arg7[%dma_wait3A_1144] : memref<9984xi32, #tpu.memory_space<vmem>> -> memref<128xi32, #tpu.memory_space<vmem>>
    %dma_wait3A_1146 = arith.constant 0 : i32
    %dma_wait3A_1147 = arith.constant 0 : i32
    %dma_wait3A_1148 = tpu.memref_slice %arg3[%dma_wait3A_1146, %dma_wait3A_1147] : memref<320000x128xf32, #tpu.memory_space<hbm>> -> memref<320000x128xf32, #tpu.memory_space<hbm>>
    tpu.wait_indirect_dma semaphore(%arg12 : memref<!tpu.dma_semaphore, #tpu.memory_space<semaphore_mem>>) src(%dma_wait3A_1148 : memref<320000x128xf32, #tpu.memory_space<hbm>>) dst(%dma_wait3A_1143 : memref<128x128xf32, #tpu.memory_space<vmem>>)
    %dma_wait3A_1149 = arith.constant 128 : i32
    %dma_wait3A_1150 = arith.constant 0 : i32
    %dma_wait3A_1151 = tpu.memref_slice %arg6[%dma_wait3A_1149, %dma_wait3A_1150] : memref<312x128xf32, #tpu.memory_space<vmem>> -> memref<128x128xf32, #tpu.memory_space<vmem>>
    %dma_wait3A_1152 = arith.constant 3872 : i32
    %dma_wait3A_1153 = tpu.memref_slice %arg7[%dma_wait3A_1152] : memref<9984xi32, #tpu.memory_space<vmem>> -> memref<128xi32, #tpu.memory_space<vmem>>
    %dma_wait3A_1154 = arith.constant 0 : i32
    %dma_wait3A_1155 = arith.constant 0 : i32
    %dma_wait3A_1156 = tpu.memref_slice %arg3[%dma_wait3A_1154, %dma_wait3A_1155] : memref<320000x128xf32, #tpu.memory_space<hbm>> -> memref<320000x128xf32, #tpu.memory_space<hbm>>
    tpu.wait_indirect_dma semaphore(%arg12 : memref<!tpu.dma_semaphore, #tpu.memory_space<semaphore_mem>>) src(%dma_wait3A_1156 : memref<320000x128xf32, #tpu.memory_space<hbm>>) dst(%dma_wait3A_1151 : memref<128x128xf32, #tpu.memory_space<vmem>>)
    %dma_wait3A_1157 = arith.constant 128 : i32
    %dma_wait3A_1158 = arith.constant 0 : i32
    %dma_wait3A_1159 = tpu.memref_slice %arg6[%dma_wait3A_1157, %dma_wait3A_1158] : memref<312x128xf32, #tpu.memory_space<vmem>> -> memref<128x128xf32, #tpu.memory_space<vmem>>
    %dma_wait3A_1160 = arith.constant 4184 : i32
    %dma_wait3A_1161 = tpu.memref_slice %arg7[%dma_wait3A_1160] : memref<9984xi32, #tpu.memory_space<vmem>> -> memref<128xi32, #tpu.memory_space<vmem>>
    %dma_wait3A_1162 = arith.constant 0 : i32
    %dma_wait3A_1163 = arith.constant 0 : i32
    %dma_wait3A_1164 = tpu.memref_slice %arg3[%dma_wait3A_1162, %dma_wait3A_1163] : memref<320000x128xf32, #tpu.memory_space<hbm>> -> memref<320000x128xf32, #tpu.memory_space<hbm>>
    tpu.wait_indirect_dma semaphore(%arg12 : memref<!tpu.dma_semaphore, #tpu.memory_space<semaphore_mem>>) src(%dma_wait3A_1164 : memref<320000x128xf32, #tpu.memory_space<hbm>>) dst(%dma_wait3A_1159 : memref<128x128xf32, #tpu.memory_space<vmem>>)
    %dma_wait3A_1165 = arith.constant 128 : i32
    %dma_wait3A_1166 = arith.constant 0 : i32
    %dma_wait3A_1167 = tpu.memref_slice %arg6[%dma_wait3A_1165, %dma_wait3A_1166] : memref<312x128xf32, #tpu.memory_space<vmem>> -> memref<128x128xf32, #tpu.memory_space<vmem>>
    %dma_wait3A_1168 = arith.constant 4496 : i32
    %dma_wait3A_1169 = tpu.memref_slice %arg7[%dma_wait3A_1168] : memref<9984xi32, #tpu.memory_space<vmem>> -> memref<128xi32, #tpu.memory_space<vmem>>
    %dma_wait3A_1170 = arith.constant 0 : i32
    %dma_wait3A_1171 = arith.constant 0 : i32
    %dma_wait3A_1172 = tpu.memref_slice %arg3[%dma_wait3A_1170, %dma_wait3A_1171] : memref<320000x128xf32, #tpu.memory_space<hbm>> -> memref<320000x128xf32, #tpu.memory_space<hbm>>
    tpu.wait_indirect_dma semaphore(%arg12 : memref<!tpu.dma_semaphore, #tpu.memory_space<semaphore_mem>>) src(%dma_wait3A_1172 : memref<320000x128xf32, #tpu.memory_space<hbm>>) dst(%dma_wait3A_1167 : memref<128x128xf32, #tpu.memory_space<vmem>>)
    %dma_wait3A_1173 = arith.constant 128 : i32
    %dma_wait3A_1174 = arith.constant 0 : i32
    %dma_wait3A_1175 = tpu.memref_slice %arg6[%dma_wait3A_1173, %dma_wait3A_1174] : memref<312x128xf32, #tpu.memory_space<vmem>> -> memref<128x128xf32, #tpu.memory_space<vmem>>
    %dma_wait3A_1176 = arith.constant 4808 : i32
    %dma_wait3A_1177 = tpu.memref_slice %arg7[%dma_wait3A_1176] : memref<9984xi32, #tpu.memory_space<vmem>> -> memref<128xi32, #tpu.memory_space<vmem>>
    %dma_wait3A_1178 = arith.constant 0 : i32
    %dma_wait3A_1179 = arith.constant 0 : i32
    %dma_wait3A_1180 = tpu.memref_slice %arg3[%dma_wait3A_1178, %dma_wait3A_1179] : memref<320000x128xf32, #tpu.memory_space<hbm>> -> memref<320000x128xf32, #tpu.memory_space<hbm>>
    tpu.wait_indirect_dma semaphore(%arg12 : memref<!tpu.dma_semaphore, #tpu.memory_space<semaphore_mem>>) src(%dma_wait3A_1180 : memref<320000x128xf32, #tpu.memory_space<hbm>>) dst(%dma_wait3A_1175 : memref<128x128xf32, #tpu.memory_space<vmem>>)
    %dma_wait3A_1181 = arith.constant 128 : i32
    %dma_wait3A_1182 = arith.constant 0 : i32
    %dma_wait3A_1183 = tpu.memref_slice %arg6[%dma_wait3A_1181, %dma_wait3A_1182] : memref<312x128xf32, #tpu.memory_space<vmem>> -> memref<128x128xf32, #tpu.memory_space<vmem>>
    %dma_wait3A_1184 = arith.constant 5120 : i32
    %dma_wait3A_1185 = tpu.memref_slice %arg7[%dma_wait3A_1184] : memref<9984xi32, #tpu.memory_space<vmem>> -> memref<128xi32, #tpu.memory_space<vmem>>
    %dma_wait3A_1186 = arith.constant 0 : i32
    %dma_wait3A_1187 = arith.constant 0 : i32
    %dma_wait3A_1188 = tpu.memref_slice %arg3[%dma_wait3A_1186, %dma_wait3A_1187] : memref<320000x128xf32, #tpu.memory_space<hbm>> -> memref<320000x128xf32, #tpu.memory_space<hbm>>
    tpu.wait_indirect_dma semaphore(%arg12 : memref<!tpu.dma_semaphore, #tpu.memory_space<semaphore_mem>>) src(%dma_wait3A_1188 : memref<320000x128xf32, #tpu.memory_space<hbm>>) dst(%dma_wait3A_1183 : memref<128x128xf32, #tpu.memory_space<vmem>>)
    %dma_wait3A_1189 = arith.constant 128 : i32
    %dma_wait3A_1190 = arith.constant 0 : i32
    %dma_wait3A_1191 = tpu.memref_slice %arg6[%dma_wait3A_1189, %dma_wait3A_1190] : memref<312x128xf32, #tpu.memory_space<vmem>> -> memref<128x128xf32, #tpu.memory_space<vmem>>
    %dma_wait3A_1192 = arith.constant 5432 : i32
    %dma_wait3A_1193 = tpu.memref_slice %arg7[%dma_wait3A_1192] : memref<9984xi32, #tpu.memory_space<vmem>> -> memref<128xi32, #tpu.memory_space<vmem>>
    %dma_wait3A_1194 = arith.constant 0 : i32
    %dma_wait3A_1195 = arith.constant 0 : i32
    %dma_wait3A_1196 = tpu.memref_slice %arg3[%dma_wait3A_1194, %dma_wait3A_1195] : memref<320000x128xf32, #tpu.memory_space<hbm>> -> memref<320000x128xf32, #tpu.memory_space<hbm>>
    tpu.wait_indirect_dma semaphore(%arg12 : memref<!tpu.dma_semaphore, #tpu.memory_space<semaphore_mem>>) src(%dma_wait3A_1196 : memref<320000x128xf32, #tpu.memory_space<hbm>>) dst(%dma_wait3A_1191 : memref<128x128xf32, #tpu.memory_space<vmem>>)
    %dma_wait3A_1197 = arith.constant 128 : i32
    %dma_wait3A_1198 = arith.constant 0 : i32
    %dma_wait3A_1199 = tpu.memref_slice %arg6[%dma_wait3A_1197, %dma_wait3A_1198] : memref<312x128xf32, #tpu.memory_space<vmem>> -> memref<128x128xf32, #tpu.memory_space<vmem>>
    %dma_wait3A_1200 = arith.constant 5744 : i32
    %dma_wait3A_1201 = tpu.memref_slice %arg7[%dma_wait3A_1200] : memref<9984xi32, #tpu.memory_space<vmem>> -> memref<128xi32, #tpu.memory_space<vmem>>
    %dma_wait3A_1202 = arith.constant 0 : i32
    %dma_wait3A_1203 = arith.constant 0 : i32
    %dma_wait3A_1204 = tpu.memref_slice %arg3[%dma_wait3A_1202, %dma_wait3A_1203] : memref<320000x128xf32, #tpu.memory_space<hbm>> -> memref<320000x128xf32, #tpu.memory_space<hbm>>
    tpu.wait_indirect_dma semaphore(%arg12 : memref<!tpu.dma_semaphore, #tpu.memory_space<semaphore_mem>>) src(%dma_wait3A_1204 : memref<320000x128xf32, #tpu.memory_space<hbm>>) dst(%dma_wait3A_1199 : memref<128x128xf32, #tpu.memory_space<vmem>>)
    %dma_wait3A_1205 = arith.constant 128 : i32
    %dma_wait3A_1206 = arith.constant 0 : i32
    %dma_wait3A_1207 = tpu.memref_slice %arg6[%dma_wait3A_1205, %dma_wait3A_1206] : memref<312x128xf32, #tpu.memory_space<vmem>> -> memref<128x128xf32, #tpu.memory_space<vmem>>
    %dma_wait3A_1208 = arith.constant 6056 : i32
    %dma_wait3A_1209 = tpu.memref_slice %arg7[%dma_wait3A_1208] : memref<9984xi32, #tpu.memory_space<vmem>> -> memref<128xi32, #tpu.memory_space<vmem>>
    %dma_wait3A_1210 = arith.constant 0 : i32
    %dma_wait3A_1211 = arith.constant 0 : i32
    %dma_wait3A_1212 = tpu.memref_slice %arg3[%dma_wait3A_1210, %dma_wait3A_1211] : memref<320000x128xf32, #tpu.memory_space<hbm>> -> memref<320000x128xf32, #tpu.memory_space<hbm>>
    tpu.wait_indirect_dma semaphore(%arg12 : memref<!tpu.dma_semaphore, #tpu.memory_space<semaphore_mem>>) src(%dma_wait3A_1212 : memref<320000x128xf32, #tpu.memory_space<hbm>>) dst(%dma_wait3A_1207 : memref<128x128xf32, #tpu.memory_space<vmem>>)
    %dma_wait3A_1213 = arith.constant 128 : i32
    %dma_wait3A_1214 = arith.constant 0 : i32
    %dma_wait3A_1215 = tpu.memref_slice %arg6[%dma_wait3A_1213, %dma_wait3A_1214] : memref<312x128xf32, #tpu.memory_space<vmem>> -> memref<128x128xf32, #tpu.memory_space<vmem>>
    %dma_wait3A_1216 = arith.constant 6368 : i32
    %dma_wait3A_1217 = tpu.memref_slice %arg7[%dma_wait3A_1216] : memref<9984xi32, #tpu.memory_space<vmem>> -> memref<128xi32, #tpu.memory_space<vmem>>
    %dma_wait3A_1218 = arith.constant 0 : i32
    %dma_wait3A_1219 = arith.constant 0 : i32
    %dma_wait3A_1220 = tpu.memref_slice %arg3[%dma_wait3A_1218, %dma_wait3A_1219] : memref<320000x128xf32, #tpu.memory_space<hbm>> -> memref<320000x128xf32, #tpu.memory_space<hbm>>
    tpu.wait_indirect_dma semaphore(%arg12 : memref<!tpu.dma_semaphore, #tpu.memory_space<semaphore_mem>>) src(%dma_wait3A_1220 : memref<320000x128xf32, #tpu.memory_space<hbm>>) dst(%dma_wait3A_1215 : memref<128x128xf32, #tpu.memory_space<vmem>>)
    %dma_wait3A_1221 = arith.constant 128 : i32
    %dma_wait3A_1222 = arith.constant 0 : i32
    %dma_wait3A_1223 = tpu.memref_slice %arg6[%dma_wait3A_1221, %dma_wait3A_1222] : memref<312x128xf32, #tpu.memory_space<vmem>> -> memref<128x128xf32, #tpu.memory_space<vmem>>
    %dma_wait3A_1224 = arith.constant 6680 : i32
    %dma_wait3A_1225 = tpu.memref_slice %arg7[%dma_wait3A_1224] : memref<9984xi32, #tpu.memory_space<vmem>> -> memref<128xi32, #tpu.memory_space<vmem>>
    %dma_wait3A_1226 = arith.constant 0 : i32
    %dma_wait3A_1227 = arith.constant 0 : i32
    %dma_wait3A_1228 = tpu.memref_slice %arg3[%dma_wait3A_1226, %dma_wait3A_1227] : memref<320000x128xf32, #tpu.memory_space<hbm>> -> memref<320000x128xf32, #tpu.memory_space<hbm>>
    tpu.wait_indirect_dma semaphore(%arg12 : memref<!tpu.dma_semaphore, #tpu.memory_space<semaphore_mem>>) src(%dma_wait3A_1228 : memref<320000x128xf32, #tpu.memory_space<hbm>>) dst(%dma_wait3A_1223 : memref<128x128xf32, #tpu.memory_space<vmem>>)
    %dma_wait3A_1229 = arith.constant 128 : i32
    %dma_wait3A_1230 = arith.constant 0 : i32
    %dma_wait3A_1231 = tpu.memref_slice %arg6[%dma_wait3A_1229, %dma_wait3A_1230] : memref<312x128xf32, #tpu.memory_space<vmem>> -> memref<128x128xf32, #tpu.memory_space<vmem>>
    %dma_wait3A_1232 = arith.constant 6992 : i32
    %dma_wait3A_1233 = tpu.memref_slice %arg7[%dma_wait3A_1232] : memref<9984xi32, #tpu.memory_space<vmem>> -> memref<128xi32, #tpu.memory_space<vmem>>
    %dma_wait3A_1234 = arith.constant 0 : i32
    %dma_wait3A_1235 = arith.constant 0 : i32
    %dma_wait3A_1236 = tpu.memref_slice %arg3[%dma_wait3A_1234, %dma_wait3A_1235] : memref<320000x128xf32, #tpu.memory_space<hbm>> -> memref<320000x128xf32, #tpu.memory_space<hbm>>
    tpu.wait_indirect_dma semaphore(%arg12 : memref<!tpu.dma_semaphore, #tpu.memory_space<semaphore_mem>>) src(%dma_wait3A_1236 : memref<320000x128xf32, #tpu.memory_space<hbm>>) dst(%dma_wait3A_1231 : memref<128x128xf32, #tpu.memory_space<vmem>>)
    %dma_wait3A_1237 = arith.constant 128 : i32
    %dma_wait3A_1238 = arith.constant 0 : i32
    %dma_wait3A_1239 = tpu.memref_slice %arg6[%dma_wait3A_1237, %dma_wait3A_1238] : memref<312x128xf32, #tpu.memory_space<vmem>> -> memref<128x128xf32, #tpu.memory_space<vmem>>
    %dma_wait3A_1240 = arith.constant 7304 : i32
    %dma_wait3A_1241 = tpu.memref_slice %arg7[%dma_wait3A_1240] : memref<9984xi32, #tpu.memory_space<vmem>> -> memref<128xi32, #tpu.memory_space<vmem>>
    %dma_wait3A_1242 = arith.constant 0 : i32
    %dma_wait3A_1243 = arith.constant 0 : i32
    %dma_wait3A_1244 = tpu.memref_slice %arg3[%dma_wait3A_1242, %dma_wait3A_1243] : memref<320000x128xf32, #tpu.memory_space<hbm>> -> memref<320000x128xf32, #tpu.memory_space<hbm>>
    tpu.wait_indirect_dma semaphore(%arg12 : memref<!tpu.dma_semaphore, #tpu.memory_space<semaphore_mem>>) src(%dma_wait3A_1244 : memref<320000x128xf32, #tpu.memory_space<hbm>>) dst(%dma_wait3A_1239 : memref<128x128xf32, #tpu.memory_space<vmem>>)
    %dma_wait3A_1245 = arith.constant 128 : i32
    %dma_wait3A_1246 = arith.constant 0 : i32
    %dma_wait3A_1247 = tpu.memref_slice %arg6[%dma_wait3A_1245, %dma_wait3A_1246] : memref<312x128xf32, #tpu.memory_space<vmem>> -> memref<128x128xf32, #tpu.memory_space<vmem>>
    %dma_wait3A_1248 = arith.constant 7616 : i32
    %dma_wait3A_1249 = tpu.memref_slice %arg7[%dma_wait3A_1248] : memref<9984xi32, #tpu.memory_space<vmem>> -> memref<128xi32, #tpu.memory_space<vmem>>
    %dma_wait3A_1250 = arith.constant 0 : i32
    %dma_wait3A_1251 = arith.constant 0 : i32
    %dma_wait3A_1252 = tpu.memref_slice %arg3[%dma_wait3A_1250, %dma_wait3A_1251] : memref<320000x128xf32, #tpu.memory_space<hbm>> -> memref<320000x128xf32, #tpu.memory_space<hbm>>
    tpu.wait_indirect_dma semaphore(%arg12 : memref<!tpu.dma_semaphore, #tpu.memory_space<semaphore_mem>>) src(%dma_wait3A_1252 : memref<320000x128xf32, #tpu.memory_space<hbm>>) dst(%dma_wait3A_1247 : memref<128x128xf32, #tpu.memory_space<vmem>>)
    %dma_wait3A_1253 = arith.constant 128 : i32
    %dma_wait3A_1254 = arith.constant 0 : i32
    %dma_wait3A_1255 = tpu.memref_slice %arg6[%dma_wait3A_1253, %dma_wait3A_1254] : memref<312x128xf32, #tpu.memory_space<vmem>> -> memref<128x128xf32, #tpu.memory_space<vmem>>
    %dma_wait3A_1256 = arith.constant 7928 : i32
    %dma_wait3A_1257 = tpu.memref_slice %arg7[%dma_wait3A_1256] : memref<9984xi32, #tpu.memory_space<vmem>> -> memref<128xi32, #tpu.memory_space<vmem>>
    %dma_wait3A_1258 = arith.constant 0 : i32
    %dma_wait3A_1259 = arith.constant 0 : i32
    %dma_wait3A_1260 = tpu.memref_slice %arg3[%dma_wait3A_1258, %dma_wait3A_1259] : memref<320000x128xf32, #tpu.memory_space<hbm>> -> memref<320000x128xf32, #tpu.memory_space<hbm>>
    tpu.wait_indirect_dma semaphore(%arg12 : memref<!tpu.dma_semaphore, #tpu.memory_space<semaphore_mem>>) src(%dma_wait3A_1260 : memref<320000x128xf32, #tpu.memory_space<hbm>>) dst(%dma_wait3A_1255 : memref<128x128xf32, #tpu.memory_space<vmem>>)
    %dma_wait3A_1261 = arith.constant 128 : i32
    %dma_wait3A_1262 = arith.constant 0 : i32
    %dma_wait3A_1263 = tpu.memref_slice %arg6[%dma_wait3A_1261, %dma_wait3A_1262] : memref<312x128xf32, #tpu.memory_space<vmem>> -> memref<128x128xf32, #tpu.memory_space<vmem>>
    %dma_wait3A_1264 = arith.constant 8240 : i32
    %dma_wait3A_1265 = tpu.memref_slice %arg7[%dma_wait3A_1264] : memref<9984xi32, #tpu.memory_space<vmem>> -> memref<128xi32, #tpu.memory_space<vmem>>
    %dma_wait3A_1266 = arith.constant 0 : i32
    %dma_wait3A_1267 = arith.constant 0 : i32
    %dma_wait3A_1268 = tpu.memref_slice %arg3[%dma_wait3A_1266, %dma_wait3A_1267] : memref<320000x128xf32, #tpu.memory_space<hbm>> -> memref<320000x128xf32, #tpu.memory_space<hbm>>
    tpu.wait_indirect_dma semaphore(%arg12 : memref<!tpu.dma_semaphore, #tpu.memory_space<semaphore_mem>>) src(%dma_wait3A_1268 : memref<320000x128xf32, #tpu.memory_space<hbm>>) dst(%dma_wait3A_1263 : memref<128x128xf32, #tpu.memory_space<vmem>>)
    %dma_wait3A_1269 = arith.constant 128 : i32
    %dma_wait3A_1270 = arith.constant 0 : i32
    %dma_wait3A_1271 = tpu.memref_slice %arg6[%dma_wait3A_1269, %dma_wait3A_1270] : memref<312x128xf32, #tpu.memory_space<vmem>> -> memref<128x128xf32, #tpu.memory_space<vmem>>
    %dma_wait3A_1272 = arith.constant 8552 : i32
    %dma_wait3A_1273 = tpu.memref_slice %arg7[%dma_wait3A_1272] : memref<9984xi32, #tpu.memory_space<vmem>> -> memref<128xi32, #tpu.memory_space<vmem>>
    %dma_wait3A_1274 = arith.constant 0 : i32
    %dma_wait3A_1275 = arith.constant 0 : i32
    %dma_wait3A_1276 = tpu.memref_slice %arg3[%dma_wait3A_1274, %dma_wait3A_1275] : memref<320000x128xf32, #tpu.memory_space<hbm>> -> memref<320000x128xf32, #tpu.memory_space<hbm>>
    tpu.wait_indirect_dma semaphore(%arg12 : memref<!tpu.dma_semaphore, #tpu.memory_space<semaphore_mem>>) src(%dma_wait3A_1276 : memref<320000x128xf32, #tpu.memory_space<hbm>>) dst(%dma_wait3A_1271 : memref<128x128xf32, #tpu.memory_space<vmem>>)
    %dma_wait3A_1277 = arith.constant 128 : i32
    %dma_wait3A_1278 = arith.constant 0 : i32
    %dma_wait3A_1279 = tpu.memref_slice %arg6[%dma_wait3A_1277, %dma_wait3A_1278] : memref<312x128xf32, #tpu.memory_space<vmem>> -> memref<128x128xf32, #tpu.memory_space<vmem>>
    %dma_wait3A_1280 = arith.constant 8864 : i32
    %dma_wait3A_1281 = tpu.memref_slice %arg7[%dma_wait3A_1280] : memref<9984xi32, #tpu.memory_space<vmem>> -> memref<128xi32, #tpu.memory_space<vmem>>
    %dma_wait3A_1282 = arith.constant 0 : i32
    %dma_wait3A_1283 = arith.constant 0 : i32
    %dma_wait3A_1284 = tpu.memref_slice %arg3[%dma_wait3A_1282, %dma_wait3A_1283] : memref<320000x128xf32, #tpu.memory_space<hbm>> -> memref<320000x128xf32, #tpu.memory_space<hbm>>
    tpu.wait_indirect_dma semaphore(%arg12 : memref<!tpu.dma_semaphore, #tpu.memory_space<semaphore_mem>>) src(%dma_wait3A_1284 : memref<320000x128xf32, #tpu.memory_space<hbm>>) dst(%dma_wait3A_1279 : memref<128x128xf32, #tpu.memory_space<vmem>>)
    %dma_wait3A_1285 = arith.constant 128 : i32
    %dma_wait3A_1286 = arith.constant 0 : i32
    %dma_wait3A_1287 = tpu.memref_slice %arg6[%dma_wait3A_1285, %dma_wait3A_1286] : memref<312x128xf32, #tpu.memory_space<vmem>> -> memref<128x128xf32, #tpu.memory_space<vmem>>
    %dma_wait3A_1288 = arith.constant 9176 : i32
    %dma_wait3A_1289 = tpu.memref_slice %arg7[%dma_wait3A_1288] : memref<9984xi32, #tpu.memory_space<vmem>> -> memref<128xi32, #tpu.memory_space<vmem>>
    %dma_wait3A_1290 = arith.constant 0 : i32
    %dma_wait3A_1291 = arith.constant 0 : i32
    %dma_wait3A_1292 = tpu.memref_slice %arg3[%dma_wait3A_1290, %dma_wait3A_1291] : memref<320000x128xf32, #tpu.memory_space<hbm>> -> memref<320000x128xf32, #tpu.memory_space<hbm>>
    tpu.wait_indirect_dma semaphore(%arg12 : memref<!tpu.dma_semaphore, #tpu.memory_space<semaphore_mem>>) src(%dma_wait3A_1292 : memref<320000x128xf32, #tpu.memory_space<hbm>>) dst(%dma_wait3A_1287 : memref<128x128xf32, #tpu.memory_space<vmem>>)
    %dma_wait3A_1293 = arith.constant 128 : i32
    %dma_wait3A_1294 = arith.constant 0 : i32
    %dma_wait3A_1295 = tpu.memref_slice %arg6[%dma_wait3A_1293, %dma_wait3A_1294] : memref<312x128xf32, #tpu.memory_space<vmem>> -> memref<128x128xf32, #tpu.memory_space<vmem>>
    %dma_wait3A_1296 = arith.constant 9488 : i32
    %dma_wait3A_1297 = tpu.memref_slice %arg7[%dma_wait3A_1296] : memref<9984xi32, #tpu.memory_space<vmem>> -> memref<128xi32, #tpu.memory_space<vmem>>
    %dma_wait3A_1298 = arith.constant 0 : i32
    %dma_wait3A_1299 = arith.constant 0 : i32
    %dma_wait3A_1300 = tpu.memref_slice %arg3[%dma_wait3A_1298, %dma_wait3A_1299] : memref<320000x128xf32, #tpu.memory_space<hbm>> -> memref<320000x128xf32, #tpu.memory_space<hbm>>
    tpu.wait_indirect_dma semaphore(%arg12 : memref<!tpu.dma_semaphore, #tpu.memory_space<semaphore_mem>>) src(%dma_wait3A_1300 : memref<320000x128xf32, #tpu.memory_space<hbm>>) dst(%dma_wait3A_1295 : memref<128x128xf32, #tpu.memory_space<vmem>>)
    %dma_wait3A_1301 = arith.constant 128 : i32
    %dma_wait3A_1302 = arith.constant 0 : i32
    %dma_wait3A_1303 = tpu.memref_slice %arg6[%dma_wait3A_1301, %dma_wait3A_1302] : memref<312x128xf32, #tpu.memory_space<vmem>> -> memref<128x128xf32, #tpu.memory_space<vmem>>
    %dma_wait3A_1304 = arith.constant 9800 : i32
    %dma_wait3A_1305 = tpu.memref_slice %arg7[%dma_wait3A_1304] : memref<9984xi32, #tpu.memory_space<vmem>> -> memref<128xi32, #tpu.memory_space<vmem>>
    %dma_wait3A_1306 = arith.constant 0 : i32
    %dma_wait3A_1307 = arith.constant 0 : i32
    %dma_wait3A_1308 = tpu.memref_slice %arg3[%dma_wait3A_1306, %dma_wait3A_1307] : memref<320000x128xf32, #tpu.memory_space<hbm>> -> memref<320000x128xf32, #tpu.memory_space<hbm>>
    tpu.wait_indirect_dma semaphore(%arg12 : memref<!tpu.dma_semaphore, #tpu.memory_space<semaphore_mem>>) src(%dma_wait3A_1308 : memref<320000x128xf32, #tpu.memory_space<hbm>>) dst(%dma_wait3A_1303 : memref<128x128xf32, #tpu.memory_space<vmem>>)
    %add3A_1309 = arith.constant 128 : i32
    %add3A_1310 = arith.addi %mul3A_2, %add3A_1309 : i32
    %dma_start3A_1311 = arith.constant 128 : i32
    %dma_start3A_1312 = arith.constant 0 : i32
    %dma_start3A_1313 = tpu.memref_slice %arg6[%dma_start3A_1311, %dma_start3A_1312] : memref<312x128xf32, #tpu.memory_space<vmem>> -> memref<128x128xf32, #tpu.memory_space<vmem>>
    %dma_start3A_1314 = arith.constant 0 : i32
    %dma_start3A_1315 = tpu.memref_slice %arg5[%add3A_1310, %dma_start3A_1314] : memref<10000x128xf32, #tpu.memory_space<hbm>> -> memref<128x128xf32, #tpu.memory_space<hbm>>
    %dma_start3A_1316 = arith.constant 0 : i32
    %dma_start3A_1317 = tpu.memref_slice %arg5[%add3A_1310, %dma_start3A_1316] : memref<10000x128xf32, #tpu.memory_space<hbm>> -> memref<128x128xf32, #tpu.memory_space<hbm>>
    %dma_start3A_1318 = arith.constant 128 : i32
    %dma_start3A_1319 = arith.constant 0 : i32
    %dma_start3A_1320 = tpu.memref_slice %arg6[%dma_start3A_1318, %dma_start3A_1319] : memref<312x128xf32, #tpu.memory_space<vmem>> -> memref<128x128xf32, #tpu.memory_space<vmem>>
    tpu.enqueue_dma source(%dma_start3A_1320 : memref<128x128xf32, #tpu.memory_space<vmem>>) target(%dma_start3A_1317 : memref<128x128xf32, #tpu.memory_space<hbm>>) target_semaphore(%arg10 : memref<!tpu.dma_semaphore, #tpu.memory_space<semaphore_mem>>)
    %dma_wait3A_1321 = arith.constant 256 : i32
    %dma_wait3A_1322 = arith.constant 0 : i32
    %dma_wait3A_1323 = tpu.memref_slice %arg6[%dma_wait3A_1321, %dma_wait3A_1322] : memref<312x128xf32, #tpu.memory_space<vmem>> -> memref<56x128xf32, #tpu.memory_space<vmem>>
    %dma_wait3A_1324 = arith.constant 256 : i32
    %dma_wait3A_1325 = tpu.memref_slice %arg7[%dma_wait3A_1324] : memref<9984xi32, #tpu.memory_space<vmem>> -> memref<56xi32, #tpu.memory_space<vmem>>
    %dma_wait3A_1326 = arith.constant 0 : i32
    %dma_wait3A_1327 = arith.constant 0 : i32
    %dma_wait3A_1328 = tpu.memref_slice %arg3[%dma_wait3A_1326, %dma_wait3A_1327] : memref<320000x128xf32, #tpu.memory_space<hbm>> -> memref<320000x128xf32, #tpu.memory_space<hbm>>
    tpu.wait_indirect_dma semaphore(%arg13 : memref<!tpu.dma_semaphore, #tpu.memory_space<semaphore_mem>>) src(%dma_wait3A_1328 : memref<320000x128xf32, #tpu.memory_space<hbm>>) dst(%dma_wait3A_1323 : memref<56x128xf32, #tpu.memory_space<vmem>>)
    %dma_wait3A_1329 = arith.constant 256 : i32
    %dma_wait3A_1330 = arith.constant 0 : i32
    %dma_wait3A_1331 = tpu.memref_slice %arg6[%dma_wait3A_1329, %dma_wait3A_1330] : memref<312x128xf32, #tpu.memory_space<vmem>> -> memref<56x128xf32, #tpu.memory_space<vmem>>
    %dma_wait3A_1332 = arith.constant 568 : i32
    %dma_wait3A_1333 = tpu.memref_slice %arg7[%dma_wait3A_1332] : memref<9984xi32, #tpu.memory_space<vmem>> -> memref<56xi32, #tpu.memory_space<vmem>>
    %dma_wait3A_1334 = arith.constant 0 : i32
    %dma_wait3A_1335 = arith.constant 0 : i32
    %dma_wait3A_1336 = tpu.memref_slice %arg3[%dma_wait3A_1334, %dma_wait3A_1335] : memref<320000x128xf32, #tpu.memory_space<hbm>> -> memref<320000x128xf32, #tpu.memory_space<hbm>>
    tpu.wait_indirect_dma semaphore(%arg13 : memref<!tpu.dma_semaphore, #tpu.memory_space<semaphore_mem>>) src(%dma_wait3A_1336 : memref<320000x128xf32, #tpu.memory_space<hbm>>) dst(%dma_wait3A_1331 : memref<56x128xf32, #tpu.memory_space<vmem>>)
    %dma_wait3A_1337 = arith.constant 256 : i32
    %dma_wait3A_1338 = arith.constant 0 : i32
    %dma_wait3A_1339 = tpu.memref_slice %arg6[%dma_wait3A_1337, %dma_wait3A_1338] : memref<312x128xf32, #tpu.memory_space<vmem>> -> memref<56x128xf32, #tpu.memory_space<vmem>>
    %dma_wait3A_1340 = arith.constant 880 : i32
    %dma_wait3A_1341 = tpu.memref_slice %arg7[%dma_wait3A_1340] : memref<9984xi32, #tpu.memory_space<vmem>> -> memref<56xi32, #tpu.memory_space<vmem>>
    %dma_wait3A_1342 = arith.constant 0 : i32
    %dma_wait3A_1343 = arith.constant 0 : i32
    %dma_wait3A_1344 = tpu.memref_slice %arg3[%dma_wait3A_1342, %dma_wait3A_1343] : memref<320000x128xf32, #tpu.memory_space<hbm>> -> memref<320000x128xf32, #tpu.memory_space<hbm>>
    tpu.wait_indirect_dma semaphore(%arg13 : memref<!tpu.dma_semaphore, #tpu.memory_space<semaphore_mem>>) src(%dma_wait3A_1344 : memref<320000x128xf32, #tpu.memory_space<hbm>>) dst(%dma_wait3A_1339 : memref<56x128xf32, #tpu.memory_space<vmem>>)
    %dma_wait3A_1345 = arith.constant 256 : i32
    %dma_wait3A_1346 = arith.constant 0 : i32
    %dma_wait3A_1347 = tpu.memref_slice %arg6[%dma_wait3A_1345, %dma_wait3A_1346] : memref<312x128xf32, #tpu.memory_space<vmem>> -> memref<56x128xf32, #tpu.memory_space<vmem>>
    %dma_wait3A_1348 = arith.constant 1192 : i32
    %dma_wait3A_1349 = tpu.memref_slice %arg7[%dma_wait3A_1348] : memref<9984xi32, #tpu.memory_space<vmem>> -> memref<56xi32, #tpu.memory_space<vmem>>
    %dma_wait3A_1350 = arith.constant 0 : i32
    %dma_wait3A_1351 = arith.constant 0 : i32
    %dma_wait3A_1352 = tpu.memref_slice %arg3[%dma_wait3A_1350, %dma_wait3A_1351] : memref<320000x128xf32, #tpu.memory_space<hbm>> -> memref<320000x128xf32, #tpu.memory_space<hbm>>
    tpu.wait_indirect_dma semaphore(%arg13 : memref<!tpu.dma_semaphore, #tpu.memory_space<semaphore_mem>>) src(%dma_wait3A_1352 : memref<320000x128xf32, #tpu.memory_space<hbm>>) dst(%dma_wait3A_1347 : memref<56x128xf32, #tpu.memory_space<vmem>>)
    %dma_wait3A_1353 = arith.constant 256 : i32
    %dma_wait3A_1354 = arith.constant 0 : i32
    %dma_wait3A_1355 = tpu.memref_slice %arg6[%dma_wait3A_1353, %dma_wait3A_1354] : memref<312x128xf32, #tpu.memory_space<vmem>> -> memref<56x128xf32, #tpu.memory_space<vmem>>
    %dma_wait3A_1356 = arith.constant 1504 : i32
    %dma_wait3A_1357 = tpu.memref_slice %arg7[%dma_wait3A_1356] : memref<9984xi32, #tpu.memory_space<vmem>> -> memref<56xi32, #tpu.memory_space<vmem>>
    %dma_wait3A_1358 = arith.constant 0 : i32
    %dma_wait3A_1359 = arith.constant 0 : i32
    %dma_wait3A_1360 = tpu.memref_slice %arg3[%dma_wait3A_1358, %dma_wait3A_1359] : memref<320000x128xf32, #tpu.memory_space<hbm>> -> memref<320000x128xf32, #tpu.memory_space<hbm>>
    tpu.wait_indirect_dma semaphore(%arg13 : memref<!tpu.dma_semaphore, #tpu.memory_space<semaphore_mem>>) src(%dma_wait3A_1360 : memref<320000x128xf32, #tpu.memory_space<hbm>>) dst(%dma_wait3A_1355 : memref<56x128xf32, #tpu.memory_space<vmem>>)
    %dma_wait3A_1361 = arith.constant 256 : i32
    %dma_wait3A_1362 = arith.constant 0 : i32
    %dma_wait3A_1363 = tpu.memref_slice %arg6[%dma_wait3A_1361, %dma_wait3A_1362] : memref<312x128xf32, #tpu.memory_space<vmem>> -> memref<56x128xf32, #tpu.memory_space<vmem>>
    %dma_wait3A_1364 = arith.constant 1816 : i32
    %dma_wait3A_1365 = tpu.memref_slice %arg7[%dma_wait3A_1364] : memref<9984xi32, #tpu.memory_space<vmem>> -> memref<56xi32, #tpu.memory_space<vmem>>
    %dma_wait3A_1366 = arith.constant 0 : i32
    %dma_wait3A_1367 = arith.constant 0 : i32
    %dma_wait3A_1368 = tpu.memref_slice %arg3[%dma_wait3A_1366, %dma_wait3A_1367] : memref<320000x128xf32, #tpu.memory_space<hbm>> -> memref<320000x128xf32, #tpu.memory_space<hbm>>
    tpu.wait_indirect_dma semaphore(%arg13 : memref<!tpu.dma_semaphore, #tpu.memory_space<semaphore_mem>>) src(%dma_wait3A_1368 : memref<320000x128xf32, #tpu.memory_space<hbm>>) dst(%dma_wait3A_1363 : memref<56x128xf32, #tpu.memory_space<vmem>>)
    %dma_wait3A_1369 = arith.constant 256 : i32
    %dma_wait3A_1370 = arith.constant 0 : i32
    %dma_wait3A_1371 = tpu.memref_slice %arg6[%dma_wait3A_1369, %dma_wait3A_1370] : memref<312x128xf32, #tpu.memory_space<vmem>> -> memref<56x128xf32, #tpu.memory_space<vmem>>
    %dma_wait3A_1372 = arith.constant 2128 : i32
    %dma_wait3A_1373 = tpu.memref_slice %arg7[%dma_wait3A_1372] : memref<9984xi32, #tpu.memory_space<vmem>> -> memref<56xi32, #tpu.memory_space<vmem>>
    %dma_wait3A_1374 = arith.constant 0 : i32
    %dma_wait3A_1375 = arith.constant 0 : i32
    %dma_wait3A_1376 = tpu.memref_slice %arg3[%dma_wait3A_1374, %dma_wait3A_1375] : memref<320000x128xf32, #tpu.memory_space<hbm>> -> memref<320000x128xf32, #tpu.memory_space<hbm>>
    tpu.wait_indirect_dma semaphore(%arg13 : memref<!tpu.dma_semaphore, #tpu.memory_space<semaphore_mem>>) src(%dma_wait3A_1376 : memref<320000x128xf32, #tpu.memory_space<hbm>>) dst(%dma_wait3A_1371 : memref<56x128xf32, #tpu.memory_space<vmem>>)
    %dma_wait3A_1377 = arith.constant 256 : i32
    %dma_wait3A_1378 = arith.constant 0 : i32
    %dma_wait3A_1379 = tpu.memref_slice %arg6[%dma_wait3A_1377, %dma_wait3A_1378] : memref<312x128xf32, #tpu.memory_space<vmem>> -> memref<56x128xf32, #tpu.memory_space<vmem>>
    %dma_wait3A_1380 = arith.constant 2440 : i32
    %dma_wait3A_1381 = tpu.memref_slice %arg7[%dma_wait3A_1380] : memref<9984xi32, #tpu.memory_space<vmem>> -> memref<56xi32, #tpu.memory_space<vmem>>
    %dma_wait3A_1382 = arith.constant 0 : i32
    %dma_wait3A_1383 = arith.constant 0 : i32
    %dma_wait3A_1384 = tpu.memref_slice %arg3[%dma_wait3A_1382, %dma_wait3A_1383] : memref<320000x128xf32, #tpu.memory_space<hbm>> -> memref<320000x128xf32, #tpu.memory_space<hbm>>
    tpu.wait_indirect_dma semaphore(%arg13 : memref<!tpu.dma_semaphore, #tpu.memory_space<semaphore_mem>>) src(%dma_wait3A_1384 : memref<320000x128xf32, #tpu.memory_space<hbm>>) dst(%dma_wait3A_1379 : memref<56x128xf32, #tpu.memory_space<vmem>>)
    %dma_wait3A_1385 = arith.constant 256 : i32
    %dma_wait3A_1386 = arith.constant 0 : i32
    %dma_wait3A_1387 = tpu.memref_slice %arg6[%dma_wait3A_1385, %dma_wait3A_1386] : memref<312x128xf32, #tpu.memory_space<vmem>> -> memref<56x128xf32, #tpu.memory_space<vmem>>
    %dma_wait3A_1388 = arith.constant 2752 : i32
    %dma_wait3A_1389 = tpu.memref_slice %arg7[%dma_wait3A_1388] : memref<9984xi32, #tpu.memory_space<vmem>> -> memref<56xi32, #tpu.memory_space<vmem>>
    %dma_wait3A_1390 = arith.constant 0 : i32
    %dma_wait3A_1391 = arith.constant 0 : i32
    %dma_wait3A_1392 = tpu.memref_slice %arg3[%dma_wait3A_1390, %dma_wait3A_1391] : memref<320000x128xf32, #tpu.memory_space<hbm>> -> memref<320000x128xf32, #tpu.memory_space<hbm>>
    tpu.wait_indirect_dma semaphore(%arg13 : memref<!tpu.dma_semaphore, #tpu.memory_space<semaphore_mem>>) src(%dma_wait3A_1392 : memref<320000x128xf32, #tpu.memory_space<hbm>>) dst(%dma_wait3A_1387 : memref<56x128xf32, #tpu.memory_space<vmem>>)
    %dma_wait3A_1393 = arith.constant 256 : i32
    %dma_wait3A_1394 = arith.constant 0 : i32
    %dma_wait3A_1395 = tpu.memref_slice %arg6[%dma_wait3A_1393, %dma_wait3A_1394] : memref<312x128xf32, #tpu.memory_space<vmem>> -> memref<56x128xf32, #tpu.memory_space<vmem>>
    %dma_wait3A_1396 = arith.constant 3064 : i32
    %dma_wait3A_1397 = tpu.memref_slice %arg7[%dma_wait3A_1396] : memref<9984xi32, #tpu.memory_space<vmem>> -> memref<56xi32, #tpu.memory_space<vmem>>
    %dma_wait3A_1398 = arith.constant 0 : i32
    %dma_wait3A_1399 = arith.constant 0 : i32
    %dma_wait3A_1400 = tpu.memref_slice %arg3[%dma_wait3A_1398, %dma_wait3A_1399] : memref<320000x128xf32, #tpu.memory_space<hbm>> -> memref<320000x128xf32, #tpu.memory_space<hbm>>
    tpu.wait_indirect_dma semaphore(%arg13 : memref<!tpu.dma_semaphore, #tpu.memory_space<semaphore_mem>>) src(%dma_wait3A_1400 : memref<320000x128xf32, #tpu.memory_space<hbm>>) dst(%dma_wait3A_1395 : memref<56x128xf32, #tpu.memory_space<vmem>>)
    %dma_wait3A_1401 = arith.constant 256 : i32
    %dma_wait3A_1402 = arith.constant 0 : i32
    %dma_wait3A_1403 = tpu.memref_slice %arg6[%dma_wait3A_1401, %dma_wait3A_1402] : memref<312x128xf32, #tpu.memory_space<vmem>> -> memref<56x128xf32, #tpu.memory_space<vmem>>
    %dma_wait3A_1404 = arith.constant 3376 : i32
    %dma_wait3A_1405 = tpu.memref_slice %arg7[%dma_wait3A_1404] : memref<9984xi32, #tpu.memory_space<vmem>> -> memref<56xi32, #tpu.memory_space<vmem>>
    %dma_wait3A_1406 = arith.constant 0 : i32
    %dma_wait3A_1407 = arith.constant 0 : i32
    %dma_wait3A_1408 = tpu.memref_slice %arg3[%dma_wait3A_1406, %dma_wait3A_1407] : memref<320000x128xf32, #tpu.memory_space<hbm>> -> memref<320000x128xf32, #tpu.memory_space<hbm>>
    tpu.wait_indirect_dma semaphore(%arg13 : memref<!tpu.dma_semaphore, #tpu.memory_space<semaphore_mem>>) src(%dma_wait3A_1408 : memref<320000x128xf32, #tpu.memory_space<hbm>>) dst(%dma_wait3A_1403 : memref<56x128xf32, #tpu.memory_space<vmem>>)
    %dma_wait3A_1409 = arith.constant 256 : i32
    %dma_wait3A_1410 = arith.constant 0 : i32
    %dma_wait3A_1411 = tpu.memref_slice %arg6[%dma_wait3A_1409, %dma_wait3A_1410] : memref<312x128xf32, #tpu.memory_space<vmem>> -> memref<56x128xf32, #tpu.memory_space<vmem>>
    %dma_wait3A_1412 = arith.constant 3688 : i32
    %dma_wait3A_1413 = tpu.memref_slice %arg7[%dma_wait3A_1412] : memref<9984xi32, #tpu.memory_space<vmem>> -> memref<56xi32, #tpu.memory_space<vmem>>
    %dma_wait3A_1414 = arith.constant 0 : i32
    %dma_wait3A_1415 = arith.constant 0 : i32
    %dma_wait3A_1416 = tpu.memref_slice %arg3[%dma_wait3A_1414, %dma_wait3A_1415] : memref<320000x128xf32, #tpu.memory_space<hbm>> -> memref<320000x128xf32, #tpu.memory_space<hbm>>
    tpu.wait_indirect_dma semaphore(%arg13 : memref<!tpu.dma_semaphore, #tpu.memory_space<semaphore_mem>>) src(%dma_wait3A_1416 : memref<320000x128xf32, #tpu.memory_space<hbm>>) dst(%dma_wait3A_1411 : memref<56x128xf32, #tpu.memory_space<vmem>>)
    %dma_wait3A_1417 = arith.constant 256 : i32
    %dma_wait3A_1418 = arith.constant 0 : i32
    %dma_wait3A_1419 = tpu.memref_slice %arg6[%dma_wait3A_1417, %dma_wait3A_1418] : memref<312x128xf32, #tpu.memory_space<vmem>> -> memref<56x128xf32, #tpu.memory_space<vmem>>
    %dma_wait3A_1420 = arith.constant 4000 : i32
    %dma_wait3A_1421 = tpu.memref_slice %arg7[%dma_wait3A_1420] : memref<9984xi32, #tpu.memory_space<vmem>> -> memref<56xi32, #tpu.memory_space<vmem>>
    %dma_wait3A_1422 = arith.constant 0 : i32
    %dma_wait3A_1423 = arith.constant 0 : i32
    %dma_wait3A_1424 = tpu.memref_slice %arg3[%dma_wait3A_1422, %dma_wait3A_1423] : memref<320000x128xf32, #tpu.memory_space<hbm>> -> memref<320000x128xf32, #tpu.memory_space<hbm>>
    tpu.wait_indirect_dma semaphore(%arg13 : memref<!tpu.dma_semaphore, #tpu.memory_space<semaphore_mem>>) src(%dma_wait3A_1424 : memref<320000x128xf32, #tpu.memory_space<hbm>>) dst(%dma_wait3A_1419 : memref<56x128xf32, #tpu.memory_space<vmem>>)
    %dma_wait3A_1425 = arith.constant 256 : i32
    %dma_wait3A_1426 = arith.constant 0 : i32
    %dma_wait3A_1427 = tpu.memref_slice %arg6[%dma_wait3A_1425, %dma_wait3A_1426] : memref<312x128xf32, #tpu.memory_space<vmem>> -> memref<56x128xf32, #tpu.memory_space<vmem>>
    %dma_wait3A_1428 = arith.constant 4312 : i32
    %dma_wait3A_1429 = tpu.memref_slice %arg7[%dma_wait3A_1428] : memref<9984xi32, #tpu.memory_space<vmem>> -> memref<56xi32, #tpu.memory_space<vmem>>
    %dma_wait3A_1430 = arith.constant 0 : i32
    %dma_wait3A_1431 = arith.constant 0 : i32
    %dma_wait3A_1432 = tpu.memref_slice %arg3[%dma_wait3A_1430, %dma_wait3A_1431] : memref<320000x128xf32, #tpu.memory_space<hbm>> -> memref<320000x128xf32, #tpu.memory_space<hbm>>
    tpu.wait_indirect_dma semaphore(%arg13 : memref<!tpu.dma_semaphore, #tpu.memory_space<semaphore_mem>>) src(%dma_wait3A_1432 : memref<320000x128xf32, #tpu.memory_space<hbm>>) dst(%dma_wait3A_1427 : memref<56x128xf32, #tpu.memory_space<vmem>>)
    %dma_wait3A_1433 = arith.constant 256 : i32
    %dma_wait3A_1434 = arith.constant 0 : i32
    %dma_wait3A_1435 = tpu.memref_slice %arg6[%dma_wait3A_1433, %dma_wait3A_1434] : memref<312x128xf32, #tpu.memory_space<vmem>> -> memref<56x128xf32, #tpu.memory_space<vmem>>
    %dma_wait3A_1436 = arith.constant 4624 : i32
    %dma_wait3A_1437 = tpu.memref_slice %arg7[%dma_wait3A_1436] : memref<9984xi32, #tpu.memory_space<vmem>> -> memref<56xi32, #tpu.memory_space<vmem>>
    %dma_wait3A_1438 = arith.constant 0 : i32
    %dma_wait3A_1439 = arith.constant 0 : i32
    %dma_wait3A_1440 = tpu.memref_slice %arg3[%dma_wait3A_1438, %dma_wait3A_1439] : memref<320000x128xf32, #tpu.memory_space<hbm>> -> memref<320000x128xf32, #tpu.memory_space<hbm>>
    tpu.wait_indirect_dma semaphore(%arg13 : memref<!tpu.dma_semaphore, #tpu.memory_space<semaphore_mem>>) src(%dma_wait3A_1440 : memref<320000x128xf32, #tpu.memory_space<hbm>>) dst(%dma_wait3A_1435 : memref<56x128xf32, #tpu.memory_space<vmem>>)
    %dma_wait3A_1441 = arith.constant 256 : i32
    %dma_wait3A_1442 = arith.constant 0 : i32
    %dma_wait3A_1443 = tpu.memref_slice %arg6[%dma_wait3A_1441, %dma_wait3A_1442] : memref<312x128xf32, #tpu.memory_space<vmem>> -> memref<56x128xf32, #tpu.memory_space<vmem>>
    %dma_wait3A_1444 = arith.constant 4936 : i32
    %dma_wait3A_1445 = tpu.memref_slice %arg7[%dma_wait3A_1444] : memref<9984xi32, #tpu.memory_space<vmem>> -> memref<56xi32, #tpu.memory_space<vmem>>
    %dma_wait3A_1446 = arith.constant 0 : i32
    %dma_wait3A_1447 = arith.constant 0 : i32
    %dma_wait3A_1448 = tpu.memref_slice %arg3[%dma_wait3A_1446, %dma_wait3A_1447] : memref<320000x128xf32, #tpu.memory_space<hbm>> -> memref<320000x128xf32, #tpu.memory_space<hbm>>
    tpu.wait_indirect_dma semaphore(%arg13 : memref<!tpu.dma_semaphore, #tpu.memory_space<semaphore_mem>>) src(%dma_wait3A_1448 : memref<320000x128xf32, #tpu.memory_space<hbm>>) dst(%dma_wait3A_1443 : memref<56x128xf32, #tpu.memory_space<vmem>>)
    %dma_wait3A_1449 = arith.constant 256 : i32
    %dma_wait3A_1450 = arith.constant 0 : i32
    %dma_wait3A_1451 = tpu.memref_slice %arg6[%dma_wait3A_1449, %dma_wait3A_1450] : memref<312x128xf32, #tpu.memory_space<vmem>> -> memref<56x128xf32, #tpu.memory_space<vmem>>
    %dma_wait3A_1452 = arith.constant 5248 : i32
    %dma_wait3A_1453 = tpu.memref_slice %arg7[%dma_wait3A_1452] : memref<9984xi32, #tpu.memory_space<vmem>> -> memref<56xi32, #tpu.memory_space<vmem>>
    %dma_wait3A_1454 = arith.constant 0 : i32
    %dma_wait3A_1455 = arith.constant 0 : i32
    %dma_wait3A_1456 = tpu.memref_slice %arg3[%dma_wait3A_1454, %dma_wait3A_1455] : memref<320000x128xf32, #tpu.memory_space<hbm>> -> memref<320000x128xf32, #tpu.memory_space<hbm>>
    tpu.wait_indirect_dma semaphore(%arg13 : memref<!tpu.dma_semaphore, #tpu.memory_space<semaphore_mem>>) src(%dma_wait3A_1456 : memref<320000x128xf32, #tpu.memory_space<hbm>>) dst(%dma_wait3A_1451 : memref<56x128xf32, #tpu.memory_space<vmem>>)
    %dma_wait3A_1457 = arith.constant 256 : i32
    %dma_wait3A_1458 = arith.constant 0 : i32
    %dma_wait3A_1459 = tpu.memref_slice %arg6[%dma_wait3A_1457, %dma_wait3A_1458] : memref<312x128xf32, #tpu.memory_space<vmem>> -> memref<56x128xf32, #tpu.memory_space<vmem>>
    %dma_wait3A_1460 = arith.constant 5560 : i32
    %dma_wait3A_1461 = tpu.memref_slice %arg7[%dma_wait3A_1460] : memref<9984xi32, #tpu.memory_space<vmem>> -> memref<56xi32, #tpu.memory_space<vmem>>
    %dma_wait3A_1462 = arith.constant 0 : i32
    %dma_wait3A_1463 = arith.constant 0 : i32
    %dma_wait3A_1464 = tpu.memref_slice %arg3[%dma_wait3A_1462, %dma_wait3A_1463] : memref<320000x128xf32, #tpu.memory_space<hbm>> -> memref<320000x128xf32, #tpu.memory_space<hbm>>
    tpu.wait_indirect_dma semaphore(%arg13 : memref<!tpu.dma_semaphore, #tpu.memory_space<semaphore_mem>>) src(%dma_wait3A_1464 : memref<320000x128xf32, #tpu.memory_space<hbm>>) dst(%dma_wait3A_1459 : memref<56x128xf32, #tpu.memory_space<vmem>>)
    %dma_wait3A_1465 = arith.constant 256 : i32
    %dma_wait3A_1466 = arith.constant 0 : i32
    %dma_wait3A_1467 = tpu.memref_slice %arg6[%dma_wait3A_1465, %dma_wait3A_1466] : memref<312x128xf32, #tpu.memory_space<vmem>> -> memref<56x128xf32, #tpu.memory_space<vmem>>
    %dma_wait3A_1468 = arith.constant 5872 : i32
    %dma_wait3A_1469 = tpu.memref_slice %arg7[%dma_wait3A_1468] : memref<9984xi32, #tpu.memory_space<vmem>> -> memref<56xi32, #tpu.memory_space<vmem>>
    %dma_wait3A_1470 = arith.constant 0 : i32
    %dma_wait3A_1471 = arith.constant 0 : i32
    %dma_wait3A_1472 = tpu.memref_slice %arg3[%dma_wait3A_1470, %dma_wait3A_1471] : memref<320000x128xf32, #tpu.memory_space<hbm>> -> memref<320000x128xf32, #tpu.memory_space<hbm>>
    tpu.wait_indirect_dma semaphore(%arg13 : memref<!tpu.dma_semaphore, #tpu.memory_space<semaphore_mem>>) src(%dma_wait3A_1472 : memref<320000x128xf32, #tpu.memory_space<hbm>>) dst(%dma_wait3A_1467 : memref<56x128xf32, #tpu.memory_space<vmem>>)
    %dma_wait3A_1473 = arith.constant 256 : i32
    %dma_wait3A_1474 = arith.constant 0 : i32
    %dma_wait3A_1475 = tpu.memref_slice %arg6[%dma_wait3A_1473, %dma_wait3A_1474] : memref<312x128xf32, #tpu.memory_space<vmem>> -> memref<56x128xf32, #tpu.memory_space<vmem>>
    %dma_wait3A_1476 = arith.constant 6184 : i32
    %dma_wait3A_1477 = tpu.memref_slice %arg7[%dma_wait3A_1476] : memref<9984xi32, #tpu.memory_space<vmem>> -> memref<56xi32, #tpu.memory_space<vmem>>
    %dma_wait3A_1478 = arith.constant 0 : i32
    %dma_wait3A_1479 = arith.constant 0 : i32
    %dma_wait3A_1480 = tpu.memref_slice %arg3[%dma_wait3A_1478, %dma_wait3A_1479] : memref<320000x128xf32, #tpu.memory_space<hbm>> -> memref<320000x128xf32, #tpu.memory_space<hbm>>
    tpu.wait_indirect_dma semaphore(%arg13 : memref<!tpu.dma_semaphore, #tpu.memory_space<semaphore_mem>>) src(%dma_wait3A_1480 : memref<320000x128xf32, #tpu.memory_space<hbm>>) dst(%dma_wait3A_1475 : memref<56x128xf32, #tpu.memory_space<vmem>>)
    %dma_wait3A_1481 = arith.constant 256 : i32
    %dma_wait3A_1482 = arith.constant 0 : i32
    %dma_wait3A_1483 = tpu.memref_slice %arg6[%dma_wait3A_1481, %dma_wait3A_1482] : memref<312x128xf32, #tpu.memory_space<vmem>> -> memref<56x128xf32, #tpu.memory_space<vmem>>
    %dma_wait3A_1484 = arith.constant 6496 : i32
    %dma_wait3A_1485 = tpu.memref_slice %arg7[%dma_wait3A_1484] : memref<9984xi32, #tpu.memory_space<vmem>> -> memref<56xi32, #tpu.memory_space<vmem>>
    %dma_wait3A_1486 = arith.constant 0 : i32
    %dma_wait3A_1487 = arith.constant 0 : i32
    %dma_wait3A_1488 = tpu.memref_slice %arg3[%dma_wait3A_1486, %dma_wait3A_1487] : memref<320000x128xf32, #tpu.memory_space<hbm>> -> memref<320000x128xf32, #tpu.memory_space<hbm>>
    tpu.wait_indirect_dma semaphore(%arg13 : memref<!tpu.dma_semaphore, #tpu.memory_space<semaphore_mem>>) src(%dma_wait3A_1488 : memref<320000x128xf32, #tpu.memory_space<hbm>>) dst(%dma_wait3A_1483 : memref<56x128xf32, #tpu.memory_space<vmem>>)
    %dma_wait3A_1489 = arith.constant 256 : i32
    %dma_wait3A_1490 = arith.constant 0 : i32
    %dma_wait3A_1491 = tpu.memref_slice %arg6[%dma_wait3A_1489, %dma_wait3A_1490] : memref<312x128xf32, #tpu.memory_space<vmem>> -> memref<56x128xf32, #tpu.memory_space<vmem>>
    %dma_wait3A_1492 = arith.constant 6808 : i32
    %dma_wait3A_1493 = tpu.memref_slice %arg7[%dma_wait3A_1492] : memref<9984xi32, #tpu.memory_space<vmem>> -> memref<56xi32, #tpu.memory_space<vmem>>
    %dma_wait3A_1494 = arith.constant 0 : i32
    %dma_wait3A_1495 = arith.constant 0 : i32
    %dma_wait3A_1496 = tpu.memref_slice %arg3[%dma_wait3A_1494, %dma_wait3A_1495] : memref<320000x128xf32, #tpu.memory_space<hbm>> -> memref<320000x128xf32, #tpu.memory_space<hbm>>
    tpu.wait_indirect_dma semaphore(%arg13 : memref<!tpu.dma_semaphore, #tpu.memory_space<semaphore_mem>>) src(%dma_wait3A_1496 : memref<320000x128xf32, #tpu.memory_space<hbm>>) dst(%dma_wait3A_1491 : memref<56x128xf32, #tpu.memory_space<vmem>>)
    %dma_wait3A_1497 = arith.constant 256 : i32
    %dma_wait3A_1498 = arith.constant 0 : i32
    %dma_wait3A_1499 = tpu.memref_slice %arg6[%dma_wait3A_1497, %dma_wait3A_1498] : memref<312x128xf32, #tpu.memory_space<vmem>> -> memref<56x128xf32, #tpu.memory_space<vmem>>
    %dma_wait3A_1500 = arith.constant 7120 : i32
    %dma_wait3A_1501 = tpu.memref_slice %arg7[%dma_wait3A_1500] : memref<9984xi32, #tpu.memory_space<vmem>> -> memref<56xi32, #tpu.memory_space<vmem>>
    %dma_wait3A_1502 = arith.constant 0 : i32
    %dma_wait3A_1503 = arith.constant 0 : i32
    %dma_wait3A_1504 = tpu.memref_slice %arg3[%dma_wait3A_1502, %dma_wait3A_1503] : memref<320000x128xf32, #tpu.memory_space<hbm>> -> memref<320000x128xf32, #tpu.memory_space<hbm>>
    tpu.wait_indirect_dma semaphore(%arg13 : memref<!tpu.dma_semaphore, #tpu.memory_space<semaphore_mem>>) src(%dma_wait3A_1504 : memref<320000x128xf32, #tpu.memory_space<hbm>>) dst(%dma_wait3A_1499 : memref<56x128xf32, #tpu.memory_space<vmem>>)
    %dma_wait3A_1505 = arith.constant 256 : i32
    %dma_wait3A_1506 = arith.constant 0 : i32
    %dma_wait3A_1507 = tpu.memref_slice %arg6[%dma_wait3A_1505, %dma_wait3A_1506] : memref<312x128xf32, #tpu.memory_space<vmem>> -> memref<56x128xf32, #tpu.memory_space<vmem>>
    %dma_wait3A_1508 = arith.constant 7432 : i32
    %dma_wait3A_1509 = tpu.memref_slice %arg7[%dma_wait3A_1508] : memref<9984xi32, #tpu.memory_space<vmem>> -> memref<56xi32, #tpu.memory_space<vmem>>
    %dma_wait3A_1510 = arith.constant 0 : i32
    %dma_wait3A_1511 = arith.constant 0 : i32
    %dma_wait3A_1512 = tpu.memref_slice %arg3[%dma_wait3A_1510, %dma_wait3A_1511] : memref<320000x128xf32, #tpu.memory_space<hbm>> -> memref<320000x128xf32, #tpu.memory_space<hbm>>
    tpu.wait_indirect_dma semaphore(%arg13 : memref<!tpu.dma_semaphore, #tpu.memory_space<semaphore_mem>>) src(%dma_wait3A_1512 : memref<320000x128xf32, #tpu.memory_space<hbm>>) dst(%dma_wait3A_1507 : memref<56x128xf32, #tpu.memory_space<vmem>>)
    %dma_wait3A_1513 = arith.constant 256 : i32
    %dma_wait3A_1514 = arith.constant 0 : i32
    %dma_wait3A_1515 = tpu.memref_slice %arg6[%dma_wait3A_1513, %dma_wait3A_1514] : memref<312x128xf32, #tpu.memory_space<vmem>> -> memref<56x128xf32, #tpu.memory_space<vmem>>
    %dma_wait3A_1516 = arith.constant 7744 : i32
    %dma_wait3A_1517 = tpu.memref_slice %arg7[%dma_wait3A_1516] : memref<9984xi32, #tpu.memory_space<vmem>> -> memref<56xi32, #tpu.memory_space<vmem>>
    %dma_wait3A_1518 = arith.constant 0 : i32
    %dma_wait3A_1519 = arith.constant 0 : i32
    %dma_wait3A_1520 = tpu.memref_slice %arg3[%dma_wait3A_1518, %dma_wait3A_1519] : memref<320000x128xf32, #tpu.memory_space<hbm>> -> memref<320000x128xf32, #tpu.memory_space<hbm>>
    tpu.wait_indirect_dma semaphore(%arg13 : memref<!tpu.dma_semaphore, #tpu.memory_space<semaphore_mem>>) src(%dma_wait3A_1520 : memref<320000x128xf32, #tpu.memory_space<hbm>>) dst(%dma_wait3A_1515 : memref<56x128xf32, #tpu.memory_space<vmem>>)
    %dma_wait3A_1521 = arith.constant 256 : i32
    %dma_wait3A_1522 = arith.constant 0 : i32
    %dma_wait3A_1523 = tpu.memref_slice %arg6[%dma_wait3A_1521, %dma_wait3A_1522] : memref<312x128xf32, #tpu.memory_space<vmem>> -> memref<56x128xf32, #tpu.memory_space<vmem>>
    %dma_wait3A_1524 = arith.constant 8056 : i32
    %dma_wait3A_1525 = tpu.memref_slice %arg7[%dma_wait3A_1524] : memref<9984xi32, #tpu.memory_space<vmem>> -> memref<56xi32, #tpu.memory_space<vmem>>
    %dma_wait3A_1526 = arith.constant 0 : i32
    %dma_wait3A_1527 = arith.constant 0 : i32
    %dma_wait3A_1528 = tpu.memref_slice %arg3[%dma_wait3A_1526, %dma_wait3A_1527] : memref<320000x128xf32, #tpu.memory_space<hbm>> -> memref<320000x128xf32, #tpu.memory_space<hbm>>
    tpu.wait_indirect_dma semaphore(%arg13 : memref<!tpu.dma_semaphore, #tpu.memory_space<semaphore_mem>>) src(%dma_wait3A_1528 : memref<320000x128xf32, #tpu.memory_space<hbm>>) dst(%dma_wait3A_1523 : memref<56x128xf32, #tpu.memory_space<vmem>>)
    %dma_wait3A_1529 = arith.constant 256 : i32
    %dma_wait3A_1530 = arith.constant 0 : i32
    %dma_wait3A_1531 = tpu.memref_slice %arg6[%dma_wait3A_1529, %dma_wait3A_1530] : memref<312x128xf32, #tpu.memory_space<vmem>> -> memref<56x128xf32, #tpu.memory_space<vmem>>
    %dma_wait3A_1532 = arith.constant 8368 : i32
    %dma_wait3A_1533 = tpu.memref_slice %arg7[%dma_wait3A_1532] : memref<9984xi32, #tpu.memory_space<vmem>> -> memref<56xi32, #tpu.memory_space<vmem>>
    %dma_wait3A_1534 = arith.constant 0 : i32
    %dma_wait3A_1535 = arith.constant 0 : i32
    %dma_wait3A_1536 = tpu.memref_slice %arg3[%dma_wait3A_1534, %dma_wait3A_1535] : memref<320000x128xf32, #tpu.memory_space<hbm>> -> memref<320000x128xf32, #tpu.memory_space<hbm>>
    tpu.wait_indirect_dma semaphore(%arg13 : memref<!tpu.dma_semaphore, #tpu.memory_space<semaphore_mem>>) src(%dma_wait3A_1536 : memref<320000x128xf32, #tpu.memory_space<hbm>>) dst(%dma_wait3A_1531 : memref<56x128xf32, #tpu.memory_space<vmem>>)
    %dma_wait3A_1537 = arith.constant 256 : i32
    %dma_wait3A_1538 = arith.constant 0 : i32
    %dma_wait3A_1539 = tpu.memref_slice %arg6[%dma_wait3A_1537, %dma_wait3A_1538] : memref<312x128xf32, #tpu.memory_space<vmem>> -> memref<56x128xf32, #tpu.memory_space<vmem>>
    %dma_wait3A_1540 = arith.constant 8680 : i32
    %dma_wait3A_1541 = tpu.memref_slice %arg7[%dma_wait3A_1540] : memref<9984xi32, #tpu.memory_space<vmem>> -> memref<56xi32, #tpu.memory_space<vmem>>
    %dma_wait3A_1542 = arith.constant 0 : i32
    %dma_wait3A_1543 = arith.constant 0 : i32
    %dma_wait3A_1544 = tpu.memref_slice %arg3[%dma_wait3A_1542, %dma_wait3A_1543] : memref<320000x128xf32, #tpu.memory_space<hbm>> -> memref<320000x128xf32, #tpu.memory_space<hbm>>
    tpu.wait_indirect_dma semaphore(%arg13 : memref<!tpu.dma_semaphore, #tpu.memory_space<semaphore_mem>>) src(%dma_wait3A_1544 : memref<320000x128xf32, #tpu.memory_space<hbm>>) dst(%dma_wait3A_1539 : memref<56x128xf32, #tpu.memory_space<vmem>>)
    %dma_wait3A_1545 = arith.constant 256 : i32
    %dma_wait3A_1546 = arith.constant 0 : i32
    %dma_wait3A_1547 = tpu.memref_slice %arg6[%dma_wait3A_1545, %dma_wait3A_1546] : memref<312x128xf32, #tpu.memory_space<vmem>> -> memref<56x128xf32, #tpu.memory_space<vmem>>
    %dma_wait3A_1548 = arith.constant 8992 : i32
    %dma_wait3A_1549 = tpu.memref_slice %arg7[%dma_wait3A_1548] : memref<9984xi32, #tpu.memory_space<vmem>> -> memref<56xi32, #tpu.memory_space<vmem>>
    %dma_wait3A_1550 = arith.constant 0 : i32
    %dma_wait3A_1551 = arith.constant 0 : i32
    %dma_wait3A_1552 = tpu.memref_slice %arg3[%dma_wait3A_1550, %dma_wait3A_1551] : memref<320000x128xf32, #tpu.memory_space<hbm>> -> memref<320000x128xf32, #tpu.memory_space<hbm>>
    tpu.wait_indirect_dma semaphore(%arg13 : memref<!tpu.dma_semaphore, #tpu.memory_space<semaphore_mem>>) src(%dma_wait3A_1552 : memref<320000x128xf32, #tpu.memory_space<hbm>>) dst(%dma_wait3A_1547 : memref<56x128xf32, #tpu.memory_space<vmem>>)
    %dma_wait3A_1553 = arith.constant 256 : i32
    %dma_wait3A_1554 = arith.constant 0 : i32
    %dma_wait3A_1555 = tpu.memref_slice %arg6[%dma_wait3A_1553, %dma_wait3A_1554] : memref<312x128xf32, #tpu.memory_space<vmem>> -> memref<56x128xf32, #tpu.memory_space<vmem>>
    %dma_wait3A_1556 = arith.constant 9304 : i32
    %dma_wait3A_1557 = tpu.memref_slice %arg7[%dma_wait3A_1556] : memref<9984xi32, #tpu.memory_space<vmem>> -> memref<56xi32, #tpu.memory_space<vmem>>
    %dma_wait3A_1558 = arith.constant 0 : i32
    %dma_wait3A_1559 = arith.constant 0 : i32
    %dma_wait3A_1560 = tpu.memref_slice %arg3[%dma_wait3A_1558, %dma_wait3A_1559] : memref<320000x128xf32, #tpu.memory_space<hbm>> -> memref<320000x128xf32, #tpu.memory_space<hbm>>
    tpu.wait_indirect_dma semaphore(%arg13 : memref<!tpu.dma_semaphore, #tpu.memory_space<semaphore_mem>>) src(%dma_wait3A_1560 : memref<320000x128xf32, #tpu.memory_space<hbm>>) dst(%dma_wait3A_1555 : memref<56x128xf32, #tpu.memory_space<vmem>>)
    %dma_wait3A_1561 = arith.constant 256 : i32
    %dma_wait3A_1562 = arith.constant 0 : i32
    %dma_wait3A_1563 = tpu.memref_slice %arg6[%dma_wait3A_1561, %dma_wait3A_1562] : memref<312x128xf32, #tpu.memory_space<vmem>> -> memref<56x128xf32, #tpu.memory_space<vmem>>
    %dma_wait3A_1564 = arith.constant 9616 : i32
    %dma_wait3A_1565 = tpu.memref_slice %arg7[%dma_wait3A_1564] : memref<9984xi32, #tpu.memory_space<vmem>> -> memref<56xi32, #tpu.memory_space<vmem>>
    %dma_wait3A_1566 = arith.constant 0 : i32
    %dma_wait3A_1567 = arith.constant 0 : i32
    %dma_wait3A_1568 = tpu.memref_slice %arg3[%dma_wait3A_1566, %dma_wait3A_1567] : memref<320000x128xf32, #tpu.memory_space<hbm>> -> memref<320000x128xf32, #tpu.memory_space<hbm>>
    tpu.wait_indirect_dma semaphore(%arg13 : memref<!tpu.dma_semaphore, #tpu.memory_space<semaphore_mem>>) src(%dma_wait3A_1568 : memref<320000x128xf32, #tpu.memory_space<hbm>>) dst(%dma_wait3A_1563 : memref<56x128xf32, #tpu.memory_space<vmem>>)
    %dma_wait3A_1569 = arith.constant 256 : i32
    %dma_wait3A_1570 = arith.constant 0 : i32
    %dma_wait3A_1571 = tpu.memref_slice %arg6[%dma_wait3A_1569, %dma_wait3A_1570] : memref<312x128xf32, #tpu.memory_space<vmem>> -> memref<56x128xf32, #tpu.memory_space<vmem>>
    %dma_wait3A_1572 = arith.constant 9928 : i32
    %dma_wait3A_1573 = tpu.memref_slice %arg7[%dma_wait3A_1572] : memref<9984xi32, #tpu.memory_space<vmem>> -> memref<56xi32, #tpu.memory_space<vmem>>
    %dma_wait3A_1574 = arith.constant 0 : i32
    %dma_wait3A_1575 = arith.constant 0 : i32
    %dma_wait3A_1576 = tpu.memref_slice %arg3[%dma_wait3A_1574, %dma_wait3A_1575] : memref<320000x128xf32, #tpu.memory_space<hbm>> -> memref<320000x128xf32, #tpu.memory_space<hbm>>
    tpu.wait_indirect_dma semaphore(%arg13 : memref<!tpu.dma_semaphore, #tpu.memory_space<semaphore_mem>>) src(%dma_wait3A_1576 : memref<320000x128xf32, #tpu.memory_space<hbm>>) dst(%dma_wait3A_1571 : memref<56x128xf32, #tpu.memory_space<vmem>>)
    %add3A_1577 = arith.constant 256 : i32
    %add3A_1578 = arith.addi %mul3A_2, %add3A_1577 : i32
    %dma_start3A_1579 = arith.constant 256 : i32
    %dma_start3A_1580 = arith.constant 0 : i32
    %dma_start3A_1581 = tpu.memref_slice %arg6[%dma_start3A_1579, %dma_start3A_1580] : memref<312x128xf32, #tpu.memory_space<vmem>> -> memref<56x128xf32, #tpu.memory_space<vmem>>
    %dma_start3A_1582 = arith.constant 0 : i32
    %dma_start3A_1583 = tpu.memref_slice %arg5[%add3A_1578, %dma_start3A_1582] : memref<10000x128xf32, #tpu.memory_space<hbm>> -> memref<56x128xf32, #tpu.memory_space<hbm>>
    %dma_start3A_1584 = arith.constant 0 : i32
    %dma_start3A_1585 = tpu.memref_slice %arg5[%add3A_1578, %dma_start3A_1584] : memref<10000x128xf32, #tpu.memory_space<hbm>> -> memref<56x128xf32, #tpu.memory_space<hbm>>
    %dma_start3A_1586 = arith.constant 256 : i32
    %dma_start3A_1587 = arith.constant 0 : i32
    %dma_start3A_1588 = tpu.memref_slice %arg6[%dma_start3A_1586, %dma_start3A_1587] : memref<312x128xf32, #tpu.memory_space<vmem>> -> memref<56x128xf32, #tpu.memory_space<vmem>>
    tpu.enqueue_dma source(%dma_start3A_1588 : memref<56x128xf32, #tpu.memory_space<vmem>>) target(%dma_start3A_1585 : memref<56x128xf32, #tpu.memory_space<hbm>>) target_semaphore(%arg10 : memref<!tpu.dma_semaphore, #tpu.memory_space<semaphore_mem>>)
    %dma_wait3A_1589 = arith.constant 0 : i32
    %dma_wait3A_1590 = arith.constant 0 : i32
    %dma_wait3A_1591 = tpu.memref_slice %arg6[%dma_wait3A_1589, %dma_wait3A_1590] : memref<312x128xf32, #tpu.memory_space<vmem>> -> memref<128x128xf32, #tpu.memory_space<vmem>>
    %dma_wait3A_1592 = arith.constant 0 : i32
    %dma_wait3A_1593 = tpu.memref_slice %arg5[%add3A_1042, %dma_wait3A_1592] : memref<10000x128xf32, #tpu.memory_space<hbm>> -> memref<128x128xf32, #tpu.memory_space<hbm>>
    %dma_wait3A_1594 = arith.constant 0 : i32
    %dma_wait3A_1595 = tpu.memref_slice %arg5[%add3A_1042, %dma_wait3A_1594] : memref<10000x128xf32, #tpu.memory_space<hbm>> -> memref<128x128xf32, #tpu.memory_space<hbm>>
    %dma_wait3A_1596 = arith.constant 0 : i32
    %dma_wait3A_1597 = arith.constant 0 : i32
    %dma_wait3A_1598 = tpu.memref_slice %arg6[%dma_wait3A_1596, %dma_wait3A_1597] : memref<312x128xf32, #tpu.memory_space<vmem>> -> memref<128x128xf32, #tpu.memory_space<vmem>>
    tpu.wait_dma2 semaphore(%arg10 : memref<!tpu.dma_semaphore, #tpu.memory_space<semaphore_mem>>) src(%dma_wait3A_1598 : memref<128x128xf32, #tpu.memory_space<vmem>>) dst(%dma_wait3A_1595 : memref<128x128xf32, #tpu.memory_space<hbm>>)
    %dma_wait3A_1599 = arith.constant 128 : i32
    %dma_wait3A_1600 = arith.constant 0 : i32
    %dma_wait3A_1601 = tpu.memref_slice %arg6[%dma_wait3A_1599, %dma_wait3A_1600] : memref<312x128xf32, #tpu.memory_space<vmem>> -> memref<128x128xf32, #tpu.memory_space<vmem>>
    %dma_wait3A_1602 = arith.constant 0 : i32
    %dma_wait3A_1603 = tpu.memref_slice %arg5[%add3A_1310, %dma_wait3A_1602] : memref<10000x128xf32, #tpu.memory_space<hbm>> -> memref<128x128xf32, #tpu.memory_space<hbm>>
    %dma_wait3A_1604 = arith.constant 0 : i32
    %dma_wait3A_1605 = tpu.memref_slice %arg5[%add3A_1310, %dma_wait3A_1604] : memref<10000x128xf32, #tpu.memory_space<hbm>> -> memref<128x128xf32, #tpu.memory_space<hbm>>
    %dma_wait3A_1606 = arith.constant 128 : i32
    %dma_wait3A_1607 = arith.constant 0 : i32
    %dma_wait3A_1608 = tpu.memref_slice %arg6[%dma_wait3A_1606, %dma_wait3A_1607] : memref<312x128xf32, #tpu.memory_space<vmem>> -> memref<128x128xf32, #tpu.memory_space<vmem>>
    tpu.wait_dma2 semaphore(%arg10 : memref<!tpu.dma_semaphore, #tpu.memory_space<semaphore_mem>>) src(%dma_wait3A_1608 : memref<128x128xf32, #tpu.memory_space<vmem>>) dst(%dma_wait3A_1605 : memref<128x128xf32, #tpu.memory_space<hbm>>)
    %dma_wait3A_1609 = arith.constant 256 : i32
    %dma_wait3A_1610 = arith.constant 0 : i32
    %dma_wait3A_1611 = tpu.memref_slice %arg6[%dma_wait3A_1609, %dma_wait3A_1610] : memref<312x128xf32, #tpu.memory_space<vmem>> -> memref<56x128xf32, #tpu.memory_space<vmem>>
    %dma_wait3A_1612 = arith.constant 0 : i32
    %dma_wait3A_1613 = tpu.memref_slice %arg5[%add3A_1578, %dma_wait3A_1612] : memref<10000x128xf32, #tpu.memory_space<hbm>> -> memref<56x128xf32, #tpu.memory_space<hbm>>
    %dma_wait3A_1614 = arith.constant 0 : i32
    %dma_wait3A_1615 = tpu.memref_slice %arg5[%add3A_1578, %dma_wait3A_1614] : memref<10000x128xf32, #tpu.memory_space<hbm>> -> memref<56x128xf32, #tpu.memory_space<hbm>>
    %dma_wait3A_1616 = arith.constant 256 : i32
    %dma_wait3A_1617 = arith.constant 0 : i32
    %dma_wait3A_1618 = tpu.memref_slice %arg6[%dma_wait3A_1616, %dma_wait3A_1617] : memref<312x128xf32, #tpu.memory_space<vmem>> -> memref<56x128xf32, #tpu.memory_space<vmem>>
    tpu.wait_dma2 semaphore(%arg10 : memref<!tpu.dma_semaphore, #tpu.memory_space<semaphore_mem>>) src(%dma_wait3A_1618 : memref<56x128xf32, #tpu.memory_space<vmem>>) dst(%dma_wait3A_1615 : memref<56x128xf32, #tpu.memory_space<hbm>>)
    %convert_element_type3A_1619 = arith.extui %eq3A_10 : i1 to i32
    %cond3A_1620 = arith.constant 0 : i32
    %cond3A_1621 = arith.cmpi ne, %convert_element_type3A_1619, %cond3A_1620 : i32
    scf.if %cond3A_1621 {
      %dma_start3A_1622 = arith.constant 0 : i32
      %dma_start3A_1623 = tpu.memref_slice %arg9[%dma_start3A_1622] : memref<512xi32, #tpu.memory_space<vmem>> -> memref<16xi32, #tpu.memory_space<vmem>>
      %dma_start3A_1624 = arith.constant 0 : i32
      %dma_start3A_1625 = arith.constant 0 : i32
      %dma_start3A_1626 = tpu.memref_slice %arg3[%dma_start3A_1624, %dma_start3A_1625] : memref<320000x128xf32, #tpu.memory_space<hbm>> -> memref<320000x128xf32, #tpu.memory_space<hbm>>
      tpu.enqueue_indirect_dma source(%dma_start3A_1626 : memref<320000x128xf32, #tpu.memory_space<hbm>>) target(%arg8 : memref<16x128xf32, #tpu.memory_space<vmem>>) offsets(%dma_start3A_1623 : memref<16xi32, #tpu.memory_space<vmem>>) semaphore(%arg10 : memref<!tpu.dma_semaphore, #tpu.memory_space<semaphore_mem>>) {add = true}
      %dma_start3A_1627 = arith.constant 16 : i32
      %dma_start3A_1628 = tpu.memref_slice %arg9[%dma_start3A_1627] : memref<512xi32, #tpu.memory_space<vmem>> -> memref<16xi32, #tpu.memory_space<vmem>>
      %dma_start3A_1629 = arith.constant 0 : i32
      %dma_start3A_1630 = arith.constant 0 : i32
      %dma_start3A_1631 = tpu.memref_slice %arg3[%dma_start3A_1629, %dma_start3A_1630] : memref<320000x128xf32, #tpu.memory_space<hbm>> -> memref<320000x128xf32, #tpu.memory_space<hbm>>
      tpu.enqueue_indirect_dma source(%dma_start3A_1631 : memref<320000x128xf32, #tpu.memory_space<hbm>>) target(%arg8 : memref<16x128xf32, #tpu.memory_space<vmem>>) offsets(%dma_start3A_1628 : memref<16xi32, #tpu.memory_space<vmem>>) semaphore(%arg10 : memref<!tpu.dma_semaphore, #tpu.memory_space<semaphore_mem>>) {add = true}
      %dma_start3A_1632 = arith.constant 32 : i32
      %dma_start3A_1633 = tpu.memref_slice %arg9[%dma_start3A_1632] : memref<512xi32, #tpu.memory_space<vmem>> -> memref<16xi32, #tpu.memory_space<vmem>>
      %dma_start3A_1634 = arith.constant 0 : i32
      %dma_start3A_1635 = arith.constant 0 : i32
      %dma_start3A_1636 = tpu.memref_slice %arg3[%dma_start3A_1634, %dma_start3A_1635] : memref<320000x128xf32, #tpu.memory_space<hbm>> -> memref<320000x128xf32, #tpu.memory_space<hbm>>
      tpu.enqueue_indirect_dma source(%dma_start3A_1636 : memref<320000x128xf32, #tpu.memory_space<hbm>>) target(%arg8 : memref<16x128xf32, #tpu.memory_space<vmem>>) offsets(%dma_start3A_1633 : memref<16xi32, #tpu.memory_space<vmem>>) semaphore(%arg10 : memref<!tpu.dma_semaphore, #tpu.memory_space<semaphore_mem>>) {add = true}
      %dma_start3A_1637 = arith.constant 48 : i32
      %dma_start3A_1638 = tpu.memref_slice %arg9[%dma_start3A_1637] : memref<512xi32, #tpu.memory_space<vmem>> -> memref<16xi32, #tpu.memory_space<vmem>>
      %dma_start3A_1639 = arith.constant 0 : i32
      %dma_start3A_1640 = arith.constant 0 : i32
      %dma_start3A_1641 = tpu.memref_slice %arg3[%dma_start3A_1639, %dma_start3A_1640] : memref<320000x128xf32, #tpu.memory_space<hbm>> -> memref<320000x128xf32, #tpu.memory_space<hbm>>
      tpu.enqueue_indirect_dma source(%dma_start3A_1641 : memref<320000x128xf32, #tpu.memory_space<hbm>>) target(%arg8 : memref<16x128xf32, #tpu.memory_space<vmem>>) offsets(%dma_start3A_1638 : memref<16xi32, #tpu.memory_space<vmem>>) semaphore(%arg10 : memref<!tpu.dma_semaphore, #tpu.memory_space<semaphore_mem>>) {add = true}
      %dma_start3A_1642 = arith.constant 64 : i32
      %dma_start3A_1643 = tpu.memref_slice %arg9[%dma_start3A_1642] : memref<512xi32, #tpu.memory_space<vmem>> -> memref<16xi32, #tpu.memory_space<vmem>>
      %dma_start3A_1644 = arith.constant 0 : i32
      %dma_start3A_1645 = arith.constant 0 : i32
      %dma_start3A_1646 = tpu.memref_slice %arg3[%dma_start3A_1644, %dma_start3A_1645] : memref<320000x128xf32, #tpu.memory_space<hbm>> -> memref<320000x128xf32, #tpu.memory_space<hbm>>
      tpu.enqueue_indirect_dma source(%dma_start3A_1646 : memref<320000x128xf32, #tpu.memory_space<hbm>>) target(%arg8 : memref<16x128xf32, #tpu.memory_space<vmem>>) offsets(%dma_start3A_1643 : memref<16xi32, #tpu.memory_space<vmem>>) semaphore(%arg10 : memref<!tpu.dma_semaphore, #tpu.memory_space<semaphore_mem>>) {add = true}
      %dma_start3A_1647 = arith.constant 80 : i32
      %dma_start3A_1648 = tpu.memref_slice %arg9[%dma_start3A_1647] : memref<512xi32, #tpu.memory_space<vmem>> -> memref<16xi32, #tpu.memory_space<vmem>>
      %dma_start3A_1649 = arith.constant 0 : i32
      %dma_start3A_1650 = arith.constant 0 : i32
      %dma_start3A_1651 = tpu.memref_slice %arg3[%dma_start3A_1649, %dma_start3A_1650] : memref<320000x128xf32, #tpu.memory_space<hbm>> -> memref<320000x128xf32, #tpu.memory_space<hbm>>
      tpu.enqueue_indirect_dma source(%dma_start3A_1651 : memref<320000x128xf32, #tpu.memory_space<hbm>>) target(%arg8 : memref<16x128xf32, #tpu.memory_space<vmem>>) offsets(%dma_start3A_1648 : memref<16xi32, #tpu.memory_space<vmem>>) semaphore(%arg10 : memref<!tpu.dma_semaphore, #tpu.memory_space<semaphore_mem>>) {add = true}
      %dma_start3A_1652 = arith.constant 96 : i32
      %dma_start3A_1653 = tpu.memref_slice %arg9[%dma_start3A_1652] : memref<512xi32, #tpu.memory_space<vmem>> -> memref<16xi32, #tpu.memory_space<vmem>>
      %dma_start3A_1654 = arith.constant 0 : i32
      %dma_start3A_1655 = arith.constant 0 : i32
      %dma_start3A_1656 = tpu.memref_slice %arg3[%dma_start3A_1654, %dma_start3A_1655] : memref<320000x128xf32, #tpu.memory_space<hbm>> -> memref<320000x128xf32, #tpu.memory_space<hbm>>
      tpu.enqueue_indirect_dma source(%dma_start3A_1656 : memref<320000x128xf32, #tpu.memory_space<hbm>>) target(%arg8 : memref<16x128xf32, #tpu.memory_space<vmem>>) offsets(%dma_start3A_1653 : memref<16xi32, #tpu.memory_space<vmem>>) semaphore(%arg10 : memref<!tpu.dma_semaphore, #tpu.memory_space<semaphore_mem>>) {add = true}
      %dma_start3A_1657 = arith.constant 112 : i32
      %dma_start3A_1658 = tpu.memref_slice %arg9[%dma_start3A_1657] : memref<512xi32, #tpu.memory_space<vmem>> -> memref<16xi32, #tpu.memory_space<vmem>>
      %dma_start3A_1659 = arith.constant 0 : i32
      %dma_start3A_1660 = arith.constant 0 : i32
      %dma_start3A_1661 = tpu.memref_slice %arg3[%dma_start3A_1659, %dma_start3A_1660] : memref<320000x128xf32, #tpu.memory_space<hbm>> -> memref<320000x128xf32, #tpu.memory_space<hbm>>
      tpu.enqueue_indirect_dma source(%dma_start3A_1661 : memref<320000x128xf32, #tpu.memory_space<hbm>>) target(%arg8 : memref<16x128xf32, #tpu.memory_space<vmem>>) offsets(%dma_start3A_1658 : memref<16xi32, #tpu.memory_space<vmem>>) semaphore(%arg10 : memref<!tpu.dma_semaphore, #tpu.memory_space<semaphore_mem>>) {add = true}
      %dma_start3A_1662 = arith.constant 128 : i32
      %dma_start3A_1663 = tpu.memref_slice %arg9[%dma_start3A_1662] : memref<512xi32, #tpu.memory_space<vmem>> -> memref<16xi32, #tpu.memory_space<vmem>>
      %dma_start3A_1664 = arith.constant 0 : i32
      %dma_start3A_1665 = arith.constant 0 : i32
      %dma_start3A_1666 = tpu.memref_slice %arg3[%dma_start3A_1664, %dma_start3A_1665] : memref<320000x128xf32, #tpu.memory_space<hbm>> -> memref<320000x128xf32, #tpu.memory_space<hbm>>
      tpu.enqueue_indirect_dma source(%dma_start3A_1666 : memref<320000x128xf32, #tpu.memory_space<hbm>>) target(%arg8 : memref<16x128xf32, #tpu.memory_space<vmem>>) offsets(%dma_start3A_1663 : memref<16xi32, #tpu.memory_space<vmem>>) semaphore(%arg10 : memref<!tpu.dma_semaphore, #tpu.memory_space<semaphore_mem>>) {add = true}
      %dma_start3A_1667 = arith.constant 144 : i32
      %dma_start3A_1668 = tpu.memref_slice %arg9[%dma_start3A_1667] : memref<512xi32, #tpu.memory_space<vmem>> -> memref<16xi32, #tpu.memory_space<vmem>>
      %dma_start3A_1669 = arith.constant 0 : i32
      %dma_start3A_1670 = arith.constant 0 : i32
      %dma_start3A_1671 = tpu.memref_slice %arg3[%dma_start3A_1669, %dma_start3A_1670] : memref<320000x128xf32, #tpu.memory_space<hbm>> -> memref<320000x128xf32, #tpu.memory_space<hbm>>
      tpu.enqueue_indirect_dma source(%dma_start3A_1671 : memref<320000x128xf32, #tpu.memory_space<hbm>>) target(%arg8 : memref<16x128xf32, #tpu.memory_space<vmem>>) offsets(%dma_start3A_1668 : memref<16xi32, #tpu.memory_space<vmem>>) semaphore(%arg10 : memref<!tpu.dma_semaphore, #tpu.memory_space<semaphore_mem>>) {add = true}
      %dma_start3A_1672 = arith.constant 160 : i32
      %dma_start3A_1673 = tpu.memref_slice %arg9[%dma_start3A_1672] : memref<512xi32, #tpu.memory_space<vmem>> -> memref<16xi32, #tpu.memory_space<vmem>>
      %dma_start3A_1674 = arith.constant 0 : i32
      %dma_start3A_1675 = arith.constant 0 : i32
      %dma_start3A_1676 = tpu.memref_slice %arg3[%dma_start3A_1674, %dma_start3A_1675] : memref<320000x128xf32, #tpu.memory_space<hbm>> -> memref<320000x128xf32, #tpu.memory_space<hbm>>
      tpu.enqueue_indirect_dma source(%dma_start3A_1676 : memref<320000x128xf32, #tpu.memory_space<hbm>>) target(%arg8 : memref<16x128xf32, #tpu.memory_space<vmem>>) offsets(%dma_start3A_1673 : memref<16xi32, #tpu.memory_space<vmem>>) semaphore(%arg10 : memref<!tpu.dma_semaphore, #tpu.memory_space<semaphore_mem>>) {add = true}
      %dma_start3A_1677 = arith.constant 176 : i32
      %dma_start3A_1678 = tpu.memref_slice %arg9[%dma_start3A_1677] : memref<512xi32, #tpu.memory_space<vmem>> -> memref<16xi32, #tpu.memory_space<vmem>>
      %dma_start3A_1679 = arith.constant 0 : i32
      %dma_start3A_1680 = arith.constant 0 : i32
      %dma_start3A_1681 = tpu.memref_slice %arg3[%dma_start3A_1679, %dma_start3A_1680] : memref<320000x128xf32, #tpu.memory_space<hbm>> -> memref<320000x128xf32, #tpu.memory_space<hbm>>
      tpu.enqueue_indirect_dma source(%dma_start3A_1681 : memref<320000x128xf32, #tpu.memory_space<hbm>>) target(%arg8 : memref<16x128xf32, #tpu.memory_space<vmem>>) offsets(%dma_start3A_1678 : memref<16xi32, #tpu.memory_space<vmem>>) semaphore(%arg10 : memref<!tpu.dma_semaphore, #tpu.memory_space<semaphore_mem>>) {add = true}
      %dma_start3A_1682 = arith.constant 192 : i32
      %dma_start3A_1683 = tpu.memref_slice %arg9[%dma_start3A_1682] : memref<512xi32, #tpu.memory_space<vmem>> -> memref<16xi32, #tpu.memory_space<vmem>>
      %dma_start3A_1684 = arith.constant 0 : i32
      %dma_start3A_1685 = arith.constant 0 : i32
      %dma_start3A_1686 = tpu.memref_slice %arg3[%dma_start3A_1684, %dma_start3A_1685] : memref<320000x128xf32, #tpu.memory_space<hbm>> -> memref<320000x128xf32, #tpu.memory_space<hbm>>
      tpu.enqueue_indirect_dma source(%dma_start3A_1686 : memref<320000x128xf32, #tpu.memory_space<hbm>>) target(%arg8 : memref<16x128xf32, #tpu.memory_space<vmem>>) offsets(%dma_start3A_1683 : memref<16xi32, #tpu.memory_space<vmem>>) semaphore(%arg10 : memref<!tpu.dma_semaphore, #tpu.memory_space<semaphore_mem>>) {add = true}
      %dma_start3A_1687 = arith.constant 208 : i32
      %dma_start3A_1688 = tpu.memref_slice %arg9[%dma_start3A_1687] : memref<512xi32, #tpu.memory_space<vmem>> -> memref<16xi32, #tpu.memory_space<vmem>>
      %dma_start3A_1689 = arith.constant 0 : i32
      %dma_start3A_1690 = arith.constant 0 : i32
      %dma_start3A_1691 = tpu.memref_slice %arg3[%dma_start3A_1689, %dma_start3A_1690] : memref<320000x128xf32, #tpu.memory_space<hbm>> -> memref<320000x128xf32, #tpu.memory_space<hbm>>
      tpu.enqueue_indirect_dma source(%dma_start3A_1691 : memref<320000x128xf32, #tpu.memory_space<hbm>>) target(%arg8 : memref<16x128xf32, #tpu.memory_space<vmem>>) offsets(%dma_start3A_1688 : memref<16xi32, #tpu.memory_space<vmem>>) semaphore(%arg10 : memref<!tpu.dma_semaphore, #tpu.memory_space<semaphore_mem>>) {add = true}
      %dma_start3A_1692 = arith.constant 224 : i32
      %dma_start3A_1693 = tpu.memref_slice %arg9[%dma_start3A_1692] : memref<512xi32, #tpu.memory_space<vmem>> -> memref<16xi32, #tpu.memory_space<vmem>>
      %dma_start3A_1694 = arith.constant 0 : i32
      %dma_start3A_1695 = arith.constant 0 : i32
      %dma_start3A_1696 = tpu.memref_slice %arg3[%dma_start3A_1694, %dma_start3A_1695] : memref<320000x128xf32, #tpu.memory_space<hbm>> -> memref<320000x128xf32, #tpu.memory_space<hbm>>
      tpu.enqueue_indirect_dma source(%dma_start3A_1696 : memref<320000x128xf32, #tpu.memory_space<hbm>>) target(%arg8 : memref<16x128xf32, #tpu.memory_space<vmem>>) offsets(%dma_start3A_1693 : memref<16xi32, #tpu.memory_space<vmem>>) semaphore(%arg10 : memref<!tpu.dma_semaphore, #tpu.memory_space<semaphore_mem>>) {add = true}
      %dma_start3A_1697 = arith.constant 240 : i32
      %dma_start3A_1698 = tpu.memref_slice %arg9[%dma_start3A_1697] : memref<512xi32, #tpu.memory_space<vmem>> -> memref<16xi32, #tpu.memory_space<vmem>>
      %dma_start3A_1699 = arith.constant 0 : i32
      %dma_start3A_1700 = arith.constant 0 : i32
      %dma_start3A_1701 = tpu.memref_slice %arg3[%dma_start3A_1699, %dma_start3A_1700] : memref<320000x128xf32, #tpu.memory_space<hbm>> -> memref<320000x128xf32, #tpu.memory_space<hbm>>
      tpu.enqueue_indirect_dma source(%dma_start3A_1701 : memref<320000x128xf32, #tpu.memory_space<hbm>>) target(%arg8 : memref<16x128xf32, #tpu.memory_space<vmem>>) offsets(%dma_start3A_1698 : memref<16xi32, #tpu.memory_space<vmem>>) semaphore(%arg10 : memref<!tpu.dma_semaphore, #tpu.memory_space<semaphore_mem>>) {add = true}
      %dma_start3A_1702 = arith.constant 256 : i32
      %dma_start3A_1703 = tpu.memref_slice %arg9[%dma_start3A_1702] : memref<512xi32, #tpu.memory_space<vmem>> -> memref<16xi32, #tpu.memory_space<vmem>>
      %dma_start3A_1704 = arith.constant 0 : i32
      %dma_start3A_1705 = arith.constant 0 : i32
      %dma_start3A_1706 = tpu.memref_slice %arg3[%dma_start3A_1704, %dma_start3A_1705] : memref<320000x128xf32, #tpu.memory_space<hbm>> -> memref<320000x128xf32, #tpu.memory_space<hbm>>
      tpu.enqueue_indirect_dma source(%dma_start3A_1706 : memref<320000x128xf32, #tpu.memory_space<hbm>>) target(%arg8 : memref<16x128xf32, #tpu.memory_space<vmem>>) offsets(%dma_start3A_1703 : memref<16xi32, #tpu.memory_space<vmem>>) semaphore(%arg10 : memref<!tpu.dma_semaphore, #tpu.memory_space<semaphore_mem>>) {add = true}
      %dma_start3A_1707 = arith.constant 272 : i32
      %dma_start3A_1708 = tpu.memref_slice %arg9[%dma_start3A_1707] : memref<512xi32, #tpu.memory_space<vmem>> -> memref<16xi32, #tpu.memory_space<vmem>>
      %dma_start3A_1709 = arith.constant 0 : i32
      %dma_start3A_1710 = arith.constant 0 : i32
      %dma_start3A_1711 = tpu.memref_slice %arg3[%dma_start3A_1709, %dma_start3A_1710] : memref<320000x128xf32, #tpu.memory_space<hbm>> -> memref<320000x128xf32, #tpu.memory_space<hbm>>
      tpu.enqueue_indirect_dma source(%dma_start3A_1711 : memref<320000x128xf32, #tpu.memory_space<hbm>>) target(%arg8 : memref<16x128xf32, #tpu.memory_space<vmem>>) offsets(%dma_start3A_1708 : memref<16xi32, #tpu.memory_space<vmem>>) semaphore(%arg10 : memref<!tpu.dma_semaphore, #tpu.memory_space<semaphore_mem>>) {add = true}
      %dma_start3A_1712 = arith.constant 288 : i32
      %dma_start3A_1713 = tpu.memref_slice %arg9[%dma_start3A_1712] : memref<512xi32, #tpu.memory_space<vmem>> -> memref<16xi32, #tpu.memory_space<vmem>>
      %dma_start3A_1714 = arith.constant 0 : i32
      %dma_start3A_1715 = arith.constant 0 : i32
      %dma_start3A_1716 = tpu.memref_slice %arg3[%dma_start3A_1714, %dma_start3A_1715] : memref<320000x128xf32, #tpu.memory_space<hbm>> -> memref<320000x128xf32, #tpu.memory_space<hbm>>
      tpu.enqueue_indirect_dma source(%dma_start3A_1716 : memref<320000x128xf32, #tpu.memory_space<hbm>>) target(%arg8 : memref<16x128xf32, #tpu.memory_space<vmem>>) offsets(%dma_start3A_1713 : memref<16xi32, #tpu.memory_space<vmem>>) semaphore(%arg10 : memref<!tpu.dma_semaphore, #tpu.memory_space<semaphore_mem>>) {add = true}
      %dma_start3A_1717 = arith.constant 304 : i32
      %dma_start3A_1718 = tpu.memref_slice %arg9[%dma_start3A_1717] : memref<512xi32, #tpu.memory_space<vmem>> -> memref<16xi32, #tpu.memory_space<vmem>>
      %dma_start3A_1719 = arith.constant 0 : i32
      %dma_start3A_1720 = arith.constant 0 : i32
      %dma_start3A_1721 = tpu.memref_slice %arg3[%dma_start3A_1719, %dma_start3A_1720] : memref<320000x128xf32, #tpu.memory_space<hbm>> -> memref<320000x128xf32, #tpu.memory_space<hbm>>
      tpu.enqueue_indirect_dma source(%dma_start3A_1721 : memref<320000x128xf32, #tpu.memory_space<hbm>>) target(%arg8 : memref<16x128xf32, #tpu.memory_space<vmem>>) offsets(%dma_start3A_1718 : memref<16xi32, #tpu.memory_space<vmem>>) semaphore(%arg10 : memref<!tpu.dma_semaphore, #tpu.memory_space<semaphore_mem>>) {add = true}
      %dma_start3A_1722 = arith.constant 320 : i32
      %dma_start3A_1723 = tpu.memref_slice %arg9[%dma_start3A_1722] : memref<512xi32, #tpu.memory_space<vmem>> -> memref<16xi32, #tpu.memory_space<vmem>>
      %dma_start3A_1724 = arith.constant 0 : i32
      %dma_start3A_1725 = arith.constant 0 : i32
      %dma_start3A_1726 = tpu.memref_slice %arg3[%dma_start3A_1724, %dma_start3A_1725] : memref<320000x128xf32, #tpu.memory_space<hbm>> -> memref<320000x128xf32, #tpu.memory_space<hbm>>
      tpu.enqueue_indirect_dma source(%dma_start3A_1726 : memref<320000x128xf32, #tpu.memory_space<hbm>>) target(%arg8 : memref<16x128xf32, #tpu.memory_space<vmem>>) offsets(%dma_start3A_1723 : memref<16xi32, #tpu.memory_space<vmem>>) semaphore(%arg10 : memref<!tpu.dma_semaphore, #tpu.memory_space<semaphore_mem>>) {add = true}
      %dma_start3A_1727 = arith.constant 336 : i32
      %dma_start3A_1728 = tpu.memref_slice %arg9[%dma_start3A_1727] : memref<512xi32, #tpu.memory_space<vmem>> -> memref<16xi32, #tpu.memory_space<vmem>>
      %dma_start3A_1729 = arith.constant 0 : i32
      %dma_start3A_1730 = arith.constant 0 : i32
      %dma_start3A_1731 = tpu.memref_slice %arg3[%dma_start3A_1729, %dma_start3A_1730] : memref<320000x128xf32, #tpu.memory_space<hbm>> -> memref<320000x128xf32, #tpu.memory_space<hbm>>
      tpu.enqueue_indirect_dma source(%dma_start3A_1731 : memref<320000x128xf32, #tpu.memory_space<hbm>>) target(%arg8 : memref<16x128xf32, #tpu.memory_space<vmem>>) offsets(%dma_start3A_1728 : memref<16xi32, #tpu.memory_space<vmem>>) semaphore(%arg10 : memref<!tpu.dma_semaphore, #tpu.memory_space<semaphore_mem>>) {add = true}
      %dma_start3A_1732 = arith.constant 352 : i32
      %dma_start3A_1733 = tpu.memref_slice %arg9[%dma_start3A_1732] : memref<512xi32, #tpu.memory_space<vmem>> -> memref<16xi32, #tpu.memory_space<vmem>>
      %dma_start3A_1734 = arith.constant 0 : i32
      %dma_start3A_1735 = arith.constant 0 : i32
      %dma_start3A_1736 = tpu.memref_slice %arg3[%dma_start3A_1734, %dma_start3A_1735] : memref<320000x128xf32, #tpu.memory_space<hbm>> -> memref<320000x128xf32, #tpu.memory_space<hbm>>
      tpu.enqueue_indirect_dma source(%dma_start3A_1736 : memref<320000x128xf32, #tpu.memory_space<hbm>>) target(%arg8 : memref<16x128xf32, #tpu.memory_space<vmem>>) offsets(%dma_start3A_1733 : memref<16xi32, #tpu.memory_space<vmem>>) semaphore(%arg10 : memref<!tpu.dma_semaphore, #tpu.memory_space<semaphore_mem>>) {add = true}
      %dma_start3A_1737 = arith.constant 368 : i32
      %dma_start3A_1738 = tpu.memref_slice %arg9[%dma_start3A_1737] : memref<512xi32, #tpu.memory_space<vmem>> -> memref<16xi32, #tpu.memory_space<vmem>>
      %dma_start3A_1739 = arith.constant 0 : i32
      %dma_start3A_1740 = arith.constant 0 : i32
      %dma_start3A_1741 = tpu.memref_slice %arg3[%dma_start3A_1739, %dma_start3A_1740] : memref<320000x128xf32, #tpu.memory_space<hbm>> -> memref<320000x128xf32, #tpu.memory_space<hbm>>
      tpu.enqueue_indirect_dma source(%dma_start3A_1741 : memref<320000x128xf32, #tpu.memory_space<hbm>>) target(%arg8 : memref<16x128xf32, #tpu.memory_space<vmem>>) offsets(%dma_start3A_1738 : memref<16xi32, #tpu.memory_space<vmem>>) semaphore(%arg10 : memref<!tpu.dma_semaphore, #tpu.memory_space<semaphore_mem>>) {add = true}
      %dma_start3A_1742 = arith.constant 384 : i32
      %dma_start3A_1743 = tpu.memref_slice %arg9[%dma_start3A_1742] : memref<512xi32, #tpu.memory_space<vmem>> -> memref<16xi32, #tpu.memory_space<vmem>>
      %dma_start3A_1744 = arith.constant 0 : i32
      %dma_start3A_1745 = arith.constant 0 : i32
      %dma_start3A_1746 = tpu.memref_slice %arg3[%dma_start3A_1744, %dma_start3A_1745] : memref<320000x128xf32, #tpu.memory_space<hbm>> -> memref<320000x128xf32, #tpu.memory_space<hbm>>
      tpu.enqueue_indirect_dma source(%dma_start3A_1746 : memref<320000x128xf32, #tpu.memory_space<hbm>>) target(%arg8 : memref<16x128xf32, #tpu.memory_space<vmem>>) offsets(%dma_start3A_1743 : memref<16xi32, #tpu.memory_space<vmem>>) semaphore(%arg10 : memref<!tpu.dma_semaphore, #tpu.memory_space<semaphore_mem>>) {add = true}
      %dma_start3A_1747 = arith.constant 400 : i32
      %dma_start3A_1748 = tpu.memref_slice %arg9[%dma_start3A_1747] : memref<512xi32, #tpu.memory_space<vmem>> -> memref<16xi32, #tpu.memory_space<vmem>>
      %dma_start3A_1749 = arith.constant 0 : i32
      %dma_start3A_1750 = arith.constant 0 : i32
      %dma_start3A_1751 = tpu.memref_slice %arg3[%dma_start3A_1749, %dma_start3A_1750] : memref<320000x128xf32, #tpu.memory_space<hbm>> -> memref<320000x128xf32, #tpu.memory_space<hbm>>
      tpu.enqueue_indirect_dma source(%dma_start3A_1751 : memref<320000x128xf32, #tpu.memory_space<hbm>>) target(%arg8 : memref<16x128xf32, #tpu.memory_space<vmem>>) offsets(%dma_start3A_1748 : memref<16xi32, #tpu.memory_space<vmem>>) semaphore(%arg10 : memref<!tpu.dma_semaphore, #tpu.memory_space<semaphore_mem>>) {add = true}
      %dma_start3A_1752 = arith.constant 416 : i32
      %dma_start3A_1753 = tpu.memref_slice %arg9[%dma_start3A_1752] : memref<512xi32, #tpu.memory_space<vmem>> -> memref<16xi32, #tpu.memory_space<vmem>>
      %dma_start3A_1754 = arith.constant 0 : i32
      %dma_start3A_1755 = arith.constant 0 : i32
      %dma_start3A_1756 = tpu.memref_slice %arg3[%dma_start3A_1754, %dma_start3A_1755] : memref<320000x128xf32, #tpu.memory_space<hbm>> -> memref<320000x128xf32, #tpu.memory_space<hbm>>
      tpu.enqueue_indirect_dma source(%dma_start3A_1756 : memref<320000x128xf32, #tpu.memory_space<hbm>>) target(%arg8 : memref<16x128xf32, #tpu.memory_space<vmem>>) offsets(%dma_start3A_1753 : memref<16xi32, #tpu.memory_space<vmem>>) semaphore(%arg10 : memref<!tpu.dma_semaphore, #tpu.memory_space<semaphore_mem>>) {add = true}
      %dma_start3A_1757 = arith.constant 432 : i32
      %dma_start3A_1758 = tpu.memref_slice %arg9[%dma_start3A_1757] : memref<512xi32, #tpu.memory_space<vmem>> -> memref<16xi32, #tpu.memory_space<vmem>>
      %dma_start3A_1759 = arith.constant 0 : i32
      %dma_start3A_1760 = arith.constant 0 : i32
      %dma_start3A_1761 = tpu.memref_slice %arg3[%dma_start3A_1759, %dma_start3A_1760] : memref<320000x128xf32, #tpu.memory_space<hbm>> -> memref<320000x128xf32, #tpu.memory_space<hbm>>
      tpu.enqueue_indirect_dma source(%dma_start3A_1761 : memref<320000x128xf32, #tpu.memory_space<hbm>>) target(%arg8 : memref<16x128xf32, #tpu.memory_space<vmem>>) offsets(%dma_start3A_1758 : memref<16xi32, #tpu.memory_space<vmem>>) semaphore(%arg10 : memref<!tpu.dma_semaphore, #tpu.memory_space<semaphore_mem>>) {add = true}
      %dma_start3A_1762 = arith.constant 448 : i32
      %dma_start3A_1763 = tpu.memref_slice %arg9[%dma_start3A_1762] : memref<512xi32, #tpu.memory_space<vmem>> -> memref<16xi32, #tpu.memory_space<vmem>>
      %dma_start3A_1764 = arith.constant 0 : i32
      %dma_start3A_1765 = arith.constant 0 : i32
      %dma_start3A_1766 = tpu.memref_slice %arg3[%dma_start3A_1764, %dma_start3A_1765] : memref<320000x128xf32, #tpu.memory_space<hbm>> -> memref<320000x128xf32, #tpu.memory_space<hbm>>
      tpu.enqueue_indirect_dma source(%dma_start3A_1766 : memref<320000x128xf32, #tpu.memory_space<hbm>>) target(%arg8 : memref<16x128xf32, #tpu.memory_space<vmem>>) offsets(%dma_start3A_1763 : memref<16xi32, #tpu.memory_space<vmem>>) semaphore(%arg10 : memref<!tpu.dma_semaphore, #tpu.memory_space<semaphore_mem>>) {add = true}
      %dma_start3A_1767 = arith.constant 464 : i32
      %dma_start3A_1768 = tpu.memref_slice %arg9[%dma_start3A_1767] : memref<512xi32, #tpu.memory_space<vmem>> -> memref<16xi32, #tpu.memory_space<vmem>>
      %dma_start3A_1769 = arith.constant 0 : i32
      %dma_start3A_1770 = arith.constant 0 : i32
      %dma_start3A_1771 = tpu.memref_slice %arg3[%dma_start3A_1769, %dma_start3A_1770] : memref<320000x128xf32, #tpu.memory_space<hbm>> -> memref<320000x128xf32, #tpu.memory_space<hbm>>
      tpu.enqueue_indirect_dma source(%dma_start3A_1771 : memref<320000x128xf32, #tpu.memory_space<hbm>>) target(%arg8 : memref<16x128xf32, #tpu.memory_space<vmem>>) offsets(%dma_start3A_1768 : memref<16xi32, #tpu.memory_space<vmem>>) semaphore(%arg10 : memref<!tpu.dma_semaphore, #tpu.memory_space<semaphore_mem>>) {add = true}
      %dma_start3A_1772 = arith.constant 480 : i32
      %dma_start3A_1773 = tpu.memref_slice %arg9[%dma_start3A_1772] : memref<512xi32, #tpu.memory_space<vmem>> -> memref<16xi32, #tpu.memory_space<vmem>>
      %dma_start3A_1774 = arith.constant 0 : i32
      %dma_start3A_1775 = arith.constant 0 : i32
      %dma_start3A_1776 = tpu.memref_slice %arg3[%dma_start3A_1774, %dma_start3A_1775] : memref<320000x128xf32, #tpu.memory_space<hbm>> -> memref<320000x128xf32, #tpu.memory_space<hbm>>
      tpu.enqueue_indirect_dma source(%dma_start3A_1776 : memref<320000x128xf32, #tpu.memory_space<hbm>>) target(%arg8 : memref<16x128xf32, #tpu.memory_space<vmem>>) offsets(%dma_start3A_1773 : memref<16xi32, #tpu.memory_space<vmem>>) semaphore(%arg10 : memref<!tpu.dma_semaphore, #tpu.memory_space<semaphore_mem>>) {add = true}
      %dma_start3A_1777 = arith.constant 496 : i32
      %dma_start3A_1778 = tpu.memref_slice %arg9[%dma_start3A_1777] : memref<512xi32, #tpu.memory_space<vmem>> -> memref<16xi32, #tpu.memory_space<vmem>>
      %dma_start3A_1779 = arith.constant 0 : i32
      %dma_start3A_1780 = arith.constant 0 : i32
      %dma_start3A_1781 = tpu.memref_slice %arg3[%dma_start3A_1779, %dma_start3A_1780] : memref<320000x128xf32, #tpu.memory_space<hbm>> -> memref<320000x128xf32, #tpu.memory_space<hbm>>
      tpu.enqueue_indirect_dma source(%dma_start3A_1781 : memref<320000x128xf32, #tpu.memory_space<hbm>>) target(%arg8 : memref<16x128xf32, #tpu.memory_space<vmem>>) offsets(%dma_start3A_1778 : memref<16xi32, #tpu.memory_space<vmem>>) semaphore(%arg10 : memref<!tpu.dma_semaphore, #tpu.memory_space<semaphore_mem>>) {add = true}
      %dma_wait3A_1782 = arith.constant 0 : i32
      %dma_wait3A_1783 = tpu.memref_slice %arg9[%dma_wait3A_1782] : memref<512xi32, #tpu.memory_space<vmem>> -> memref<16xi32, #tpu.memory_space<vmem>>
      %dma_wait3A_1784 = arith.constant 0 : i32
      %dma_wait3A_1785 = arith.constant 0 : i32
      %dma_wait3A_1786 = tpu.memref_slice %arg3[%dma_wait3A_1784, %dma_wait3A_1785] : memref<320000x128xf32, #tpu.memory_space<hbm>> -> memref<320000x128xf32, #tpu.memory_space<hbm>>
      tpu.wait_indirect_dma semaphore(%arg10 : memref<!tpu.dma_semaphore, #tpu.memory_space<semaphore_mem>>) src(%dma_wait3A_1786 : memref<320000x128xf32, #tpu.memory_space<hbm>>) dst(%arg8 : memref<16x128xf32, #tpu.memory_space<vmem>>)
      %dma_wait3A_1787 = arith.constant 16 : i32
      %dma_wait3A_1788 = tpu.memref_slice %arg9[%dma_wait3A_1787] : memref<512xi32, #tpu.memory_space<vmem>> -> memref<16xi32, #tpu.memory_space<vmem>>
      %dma_wait3A_1789 = arith.constant 0 : i32
      %dma_wait3A_1790 = arith.constant 0 : i32
      %dma_wait3A_1791 = tpu.memref_slice %arg3[%dma_wait3A_1789, %dma_wait3A_1790] : memref<320000x128xf32, #tpu.memory_space<hbm>> -> memref<320000x128xf32, #tpu.memory_space<hbm>>
      tpu.wait_indirect_dma semaphore(%arg10 : memref<!tpu.dma_semaphore, #tpu.memory_space<semaphore_mem>>) src(%dma_wait3A_1791 : memref<320000x128xf32, #tpu.memory_space<hbm>>) dst(%arg8 : memref<16x128xf32, #tpu.memory_space<vmem>>)
      %dma_wait3A_1792 = arith.constant 32 : i32
      %dma_wait3A_1793 = tpu.memref_slice %arg9[%dma_wait3A_1792] : memref<512xi32, #tpu.memory_space<vmem>> -> memref<16xi32, #tpu.memory_space<vmem>>
      %dma_wait3A_1794 = arith.constant 0 : i32
      %dma_wait3A_1795 = arith.constant 0 : i32
      %dma_wait3A_1796 = tpu.memref_slice %arg3[%dma_wait3A_1794, %dma_wait3A_1795] : memref<320000x128xf32, #tpu.memory_space<hbm>> -> memref<320000x128xf32, #tpu.memory_space<hbm>>
      tpu.wait_indirect_dma semaphore(%arg10 : memref<!tpu.dma_semaphore, #tpu.memory_space<semaphore_mem>>) src(%dma_wait3A_1796 : memref<320000x128xf32, #tpu.memory_space<hbm>>) dst(%arg8 : memref<16x128xf32, #tpu.memory_space<vmem>>)
      %dma_wait3A_1797 = arith.constant 48 : i32
      %dma_wait3A_1798 = tpu.memref_slice %arg9[%dma_wait3A_1797] : memref<512xi32, #tpu.memory_space<vmem>> -> memref<16xi32, #tpu.memory_space<vmem>>
      %dma_wait3A_1799 = arith.constant 0 : i32
      %dma_wait3A_1800 = arith.constant 0 : i32
      %dma_wait3A_1801 = tpu.memref_slice %arg3[%dma_wait3A_1799, %dma_wait3A_1800] : memref<320000x128xf32, #tpu.memory_space<hbm>> -> memref<320000x128xf32, #tpu.memory_space<hbm>>
      tpu.wait_indirect_dma semaphore(%arg10 : memref<!tpu.dma_semaphore, #tpu.memory_space<semaphore_mem>>) src(%dma_wait3A_1801 : memref<320000x128xf32, #tpu.memory_space<hbm>>) dst(%arg8 : memref<16x128xf32, #tpu.memory_space<vmem>>)
      %dma_wait3A_1802 = arith.constant 64 : i32
      %dma_wait3A_1803 = tpu.memref_slice %arg9[%dma_wait3A_1802] : memref<512xi32, #tpu.memory_space<vmem>> -> memref<16xi32, #tpu.memory_space<vmem>>
      %dma_wait3A_1804 = arith.constant 0 : i32
      %dma_wait3A_1805 = arith.constant 0 : i32
      %dma_wait3A_1806 = tpu.memref_slice %arg3[%dma_wait3A_1804, %dma_wait3A_1805] : memref<320000x128xf32, #tpu.memory_space<hbm>> -> memref<320000x128xf32, #tpu.memory_space<hbm>>
      tpu.wait_indirect_dma semaphore(%arg10 : memref<!tpu.dma_semaphore, #tpu.memory_space<semaphore_mem>>) src(%dma_wait3A_1806 : memref<320000x128xf32, #tpu.memory_space<hbm>>) dst(%arg8 : memref<16x128xf32, #tpu.memory_space<vmem>>)
      %dma_wait3A_1807 = arith.constant 80 : i32
      %dma_wait3A_1808 = tpu.memref_slice %arg9[%dma_wait3A_1807] : memref<512xi32, #tpu.memory_space<vmem>> -> memref<16xi32, #tpu.memory_space<vmem>>
      %dma_wait3A_1809 = arith.constant 0 : i32
      %dma_wait3A_1810 = arith.constant 0 : i32
      %dma_wait3A_1811 = tpu.memref_slice %arg3[%dma_wait3A_1809, %dma_wait3A_1810] : memref<320000x128xf32, #tpu.memory_space<hbm>> -> memref<320000x128xf32, #tpu.memory_space<hbm>>
      tpu.wait_indirect_dma semaphore(%arg10 : memref<!tpu.dma_semaphore, #tpu.memory_space<semaphore_mem>>) src(%dma_wait3A_1811 : memref<320000x128xf32, #tpu.memory_space<hbm>>) dst(%arg8 : memref<16x128xf32, #tpu.memory_space<vmem>>)
      %dma_wait3A_1812 = arith.constant 96 : i32
      %dma_wait3A_1813 = tpu.memref_slice %arg9[%dma_wait3A_1812] : memref<512xi32, #tpu.memory_space<vmem>> -> memref<16xi32, #tpu.memory_space<vmem>>
      %dma_wait3A_1814 = arith.constant 0 : i32
      %dma_wait3A_1815 = arith.constant 0 : i32
      %dma_wait3A_1816 = tpu.memref_slice %arg3[%dma_wait3A_1814, %dma_wait3A_1815] : memref<320000x128xf32, #tpu.memory_space<hbm>> -> memref<320000x128xf32, #tpu.memory_space<hbm>>
      tpu.wait_indirect_dma semaphore(%arg10 : memref<!tpu.dma_semaphore, #tpu.memory_space<semaphore_mem>>) src(%dma_wait3A_1816 : memref<320000x128xf32, #tpu.memory_space<hbm>>) dst(%arg8 : memref<16x128xf32, #tpu.memory_space<vmem>>)
      %dma_wait3A_1817 = arith.constant 112 : i32
      %dma_wait3A_1818 = tpu.memref_slice %arg9[%dma_wait3A_1817] : memref<512xi32, #tpu.memory_space<vmem>> -> memref<16xi32, #tpu.memory_space<vmem>>
      %dma_wait3A_1819 = arith.constant 0 : i32
      %dma_wait3A_1820 = arith.constant 0 : i32
      %dma_wait3A_1821 = tpu.memref_slice %arg3[%dma_wait3A_1819, %dma_wait3A_1820] : memref<320000x128xf32, #tpu.memory_space<hbm>> -> memref<320000x128xf32, #tpu.memory_space<hbm>>
      tpu.wait_indirect_dma semaphore(%arg10 : memref<!tpu.dma_semaphore, #tpu.memory_space<semaphore_mem>>) src(%dma_wait3A_1821 : memref<320000x128xf32, #tpu.memory_space<hbm>>) dst(%arg8 : memref<16x128xf32, #tpu.memory_space<vmem>>)
      %dma_wait3A_1822 = arith.constant 128 : i32
      %dma_wait3A_1823 = tpu.memref_slice %arg9[%dma_wait3A_1822] : memref<512xi32, #tpu.memory_space<vmem>> -> memref<16xi32, #tpu.memory_space<vmem>>
      %dma_wait3A_1824 = arith.constant 0 : i32
      %dma_wait3A_1825 = arith.constant 0 : i32
      %dma_wait3A_1826 = tpu.memref_slice %arg3[%dma_wait3A_1824, %dma_wait3A_1825] : memref<320000x128xf32, #tpu.memory_space<hbm>> -> memref<320000x128xf32, #tpu.memory_space<hbm>>
      tpu.wait_indirect_dma semaphore(%arg10 : memref<!tpu.dma_semaphore, #tpu.memory_space<semaphore_mem>>) src(%dma_wait3A_1826 : memref<320000x128xf32, #tpu.memory_space<hbm>>) dst(%arg8 : memref<16x128xf32, #tpu.memory_space<vmem>>)
      %dma_wait3A_1827 = arith.constant 144 : i32
      %dma_wait3A_1828 = tpu.memref_slice %arg9[%dma_wait3A_1827] : memref<512xi32, #tpu.memory_space<vmem>> -> memref<16xi32, #tpu.memory_space<vmem>>
      %dma_wait3A_1829 = arith.constant 0 : i32
      %dma_wait3A_1830 = arith.constant 0 : i32
      %dma_wait3A_1831 = tpu.memref_slice %arg3[%dma_wait3A_1829, %dma_wait3A_1830] : memref<320000x128xf32, #tpu.memory_space<hbm>> -> memref<320000x128xf32, #tpu.memory_space<hbm>>
      tpu.wait_indirect_dma semaphore(%arg10 : memref<!tpu.dma_semaphore, #tpu.memory_space<semaphore_mem>>) src(%dma_wait3A_1831 : memref<320000x128xf32, #tpu.memory_space<hbm>>) dst(%arg8 : memref<16x128xf32, #tpu.memory_space<vmem>>)
      %dma_wait3A_1832 = arith.constant 160 : i32
      %dma_wait3A_1833 = tpu.memref_slice %arg9[%dma_wait3A_1832] : memref<512xi32, #tpu.memory_space<vmem>> -> memref<16xi32, #tpu.memory_space<vmem>>
      %dma_wait3A_1834 = arith.constant 0 : i32
      %dma_wait3A_1835 = arith.constant 0 : i32
      %dma_wait3A_1836 = tpu.memref_slice %arg3[%dma_wait3A_1834, %dma_wait3A_1835] : memref<320000x128xf32, #tpu.memory_space<hbm>> -> memref<320000x128xf32, #tpu.memory_space<hbm>>
      tpu.wait_indirect_dma semaphore(%arg10 : memref<!tpu.dma_semaphore, #tpu.memory_space<semaphore_mem>>) src(%dma_wait3A_1836 : memref<320000x128xf32, #tpu.memory_space<hbm>>) dst(%arg8 : memref<16x128xf32, #tpu.memory_space<vmem>>)
      %dma_wait3A_1837 = arith.constant 176 : i32
      %dma_wait3A_1838 = tpu.memref_slice %arg9[%dma_wait3A_1837] : memref<512xi32, #tpu.memory_space<vmem>> -> memref<16xi32, #tpu.memory_space<vmem>>
      %dma_wait3A_1839 = arith.constant 0 : i32
      %dma_wait3A_1840 = arith.constant 0 : i32
      %dma_wait3A_1841 = tpu.memref_slice %arg3[%dma_wait3A_1839, %dma_wait3A_1840] : memref<320000x128xf32, #tpu.memory_space<hbm>> -> memref<320000x128xf32, #tpu.memory_space<hbm>>
      tpu.wait_indirect_dma semaphore(%arg10 : memref<!tpu.dma_semaphore, #tpu.memory_space<semaphore_mem>>) src(%dma_wait3A_1841 : memref<320000x128xf32, #tpu.memory_space<hbm>>) dst(%arg8 : memref<16x128xf32, #tpu.memory_space<vmem>>)
      %dma_wait3A_1842 = arith.constant 192 : i32
      %dma_wait3A_1843 = tpu.memref_slice %arg9[%dma_wait3A_1842] : memref<512xi32, #tpu.memory_space<vmem>> -> memref<16xi32, #tpu.memory_space<vmem>>
      %dma_wait3A_1844 = arith.constant 0 : i32
      %dma_wait3A_1845 = arith.constant 0 : i32
      %dma_wait3A_1846 = tpu.memref_slice %arg3[%dma_wait3A_1844, %dma_wait3A_1845] : memref<320000x128xf32, #tpu.memory_space<hbm>> -> memref<320000x128xf32, #tpu.memory_space<hbm>>
      tpu.wait_indirect_dma semaphore(%arg10 : memref<!tpu.dma_semaphore, #tpu.memory_space<semaphore_mem>>) src(%dma_wait3A_1846 : memref<320000x128xf32, #tpu.memory_space<hbm>>) dst(%arg8 : memref<16x128xf32, #tpu.memory_space<vmem>>)
      %dma_wait3A_1847 = arith.constant 208 : i32
      %dma_wait3A_1848 = tpu.memref_slice %arg9[%dma_wait3A_1847] : memref<512xi32, #tpu.memory_space<vmem>> -> memref<16xi32, #tpu.memory_space<vmem>>
      %dma_wait3A_1849 = arith.constant 0 : i32
      %dma_wait3A_1850 = arith.constant 0 : i32
      %dma_wait3A_1851 = tpu.memref_slice %arg3[%dma_wait3A_1849, %dma_wait3A_1850] : memref<320000x128xf32, #tpu.memory_space<hbm>> -> memref<320000x128xf32, #tpu.memory_space<hbm>>
      tpu.wait_indirect_dma semaphore(%arg10 : memref<!tpu.dma_semaphore, #tpu.memory_space<semaphore_mem>>) src(%dma_wait3A_1851 : memref<320000x128xf32, #tpu.memory_space<hbm>>) dst(%arg8 : memref<16x128xf32, #tpu.memory_space<vmem>>)
      %dma_wait3A_1852 = arith.constant 224 : i32
      %dma_wait3A_1853 = tpu.memref_slice %arg9[%dma_wait3A_1852] : memref<512xi32, #tpu.memory_space<vmem>> -> memref<16xi32, #tpu.memory_space<vmem>>
      %dma_wait3A_1854 = arith.constant 0 : i32
      %dma_wait3A_1855 = arith.constant 0 : i32
      %dma_wait3A_1856 = tpu.memref_slice %arg3[%dma_wait3A_1854, %dma_wait3A_1855] : memref<320000x128xf32, #tpu.memory_space<hbm>> -> memref<320000x128xf32, #tpu.memory_space<hbm>>
      tpu.wait_indirect_dma semaphore(%arg10 : memref<!tpu.dma_semaphore, #tpu.memory_space<semaphore_mem>>) src(%dma_wait3A_1856 : memref<320000x128xf32, #tpu.memory_space<hbm>>) dst(%arg8 : memref<16x128xf32, #tpu.memory_space<vmem>>)
      %dma_wait3A_1857 = arith.constant 240 : i32
      %dma_wait3A_1858 = tpu.memref_slice %arg9[%dma_wait3A_1857] : memref<512xi32, #tpu.memory_space<vmem>> -> memref<16xi32, #tpu.memory_space<vmem>>
      %dma_wait3A_1859 = arith.constant 0 : i32
      %dma_wait3A_1860 = arith.constant 0 : i32
      %dma_wait3A_1861 = tpu.memref_slice %arg3[%dma_wait3A_1859, %dma_wait3A_1860] : memref<320000x128xf32, #tpu.memory_space<hbm>> -> memref<320000x128xf32, #tpu.memory_space<hbm>>
      tpu.wait_indirect_dma semaphore(%arg10 : memref<!tpu.dma_semaphore, #tpu.memory_space<semaphore_mem>>) src(%dma_wait3A_1861 : memref<320000x128xf32, #tpu.memory_space<hbm>>) dst(%arg8 : memref<16x128xf32, #tpu.memory_space<vmem>>)
      %dma_wait3A_1862 = arith.constant 256 : i32
      %dma_wait3A_1863 = tpu.memref_slice %arg9[%dma_wait3A_1862] : memref<512xi32, #tpu.memory_space<vmem>> -> memref<16xi32, #tpu.memory_space<vmem>>
      %dma_wait3A_1864 = arith.constant 0 : i32
      %dma_wait3A_1865 = arith.constant 0 : i32
      %dma_wait3A_1866 = tpu.memref_slice %arg3[%dma_wait3A_1864, %dma_wait3A_1865] : memref<320000x128xf32, #tpu.memory_space<hbm>> -> memref<320000x128xf32, #tpu.memory_space<hbm>>
      tpu.wait_indirect_dma semaphore(%arg10 : memref<!tpu.dma_semaphore, #tpu.memory_space<semaphore_mem>>) src(%dma_wait3A_1866 : memref<320000x128xf32, #tpu.memory_space<hbm>>) dst(%arg8 : memref<16x128xf32, #tpu.memory_space<vmem>>)
      %dma_wait3A_1867 = arith.constant 272 : i32
      %dma_wait3A_1868 = tpu.memref_slice %arg9[%dma_wait3A_1867] : memref<512xi32, #tpu.memory_space<vmem>> -> memref<16xi32, #tpu.memory_space<vmem>>
      %dma_wait3A_1869 = arith.constant 0 : i32
      %dma_wait3A_1870 = arith.constant 0 : i32
      %dma_wait3A_1871 = tpu.memref_slice %arg3[%dma_wait3A_1869, %dma_wait3A_1870] : memref<320000x128xf32, #tpu.memory_space<hbm>> -> memref<320000x128xf32, #tpu.memory_space<hbm>>
      tpu.wait_indirect_dma semaphore(%arg10 : memref<!tpu.dma_semaphore, #tpu.memory_space<semaphore_mem>>) src(%dma_wait3A_1871 : memref<320000x128xf32, #tpu.memory_space<hbm>>) dst(%arg8 : memref<16x128xf32, #tpu.memory_space<vmem>>)
      %dma_wait3A_1872 = arith.constant 288 : i32
      %dma_wait3A_1873 = tpu.memref_slice %arg9[%dma_wait3A_1872] : memref<512xi32, #tpu.memory_space<vmem>> -> memref<16xi32, #tpu.memory_space<vmem>>
      %dma_wait3A_1874 = arith.constant 0 : i32
      %dma_wait3A_1875 = arith.constant 0 : i32
      %dma_wait3A_1876 = tpu.memref_slice %arg3[%dma_wait3A_1874, %dma_wait3A_1875] : memref<320000x128xf32, #tpu.memory_space<hbm>> -> memref<320000x128xf32, #tpu.memory_space<hbm>>
      tpu.wait_indirect_dma semaphore(%arg10 : memref<!tpu.dma_semaphore, #tpu.memory_space<semaphore_mem>>) src(%dma_wait3A_1876 : memref<320000x128xf32, #tpu.memory_space<hbm>>) dst(%arg8 : memref<16x128xf32, #tpu.memory_space<vmem>>)
      %dma_wait3A_1877 = arith.constant 304 : i32
      %dma_wait3A_1878 = tpu.memref_slice %arg9[%dma_wait3A_1877] : memref<512xi32, #tpu.memory_space<vmem>> -> memref<16xi32, #tpu.memory_space<vmem>>
      %dma_wait3A_1879 = arith.constant 0 : i32
      %dma_wait3A_1880 = arith.constant 0 : i32
      %dma_wait3A_1881 = tpu.memref_slice %arg3[%dma_wait3A_1879, %dma_wait3A_1880] : memref<320000x128xf32, #tpu.memory_space<hbm>> -> memref<320000x128xf32, #tpu.memory_space<hbm>>
      tpu.wait_indirect_dma semaphore(%arg10 : memref<!tpu.dma_semaphore, #tpu.memory_space<semaphore_mem>>) src(%dma_wait3A_1881 : memref<320000x128xf32, #tpu.memory_space<hbm>>) dst(%arg8 : memref<16x128xf32, #tpu.memory_space<vmem>>)
      %dma_wait3A_1882 = arith.constant 320 : i32
      %dma_wait3A_1883 = tpu.memref_slice %arg9[%dma_wait3A_1882] : memref<512xi32, #tpu.memory_space<vmem>> -> memref<16xi32, #tpu.memory_space<vmem>>
      %dma_wait3A_1884 = arith.constant 0 : i32
      %dma_wait3A_1885 = arith.constant 0 : i32
      %dma_wait3A_1886 = tpu.memref_slice %arg3[%dma_wait3A_1884, %dma_wait3A_1885] : memref<320000x128xf32, #tpu.memory_space<hbm>> -> memref<320000x128xf32, #tpu.memory_space<hbm>>
      tpu.wait_indirect_dma semaphore(%arg10 : memref<!tpu.dma_semaphore, #tpu.memory_space<semaphore_mem>>) src(%dma_wait3A_1886 : memref<320000x128xf32, #tpu.memory_space<hbm>>) dst(%arg8 : memref<16x128xf32, #tpu.memory_space<vmem>>)
      %dma_wait3A_1887 = arith.constant 336 : i32
      %dma_wait3A_1888 = tpu.memref_slice %arg9[%dma_wait3A_1887] : memref<512xi32, #tpu.memory_space<vmem>> -> memref<16xi32, #tpu.memory_space<vmem>>
      %dma_wait3A_1889 = arith.constant 0 : i32
      %dma_wait3A_1890 = arith.constant 0 : i32
      %dma_wait3A_1891 = tpu.memref_slice %arg3[%dma_wait3A_1889, %dma_wait3A_1890] : memref<320000x128xf32, #tpu.memory_space<hbm>> -> memref<320000x128xf32, #tpu.memory_space<hbm>>
      tpu.wait_indirect_dma semaphore(%arg10 : memref<!tpu.dma_semaphore, #tpu.memory_space<semaphore_mem>>) src(%dma_wait3A_1891 : memref<320000x128xf32, #tpu.memory_space<hbm>>) dst(%arg8 : memref<16x128xf32, #tpu.memory_space<vmem>>)
      %dma_wait3A_1892 = arith.constant 352 : i32
      %dma_wait3A_1893 = tpu.memref_slice %arg9[%dma_wait3A_1892] : memref<512xi32, #tpu.memory_space<vmem>> -> memref<16xi32, #tpu.memory_space<vmem>>
      %dma_wait3A_1894 = arith.constant 0 : i32
      %dma_wait3A_1895 = arith.constant 0 : i32
      %dma_wait3A_1896 = tpu.memref_slice %arg3[%dma_wait3A_1894, %dma_wait3A_1895] : memref<320000x128xf32, #tpu.memory_space<hbm>> -> memref<320000x128xf32, #tpu.memory_space<hbm>>
      tpu.wait_indirect_dma semaphore(%arg10 : memref<!tpu.dma_semaphore, #tpu.memory_space<semaphore_mem>>) src(%dma_wait3A_1896 : memref<320000x128xf32, #tpu.memory_space<hbm>>) dst(%arg8 : memref<16x128xf32, #tpu.memory_space<vmem>>)
      %dma_wait3A_1897 = arith.constant 368 : i32
      %dma_wait3A_1898 = tpu.memref_slice %arg9[%dma_wait3A_1897] : memref<512xi32, #tpu.memory_space<vmem>> -> memref<16xi32, #tpu.memory_space<vmem>>
      %dma_wait3A_1899 = arith.constant 0 : i32
      %dma_wait3A_1900 = arith.constant 0 : i32
      %dma_wait3A_1901 = tpu.memref_slice %arg3[%dma_wait3A_1899, %dma_wait3A_1900] : memref<320000x128xf32, #tpu.memory_space<hbm>> -> memref<320000x128xf32, #tpu.memory_space<hbm>>
      tpu.wait_indirect_dma semaphore(%arg10 : memref<!tpu.dma_semaphore, #tpu.memory_space<semaphore_mem>>) src(%dma_wait3A_1901 : memref<320000x128xf32, #tpu.memory_space<hbm>>) dst(%arg8 : memref<16x128xf32, #tpu.memory_space<vmem>>)
      %dma_wait3A_1902 = arith.constant 384 : i32
      %dma_wait3A_1903 = tpu.memref_slice %arg9[%dma_wait3A_1902] : memref<512xi32, #tpu.memory_space<vmem>> -> memref<16xi32, #tpu.memory_space<vmem>>
      %dma_wait3A_1904 = arith.constant 0 : i32
      %dma_wait3A_1905 = arith.constant 0 : i32
      %dma_wait3A_1906 = tpu.memref_slice %arg3[%dma_wait3A_1904, %dma_wait3A_1905] : memref<320000x128xf32, #tpu.memory_space<hbm>> -> memref<320000x128xf32, #tpu.memory_space<hbm>>
      tpu.wait_indirect_dma semaphore(%arg10 : memref<!tpu.dma_semaphore, #tpu.memory_space<semaphore_mem>>) src(%dma_wait3A_1906 : memref<320000x128xf32, #tpu.memory_space<hbm>>) dst(%arg8 : memref<16x128xf32, #tpu.memory_space<vmem>>)
      %dma_wait3A_1907 = arith.constant 400 : i32
      %dma_wait3A_1908 = tpu.memref_slice %arg9[%dma_wait3A_1907] : memref<512xi32, #tpu.memory_space<vmem>> -> memref<16xi32, #tpu.memory_space<vmem>>
      %dma_wait3A_1909 = arith.constant 0 : i32
      %dma_wait3A_1910 = arith.constant 0 : i32
      %dma_wait3A_1911 = tpu.memref_slice %arg3[%dma_wait3A_1909, %dma_wait3A_1910] : memref<320000x128xf32, #tpu.memory_space<hbm>> -> memref<320000x128xf32, #tpu.memory_space<hbm>>
      tpu.wait_indirect_dma semaphore(%arg10 : memref<!tpu.dma_semaphore, #tpu.memory_space<semaphore_mem>>) src(%dma_wait3A_1911 : memref<320000x128xf32, #tpu.memory_space<hbm>>) dst(%arg8 : memref<16x128xf32, #tpu.memory_space<vmem>>)
      %dma_wait3A_1912 = arith.constant 416 : i32
      %dma_wait3A_1913 = tpu.memref_slice %arg9[%dma_wait3A_1912] : memref<512xi32, #tpu.memory_space<vmem>> -> memref<16xi32, #tpu.memory_space<vmem>>
      %dma_wait3A_1914 = arith.constant 0 : i32
      %dma_wait3A_1915 = arith.constant 0 : i32
      %dma_wait3A_1916 = tpu.memref_slice %arg3[%dma_wait3A_1914, %dma_wait3A_1915] : memref<320000x128xf32, #tpu.memory_space<hbm>> -> memref<320000x128xf32, #tpu.memory_space<hbm>>
      tpu.wait_indirect_dma semaphore(%arg10 : memref<!tpu.dma_semaphore, #tpu.memory_space<semaphore_mem>>) src(%dma_wait3A_1916 : memref<320000x128xf32, #tpu.memory_space<hbm>>) dst(%arg8 : memref<16x128xf32, #tpu.memory_space<vmem>>)
      %dma_wait3A_1917 = arith.constant 432 : i32
      %dma_wait3A_1918 = tpu.memref_slice %arg9[%dma_wait3A_1917] : memref<512xi32, #tpu.memory_space<vmem>> -> memref<16xi32, #tpu.memory_space<vmem>>
      %dma_wait3A_1919 = arith.constant 0 : i32
      %dma_wait3A_1920 = arith.constant 0 : i32
      %dma_wait3A_1921 = tpu.memref_slice %arg3[%dma_wait3A_1919, %dma_wait3A_1920] : memref<320000x128xf32, #tpu.memory_space<hbm>> -> memref<320000x128xf32, #tpu.memory_space<hbm>>
      tpu.wait_indirect_dma semaphore(%arg10 : memref<!tpu.dma_semaphore, #tpu.memory_space<semaphore_mem>>) src(%dma_wait3A_1921 : memref<320000x128xf32, #tpu.memory_space<hbm>>) dst(%arg8 : memref<16x128xf32, #tpu.memory_space<vmem>>)
      %dma_wait3A_1922 = arith.constant 448 : i32
      %dma_wait3A_1923 = tpu.memref_slice %arg9[%dma_wait3A_1922] : memref<512xi32, #tpu.memory_space<vmem>> -> memref<16xi32, #tpu.memory_space<vmem>>
      %dma_wait3A_1924 = arith.constant 0 : i32
      %dma_wait3A_1925 = arith.constant 0 : i32
      %dma_wait3A_1926 = tpu.memref_slice %arg3[%dma_wait3A_1924, %dma_wait3A_1925] : memref<320000x128xf32, #tpu.memory_space<hbm>> -> memref<320000x128xf32, #tpu.memory_space<hbm>>
      tpu.wait_indirect_dma semaphore(%arg10 : memref<!tpu.dma_semaphore, #tpu.memory_space<semaphore_mem>>) src(%dma_wait3A_1926 : memref<320000x128xf32, #tpu.memory_space<hbm>>) dst(%arg8 : memref<16x128xf32, #tpu.memory_space<vmem>>)
      %dma_wait3A_1927 = arith.constant 464 : i32
      %dma_wait3A_1928 = tpu.memref_slice %arg9[%dma_wait3A_1927] : memref<512xi32, #tpu.memory_space<vmem>> -> memref<16xi32, #tpu.memory_space<vmem>>
      %dma_wait3A_1929 = arith.constant 0 : i32
      %dma_wait3A_1930 = arith.constant 0 : i32
      %dma_wait3A_1931 = tpu.memref_slice %arg3[%dma_wait3A_1929, %dma_wait3A_1930] : memref<320000x128xf32, #tpu.memory_space<hbm>> -> memref<320000x128xf32, #tpu.memory_space<hbm>>
      tpu.wait_indirect_dma semaphore(%arg10 : memref<!tpu.dma_semaphore, #tpu.memory_space<semaphore_mem>>) src(%dma_wait3A_1931 : memref<320000x128xf32, #tpu.memory_space<hbm>>) dst(%arg8 : memref<16x128xf32, #tpu.memory_space<vmem>>)
      %dma_wait3A_1932 = arith.constant 480 : i32
      %dma_wait3A_1933 = tpu.memref_slice %arg9[%dma_wait3A_1932] : memref<512xi32, #tpu.memory_space<vmem>> -> memref<16xi32, #tpu.memory_space<vmem>>
      %dma_wait3A_1934 = arith.constant 0 : i32
      %dma_wait3A_1935 = arith.constant 0 : i32
      %dma_wait3A_1936 = tpu.memref_slice %arg3[%dma_wait3A_1934, %dma_wait3A_1935] : memref<320000x128xf32, #tpu.memory_space<hbm>> -> memref<320000x128xf32, #tpu.memory_space<hbm>>
      tpu.wait_indirect_dma semaphore(%arg10 : memref<!tpu.dma_semaphore, #tpu.memory_space<semaphore_mem>>) src(%dma_wait3A_1936 : memref<320000x128xf32, #tpu.memory_space<hbm>>) dst(%arg8 : memref<16x128xf32, #tpu.memory_space<vmem>>)
      %dma_wait3A_1937 = arith.constant 496 : i32
      %dma_wait3A_1938 = tpu.memref_slice %arg9[%dma_wait3A_1937] : memref<512xi32, #tpu.memory_space<vmem>> -> memref<16xi32, #tpu.memory_space<vmem>>
      %dma_wait3A_1939 = arith.constant 0 : i32
      %dma_wait3A_1940 = arith.constant 0 : i32
      %dma_wait3A_1941 = tpu.memref_slice %arg3[%dma_wait3A_1939, %dma_wait3A_1940] : memref<320000x128xf32, #tpu.memory_space<hbm>> -> memref<320000x128xf32, #tpu.memory_space<hbm>>
      tpu.wait_indirect_dma semaphore(%arg10 : memref<!tpu.dma_semaphore, #tpu.memory_space<semaphore_mem>>) src(%dma_wait3A_1941 : memref<320000x128xf32, #tpu.memory_space<hbm>>) dst(%arg8 : memref<16x128xf32, #tpu.memory_space<vmem>>)
      "tpu.region"() ({
        %run_scoped3A = tpu.sem_alloc : memref<!tpu.dma_semaphore, #tpu.memory_space<semaphore_mem>>
        %dma_start3A_1942 = arith.constant 9984 : i32
        %dma_start3A_1943 = arith.constant 0 : i32
        %dma_start3A_1944 = tpu.memref_slice %arg5[%dma_start3A_1942, %dma_start3A_1943] : memref<10000x128xf32, #tpu.memory_space<hbm>> -> memref<16x128xf32, #tpu.memory_space<hbm>>
        %dma_start3A_1945 = arith.constant 9984 : i32
        %dma_start3A_1946 = arith.constant 0 : i32
        %dma_start3A_1947 = tpu.memref_slice %arg5[%dma_start3A_1945, %dma_start3A_1946] : memref<10000x128xf32, #tpu.memory_space<hbm>> -> memref<16x128xf32, #tpu.memory_space<hbm>>
        tpu.enqueue_dma source(%arg8 : memref<16x128xf32, #tpu.memory_space<vmem>>) target(%dma_start3A_1947 : memref<16x128xf32, #tpu.memory_space<hbm>>) target_semaphore(%run_scoped3A : memref<!tpu.dma_semaphore, #tpu.memory_space<semaphore_mem>>)
        %dma_wait3A_1948 = arith.constant 9984 : i32
        %dma_wait3A_1949 = arith.constant 0 : i32
        %dma_wait3A_1950 = tpu.memref_slice %arg5[%dma_wait3A_1948, %dma_wait3A_1949] : memref<10000x128xf32, #tpu.memory_space<hbm>> -> memref<16x128xf32, #tpu.memory_space<hbm>>
        %dma_wait3A_1951 = arith.constant 9984 : i32
        %dma_wait3A_1952 = arith.constant 0 : i32
        %dma_wait3A_1953 = tpu.memref_slice %arg5[%dma_wait3A_1951, %dma_wait3A_1952] : memref<10000x128xf32, #tpu.memory_space<hbm>> -> memref<16x128xf32, #tpu.memory_space<hbm>>
        tpu.wait_dma2 semaphore(%run_scoped3A : memref<!tpu.dma_semaphore, #tpu.memory_space<semaphore_mem>>) src(%arg8 : memref<16x128xf32, #tpu.memory_space<vmem>>) dst(%dma_wait3A_1953 : memref<16x128xf32, #tpu.memory_space<hbm>>)
        tpu.yield
      }) : () -> ()
    } else {
    }
    return
  }
}

module attributes {stable_mosaic.version = 14 : i64} {
  func.func @_mm_body(%arg0: i32, %arg1: memref<10000x128xf32, #tpu.memory_space<vmem>>, %arg2: memref<128x128xf32, #tpu.memory_space<vmem>>, %arg3: memref<10000x128xf32, #tpu.memory_space<vmem>>) attributes {dimension_semantics = [#tpu.dimension_semantics<arbitrary>], iteration_bounds = array<i64: 1>, scalar_prefetch = 0 : i64, scratch_operands = 0 : i64, tpu.core_type = #tpu.core_type<tc>, window_params = [{transform_indices = @transform_0, window_bounds = array<i64: 10000, 128>}, {pipeline_mode = #tpu.pipeline_mode<synchronous>, transform_indices = @transform_1, window_bounds = array<i64: 128, 128>}, {transform_indices = @transform_2, window_bounds = array<i64: 10000, 128>}]} {
    %get3A = arith.constant 0 : index
    %get3A_0 = arith.constant 0 : index
    %get3A_1 = vector.load %arg2[%get3A, %get3A_0] : memref<128x128xf32, #tpu.memory_space<vmem>>, vector<128x128xf32>
    %mul3A = arith.constant 0.0303030312 : f32
    %mul3A_2 = vector.broadcast %mul3A : f32 to vector<128x128xf32>
    %mul3A_3 = arith.mulf %get3A_1, %mul3A_2 : vector<128x128xf32>
    %get3A_4 = arith.constant 0 : index
    %get3A_5 = arith.constant 0 : index
    %get3A_6 = vector.load %arg1[%get3A_4, %get3A_5] : memref<10000x128xf32, #tpu.memory_space<vmem>>, vector<10000x128xf32>
    %dot_general3A = arith.constant dense<0.000000e+00> : vector<10000x128xf32>
    %dot_general3A_7 = tpu.matmul %get3A_6, %mul3A_3, %dot_general3A {dimension_numbers = #tpu.dot_dimension_numbers<[1], [0], [0], [1], [0, 0, 1, 1], [], []>, transpose_lhs_hint = false} : vector<10000x128xf32>, vector<128x128xf32>, vector<10000x128xf32> -> vector<10000x128xf32>
    %max3A = arith.constant 0.000000e+00 : f32
    %max3A_8 = vector.broadcast %max3A : f32 to vector<10000x128xf32>
    %max3A_9 = arith.maximumf %dot_general3A_7, %max3A_8 : vector<10000x128xf32>
    %swap3A = arith.constant 0 : index
    %swap3A_10 = arith.constant 0 : index
    %swap3A_11 = vector.load %arg3[%swap3A, %swap3A_10] : memref<10000x128xf32, #tpu.memory_space<vmem>>, vector<10000x128xf32>
    tpu.vector_store %arg3[%swap3A, %swap3A_10], %max3A_9 {strides = array<i32>} : memref<10000x128xf32, #tpu.memory_space<vmem>>, vector<10000x128xf32>,
    return
  }
  func.func @transform_0(%arg0: i32) -> (i32, i32) {
    %c0_i32 = arith.constant 0 : i32
    %c0_i32_0 = arith.constant 0 : i32
    return %arg0, %c0_i32 : i32, i32
  }
  func.func @transform_1(%arg0: i32) -> (i32, i32) {
    %c0_i32 = arith.constant 0 : i32
    %c0_i32_0 = arith.constant 0 : i32
    %c0_i32_1 = arith.constant 0 : i32
    return %c0_i32, %c0_i32_0 : i32, i32
  }
  func.func @transform_2(%arg0: i32) -> (i32, i32) {
    %c0_i32 = arith.constant 0 : i32
    %c0_i32_0 = arith.constant 0 : i32
    return %arg0, %c0_i32 : i32, i32
  }
}

</mosaic_0001>

<sc_bundles>
// kernel: kernel.4.cloned.1.call-start
scs
__scs_entry_jumppad:
0x0: {  	(pc) =	sbr.rel $0x88, $3  }
0x1: {  	(tag) =	ssettag $0x0;
	lr =	simm.s32 $0x1  }
0x2: {  	[smem:$0x3F9E] =	sst lr;
	_ =	strace $0xD0000000  }
0x3: {  	_ = 	snop  }
0x4: {  	_ = 	snop  }
0x5: {  	_ = 	snop  }
0x6: {  	_ = 	snop  }
0x7: {  	_ = 	snop  }
__scs_overlays_trampoline_lowered:
0x8: {  	[smem:$0x3FAD] =	sst s0  }
0x9: {  	[smem:$0x3FAE] =	sst s1  }
0xa: {  	[smem:$0x3FAF] =	sst s2  }
0xb: {  	[smem:$0x3FB0] =	sst s3  }
0xc: {  	[smem:$0x3FB1] =	sst s4  }
0xd: {  	[smem:$0x3FB2] =	sst s5  }
0xe: {  	[smem:$0x3FB3] =	sst s6  }
0xf: {  	[smem:$0x3FB4] =	sst s7  }
0x10: {  	[smem:$0x3FB5] =	sst s8  }
0x11: {  	[smem:$0x3FB6] =	sst s9;
	s0 =	simm.s32 @!p0 $0x0  }
0x12: {  	s1 =	sld [smem:$0x3F9C];
	s0 =	simm.s32 @p0 $0x1  }
0x13: {  	[smem:$0x3FB7] =	sst s0;
	s0 =	simm.s32 @!p1 $0x0  }
0x14: {  	s2 =	sld [smem:$0x3F9B];
	s0 =	simm.s32 @p1 $0x1  }
0x15: {  	[smem:$0x3FB8] =	sst s0;
	s0 =	simm.s32 @!p2 $0x0  }
0x16: {  	s3 =	sld [smem:$0x3FDB];
	s0 =	simm.s32 @p2 $0x1  }
0x17: {  	s4 =	simm.s32 $0x1BF5;
	[smem:$0x3FBA] =	sst s0  }
0x18: {  	s0 =	sld [smem:$0x3F9D];
	_ =	swait.ge [sflag:s4], $0x0  }
0x19: {  	s7 =	sld [smem:$0x3F9E]  }
0x1a: {  	s8 =	sadd.s32 $0xFFFFE003, lr  }
0x1b: {  	s9 =	sadd.s32 $0xFFFFFEF7, lr;
	s5 =	simm.s32 $0xFFFFFFFF;
	p2 =	slt.u32 s8, $0xFFFFF086  }
0x1c: {  	p1 =	slt.u32 s9, $0xF7A;
	s5 =	simm.s32 @!p2 $0x0  }
0x1d: {  	s5 =	simm.s32 @p1 $0x1;
	p0 =	seq.s32 s7, s2  }
0x1e: {  	s7 =	smul.u32 @!p0 $0xF7A, s2;
	p2 =	seq.s32 @!p0 s5, $0x0  }
0x1f: {  	s9 =	smul.u32 $0xF7A, s1;
	s8 =	simm.s32 @!p0 $0x1BF5;
	p2 =	por !p2, p0  }
0x20: {  	[sflag:s8] =	ssyncset.s32 @!p0 $0xFFFFF086;
	s6 =	sadd.s32 @!p0 s3, s7;
	s7 =	simm.s32 @!p0 $0x108  }
0x21: {  	s3 =	sadd.s32 s3, s9;
	s6 =	sadd.s32 @!p0 $0x88, s6;
	s7 =	simm.s32 @p2 $0x1082  }
0x22: {  	[simem:s7], [sflag:s8] =	dma.local @!p0 [hbm:s6], $0xF7A  }
0x23: {  	s9 =	sor.u32 $0xD0000000, s2;
	s6 =	simm.s32 $0x108;
	_ =	swait.ge @!p0 [sflag:s8], $0x0  }
0x24: {  	s3 =	sadd.s32 $0x88, s3;
	s6 =	simm.s32 @!p1 $0x1082;
	[sflag:s4] =	ssyncset.s32 $0xFFFFF086  }
0x25: {  	[simem:s6], [sflag:s4] =	dma.local [hbm:s3], $0xF7A  }
0x26: {  	[smem:$0x3F9E] =	sst s1;
	(tag) =	ssettag s2;
	_ =	strace s9  }
0x27: {  	s1 =	sld [smem:$0x3FAE]  }
0x28: {  	s2 =	sld [smem:$0x3FAF]  }
0x29: {  	s4 =	sld [smem:$0x3FB1]  }
0x2a: {  	p0 =	seq.s32 s5, $0x0;
	s5 =	sld [smem:$0x3FB2]  }
0x2b: {  	s6 =	sld [smem:$0x3FB3]  }
0x2c: {  	s7 =	sld [smem:$0x3FB4]  }
0x2d: {  	s3 =	simm.s32 $0x108;
	s8 =	sld [smem:$0x3FB5]  }
0x2e: {  	s3 =	simm.s32 @!p0 $0x1082;
	s9 =	sld [smem:$0x3FB6]  }
0x2f: {  	lr =	sadd.s32 s0, s3;
	s0 =	sld [smem:$0x3FAD]  }
0x30: {  	s3 =	sld [smem:$0x3FB0]  }
0x31: {  	[smem:$0x3FB9] =	sst s10  }
0x32: {  	s10 =	sld [smem:$0x3FB7];
	_ =	sdelay $0x3  }
0x33: {  	p0 =	seq.s32 s10, $0x1;
	s10 =	sld [smem:$0x3FB9];
	_ =	sdelay $0x3  }
0x34: {  	[smem:$0x3FB9] =	sst s10  }
0x35: {  	s10 =	sld [smem:$0x3FB8];
	_ =	sdelay $0x3  }
0x36: {  	p1 =	seq.s32 s10, $0x1;
	s10 =	sld [smem:$0x3FB9];
	_ =	sdelay $0x3  }
0x37: {  	[smem:$0x3FB9] =	sst s10  }
0x38: {  	s10 =	sld [smem:$0x3FBA]  }
0x39: {  	_ = 	snop;
	(pc) =	sbr.ind lr, $3  }
0x3a: {  	_ = 	snop  }
0x3b: {  	_ = 	snop  }
0x3c: {  	p2 =	seq.s32 s10, $0x1;
	s10 =	sld [smem:$0x3FB9]  }
0x3d: {  	_ =	shalt  }
0x3e: {  	_ =	shalt  }
0x3f: {  	_ =	shalt  }
0x40: {  	_ =	shalt  }
0x41: {  	_ =	shalt  }
0x42: {  	_ =	shalt  }
0x43: {  	_ =	shalt  }
0x44: {  	_ =	shalt  }
0x45: {  	_ =	shalt  }
0x46: {  	_ =	shalt  }
0x47: {  	_ =	shalt  }
0x48: {  	_ =	shalt  }
0x49: {  	_ =	shalt  }
0x4a: {  	_ =	shalt  }
0x4b: {  	_ =	shalt  }
0x4c: {  	_ =	shalt  }
0x4d: {  	_ =	shalt  }
0x4e: {  	_ =	shalt  }
0x4f: {  	_ =	shalt  }
0x50: {  	_ =	shalt  }
0x51: {  	_ =	shalt  }
0x52: {  	_ =	shalt  }
0x53: {  	_ =	shalt  }
0x54: {  	_ =	shalt  }
0x55: {  	_ =	shalt  }
0x56: {  	_ =	shalt  }
0x57: {  	_ =	shalt  }
0x58: {  	_ =	shalt  }
0x59: {  	_ =	shalt  }
0x5a: {  	_ =	shalt  }
0x5b: {  	_ =	shalt  }
0x5c: {  	_ =	shalt  }
0x5d: {  	_ =	shalt  }
0x5e: {  	_ =	shalt  }
0x5f: {  	_ =	shalt  }
0x60: {  	_ =	shalt  }
0x61: {  	_ =	shalt  }
0x62: {  	_ =	shalt  }
0x63: {  	_ =	shalt  }
0x64: {  	_ =	shalt  }
0x65: {  	_ =	shalt  }
0x66: {  	_ =	shalt  }
0x67: {  	_ =	shalt  }
0x68: {  	_ =	shalt  }
0x69: {  	_ =	shalt  }
0x6a: {  	_ =	shalt  }
0x6b: {  	_ =	shalt  }
0x6c: {  	_ =	shalt  }
0x6d: {  	_ =	shalt  }
0x6e: {  	_ =	shalt  }
0x6f: {  	_ =	shalt  }
0x70: {  	_ =	shalt  }
0x71: {  	_ =	shalt  }
0x72: {  	_ =	shalt  }
0x73: {  	_ =	shalt  }
0x74: {  	_ =	shalt  }
0x75: {  	_ =	shalt  }
0x76: {  	_ =	shalt  }
0x77: {  	_ =	shalt  }
0x78: {  	_ =	shalt  }
0x79: {  	_ =	shalt  }
0x7a: {  	_ =	shalt  }
0x7b: {  	_ =	shalt  }
0x7c: {  	_ =	shalt  }
0x7d: {  	_ =	shalt  }
0x7e: {  	_ =	shalt  }
0x7f: {  	_ =	shalt  }
0x80: {  	_ =	shalt  }
0x81: {  	_ =	shalt  }
0x82: {  	_ =	shalt  }
0x83: {  	_ =	shalt  }
0x84: {  	_ =	shalt  }
0x85: {  	_ =	shalt  }
0x86: {  	_ =	shalt  }
0x87: {  	_ =	shalt  }
.Lfunc_end0:
.L_simem_size_0:
called_computation_lowered:
.L_overlay_start_0:
0x88: {  	s2 =	sld [smem:$0x3FD9]  }
0x89: {  	s3 =	sld [smem:$0x3FFE];
	_ =	sdelay $0x1  }
0x8a: {  	s1 =	srdreg.scid  }
0x8b: {  	s0 =	sand.u32 $0x1, s1  }
0x8c: {  	s17 =	sshll.u32 s0, $0xA;
	s2 =	sadd.s32 s3, s2  }
0x8d: {  	s2 =	sadd.s32 s2, s17  }
0x8e: {  	[smem:$0x3FC5] =	sst s2  }
0x8f: {  	_ = 	snop  }
0x90: {  	s2 =	sld [smem:$0x3FC9]  }
0x91: {  	s18 =	sld [smem:$0x3FC8]  }
0x92: {  	s4 =	sld [smem:$0x3FD0];
	(tm) =	ssettm $0x1  }
0x93: {  	s5 =	sld [smem:$0x3FFB];
	_ =	sdelay $0x3  }
0x94: {  	_ =	strace s5  }
0x95: {  	s5 =	sld [smem:$0x3FFC];
	_ =	sdelay $0x3  }
0x96: {  	_ =	strace s5  }
0x97: {  	s5 =	sld [smem:$0x3FFD];
	_ =	sdelay $0x3  }
0x98: {  	_ =	strace s5  }
0x99: {  	_ =	strace $0x8FFFFFFF  }
0x9a: {  	s19 =	sld [smem:$0x3FDB];
	_ =	sdelay $0x1  }
0x9b: {  	s6 =	simm.s32 $_scs_section_size  }
0x9c: {  	s7 =	simm.s32 $_size__tile_overlayer_lowered;
	s8 =	simm.s32 $_tile_overlayer_lowered  }
0x9d: {  	s22 =	simm.s32 $0x1BFF;
	s21 =	sshll.u32 s8, $0x1;
	s5 =	sadd.s32 s6, s19  }
0x9e: {  	s9 =	simm.s32 $0x0;
	s20 =	sshll.u32 s7, $0x1;
	s7 =	sadd.s32 s21, s5  }
0x9f: {  	[timem:s9], [sflag:s22] =	dma.local [hbm:s7], s20  }
0xa0: {  	_ =	swait.ge [sflag:s22], s20  }
0xa1: {  	s6 =	ssub.s32 $0x0, s20;
	[sflag:s22] =	ssyncset.done $0x0  }
0xa2: {  	[sflag:s22] =	ssyncadd.s32 s6;
	_ =	sdelay $0x1  }
0xa3: {  	s23 =	simm.s32 $0x1B8B  }
0xa4: {  	_ =	swait.ge [sflag:s23], $0x1  }
0xa5: {  	[sflag:s23] =	ssyncset.done $0x0  }
0xa6: {  	s25 =	simm.s32 $0x1B8E;
	s24 =	sld [smem:$0x3FFE];
	[sflag:s23] =	ssyncadd.s32 $0xFFFFFFFF  }
0xa7: {  	s26 =	simm.s32 $execute0_lowered;
	[smem:$0x3FD2] =	sst s25  }
0xa8: {  	s7 =	sshll.u32 s26, $0x1;
	_ =	strace $0x80000046;
	[dreg:$0x1] =	wrdreg $0xFFFFFFFF  }
0xa9: {  	s28 =	simm.s32 $_size_execute0_lowered;
	s5 =	sadd.s32 s5, s7;
	[dreg:$0x0] =	wrdreg $0x0  }
0xaa: {  	s7 =	sshll.u32 s28, $0x1;
	[dreg:$0x2] =	wrdreg s5  }
0xab: {  	[dreg:$0x3] =	wrdreg s7  }
0xac: {  	[dreg:$0x4] =	wrdreg $0xC0  }
0xad: {  	_ =	task [dreg:s9], $0x5FFFF  }
0xae: {  	[dreg:$0x1] =	wrdreg $0xFFFFFFFF  }
0xaf: {  	[dreg:$0x0] =	wrdreg $0x60  }
0xb0: {  	[dreg:$0x2] =	wrdreg s2  }
0xb1: {  	[dreg:$0x3] =	wrdreg s18  }
0xb2: {  	[dreg:$0x4] =	wrdreg s24  }
0xb3: {  	[dreg:$0x5] =	wrdreg s4  }
0xb4: {  	[dreg:$0x6] =	wrdreg $0x9  }
0xb5: {  	_ =	task.clear_ibuf [dreg:s9], $0x7FFFF;
	_ =	strace $0x90000046  }
0xb6: {  	s29 =	simm.s32 $0x9;
	_ =	strace $0x80000048  }
0xb7: {  	_ =	swait.ge [sflag:s29], $0x1  }
0xb8: {  	[sflag:s29] =	ssyncadd.s32 $0xFFFFFFFF  }
0xb9: {  	_ =	strace $0x90000048  }
0xba: {  	_ =	sfence  }
0xbb: {  	s30 =	sld [smem:$0x0];
	_ =	sdelay $0x2  }
0xbc: {  	s31 =	sshll.u32 s1, $0xD;
	s1 =	sshrl.u32 s1, $0x2  }
0xbd: {  	s3 =	sand.u32 $0x4000, s31;
	s1 =	sadd.s32 s1, s30  }
0xbe: {  	s0 =	sor.u32 s3, s0;
	s1 =	sshll.u32 s1, $0x11  }
0xbf: {  	s0 =	sor.u32 s1, s0  }
0xc0: {  	s0 =	sadd.s32 $0x8F2B, s0  }
0xc1: {  	[sflag:s0] =	ssyncadd.remote.s32 $0x1  }
0xc2: {  	_ =	sfence.sel $0xFFFF  }
0xc3: {  	[dreg:$0x0] =	wrdreg $0xFFFFFFFF;
	(pc) =	sbr.abs _section_cstart, $3  }
0xc4: {  	[dreg:$0x1] =	wrdreg $0xFFFFFFFF  }
0xc5: {  	_ =	task.clear_ibuf [dreg:s9], $0x2FFFF;
	_ =	strace $0x9FFFFFFF  }
0xc6: {  	(tm) =	ssettm $0x7FFFFFFF  }
0xc7: {  	_ =	shalt  }
tec
execute0_lowered:
.L_overlay_start_1:
0x0: {  	(tag) =	ssettag $0x1  }
0x1: {  	s0 =	rddreg [dreg:$0x0]  }
0x2: {  	s1 =	rddreg [dreg:$0x1]  }
0x3: {  	s2 =	srdreg.scid;
	s6 =	rddreg [dreg:$0x2]  }
0x4: {  	s3 =	stileid.u32;
	s11 =	rddreg [dreg:$0x3]  }
0x5: {  	s14 =	simm.s32 $0x1;
	s15 =	simm.s32 $0x80;
	s29 =	simm.s32 $0x38  }
0x6: {  	s31 =	simm.s32 $0x8000;
	s24 =	simm.s32 $0xBCB0;
	s28 =	simm.s32 $0xC058  }
0x7: {  	s30 =	simm.s32 $0xC190;
	s16 =	simm.s32 $0x3;
	s17 =	simm.s32 $0x4  }
0x8: {  	s18 =	simm.s32 $0x10;
	s2 =	sand.u32 $0x1, s2;
	s3 =	sshll.u32 s3, $0x1  }
0x9: {  	s19 =	simm.s32 $0xC300;
	s20 =	simm.s32 $0x5;
	s13 =	sor.u32 s2, s3  }
0xa: {  	s26 =	sadd.s32 $0x27000, s11;
	s3 =	simm.s32 $0x0;
	s4 =	smul.u32 $0x4E0, s13  }
0xb: {  	s2 =	ssub.s32 $0x2, s2;
	[smem:$0x7FF] =	sst s3;
	s8 =	smul.u32 $0x1380, s13  }
0xc: {  	s5 =	sshrl.u32 s2, $0x1;
	s7 =	smul.u32 $0x9C00, s13;
	p0 =	sne.s32 s13, $0x1F  }
0xd: {  	s13 =	simm.s32 $0x9C00;
	_ =	strace $0x80000047;
	s2 =	ssub.s32 s2, s5  }
0xe: {  	[dreg:$0x5] =	wrdreg s26;
	s26 =	simm.s32 $0xBF20;
	s4 =	sadd.s32 s4, s6  }
.Ltmp0:
0xf: {  	s5 =	sadd.s32 s0, s8;
	s6 =	sadd.s32 $0xA400, s6;
	(pc) =	sbr.rel .LBB2_1-.Ltmp0, $4  }
0x10: {  	s9 =	sshrl.u32 s7, $0x3;
	s7 =	sadd.s32 $0x27000, s0;
	s8 =	sadd.s32 s11, s8  }
0x11: {  	s12 =	smax.u32 s2, $0x1;
	s2 =	simm.s32 $0x4000;
	s0 =	simm.s32 $0x2  }
0x12: {  	s4 =	sadd.s32 $0x800, s4;
	s25 =	sadd.s32 s11, s9;
	s11 =	simm.s32 $0xC2C8  }
0x13: {  	s9 =	sadd.s32 $0x800, s25;
	s10 =	sadd.s32 $0x1000, s25;
	s25 =	simm.s32 $0xBDE8  }
.LBB2_3:
0x14: {  	s12 =	sadd.s32 $0xFFFFFFFF, s12  }
0x15: {  	p1 =	sne.s32 s12, $0x0  }
.Ltmp1:
0x16: {  	_ = 	snop;
	(pc) =	sbr.rel @!p1 .LBB2_4-.Ltmp1, $1  }
0x17: {  	_ =	sdelay $0x3  }
.LBB2_1:
0x18: {  	[tilespmem:s13], [sflag:$0x1] =	stream.linear.gather [hbm4b:s4+s3], $0x2700, $0x38;
	[tilespmem:$0xCD00] =	vst v63  }
0x19: {  	_ = 	snop  }
0x1a: {  	[tilespmem:s3], [sflag:$0x1] =	stream.linear.gather [hbm4b:s5+s3], $0x9C00, $0x38;
	[tilespmem:$0xCD00] =	vst v63  }
0x1b: {  	s21 =	simm.s32 @!p0 $0x0;
	s22 =	simm.s32 @!p0 $0xCB00  }
0x1c: {  	[tilespmem:s22], [sflag:$0x1] =	stream.linear.gather @!p0 [hbm4b:s6+s21], $0x200, $0x38;
	[tilespmem:$0xCD00] =	vst v63  }
0x1d: {  	s22 =	simm.s32 @!p0 $0x1  }
0x1e: {  	_ =	swait.ge @!p0 [sflag:s22], $0x200  }
0x1f: {  	[sflag:s22] =	ssyncset.done @!p0 $0x0  }
0x20: {  	s23 =	simm.s32 @!p0 $0xC300;
	[sflag:s22] =	ssyncadd.s32 @!p0 $0xFFFFFE00  }
0x21: {  	[tilespmem:s23], [sflag:$0x1] =	stream.linear.gather @!p0 [hbm4b:s7+s21], $0x800, $0x38;
	[tilespmem:$0xCD00] =	vst v63  }
0x22: {  	_ =	swait.ge @!p0 [sflag:s22], $0x800  }
0x23: {  	[sflag:s22] =	ssyncset.done @!p0 $0x0  }
0x24: {  	[sflag:s22] =	ssyncadd.s32 @!p0 $0xFFFFF800  }
0x25: {  	_ =	swait.ge [sflag:s14], $0x2700  }
0x26: {  	[sflag:s14] =	ssyncset.done $0x0  }
0x27: {  	[sflag:s14] =	ssyncadd.s32 $0xFFFFD900  }
0x28: {  	_ =	swait.ge [sflag:s14], $0x9C00  }
0x29: {  	[sflag:s14] =	ssyncset.done $0x0  }
0x2a: {  	[sflag:s14] =	ssyncadd.s32 $0xFFFF6400  }
0x2b: {  	[tilespmem:s3], [sflag:$0x2] =	stream.indirect.gather.add.f32 [hbm:s1], $0x80, s13, s15, $0xb8;
	[tilespmem:$0xCD00] =	vst v63  }
0x2c: {  	s23 =	simm.s32 $0x9D38  }
0x2d: {  	[tilespmem:s3], [sflag:$0x2] =	stream.indirect.gather.add.f32 [hbm:s1], $0x80, s23, s15, $0xb8;
	[tilespmem:$0xCD00] =	vst v63  }
0x2e: {  	s22 =	simm.s32 $0x9E70  }
0x2f: {  	[tilespmem:s3], [sflag:$0x2] =	stream.indirect.gather.add.f32 [hbm:s1], $0x80, s22, s15, $0xb8;
	[tilespmem:$0xCD00] =	vst v63  }
0x30: {  	s23 =	simm.s32 $0x9FA8  }
0x31: {  	[tilespmem:s3], [sflag:$0x2] =	stream.indirect.gather.add.f32 [hbm:s1], $0x80, s23, s15, $0xb8;
	[tilespmem:$0xCD00] =	vst v63  }
0x32: {  	s22 =	simm.s32 $0xA0E0  }
0x33: {  	[tilespmem:s3], [sflag:$0x2] =	stream.indirect.gather.add.f32 [hbm:s1], $0x80, s22, s15, $0xb8;
	[tilespmem:$0xCD00] =	vst v63  }
0x34: {  	s23 =	simm.s32 $0xA218  }
0x35: {  	[tilespmem:s3], [sflag:$0x2] =	stream.indirect.gather.add.f32 [hbm:s1], $0x80, s23, s15, $0xb8;
	[tilespmem:$0xCD00] =	vst v63  }
0x36: {  	s22 =	simm.s32 $0xA350  }
0x37: {  	[tilespmem:s3], [sflag:$0x2] =	stream.indirect.gather.add.f32 [hbm:s1], $0x80, s22, s15, $0xb8;
	[tilespmem:$0xCD00] =	vst v63  }
0x38: {  	s23 =	simm.s32 $0xA488  }
0x39: {  	[tilespmem:s3], [sflag:$0x2] =	stream.indirect.gather.add.f32 [hbm:s1], $0x80, s23, s15, $0xb8;
	[tilespmem:$0xCD00] =	vst v63  }
0x3a: {  	s22 =	simm.s32 $0xA5C0  }
0x3b: {  	[tilespmem:s3], [sflag:$0x2] =	stream.indirect.gather.add.f32 [hbm:s1], $0x80, s22, s15, $0xb8;
	[tilespmem:$0xCD00] =	vst v63  }
0x3c: {  	s23 =	simm.s32 $0xA6F8  }
0x3d: {  	[tilespmem:s3], [sflag:$0x2] =	stream.indirect.gather.add.f32 [hbm:s1], $0x80, s23, s15, $0xb8;
	[tilespmem:$0xCD00] =	vst v63  }
0x3e: {  	s22 =	simm.s32 $0xA830  }
0x3f: {  	[tilespmem:s3], [sflag:$0x2] =	stream.indirect.gather.add.f32 [hbm:s1], $0x80, s22, s15, $0xb8;
	[tilespmem:$0xCD00] =	vst v63  }
0x40: {  	s23 =	simm.s32 $0xA968  }
0x41: {  	[tilespmem:s3], [sflag:$0x2] =	stream.indirect.gather.add.f32 [hbm:s1], $0x80, s23, s15, $0xb8;
	[tilespmem:$0xCD00] =	vst v63  }
0x42: {  	s22 =	simm.s32 $0xAAA0  }
0x43: {  	[tilespmem:s3], [sflag:$0x2] =	stream.indirect.gather.add.f32 [hbm:s1], $0x80, s22, s15, $0xb8;
	[tilespmem:$0xCD00] =	vst v63  }
0x44: {  	s23 =	simm.s32 $0xABD8  }
0x45: {  	[tilespmem:s3], [sflag:$0x2] =	stream.indirect.gather.add.f32 [hbm:s1], $0x80, s23, s15, $0xb8;
	[tilespmem:$0xCD00] =	vst v63  }
0x46: {  	s22 =	simm.s32 $0xAD10  }
0x47: {  	[tilespmem:s3], [sflag:$0x2] =	stream.indirect.gather.add.f32 [hbm:s1], $0x80, s22, s15, $0xb8;
	[tilespmem:$0xCD00] =	vst v63  }
0x48: {  	s23 =	simm.s32 $0xAE48  }
0x49: {  	[tilespmem:s3], [sflag:$0x2] =	stream.indirect.gather.add.f32 [hbm:s1], $0x80, s23, s15, $0xb8;
	[tilespmem:$0xCD00] =	vst v63  }
0x4a: {  	s22 =	simm.s32 $0xAF80  }
0x4b: {  	[tilespmem:s3], [sflag:$0x2] =	stream.indirect.gather.add.f32 [hbm:s1], $0x80, s22, s15, $0xb8;
	[tilespmem:$0xCD00] =	vst v63  }
0x4c: {  	s23 =	simm.s32 $0xB0B8  }
0x4d: {  	[tilespmem:s3], [sflag:$0x2] =	stream.indirect.gather.add.f32 [hbm:s1], $0x80, s23, s15, $0xb8;
	[tilespmem:$0xCD00] =	vst v63  }
0x4e: {  	s22 =	simm.s32 $0xB1F0  }
0x4f: {  	[tilespmem:s3], [sflag:$0x2] =	stream.indirect.gather.add.f32 [hbm:s1], $0x80, s22, s15, $0xb8;
	[tilespmem:$0xCD00] =	vst v63  }
0x50: {  	s23 =	simm.s32 $0xB328  }
0x51: {  	[tilespmem:s3], [sflag:$0x2] =	stream.indirect.gather.add.f32 [hbm:s1], $0x80, s23, s15, $0xb8;
	[tilespmem:$0xCD00] =	vst v63  }
0x52: {  	s22 =	simm.s32 $0xB460  }
0x53: {  	[tilespmem:s3], [sflag:$0x2] =	stream.indirect.gather.add.f32 [hbm:s1], $0x80, s22, s15, $0xb8;
	[tilespmem:$0xCD00] =	vst v63  }
0x54: {  	s23 =	simm.s32 $0xB598  }
0x55: {  	[tilespmem:s3], [sflag:$0x2] =	stream.indirect.gather.add.f32 [hbm:s1], $0x80, s23, s15, $0xb8;
	[tilespmem:$0xCD00] =	vst v63  }
0x56: {  	s22 =	simm.s32 $0xB6D0  }
0x57: {  	[tilespmem:s3], [sflag:$0x2] =	stream.indirect.gather.add.f32 [hbm:s1], $0x80, s22, s15, $0xb8;
	[tilespmem:$0xCD00] =	vst v63  }
0x58: {  	s23 =	simm.s32 $0xB808  }
0x59: {  	[tilespmem:s3], [sflag:$0x2] =	stream.indirect.gather.add.f32 [hbm:s1], $0x80, s23, s15, $0xb8;
	[tilespmem:$0xCD00] =	vst v63  }
0x5a: {  	s22 =	simm.s32 $0xB940  }
0x5b: {  	[tilespmem:s3], [sflag:$0x2] =	stream.indirect.gather.add.f32 [hbm:s1], $0x80, s22, s15, $0xb8;
	[tilespmem:$0xCD00] =	vst v63  }
0x5c: {  	s23 =	simm.s32 $0xBA78  }
0x5d: {  	[tilespmem:s3], [sflag:$0x2] =	stream.indirect.gather.add.f32 [hbm:s1], $0x80, s23, s15, $0xb8;
	[tilespmem:$0xCD00] =	vst v63  }
0x5e: {  	s22 =	simm.s32 $0xBBB0  }
0x5f: {  	[tilespmem:s3], [sflag:$0x2] =	stream.indirect.gather.add.f32 [hbm:s1], $0x80, s22, s15, $0xb8;
	[tilespmem:$0xCD00] =	vst v63  }
0x60: {  	s23 =	simm.s32 $0xBCE8  }
0x61: {  	[tilespmem:s3], [sflag:$0x2] =	stream.indirect.gather.add.f32 [hbm:s1], $0x80, s23, s15, $0xb8;
	[tilespmem:$0xCD00] =	vst v63  }
0x62: {  	s22 =	simm.s32 $0xBE20  }
0x63: {  	[tilespmem:s3], [sflag:$0x2] =	stream.indirect.gather.add.f32 [hbm:s1], $0x80, s22, s15, $0xb8;
	[tilespmem:$0xCD00] =	vst v63  }
0x64: {  	s23 =	simm.s32 $0xBF58  }
0x65: {  	[tilespmem:s3], [sflag:$0x2] =	stream.indirect.gather.add.f32 [hbm:s1], $0x80, s23, s15, $0xb8;
	[tilespmem:$0xCD00] =	vst v63  }
0x66: {  	s22 =	simm.s32 $0xC090  }
0x67: {  	[tilespmem:s3], [sflag:$0x2] =	stream.indirect.gather.add.f32 [hbm:s1], $0x80, s22, s15, $0xb8;
	[tilespmem:$0xCD00] =	vst v63  }
0x68: {  	s23 =	simm.s32 $0xC1C8  }
0x69: {  	[tilespmem:s3], [sflag:$0x2] =	stream.indirect.gather.add.f32 [hbm:s1], $0x80, s23, s15, $0xb8;
	[tilespmem:$0xCD00] =	vst v63  }
0x6a: {  	s22 =	simm.s32 $0x9C80  }
0x6b: {  	[tilespmem:s2], [sflag:$0x3] =	stream.indirect.gather.add.f32 [hbm:s1], $0x80, s22, s15, $0xb8;
	[tilespmem:$0xCD00] =	vst v63  }
0x6c: {  	s23 =	simm.s32 $0x9DB8  }
0x6d: {  	[tilespmem:s2], [sflag:$0x3] =	stream.indirect.gather.add.f32 [hbm:s1], $0x80, s23, s15, $0xb8;
	[tilespmem:$0xCD00] =	vst v63  }
0x6e: {  	s22 =	simm.s32 $0x9EF0  }
0x6f: {  	[tilespmem:s2], [sflag:$0x3] =	stream.indirect.gather.add.f32 [hbm:s1], $0x80, s22, s15, $0xb8;
	[tilespmem:$0xCD00] =	vst v63  }
0x70: {  	s23 =	simm.s32 $0xA028  }
0x71: {  	[tilespmem:s2], [sflag:$0x3] =	stream.indirect.gather.add.f32 [hbm:s1], $0x80, s23, s15, $0xb8;
	[tilespmem:$0xCD00] =	vst v63  }
0x72: {  	s22 =	simm.s32 $0xA160  }
0x73: {  	[tilespmem:s2], [sflag:$0x3] =	stream.indirect.gather.add.f32 [hbm:s1], $0x80, s22, s15, $0xb8;
	[tilespmem:$0xCD00] =	vst v63  }
0x74: {  	s23 =	simm.s32 $0xA298  }
0x75: {  	[tilespmem:s2], [sflag:$0x3] =	stream.indirect.gather.add.f32 [hbm:s1], $0x80, s23, s15, $0xb8;
	[tilespmem:$0xCD00] =	vst v63  }
0x76: {  	s22 =	simm.s32 $0xA3D0  }
0x77: {  	[tilespmem:s2], [sflag:$0x3] =	stream.indirect.gather.add.f32 [hbm:s1], $0x80, s22, s15, $0xb8;
	[tilespmem:$0xCD00] =	vst v63  }
0x78: {  	s23 =	simm.s32 $0xA508  }
0x79: {  	[tilespmem:s2], [sflag:$0x3] =	stream.indirect.gather.add.f32 [hbm:s1], $0x80, s23, s15, $0xb8;
	[tilespmem:$0xCD00] =	vst v63  }
0x7a: {  	s22 =	simm.s32 $0xA640  }
0x7b: {  	[tilespmem:s2], [sflag:$0x3] =	stream.indirect.gather.add.f32 [hbm:s1], $0x80, s22, s15, $0xb8;
	[tilespmem:$0xCD00] =	vst v63  }
0x7c: {  	s23 =	simm.s32 $0xA778  }
0x7d: {  	[tilespmem:s2], [sflag:$0x3] =	stream.indirect.gather.add.f32 [hbm:s1], $0x80, s23, s15, $0xb8;
	[tilespmem:$0xCD00] =	vst v63  }
0x7e: {  	s22 =	simm.s32 $0xA8B0  }
0x7f: {  	[tilespmem:s2], [sflag:$0x3] =	stream.indirect.gather.add.f32 [hbm:s1], $0x80, s22, s15, $0xb8;
	[tilespmem:$0xCD00] =	vst v63  }
0x80: {  	s23 =	simm.s32 $0xA9E8  }
0x81: {  	[tilespmem:s2], [sflag:$0x3] =	stream.indirect.gather.add.f32 [hbm:s1], $0x80, s23, s15, $0xb8;
	[tilespmem:$0xCD00] =	vst v63  }
0x82: {  	s22 =	simm.s32 $0xAB20  }
0x83: {  	[tilespmem:s2], [sflag:$0x3] =	stream.indirect.gather.add.f32 [hbm:s1], $0x80, s22, s15, $0xb8;
	[tilespmem:$0xCD00] =	vst v63  }
0x84: {  	s23 =	simm.s32 $0xAC58  }
0x85: {  	[tilespmem:s2], [sflag:$0x3] =	stream.indirect.gather.add.f32 [hbm:s1], $0x80, s23, s15, $0xb8;
	[tilespmem:$0xCD00] =	vst v63  }
0x86: {  	s22 =	simm.s32 $0xAD90  }
0x87: {  	[tilespmem:s2], [sflag:$0x3] =	stream.indirect.gather.add.f32 [hbm:s1], $0x80, s22, s15, $0xb8;
	[tilespmem:$0xCD00] =	vst v63  }
0x88: {  	s23 =	simm.s32 $0xAEC8  }
0x89: {  	[tilespmem:s2], [sflag:$0x3] =	stream.indirect.gather.add.f32 [hbm:s1], $0x80, s23, s15, $0xb8;
	[tilespmem:$0xCD00] =	vst v63  }
0x8a: {  	s22 =	simm.s32 $0xB000  }
0x8b: {  	[tilespmem:s2], [sflag:$0x3] =	stream.indirect.gather.add.f32 [hbm:s1], $0x80, s22, s15, $0xb8;
	[tilespmem:$0xCD00] =	vst v63  }
0x8c: {  	s23 =	simm.s32 $0xB138  }
0x8d: {  	[tilespmem:s2], [sflag:$0x3] =	stream.indirect.gather.add.f32 [hbm:s1], $0x80, s23, s15, $0xb8;
	[tilespmem:$0xCD00] =	vst v63  }
0x8e: {  	s22 =	simm.s32 $0xB270  }
0x8f: {  	[tilespmem:s2], [sflag:$0x3] =	stream.indirect.gather.add.f32 [hbm:s1], $0x80, s22, s15, $0xb8;
	[tilespmem:$0xCD00] =	vst v63  }
0x90: {  	s23 =	simm.s32 $0xB3A8  }
0x91: {  	[tilespmem:s2], [sflag:$0x3] =	stream.indirect.gather.add.f32 [hbm:s1], $0x80, s23, s15, $0xb8;
	[tilespmem:$0xCD00] =	vst v63  }
0x92: {  	s22 =	simm.s32 $0xB4E0  }
0x93: {  	[tilespmem:s2], [sflag:$0x3] =	stream.indirect.gather.add.f32 [hbm:s1], $0x80, s22, s15, $0xb8;
	[tilespmem:$0xCD00] =	vst v63  }
0x94: {  	s23 =	simm.s32 $0xB618  }
0x95: {  	[tilespmem:s2], [sflag:$0x3] =	stream.indirect.gather.add.f32 [hbm:s1], $0x80, s23, s15, $0xb8;
	[tilespmem:$0xCD00] =	vst v63  }
0x96: {  	s22 =	simm.s32 $0xB750  }
0x97: {  	[tilespmem:s2], [sflag:$0x3] =	stream.indirect.gather.add.f32 [hbm:s1], $0x80, s22, s15, $0xb8;
	[tilespmem:$0xCD00] =	vst v63  }
0x98: {  	s23 =	simm.s32 $0xB888  }
0x99: {  	[tilespmem:s2], [sflag:$0x3] =	stream.indirect.gather.add.f32 [hbm:s1], $0x80, s23, s15, $0xb8;
	[tilespmem:$0xCD00] =	vst v63  }
0x9a: {  	s22 =	simm.s32 $0xB9C0  }
0x9b: {  	[tilespmem:s2], [sflag:$0x3] =	stream.indirect.gather.add.f32 [hbm:s1], $0x80, s22, s15, $0xb8;
	[tilespmem:$0xCD00] =	vst v63  }
0x9c: {  	s23 =	simm.s32 $0xBAF8  }
0x9d: {  	[tilespmem:s2], [sflag:$0x3] =	stream.indirect.gather.add.f32 [hbm:s1], $0x80, s23, s15, $0xb8;
	[tilespmem:$0xCD00] =	vst v63  }
0x9e: {  	s22 =	simm.s32 $0xBC30  }
0x9f: {  	[tilespmem:s2], [sflag:$0x3] =	stream.indirect.gather.add.f32 [hbm:s1], $0x80, s22, s15, $0xb8;
	[tilespmem:$0xCD00] =	vst v63  }
0xa0: {  	s23 =	simm.s32 $0xBD68  }
0xa1: {  	[tilespmem:s2], [sflag:$0x3] =	stream.indirect.gather.add.f32 [hbm:s1], $0x80, s23, s15, $0xb8;
	[tilespmem:$0xCD00] =	vst v63  }
0xa2: {  	s22 =	simm.s32 $0xBEA0  }
0xa3: {  	[tilespmem:s2], [sflag:$0x3] =	stream.indirect.gather.add.f32 [hbm:s1], $0x80, s22, s15, $0xb8;
	[tilespmem:$0xCD00] =	vst v63  }
0xa4: {  	s23 =	simm.s32 $0xBFD8  }
0xa5: {  	[tilespmem:s2], [sflag:$0x3] =	stream.indirect.gather.add.f32 [hbm:s1], $0x80, s23, s15, $0xb8;
	[tilespmem:$0xCD00] =	vst v63  }
0xa6: {  	s22 =	simm.s32 $0xC110  }
0xa7: {  	[tilespmem:s2], [sflag:$0x3] =	stream.indirect.gather.add.f32 [hbm:s1], $0x80, s22, s15, $0xb8;
	[tilespmem:$0xCD00] =	vst v63  }
0xa8: {  	s23 =	simm.s32 $0xC248  }
0xa9: {  	[tilespmem:s2], [sflag:$0x3] =	stream.indirect.gather.add.f32 [hbm:s1], $0x80, s23, s15, $0xb8;
	[tilespmem:$0xCD00] =	vst v63  }
0xaa: {  	s22 =	simm.s32 $0x9D00  }
0xab: {  	[tilespmem:s31], [sflag:$0x4] =	stream.indirect.gather.add.f32 [hbm:s1], $0x80, s22, s29, $0xb8;
	[tilespmem:$0xCD00] =	vst v63  }
0xac: {  	s23 =	simm.s32 $0x9E38  }
0xad: {  	[tilespmem:s31], [sflag:$0x4] =	stream.indirect.gather.add.f32 [hbm:s1], $0x80, s23, s29, $0xb8;
	[tilespmem:$0xCD00] =	vst v63  }
0xae: {  	s22 =	simm.s32 $0x9F70  }
0xaf: {  	[tilespmem:s31], [sflag:$0x4] =	stream.indirect.gather.add.f32 [hbm:s1], $0x80, s22, s29, $0xb8;
	[tilespmem:$0xCD00] =	vst v63  }
0xb0: {  	s23 =	simm.s32 $0xA0A8  }
0xb1: {  	[tilespmem:s31], [sflag:$0x4] =	stream.indirect.gather.add.f32 [hbm:s1], $0x80, s23, s29, $0xb8;
	[tilespmem:$0xCD00] =	vst v63  }
0xb2: {  	s22 =	simm.s32 $0xA1E0  }
0xb3: {  	[tilespmem:s31], [sflag:$0x4] =	stream.indirect.gather.add.f32 [hbm:s1], $0x80, s22, s29, $0xb8;
	[tilespmem:$0xCD00] =	vst v63  }
0xb4: {  	s23 =	simm.s32 $0xA318  }
0xb5: {  	[tilespmem:s31], [sflag:$0x4] =	stream.indirect.gather.add.f32 [hbm:s1], $0x80, s23, s29, $0xb8;
	[tilespmem:$0xCD00] =	vst v63  }
0xb6: {  	s22 =	simm.s32 $0xA450  }
0xb7: {  	[tilespmem:s31], [sflag:$0x4] =	stream.indirect.gather.add.f32 [hbm:s1], $0x80, s22, s29, $0xb8;
	[tilespmem:$0xCD00] =	vst v63  }
0xb8: {  	s23 =	simm.s32 $0xA588  }
0xb9: {  	[tilespmem:s31], [sflag:$0x4] =	stream.indirect.gather.add.f32 [hbm:s1], $0x80, s23, s29, $0xb8;
	[tilespmem:$0xCD00] =	vst v63  }
0xba: {  	s22 =	simm.s32 $0xA6C0  }
0xbb: {  	[tilespmem:s31], [sflag:$0x4] =	stream.indirect.gather.add.f32 [hbm:s1], $0x80, s22, s29, $0xb8;
	[tilespmem:$0xCD00] =	vst v63  }
0xbc: {  	s23 =	simm.s32 $0xA7F8  }
0xbd: {  	[tilespmem:s31], [sflag:$0x4] =	stream.indirect.gather.add.f32 [hbm:s1], $0x80, s23, s29, $0xb8;
	[tilespmem:$0xCD00] =	vst v63  }
0xbe: {  	s22 =	simm.s32 $0xA930  }
0xbf: {  	[tilespmem:s31], [sflag:$0x4] =	stream.indirect.gather.add.f32 [hbm:s1], $0x80, s22, s29, $0xb8;
	[tilespmem:$0xCD00] =	vst v63  }
0xc0: {  	s23 =	simm.s32 $0xAA68  }
0xc1: {  	[tilespmem:s31], [sflag:$0x4] =	stream.indirect.gather.add.f32 [hbm:s1], $0x80, s23, s29, $0xb8;
	[tilespmem:$0xCD00] =	vst v63  }
0xc2: {  	s22 =	simm.s32 $0xABA0  }
0xc3: {  	[tilespmem:s31], [sflag:$0x4] =	stream.indirect.gather.add.f32 [hbm:s1], $0x80, s22, s29, $0xb8;
	[tilespmem:$0xCD00] =	vst v63  }
0xc4: {  	s23 =	simm.s32 $0xACD8  }
0xc5: {  	[tilespmem:s31], [sflag:$0x4] =	stream.indirect.gather.add.f32 [hbm:s1], $0x80, s23, s29, $0xb8;
	[tilespmem:$0xCD00] =	vst v63  }
0xc6: {  	s22 =	simm.s32 $0xAE10  }
0xc7: {  	[tilespmem:s31], [sflag:$0x4] =	stream.indirect.gather.add.f32 [hbm:s1], $0x80, s22, s29, $0xb8;
	[tilespmem:$0xCD00] =	vst v63  }
0xc8: {  	s23 =	simm.s32 $0xAF48  }
0xc9: {  	[tilespmem:s31], [sflag:$0x4] =	stream.indirect.gather.add.f32 [hbm:s1], $0x80, s23, s29, $0xb8;
	[tilespmem:$0xCD00] =	vst v63  }
0xca: {  	s22 =	simm.s32 $0xB080  }
0xcb: {  	[tilespmem:s31], [sflag:$0x4] =	stream.indirect.gather.add.f32 [hbm:s1], $0x80, s22, s29, $0xb8;
	[tilespmem:$0xCD00] =	vst v63  }
0xcc: {  	s23 =	simm.s32 $0xB1B8  }
0xcd: {  	[tilespmem:s31], [sflag:$0x4] =	stream.indirect.gather.add.f32 [hbm:s1], $0x80, s23, s29, $0xb8;
	[tilespmem:$0xCD00] =	vst v63  }
0xce: {  	s22 =	simm.s32 $0xB2F0  }
0xcf: {  	[tilespmem:s31], [sflag:$0x4] =	stream.indirect.gather.add.f32 [hbm:s1], $0x80, s22, s29, $0xb8;
	[tilespmem:$0xCD00] =	vst v63  }
0xd0: {  	s23 =	simm.s32 $0xB428  }
0xd1: {  	[tilespmem:s31], [sflag:$0x4] =	stream.indirect.gather.add.f32 [hbm:s1], $0x80, s23, s29, $0xb8;
	[tilespmem:$0xCD00] =	vst v63  }
0xd2: {  	s22 =	simm.s32 $0xB560  }
0xd3: {  	[tilespmem:s31], [sflag:$0x4] =	stream.indirect.gather.add.f32 [hbm:s1], $0x80, s22, s29, $0xb8;
	[tilespmem:$0xCD00] =	vst v63  }
0xd4: {  	s23 =	simm.s32 $0xB698  }
0xd5: {  	[tilespmem:s31], [sflag:$0x4] =	stream.indirect.gather.add.f32 [hbm:s1], $0x80, s23, s29, $0xb8;
	[tilespmem:$0xCD00] =	vst v63  }
0xd6: {  	s22 =	simm.s32 $0xB7D0  }
0xd7: {  	[tilespmem:s31], [sflag:$0x4] =	stream.indirect.gather.add.f32 [hbm:s1], $0x80, s22, s29, $0xb8;
	[tilespmem:$0xCD00] =	vst v63  }
0xd8: {  	s23 =	simm.s32 $0xB908  }
0xd9: {  	[tilespmem:s31], [sflag:$0x4] =	stream.indirect.gather.add.f32 [hbm:s1], $0x80, s23, s29, $0xb8;
	[tilespmem:$0xCD00] =	vst v63  }
0xda: {  	s22 =	simm.s32 $0xBA40  }
0xdb: {  	[tilespmem:s31], [sflag:$0x4] =	stream.indirect.gather.add.f32 [hbm:s1], $0x80, s22, s29, $0xb8;
	[tilespmem:$0xCD00] =	vst v63  }
0xdc: {  	s23 =	simm.s32 $0xBB78  }
0xdd: {  	[tilespmem:s31], [sflag:$0x4] =	stream.indirect.gather.add.f32 [hbm:s1], $0x80, s23, s29, $0xb8;
	[tilespmem:$0xCD00] =	vst v63  }
0xde: {  	_ = 	snop  }
0xdf: {  	[tilespmem:s31], [sflag:$0x4] =	stream.indirect.gather.add.f32 [hbm:s1], $0x80, s24, s29, $0xb8;
	[tilespmem:$0xCD00] =	vst v63  }
0xe0: {  	_ = 	snop  }
0xe1: {  	[tilespmem:s31], [sflag:$0x4] =	stream.indirect.gather.add.f32 [hbm:s1], $0x80, s25, s29, $0xb8;
	[tilespmem:$0xCD00] =	vst v63  }
0xe2: {  	_ = 	snop  }
0xe3: {  	[tilespmem:s31], [sflag:$0x4] =	stream.indirect.gather.add.f32 [hbm:s1], $0x80, s26, s29, $0xb8;
	[tilespmem:$0xCD00] =	vst v63  }
0xe4: {  	_ = 	snop  }
0xe5: {  	[tilespmem:s31], [sflag:$0x4] =	stream.indirect.gather.add.f32 [hbm:s1], $0x80, s28, s29, $0xb8;
	[tilespmem:$0xCD00] =	vst v63  }
0xe6: {  	_ = 	snop  }
0xe7: {  	[tilespmem:s31], [sflag:$0x4] =	stream.indirect.gather.add.f32 [hbm:s1], $0x80, s30, s29, $0xb8;
	[tilespmem:$0xCD00] =	vst v63  }
0xe8: {  	_ = 	snop  }
0xe9: {  	[tilespmem:s31], [sflag:$0x4] =	stream.indirect.gather.add.f32 [hbm:s1], $0x80, s11, s29, $0xb8;
	[tilespmem:$0xCD00] =	vst v63  }
0xea: {  	_ =	swait.ge [sflag:s0], $0x4000  }
0xeb: {  	[sflag:s0] =	ssyncset.done $0x0  }
0xec: {  	[sflag:s0] =	ssyncadd.s32 $0xFFFFC000  }
0xed: {  	_ =	swait.ge [sflag:s0], $0x4000  }
0xee: {  	[sflag:s0] =	ssyncset.done $0x0  }
0xef: {  	[sflag:s0] =	ssyncadd.s32 $0xFFFFC000  }
0xf0: {  	_ =	swait.ge [sflag:s0], $0x4000  }
0xf1: {  	[sflag:s0] =	ssyncset.done $0x0  }
0xf2: {  	[sflag:s0] =	ssyncadd.s32 $0xFFFFC000  }
0xf3: {  	_ =	swait.ge [sflag:s0], $0x4000  }
0xf4: {  	[sflag:s0] =	ssyncset.done $0x0  }
0xf5: {  	[sflag:s0] =	ssyncadd.s32 $0xFFFFC000  }
0xf6: {  	_ =	swait.ge [sflag:s0], $0x4000  }
0xf7: {  	[sflag:s0] =	ssyncset.done $0x0  }
0xf8: {  	[sflag:s0] =	ssyncadd.s32 $0xFFFFC000  }
0xf9: {  	_ =	swait.ge [sflag:s0], $0x4000  }
0xfa: {  	[sflag:s0] =	ssyncset.done $0x0  }
0xfb: {  	[sflag:s0] =	ssyncadd.s32 $0xFFFFC000  }
0xfc: {  	_ =	swait.ge [sflag:s0], $0x4000  }
0xfd: {  	[sflag:s0] =	ssyncset.done $0x0  }
0xfe: {  	[sflag:s0] =	ssyncadd.s32 $0xFFFFC000  }
0xff: {  	_ =	swait.ge [sflag:s0], $0x4000  }
0x100: {  	[sflag:s0] =	ssyncset.done $0x0  }
0x101: {  	[sflag:s0] =	ssyncadd.s32 $0xFFFFC000  }
0x102: {  	_ =	swait.ge [sflag:s0], $0x4000  }
0x103: {  	[sflag:s0] =	ssyncset.done $0x0  }
0x104: {  	[sflag:s0] =	ssyncadd.s32 $0xFFFFC000  }
0x105: {  	_ =	swait.ge [sflag:s0], $0x4000  }
0x106: {  	[sflag:s0] =	ssyncset.done $0x0  }
0x107: {  	[sflag:s0] =	ssyncadd.s32 $0xFFFFC000  }
0x108: {  	_ =	swait.ge [sflag:s0], $0x4000  }
0x109: {  	[sflag:s0] =	ssyncset.done $0x0  }
0x10a: {  	[sflag:s0] =	ssyncadd.s32 $0xFFFFC000  }
0x10b: {  	_ =	swait.ge [sflag:s0], $0x4000  }
0x10c: {  	[sflag:s0] =	ssyncset.done $0x0  }
0x10d: {  	[sflag:s0] =	ssyncadd.s32 $0xFFFFC000  }
0x10e: {  	_ =	swait.ge [sflag:s0], $0x4000  }
0x10f: {  	[sflag:s0] =	ssyncset.done $0x0  }
0x110: {  	[sflag:s0] =	ssyncadd.s32 $0xFFFFC000  }
0x111: {  	_ =	swait.ge [sflag:s0], $0x4000  }
0x112: {  	[sflag:s0] =	ssyncset.done $0x0  }
0x113: {  	[sflag:s0] =	ssyncadd.s32 $0xFFFFC000  }
0x114: {  	_ =	swait.ge [sflag:s0], $0x4000  }
0x115: {  	[sflag:s0] =	ssyncset.done $0x0  }
0x116: {  	[sflag:s0] =	ssyncadd.s32 $0xFFFFC000  }
0x117: {  	_ =	swait.ge [sflag:s0], $0x4000  }
0x118: {  	[sflag:s0] =	ssyncset.done $0x0  }
0x119: {  	[sflag:s0] =	ssyncadd.s32 $0xFFFFC000  }
0x11a: {  	_ =	swait.ge [sflag:s0], $0x4000  }
0x11b: {  	[sflag:s0] =	ssyncset.done $0x0  }
0x11c: {  	[sflag:s0] =	ssyncadd.s32 $0xFFFFC000  }
0x11d: {  	_ =	swait.ge [sflag:s0], $0x4000  }
0x11e: {  	[sflag:s0] =	ssyncset.done $0x0  }
0x11f: {  	[sflag:s0] =	ssyncadd.s32 $0xFFFFC000  }
0x120: {  	_ =	swait.ge [sflag:s0], $0x4000  }
0x121: {  	[sflag:s0] =	ssyncset.done $0x0  }
0x122: {  	[sflag:s0] =	ssyncadd.s32 $0xFFFFC000  }
0x123: {  	_ =	swait.ge [sflag:s0], $0x4000  }
0x124: {  	[sflag:s0] =	ssyncset.done $0x0  }
0x125: {  	[sflag:s0] =	ssyncadd.s32 $0xFFFFC000  }
0x126: {  	_ =	swait.ge [sflag:s0], $0x4000  }
0x127: {  	[sflag:s0] =	ssyncset.done $0x0  }
0x128: {  	[sflag:s0] =	ssyncadd.s32 $0xFFFFC000  }
0x129: {  	_ =	swait.ge [sflag:s0], $0x4000  }
0x12a: {  	[sflag:s0] =	ssyncset.done $0x0  }
0x12b: {  	[sflag:s0] =	ssyncadd.s32 $0xFFFFC000  }
0x12c: {  	_ =	swait.ge [sflag:s0], $0x4000  }
0x12d: {  	[sflag:s0] =	ssyncset.done $0x0  }
0x12e: {  	[sflag:s0] =	ssyncadd.s32 $0xFFFFC000  }
0x12f: {  	_ =	swait.ge [sflag:s0], $0x4000  }
0x130: {  	[sflag:s0] =	ssyncset.done $0x0  }
0x131: {  	[sflag:s0] =	ssyncadd.s32 $0xFFFFC000  }
0x132: {  	_ =	swait.ge [sflag:s0], $0x4000  }
0x133: {  	[sflag:s0] =	ssyncset.done $0x0  }
0x134: {  	[sflag:s0] =	ssyncadd.s32 $0xFFFFC000  }
0x135: {  	_ =	swait.ge [sflag:s0], $0x4000  }
0x136: {  	[sflag:s0] =	ssyncset.done $0x0  }
0x137: {  	[sflag:s0] =	ssyncadd.s32 $0xFFFFC000  }
0x138: {  	_ =	swait.ge [sflag:s0], $0x4000  }
0x139: {  	[sflag:s0] =	ssyncset.done $0x0  }
0x13a: {  	[sflag:s0] =	ssyncadd.s32 $0xFFFFC000  }
0x13b: {  	_ =	swait.ge [sflag:s0], $0x4000  }
0x13c: {  	[sflag:s0] =	ssyncset.done $0x0  }
0x13d: {  	[sflag:s0] =	ssyncadd.s32 $0xFFFFC000  }
0x13e: {  	_ =	swait.ge [sflag:s0], $0x4000  }
0x13f: {  	[sflag:s0] =	ssyncset.done $0x0  }
0x140: {  	[sflag:s0] =	ssyncadd.s32 $0xFFFFC000  }
0x141: {  	_ =	swait.ge [sflag:s0], $0x4000  }
0x142: {  	[sflag:s0] =	ssyncset.done $0x0  }
0x143: {  	[sflag:s0] =	ssyncadd.s32 $0xFFFFC000  }
0x144: {  	_ =	swait.ge [sflag:s0], $0x4000  }
0x145: {  	[sflag:s0] =	ssyncset.done $0x0  }
0x146: {  	[sflag:s0] =	ssyncadd.s32 $0xFFFFC000  }
0x147: {  	_ =	swait.ge [sflag:s0], $0x4000  }
0x148: {  	[sflag:s0] =	ssyncset.done $0x0  }
0x149: {  	[sflag:s0] =	ssyncadd.s32 $0xFFFFC000  }
0x14a: {  	[hbm4b:s8+s3] =	stream.linear.scatter [tilespmem:s3], [sflag:$0x1], $0x4000, $0x38;
	[tilespmem:$0xCD00] =	vst v63  }
0x14b: {  	_ =	swait.ge [sflag:s16], $0x4000  }
0x14c: {  	[sflag:s16] =	ssyncset.done $0x0  }
0x14d: {  	[sflag:s16] =	ssyncadd.s32 $0xFFFFC000  }
0x14e: {  	_ =	swait.ge [sflag:s16], $0x4000  }
0x14f: {  	[sflag:s16] =	ssyncset.done $0x0  }
0x150: {  	[sflag:s16] =	ssyncadd.s32 $0xFFFFC000  }
0x151: {  	_ =	swait.ge [sflag:s16], $0x4000  }
0x152: {  	[sflag:s16] =	ssyncset.done $0x0  }
0x153: {  	[sflag:s16] =	ssyncadd.s32 $0xFFFFC000  }
0x154: {  	_ =	swait.ge [sflag:s16], $0x4000  }
0x155: {  	[sflag:s16] =	ssyncset.done $0x0  }
0x156: {  	[sflag:s16] =	ssyncadd.s32 $0xFFFFC000  }
0x157: {  	_ =	swait.ge [sflag:s16], $0x4000  }
0x158: {  	[sflag:s16] =	ssyncset.done $0x0  }
0x159: {  	[sflag:s16] =	ssyncadd.s32 $0xFFFFC000  }
0x15a: {  	_ =	swait.ge [sflag:s16], $0x4000  }
0x15b: {  	[sflag:s16] =	ssyncset.done $0x0  }
0x15c: {  	[sflag:s16] =	ssyncadd.s32 $0xFFFFC000  }
0x15d: {  	_ =	swait.ge [sflag:s16], $0x4000  }
0x15e: {  	[sflag:s16] =	ssyncset.done $0x0  }
0x15f: {  	[sflag:s16] =	ssyncadd.s32 $0xFFFFC000  }
0x160: {  	_ =	swait.ge [sflag:s16], $0x4000  }
0x161: {  	[sflag:s16] =	ssyncset.done $0x0  }
0x162: {  	[sflag:s16] =	ssyncadd.s32 $0xFFFFC000  }
0x163: {  	_ =	swait.ge [sflag:s16], $0x4000  }
0x164: {  	[sflag:s16] =	ssyncset.done $0x0  }
0x165: {  	[sflag:s16] =	ssyncadd.s32 $0xFFFFC000  }
0x166: {  	_ =	swait.ge [sflag:s16], $0x4000  }
0x167: {  	[sflag:s16] =	ssyncset.done $0x0  }
0x168: {  	[sflag:s16] =	ssyncadd.s32 $0xFFFFC000  }
0x169: {  	_ =	swait.ge [sflag:s16], $0x4000  }
0x16a: {  	[sflag:s16] =	ssyncset.done $0x0  }
0x16b: {  	[sflag:s16] =	ssyncadd.s32 $0xFFFFC000  }
0x16c: {  	_ =	swait.ge [sflag:s16], $0x4000  }
0x16d: {  	[sflag:s16] =	ssyncset.done $0x0  }
0x16e: {  	[sflag:s16] =	ssyncadd.s32 $0xFFFFC000  }
0x16f: {  	_ =	swait.ge [sflag:s16], $0x4000  }
0x170: {  	[sflag:s16] =	ssyncset.done $0x0  }
0x171: {  	[sflag:s16] =	ssyncadd.s32 $0xFFFFC000  }
0x172: {  	_ =	swait.ge [sflag:s16], $0x4000  }
0x173: {  	[sflag:s16] =	ssyncset.done $0x0  }
0x174: {  	[sflag:s16] =	ssyncadd.s32 $0xFFFFC000  }
0x175: {  	_ =	swait.ge [sflag:s16], $0x4000  }
0x176: {  	[sflag:s16] =	ssyncset.done $0x0  }
0x177: {  	[sflag:s16] =	ssyncadd.s32 $0xFFFFC000  }
0x178: {  	_ =	swait.ge [sflag:s16], $0x4000  }
0x179: {  	[sflag:s16] =	ssyncset.done $0x0  }
0x17a: {  	[sflag:s16] =	ssyncadd.s32 $0xFFFFC000  }
0x17b: {  	_ =	swait.ge [sflag:s16], $0x4000  }
0x17c: {  	[sflag:s16] =	ssyncset.done $0x0  }
0x17d: {  	[sflag:s16] =	ssyncadd.s32 $0xFFFFC000  }
0x17e: {  	_ =	swait.ge [sflag:s16], $0x4000  }
0x17f: {  	[sflag:s16] =	ssyncset.done $0x0  }
0x180: {  	[sflag:s16] =	ssyncadd.s32 $0xFFFFC000  }
0x181: {  	_ =	swait.ge [sflag:s16], $0x4000  }
0x182: {  	[sflag:s16] =	ssyncset.done $0x0  }
0x183: {  	[sflag:s16] =	ssyncadd.s32 $0xFFFFC000  }
0x184: {  	_ =	swait.ge [sflag:s16], $0x4000  }
0x185: {  	[sflag:s16] =	ssyncset.done $0x0  }
0x186: {  	[sflag:s16] =	ssyncadd.s32 $0xFFFFC000  }
0x187: {  	_ =	swait.ge [sflag:s16], $0x4000  }
0x188: {  	[sflag:s16] =	ssyncset.done $0x0  }
0x189: {  	[sflag:s16] =	ssyncadd.s32 $0xFFFFC000  }
0x18a: {  	_ =	swait.ge [sflag:s16], $0x4000  }
0x18b: {  	[sflag:s16] =	ssyncset.done $0x0  }
0x18c: {  	[sflag:s16] =	ssyncadd.s32 $0xFFFFC000  }
0x18d: {  	_ =	swait.ge [sflag:s16], $0x4000  }
0x18e: {  	[sflag:s16] =	ssyncset.done $0x0  }
0x18f: {  	[sflag:s16] =	ssyncadd.s32 $0xFFFFC000  }
0x190: {  	_ =	swait.ge [sflag:s16], $0x4000  }
0x191: {  	[sflag:s16] =	ssyncset.done $0x0  }
0x192: {  	[sflag:s16] =	ssyncadd.s32 $0xFFFFC000  }
0x193: {  	_ =	swait.ge [sflag:s16], $0x4000  }
0x194: {  	[sflag:s16] =	ssyncset.done $0x0  }
0x195: {  	[sflag:s16] =	ssyncadd.s32 $0xFFFFC000  }
0x196: {  	_ =	swait.ge [sflag:s16], $0x4000  }
0x197: {  	[sflag:s16] =	ssyncset.done $0x0  }
0x198: {  	[sflag:s16] =	ssyncadd.s32 $0xFFFFC000  }
0x199: {  	_ =	swait.ge [sflag:s16], $0x4000  }
0x19a: {  	[sflag:s16] =	ssyncset.done $0x0  }
0x19b: {  	[sflag:s16] =	ssyncadd.s32 $0xFFFFC000  }
0x19c: {  	_ =	swait.ge [sflag:s16], $0x4000  }
0x19d: {  	[sflag:s16] =	ssyncset.done $0x0  }
0x19e: {  	[sflag:s16] =	ssyncadd.s32 $0xFFFFC000  }
0x19f: {  	_ =	swait.ge [sflag:s16], $0x4000  }
0x1a0: {  	[sflag:s16] =	ssyncset.done $0x0  }
0x1a1: {  	[sflag:s16] =	ssyncadd.s32 $0xFFFFC000  }
0x1a2: {  	_ =	swait.ge [sflag:s16], $0x4000  }
0x1a3: {  	[sflag:s16] =	ssyncset.done $0x0  }
0x1a4: {  	[sflag:s16] =	ssyncadd.s32 $0xFFFFC000  }
0x1a5: {  	_ =	swait.ge [sflag:s16], $0x4000  }
0x1a6: {  	[sflag:s16] =	ssyncset.done $0x0  }
0x1a7: {  	[sflag:s16] =	ssyncadd.s32 $0xFFFFC000  }
0x1a8: {  	_ =	swait.ge [sflag:s16], $0x4000  }
0x1a9: {  	[sflag:s16] =	ssyncset.done $0x0  }
0x1aa: {  	[sflag:s16] =	ssyncadd.s32 $0xFFFFC000  }
0x1ab: {  	[hbm4b:s9+s3] =	stream.linear.scatter [tilespmem:s2], [sflag:$0x1], $0x4000, $0x38;
	[tilespmem:$0xCD00] =	vst v63  }
0x1ac: {  	_ =	swait.ge [sflag:s17], $0x1C00  }
0x1ad: {  	[sflag:s17] =	ssyncset.done $0x0  }
0x1ae: {  	[sflag:s17] =	ssyncadd.s32 $0xFFFFE400  }
0x1af: {  	_ =	swait.ge [sflag:s17], $0x1C00  }
0x1b0: {  	[sflag:s17] =	ssyncset.done $0x0  }
0x1b1: {  	[sflag:s17] =	ssyncadd.s32 $0xFFFFE400  }
0x1b2: {  	_ =	swait.ge [sflag:s17], $0x1C00  }
0x1b3: {  	[sflag:s17] =	ssyncset.done $0x0  }
0x1b4: {  	[sflag:s17] =	ssyncadd.s32 $0xFFFFE400  }
0x1b5: {  	_ =	swait.ge [sflag:s17], $0x1C00  }
0x1b6: {  	[sflag:s17] =	ssyncset.done $0x0  }
0x1b7: {  	[sflag:s17] =	ssyncadd.s32 $0xFFFFE400  }
0x1b8: {  	_ =	swait.ge [sflag:s17], $0x1C00  }
0x1b9: {  	[sflag:s17] =	ssyncset.done $0x0  }
0x1ba: {  	[sflag:s17] =	ssyncadd.s32 $0xFFFFE400  }
0x1bb: {  	_ =	swait.ge [sflag:s17], $0x1C00  }
0x1bc: {  	[sflag:s17] =	ssyncset.done $0x0  }
0x1bd: {  	[sflag:s17] =	ssyncadd.s32 $0xFFFFE400  }
0x1be: {  	_ =	swait.ge [sflag:s17], $0x1C00  }
0x1bf: {  	[sflag:s17] =	ssyncset.done $0x0  }
0x1c0: {  	[sflag:s17] =	ssyncadd.s32 $0xFFFFE400  }
0x1c1: {  	_ =	swait.ge [sflag:s17], $0x1C00  }
0x1c2: {  	[sflag:s17] =	ssyncset.done $0x0  }
0x1c3: {  	[sflag:s17] =	ssyncadd.s32 $0xFFFFE400  }
0x1c4: {  	_ =	swait.ge [sflag:s17], $0x1C00  }
0x1c5: {  	[sflag:s17] =	ssyncset.done $0x0  }
0x1c6: {  	[sflag:s17] =	ssyncadd.s32 $0xFFFFE400  }
0x1c7: {  	_ =	swait.ge [sflag:s17], $0x1C00  }
0x1c8: {  	[sflag:s17] =	ssyncset.done $0x0  }
0x1c9: {  	[sflag:s17] =	ssyncadd.s32 $0xFFFFE400  }
0x1ca: {  	_ =	swait.ge [sflag:s17], $0x1C00  }
0x1cb: {  	[sflag:s17] =	ssyncset.done $0x0  }
0x1cc: {  	[sflag:s17] =	ssyncadd.s32 $0xFFFFE400  }
0x1cd: {  	_ =	swait.ge [sflag:s17], $0x1C00  }
0x1ce: {  	[sflag:s17] =	ssyncset.done $0x0  }
0x1cf: {  	[sflag:s17] =	ssyncadd.s32 $0xFFFFE400  }
0x1d0: {  	_ =	swait.ge [sflag:s17], $0x1C00  }
0x1d1: {  	[sflag:s17] =	ssyncset.done $0x0  }
0x1d2: {  	[sflag:s17] =	ssyncadd.s32 $0xFFFFE400  }
0x1d3: {  	_ =	swait.ge [sflag:s17], $0x1C00  }
0x1d4: {  	[sflag:s17] =	ssyncset.done $0x0  }
0x1d5: {  	[sflag:s17] =	ssyncadd.s32 $0xFFFFE400  }
0x1d6: {  	_ =	swait.ge [sflag:s17], $0x1C00  }
0x1d7: {  	[sflag:s17] =	ssyncset.done $0x0  }
0x1d8: {  	[sflag:s17] =	ssyncadd.s32 $0xFFFFE400  }
0x1d9: {  	_ =	swait.ge [sflag:s17], $0x1C00  }
0x1da: {  	[sflag:s17] =	ssyncset.done $0x0  }
0x1db: {  	[sflag:s17] =	ssyncadd.s32 $0xFFFFE400  }
0x1dc: {  	_ =	swait.ge [sflag:s17], $0x1C00  }
0x1dd: {  	[sflag:s17] =	ssyncset.done $0x0  }
0x1de: {  	[sflag:s17] =	ssyncadd.s32 $0xFFFFE400  }
0x1df: {  	_ =	swait.ge [sflag:s17], $0x1C00  }
0x1e0: {  	[sflag:s17] =	ssyncset.done $0x0  }
0x1e1: {  	[sflag:s17] =	ssyncadd.s32 $0xFFFFE400  }
0x1e2: {  	_ =	swait.ge [sflag:s17], $0x1C00  }
0x1e3: {  	[sflag:s17] =	ssyncset.done $0x0  }
0x1e4: {  	[sflag:s17] =	ssyncadd.s32 $0xFFFFE400  }
0x1e5: {  	_ =	swait.ge [sflag:s17], $0x1C00  }
0x1e6: {  	[sflag:s17] =	ssyncset.done $0x0  }
0x1e7: {  	[sflag:s17] =	ssyncadd.s32 $0xFFFFE400  }
0x1e8: {  	_ =	swait.ge [sflag:s17], $0x1C00  }
0x1e9: {  	[sflag:s17] =	ssyncset.done $0x0  }
0x1ea: {  	[sflag:s17] =	ssyncadd.s32 $0xFFFFE400  }
0x1eb: {  	_ =	swait.ge [sflag:s17], $0x1C00  }
0x1ec: {  	[sflag:s17] =	ssyncset.done $0x0  }
0x1ed: {  	[sflag:s17] =	ssyncadd.s32 $0xFFFFE400  }
0x1ee: {  	_ =	swait.ge [sflag:s17], $0x1C00  }
0x1ef: {  	[sflag:s17] =	ssyncset.done $0x0  }
0x1f0: {  	[sflag:s17] =	ssyncadd.s32 $0xFFFFE400  }
0x1f1: {  	_ =	swait.ge [sflag:s17], $0x1C00  }
0x1f2: {  	[sflag:s17] =	ssyncset.done $0x0  }
0x1f3: {  	[sflag:s17] =	ssyncadd.s32 $0xFFFFE400  }
0x1f4: {  	_ =	swait.ge [sflag:s17], $0x1C00  }
0x1f5: {  	[sflag:s17] =	ssyncset.done $0x0  }
0x1f6: {  	[sflag:s17] =	ssyncadd.s32 $0xFFFFE400  }
0x1f7: {  	_ =	swait.ge [sflag:s17], $0x1C00  }
0x1f8: {  	[sflag:s17] =	ssyncset.done $0x0  }
0x1f9: {  	[sflag:s17] =	ssyncadd.s32 $0xFFFFE400  }
0x1fa: {  	_ =	swait.ge [sflag:s17], $0x1C00  }
0x1fb: {  	[sflag:s17] =	ssyncset.done $0x0  }
0x1fc: {  	[sflag:s17] =	ssyncadd.s32 $0xFFFFE400  }
0x1fd: {  	_ =	swait.ge [sflag:s17], $0x1C00  }
0x1fe: {  	[sflag:s17] =	ssyncset.done $0x0  }
0x1ff: {  	[sflag:s17] =	ssyncadd.s32 $0xFFFFE400  }
0x200: {  	_ =	swait.ge [sflag:s17], $0x1C00  }
0x201: {  	[sflag:s17] =	ssyncset.done $0x0  }
0x202: {  	[sflag:s17] =	ssyncadd.s32 $0xFFFFE400  }
0x203: {  	_ =	swait.ge [sflag:s17], $0x1C00  }
0x204: {  	[sflag:s17] =	ssyncset.done $0x0  }
0x205: {  	[sflag:s17] =	ssyncadd.s32 $0xFFFFE400  }
0x206: {  	_ =	swait.ge [sflag:s17], $0x1C00  }
0x207: {  	[sflag:s17] =	ssyncset.done $0x0  }
0x208: {  	[sflag:s17] =	ssyncadd.s32 $0xFFFFE400  }
0x209: {  	_ =	swait.ge [sflag:s17], $0x1C00  }
0x20a: {  	[sflag:s17] =	ssyncset.done $0x0  }
0x20b: {  	[sflag:s17] =	ssyncadd.s32 $0xFFFFE400  }
0x20c: {  	[hbm4b:s10+s3] =	stream.linear.scatter [tilespmem:s31], [sflag:$0x1], $0x1C00, $0x38;
	[tilespmem:$0xCD00] =	vst v63  }
0x20d: {  	_ =	swait.ge [sflag:s14], $0x4000  }
0x20e: {  	[sflag:s14] =	ssyncset.done $0x0  }
0x20f: {  	[sflag:s14] =	ssyncadd.s32 $0xFFFFC000  }
0x210: {  	_ =	swait.ge [sflag:s14], $0x4000  }
.Ltmp2:
0x211: {  	[sflag:s14] =	ssyncset.done $0x0;
	(pc) =	sbr.rel @p0 .LBB2_3-.Ltmp2, $4  }
0x212: {  	[sflag:s14] =	ssyncadd.s32 $0xFFFFC000  }
0x213: {  	_ =	swait.ge [sflag:s14], $0x1C00  }
0x214: {  	[sflag:s14] =	ssyncset.done $0x0  }
0x215: {  	[sflag:s14] =	ssyncadd.s32 $0xFFFFE400  }
0x216: {  	s21 =	simm.s32 $0xCB00  }
0x217: {  	[tilespmem:s19], [sflag:$0x1] =	stream.indirect.gather.add.f32 [hbm:s1], $0x80, s21, s18, $0xb8;
	[tilespmem:$0xCD00] =	vst v63  }
0x218: {  	s22 =	simm.s32 $0xCB10  }
0x219: {  	[tilespmem:s19], [sflag:$0x1] =	stream.indirect.gather.add.f32 [hbm:s1], $0x80, s22, s18, $0xb8;
	[tilespmem:$0xCD00] =	vst v63  }
0x21a: {  	s23 =	simm.s32 $0xCB20  }
0x21b: {  	[tilespmem:s19], [sflag:$0x1] =	stream.indirect.gather.add.f32 [hbm:s1], $0x80, s23, s18, $0xb8;
	[tilespmem:$0xCD00] =	vst v63  }
0x21c: {  	s22 =	simm.s32 $0xCB30  }
0x21d: {  	[tilespmem:s19], [sflag:$0x1] =	stream.indirect.gather.add.f32 [hbm:s1], $0x80, s22, s18, $0xb8;
	[tilespmem:$0xCD00] =	vst v63  }
0x21e: {  	s23 =	simm.s32 $0xCB40  }
0x21f: {  	[tilespmem:s19], [sflag:$0x1] =	stream.indirect.gather.add.f32 [hbm:s1], $0x80, s23, s18, $0xb8;
	[tilespmem:$0xCD00] =	vst v63  }
0x220: {  	s22 =	simm.s32 $0xCB50  }
0x221: {  	[tilespmem:s19], [sflag:$0x1] =	stream.indirect.gather.add.f32 [hbm:s1], $0x80, s22, s18, $0xb8;
	[tilespmem:$0xCD00] =	vst v63  }
0x222: {  	s23 =	simm.s32 $0xCB60  }
0x223: {  	[tilespmem:s19], [sflag:$0x1] =	stream.indirect.gather.add.f32 [hbm:s1], $0x80, s23, s18, $0xb8;
	[tilespmem:$0xCD00] =	vst v63  }
0x224: {  	s22 =	simm.s32 $0xCB70  }
0x225: {  	[tilespmem:s19], [sflag:$0x1] =	stream.indirect.gather.add.f32 [hbm:s1], $0x80, s22, s18, $0xb8;
	[tilespmem:$0xCD00] =	vst v63  }
0x226: {  	s23 =	simm.s32 $0xCB80  }
0x227: {  	[tilespmem:s19], [sflag:$0x1] =	stream.indirect.gather.add.f32 [hbm:s1], $0x80, s23, s18, $0xb8;
	[tilespmem:$0xCD00] =	vst v63  }
0x228: {  	s22 =	simm.s32 $0xCB90  }
0x229: {  	[tilespmem:s19], [sflag:$0x1] =	stream.indirect.gather.add.f32 [hbm:s1], $0x80, s22, s18, $0xb8;
	[tilespmem:$0xCD00] =	vst v63  }
0x22a: {  	s23 =	simm.s32 $0xCBA0  }
0x22b: {  	[tilespmem:s19], [sflag:$0x1] =	stream.indirect.gather.add.f32 [hbm:s1], $0x80, s23, s18, $0xb8;
	[tilespmem:$0xCD00] =	vst v63  }
0x22c: {  	s22 =	simm.s32 $0xCBB0  }
0x22d: {  	[tilespmem:s19], [sflag:$0x1] =	stream.indirect.gather.add.f32 [hbm:s1], $0x80, s22, s18, $0xb8;
	[tilespmem:$0xCD00] =	vst v63  }
0x22e: {  	s23 =	simm.s32 $0xCBC0  }
0x22f: {  	[tilespmem:s19], [sflag:$0x1] =	stream.indirect.gather.add.f32 [hbm:s1], $0x80, s23, s18, $0xb8;
	[tilespmem:$0xCD00] =	vst v63  }
0x230: {  	s22 =	simm.s32 $0xCBD0  }
0x231: {  	[tilespmem:s19], [sflag:$0x1] =	stream.indirect.gather.add.f32 [hbm:s1], $0x80, s22, s18, $0xb8;
	[tilespmem:$0xCD00] =	vst v63  }
0x232: {  	s23 =	simm.s32 $0xCBE0  }
0x233: {  	[tilespmem:s19], [sflag:$0x1] =	stream.indirect.gather.add.f32 [hbm:s1], $0x80, s23, s18, $0xb8;
	[tilespmem:$0xCD00] =	vst v63  }
0x234: {  	s22 =	simm.s32 $0xCBF0  }
0x235: {  	[tilespmem:s19], [sflag:$0x1] =	stream.indirect.gather.add.f32 [hbm:s1], $0x80, s22, s18, $0xb8;
	[tilespmem:$0xCD00] =	vst v63  }
0x236: {  	s23 =	simm.s32 $0xCC00  }
0x237: {  	[tilespmem:s19], [sflag:$0x1] =	stream.indirect.gather.add.f32 [hbm:s1], $0x80, s23, s18, $0xb8;
	[tilespmem:$0xCD00] =	vst v63  }
0x238: {  	s22 =	simm.s32 $0xCC10  }
0x239: {  	[tilespmem:s19], [sflag:$0x1] =	stream.indirect.gather.add.f32 [hbm:s1], $0x80, s22, s18, $0xb8;
	[tilespmem:$0xCD00] =	vst v63  }
0x23a: {  	s23 =	simm.s32 $0xCC20  }
0x23b: {  	[tilespmem:s19], [sflag:$0x1] =	stream.indirect.gather.add.f32 [hbm:s1], $0x80, s23, s18, $0xb8;
	[tilespmem:$0xCD00] =	vst v63  }
0x23c: {  	s22 =	simm.s32 $0xCC30  }
0x23d: {  	[tilespmem:s19], [sflag:$0x1] =	stream.indirect.gather.add.f32 [hbm:s1], $0x80, s22, s18, $0xb8;
	[tilespmem:$0xCD00] =	vst v63  }
0x23e: {  	s23 =	simm.s32 $0xCC40  }
0x23f: {  	[tilespmem:s19], [sflag:$0x1] =	stream.indirect.gather.add.f32 [hbm:s1], $0x80, s23, s18, $0xb8;
	[tilespmem:$0xCD00] =	vst v63  }
0x240: {  	s22 =	simm.s32 $0xCC50  }
0x241: {  	[tilespmem:s19], [sflag:$0x1] =	stream.indirect.gather.add.f32 [hbm:s1], $0x80, s22, s18, $0xb8;
	[tilespmem:$0xCD00] =	vst v63  }
0x242: {  	s23 =	simm.s32 $0xCC60  }
0x243: {  	[tilespmem:s19], [sflag:$0x1] =	stream.indirect.gather.add.f32 [hbm:s1], $0x80, s23, s18, $0xb8;
	[tilespmem:$0xCD00] =	vst v63  }
0x244: {  	s22 =	simm.s32 $0xCC70  }
0x245: {  	[tilespmem:s19], [sflag:$0x1] =	stream.indirect.gather.add.f32 [hbm:s1], $0x80, s22, s18, $0xb8;
	[tilespmem:$0xCD00] =	vst v63  }
0x246: {  	s23 =	simm.s32 $0xCC80  }
0x247: {  	[tilespmem:s19], [sflag:$0x1] =	stream.indirect.gather.add.f32 [hbm:s1], $0x80, s23, s18, $0xb8;
	[tilespmem:$0xCD00] =	vst v63  }
0x248: {  	s22 =	simm.s32 $0xCC90  }
0x249: {  	[tilespmem:s19], [sflag:$0x1] =	stream.indirect.gather.add.f32 [hbm:s1], $0x80, s22, s18, $0xb8;
	[tilespmem:$0xCD00] =	vst v63  }
0x24a: {  	s23 =	simm.s32 $0xCCA0  }
0x24b: {  	[tilespmem:s19], [sflag:$0x1] =	stream.indirect.gather.add.f32 [hbm:s1], $0x80, s23, s18, $0xb8;
	[tilespmem:$0xCD00] =	vst v63  }
0x24c: {  	s22 =	simm.s32 $0xCCB0  }
0x24d: {  	[tilespmem:s19], [sflag:$0x1] =	stream.indirect.gather.add.f32 [hbm:s1], $0x80, s22, s18, $0xb8;
	[tilespmem:$0xCD00] =	vst v63  }
0x24e: {  	s23 =	simm.s32 $0xCCC0  }
0x24f: {  	[tilespmem:s19], [sflag:$0x1] =	stream.indirect.gather.add.f32 [hbm:s1], $0x80, s23, s18, $0xb8;
	[tilespmem:$0xCD00] =	vst v63  }
0x250: {  	s22 =	simm.s32 $0xCCD0  }
0x251: {  	[tilespmem:s19], [sflag:$0x1] =	stream.indirect.gather.add.f32 [hbm:s1], $0x80, s22, s18, $0xb8;
	[tilespmem:$0xCD00] =	vst v63  }
0x252: {  	s23 =	simm.s32 $0xCCE0  }
0x253: {  	[tilespmem:s19], [sflag:$0x1] =	stream.indirect.gather.add.f32 [hbm:s1], $0x80, s23, s18, $0xb8;
	[tilespmem:$0xCD00] =	vst v63  }
0x254: {  	s22 =	simm.s32 $0xCCF0  }
0x255: {  	[tilespmem:s19], [sflag:$0x1] =	stream.indirect.gather.add.f32 [hbm:s1], $0x80, s22, s18, $0xb8;
	[tilespmem:$0xCD00] =	vst v63  }
0x256: {  	_ =	swait.ge [sflag:s14], $0x800  }
0x257: {  	[sflag:s14] =	ssyncset.done $0x0  }
0x258: {  	[sflag:s14] =	ssyncadd.s32 $0xFFFFF800  }
0x259: {  	_ =	swait.ge [sflag:s14], $0x800  }
0x25a: {  	[sflag:s14] =	ssyncset.done $0x0  }
0x25b: {  	[sflag:s14] =	ssyncadd.s32 $0xFFFFF800  }
0x25c: {  	_ =	swait.ge [sflag:s14], $0x800  }
0x25d: {  	[sflag:s14] =	ssyncset.done $0x0  }
0x25e: {  	[sflag:s14] =	ssyncadd.s32 $0xFFFFF800  }
0x25f: {  	_ =	swait.ge [sflag:s14], $0x800  }
0x260: {  	[sflag:s14] =	ssyncset.done $0x0  }
0x261: {  	[sflag:s14] =	ssyncadd.s32 $0xFFFFF800  }
0x262: {  	_ =	swait.ge [sflag:s14], $0x800  }
0x263: {  	[sflag:s14] =	ssyncset.done $0x0  }
0x264: {  	[sflag:s14] =	ssyncadd.s32 $0xFFFFF800  }
0x265: {  	_ =	swait.ge [sflag:s14], $0x800  }
0x266: {  	[sflag:s14] =	ssyncset.done $0x0  }
0x267: {  	[sflag:s14] =	ssyncadd.s32 $0xFFFFF800  }
0x268: {  	_ =	swait.ge [sflag:s14], $0x800  }
0x269: {  	[sflag:s14] =	ssyncset.done $0x0  }
0x26a: {  	[sflag:s14] =	ssyncadd.s32 $0xFFFFF800  }
0x26b: {  	_ =	swait.ge [sflag:s14], $0x800  }
0x26c: {  	[sflag:s14] =	ssyncset.done $0x0  }
0x26d: {  	[sflag:s14] =	ssyncadd.s32 $0xFFFFF800  }
0x26e: {  	_ =	swait.ge [sflag:s14], $0x800  }
0x26f: {  	[sflag:s14] =	ssyncset.done $0x0  }
0x270: {  	[sflag:s14] =	ssyncadd.s32 $0xFFFFF800  }
0x271: {  	_ =	swait.ge [sflag:s14], $0x800  }
0x272: {  	[sflag:s14] =	ssyncset.done $0x0  }
0x273: {  	[sflag:s14] =	ssyncadd.s32 $0xFFFFF800  }
0x274: {  	_ =	swait.ge [sflag:s14], $0x800  }
0x275: {  	[sflag:s14] =	ssyncset.done $0x0  }
0x276: {  	[sflag:s14] =	ssyncadd.s32 $0xFFFFF800  }
0x277: {  	_ =	swait.ge [sflag:s14], $0x800  }
0x278: {  	[sflag:s14] =	ssyncset.done $0x0  }
0x279: {  	[sflag:s14] =	ssyncadd.s32 $0xFFFFF800  }
0x27a: {  	_ =	swait.ge [sflag:s14], $0x800  }
0x27b: {  	[sflag:s14] =	ssyncset.done $0x0  }
0x27c: {  	[sflag:s14] =	ssyncadd.s32 $0xFFFFF800  }
0x27d: {  	_ =	swait.ge [sflag:s14], $0x800  }
0x27e: {  	[sflag:s14] =	ssyncset.done $0x0  }
0x27f: {  	[sflag:s14] =	ssyncadd.s32 $0xFFFFF800  }
0x280: {  	_ =	swait.ge [sflag:s14], $0x800  }
0x281: {  	[sflag:s14] =	ssyncset.done $0x0  }
0x282: {  	[sflag:s14] =	ssyncadd.s32 $0xFFFFF800  }
0x283: {  	_ =	swait.ge [sflag:s14], $0x800  }
0x284: {  	[sflag:s14] =	ssyncset.done $0x0  }
0x285: {  	[sflag:s14] =	ssyncadd.s32 $0xFFFFF800  }
0x286: {  	_ =	swait.ge [sflag:s14], $0x800  }
0x287: {  	[sflag:s14] =	ssyncset.done $0x0  }
0x288: {  	[sflag:s14] =	ssyncadd.s32 $0xFFFFF800  }
0x289: {  	_ =	swait.ge [sflag:s14], $0x800  }
0x28a: {  	[sflag:s14] =	ssyncset.done $0x0  }
0x28b: {  	[sflag:s14] =	ssyncadd.s32 $0xFFFFF800  }
0x28c: {  	_ =	swait.ge [sflag:s14], $0x800  }
0x28d: {  	[sflag:s14] =	ssyncset.done $0x0  }
0x28e: {  	[sflag:s14] =	ssyncadd.s32 $0xFFFFF800  }
0x28f: {  	_ =	swait.ge [sflag:s14], $0x800  }
0x290: {  	[sflag:s14] =	ssyncset.done $0x0  }
0x291: {  	[sflag:s14] =	ssyncadd.s32 $0xFFFFF800  }
0x292: {  	_ =	swait.ge [sflag:s14], $0x800  }
0x293: {  	[sflag:s14] =	ssyncset.done $0x0  }
0x294: {  	[sflag:s14] =	ssyncadd.s32 $0xFFFFF800  }
0x295: {  	_ =	swait.ge [sflag:s14], $0x800  }
0x296: {  	[sflag:s14] =	ssyncset.done $0x0  }
0x297: {  	[sflag:s14] =	ssyncadd.s32 $0xFFFFF800  }
0x298: {  	_ =	swait.ge [sflag:s14], $0x800  }
0x299: {  	[sflag:s14] =	ssyncset.done $0x0  }
0x29a: {  	[sflag:s14] =	ssyncadd.s32 $0xFFFFF800  }
0x29b: {  	_ =	swait.ge [sflag:s14], $0x800  }
0x29c: {  	[sflag:s14] =	ssyncset.done $0x0  }
0x29d: {  	[sflag:s14] =	ssyncadd.s32 $0xFFFFF800  }
0x29e: {  	_ =	swait.ge [sflag:s14], $0x800  }
0x29f: {  	[sflag:s14] =	ssyncset.done $0x0  }
0x2a0: {  	[sflag:s14] =	ssyncadd.s32 $0xFFFFF800  }
0x2a1: {  	_ =	swait.ge [sflag:s14], $0x800  }
0x2a2: {  	[sflag:s14] =	ssyncset.done $0x0  }
0x2a3: {  	[sflag:s14] =	ssyncadd.s32 $0xFFFFF800  }
0x2a4: {  	_ =	swait.ge [sflag:s14], $0x800  }
0x2a5: {  	[sflag:s14] =	ssyncset.done $0x0  }
0x2a6: {  	[sflag:s14] =	ssyncadd.s32 $0xFFFFF800  }
0x2a7: {  	_ =	swait.ge [sflag:s14], $0x800  }
0x2a8: {  	[sflag:s14] =	ssyncset.done $0x0  }
0x2a9: {  	[sflag:s14] =	ssyncadd.s32 $0xFFFFF800  }
0x2aa: {  	_ =	swait.ge [sflag:s14], $0x800  }
0x2ab: {  	[sflag:s14] =	ssyncset.done $0x0  }
0x2ac: {  	[sflag:s14] =	ssyncadd.s32 $0xFFFFF800  }
0x2ad: {  	_ =	swait.ge [sflag:s14], $0x800  }
0x2ae: {  	[sflag:s14] =	ssyncset.done $0x0  }
0x2af: {  	[sflag:s14] =	ssyncadd.s32 $0xFFFFF800  }
0x2b0: {  	_ =	swait.ge [sflag:s14], $0x800  }
0x2b1: {  	[sflag:s14] =	ssyncset.done $0x0  }
0x2b2: {  	[sflag:s14] =	ssyncadd.s32 $0xFFFFF800  }
0x2b3: {  	_ =	swait.ge [sflag:s14], $0x800  }
0x2b4: {  	[sflag:s14] =	ssyncset.done $0x0  }
.Ltmp3:
0x2b5: {  	s23 =	rddreg [dreg:$0x5];
	[sflag:s14] =	ssyncadd.s32 $0xFFFFF800;
	(pc) =	sbr.rel .LBB2_3-.Ltmp3, $4  }
0x2b6: {  	[hbm4b:s23+s3] =	stream.linear.scatter [tilespmem:s19], [sflag:$0x5], $0x800, $0x38;
	[tilespmem:$0xCD00] =	vst v63  }
0x2b7: {  	_ =	swait.ge [sflag:s20], $0x800  }
0x2b8: {  	[sflag:s20] =	ssyncset.done $0x0  }
0x2b9: {  	[sflag:s20] =	ssyncadd.s32 $0xFFFFF800  }
.LBB2_4:
0x2ba: {  	_ =	sfence.sel $0x180000  }
0x2bb: {  	[bflag:$0x0] =	sbarrier.arrive $0xFFFF  }
0x2bc: {  	_ =	strace $0x90000047  }
0x2bd: {  	s0 =	stileid.u32;
	[bflag:$0x2] =	sbarrier.arrive $0xFFFF  }
0x2be: {  	p0 =	sne.s32 s0, $0x0;
	s0 =	rddreg [dreg:$0x4]  }
0x2bf: {  	s0 =	sadd.s32 @!p0 $0x100000, s0  }
0x2c0: {  	[sflag:s0] =	ssyncadd.tile.s32 @!p0 $0x1;
	_ =	shalt  }
.Lfunc_end2:
_tile_overlayer_lowered:
.L_overlay_start_2:
0x2c1: {  	(tag) =	ssettag $0x2  }
0x2c2: {  	s0 =	rddreg [dreg:$0x0];
	s2 =	stileid.u32  }
0x2c3: {  	s1 =	rddreg [dreg:$0x1];
	p0 =	sne.s32 s2, $0x0  }
0x2c4: {  	s3 =	rddreg [dreg:$0x2];
	[bflag:$0x3] =	sbarrier.arrive $0xFFFF;
	s2 =	simm.s32 @!p0 $0x1C05  }
0x2c5: {  	[timem:s3], [sflag:s2] =	dma.local @!p0 [hbm:s0], s1  }
0x2c6: {  	s0 =	simm.s32 @!p0 $0x5  }
0x2c7: {  	_ =	swait.ge @!p0 [sflag:s0], s1  }
0x2c8: {  	s1 =	ssub.s32 @!p0 $0x0, s1;
	[sflag:s0] =	ssyncset.done @!p0 $0x0  }
0x2c9: {  	[sflag:s0] =	ssyncadd.s32 @!p0 s1  }
0x2ca: {  	[bflag:$0x3] =	sbarrier.arrive $0xFFFF  }
0x2cb: {  	_ =	shalt  }

</sc_bundles>
